<compile_context>
chip_gen: v7x
topology: tpu7x:2x2x1
jax: 0.10.2.dev20260603
libtpu: 0.0.44.dev20260713+nightly
codegen_flags: <defaults>
</compile_context>

<pallas_src>
import functools

import jax
import jax.numpy as jnp
from jax import lax
from jax.experimental import pallas as pl
from jax.experimental.pallas import tpu as pltpu
from jax.experimental.pallas import tpu_sc as plsc

_N = 10000
_E = 320000
_F = 16
_NTILES = 16
_NW = 32
_EPT = _E // _NW
_C = 80
_M = _EPT // _C
_K = 5
_NB = _M // _K
_RPT = _N // _NTILES


@functools.cache
def _sc_mesh():
    return plsc.VectorSubcoreMesh(
        core_axis_name="c", subcore_axis_name="s", num_cores=2, num_subcores=_NTILES
    )


def _rsqrt_nr(x, iters=3):
    i = lax.bitcast_convert_type(x, jnp.int32)
    y = lax.bitcast_convert_type(jnp.int32(0x5F3759DF) - (i >> 1), jnp.float32)
    for _ in range(iters):
        y = y * (1.5 - 0.5 * x * y * y)
    return y


def _zero_slice(tmp, acc_sh, s):
    def zloop(j, carry):
        tmp[j] = jnp.zeros((_F,), jnp.float32)
        return carry
    lax.fori_loop(0, _RPT, zloop, 0)
    pltpu.sync_copy(tmp, acc_sh.at[pl.ds(s * _RPT, _RPT)])


def _writeback(acc_sh, out_hbm, c, s):
    pltpu.sync_copy(
        acc_sh.at[pl.ds(s * _RPT, _RPT)],
        out_hbm.at[c, pl.ds(s * _RPT, _RPT)],
    )


def _load_idx(src_hbm, dst_hbm, src_idx, dst_idx, wid):
    pltpu.sync_copy(src_hbm.at[pl.ds(wid * _M, _M)], src_idx)
    pltpu.sync_copy(dst_hbm.at[pl.ds(wid * _M, _M)], dst_idx)


def _prop_phase(z_sh, dummy_hbm, acc_sh, src_idx, dst_idx,
                rows_a, rows_b, sga, sgb, ssa, ssb):

    def fire_gathers(j, buf, sem):
        for i in range(_K):
            pltpu.async_copy(
                z_sh.at[src_idx.at[j * _K + i]], buf.at[pl.ds(i * _C, _C)], sem
            )

    def fire_scatters(j, buf, sem):
        for i in range(_K):
            pltpu.async_copy(
                buf.at[pl.ds(i * _C, _C)], acc_sh.at[dst_idx.at[j * _K + i]],
                sem, add=True,
            )

    def drain(sem, buf):
        pltpu.make_async_copy(dummy_hbm.at[pl.ds(0, _K * _C)], buf, sem).wait()

    def body(j, carry):
        even = lax.rem(j, 2) == 0

        @pl.when(even)
        def _():
            @pl.when(j > 1)
            def _():
                drain(ssa, rows_a)
            fire_gathers(j, rows_a, sga)

            @pl.when(j > 0)
            def _():
                drain(sgb, rows_b)
                fire_scatters(j - 1, rows_b, ssb)

        @pl.when(jnp.logical_not(even))
        def _():
            @pl.when(j > 1)
            def _():
                drain(ssb, rows_b)
            fire_gathers(j, rows_b, sgb)
            drain(sga, rows_a)
            fire_scatters(j - 1, rows_a, ssa)

        return carry

    lax.fori_loop(0, _NB, body, 0)
    if _NB % 2 == 1:
        drain(sga, rows_a)
        fire_scatters(_NB - 1, rows_a, ssa)
        drain(ssb, rows_b)
        drain(ssa, rows_a)
    else:
        drain(sgb, rows_b)
        fire_scatters(_NB - 1, rows_b, ssb)
        drain(ssa, rows_a)
        drain(ssb, rows_b)


def _deg_body(dst_hbm, out_hbm, dst_idx, ones_v, drain_v, zbuf, acc_sh, sems):
    c = lax.axis_index("c")
    s = lax.axis_index("s")
    wid = c * _NTILES + s

    pltpu.async_copy(dst_hbm.at[pl.ds(wid * _M, _M)], dst_idx, sems)

    def oloop(j, carry):
        ones_v[j] = jnp.ones((_F,), jnp.float32)
        return carry
    lax.fori_loop(0, _C, oloop, 0)
    _zero_slice(zbuf, acc_sh, s)
    pltpu.make_async_copy(dst_hbm.at[pl.ds(wid * _M, _M)], dst_idx, sems).wait()
    plsc.subcore_barrier()

    def _drain(sem):
        pltpu.make_async_copy(
            out_hbm.at[0, pl.ds(0, _K * _C)], drain_v, sem
        ).wait()

    def body(j, carry):
        @pl.when(j > 0)
        def _():
            _drain(sems)
        for i in range(_K):
            g = j * _K + i
            pltpu.async_copy(ones_v, acc_sh.at[dst_idx.at[g]], sems, add=True)
        return carry

    lax.fori_loop(0, _NB, body, 0)
    _drain(sems)

    plsc.subcore_barrier()
    _writeback(acc_sh, out_hbm, c, s)


def _p1_body(src_hbm, dst_hbm, degp_hbm, z1_hbm,
             out_hbm, zs_hbm, dinv_hbm,
             src_idx, dst_idx, rows_a, rows_b, dp0b, dp1b, zlocal,
             z_sh, acc_sh, sga, sgb, ssa, ssb, swb):
    c = lax.axis_index("c")
    s = lax.axis_index("s")
    wid = c * _NTILES + s
    r0 = s * _RPT

    pltpu.async_copy(src_hbm.at[pl.ds(wid * _M, _M)], src_idx, sgb)
    pltpu.async_copy(dst_hbm.at[pl.ds(wid * _M, _M)], dst_idx, sgb)
    pltpu.async_copy(degp_hbm.at[0, pl.ds(r0, _RPT)], dp0b, sga)
    pltpu.async_copy(degp_hbm.at[1, pl.ds(r0, _RPT)], dp1b, sga)
    pltpu.async_copy(z1_hbm.at[pl.ds(r0, _RPT)], zlocal, sga)
    pltpu.make_async_copy(degp_hbm.at[0, pl.ds(r0, _RPT)], dp0b, sga).wait()
    pltpu.make_async_copy(degp_hbm.at[1, pl.ds(r0, _RPT)], dp1b, sga).wait()
    pltpu.make_async_copy(z1_hbm.at[pl.ds(r0, _RPT)], zlocal, sga).wait()

    def drow(r, carry):
        di = _rsqrt_nr(dp0b[r] + dp1b[r] + 1.0, iters=2)
        zlocal[r] = zlocal[r] * di
        dp0b[r] = di
        return carry

    lax.fori_loop(0, _RPT, drow, 0)
    pltpu.sync_copy(zlocal, z_sh.at[pl.ds(r0, _RPT)])

    @pl.when(c == 0)
    def _():
        pltpu.async_copy(zlocal, zs_hbm.at[pl.ds(r0, _RPT)], swb)
        pltpu.async_copy(dp0b, dinv_hbm.at[pl.ds(r0, _RPT)], swb)

    _zero_slice(dp1b, acc_sh, s)
    pltpu.make_async_copy(src_hbm.at[pl.ds(wid * _M, _M)], src_idx, sgb).wait()
    pltpu.make_async_copy(dst_hbm.at[pl.ds(wid * _M, _M)], dst_idx, sgb).wait()
    plsc.subcore_barrier()
    _prop_phase(z_sh, z1_hbm, acc_sh, src_idx, dst_idx,
                rows_a, rows_b, sga, sgb, ssa, ssb)

    @pl.when(c == 0)
    def _():
        pltpu.make_async_copy(zlocal, zs_hbm.at[pl.ds(r0, _RPT)], swb).wait()
        pltpu.make_async_copy(dp0b, dinv_hbm.at[pl.ds(r0, _RPT)], swb).wait()

    plsc.subcore_barrier()
    _writeback(acc_sh, out_hbm, c, s)


def _pm_body(with_w, src_hbm, dst_hbm, sp_hbm, zs_hbm, dinv_hbm, par_hbm,
             out_hbm, znext_hbm,
             src_idx, dst_idx, rows_a, rows_b,
             sp0b, sp1b, zsb, dinvb, hb, wbuf, sbuf, stb,
             z_sh, acc_sh, stats_sh, sga, sgb, ssa, ssb):
    c = lax.axis_index("c")
    s = lax.axis_index("s")
    wid = c * _NTILES + s
    r0 = s * _RPT

    pltpu.async_copy(src_hbm.at[pl.ds(wid * _M, _M)], src_idx, sgb)
    pltpu.async_copy(dst_hbm.at[pl.ds(wid * _M, _M)], dst_idx, sgb)
    pltpu.async_copy(sp_hbm.at[0, pl.ds(r0, _RPT)], sp0b, sga)
    pltpu.async_copy(sp_hbm.at[1, pl.ds(r0, _RPT)], sp1b, sga)
    pltpu.async_copy(zs_hbm.at[pl.ds(r0, _RPT)], zsb, sga)
    pltpu.async_copy(dinv_hbm.at[pl.ds(r0, _RPT)], dinvb, sga)
    pltpu.async_copy(par_hbm, wbuf, sga)
    pltpu.make_async_copy(sp_hbm.at[0, pl.ds(r0, _RPT)], sp0b, sga).wait()
    pltpu.make_async_copy(sp_hbm.at[1, pl.ds(r0, _RPT)], sp1b, sga).wait()
    pltpu.make_async_copy(zs_hbm.at[pl.ds(r0, _RPT)], zsb, sga).wait()
    pltpu.make_async_copy(dinv_hbm.at[pl.ds(r0, _RPT)], dinvb, sga).wait()
    pltpu.make_async_copy(par_hbm, wbuf, sga).wait()

    bvec = wbuf[0]
    gvec = wbuf[1]
    bevec = wbuf[2]
    zero16 = jnp.zeros((_F,), jnp.float32)

    def arow(r, carry):
        ssum, ssq = carry
        h = dinvb[r] * (sp0b[r] + sp1b[r] + zsb[r]) + bvec
        hb[r] = h
        return (ssum + h, ssq + h * h)

    ssum, ssq = lax.fori_loop(0, _RPT, arow, (zero16, zero16))
    sbuf[0] = ssum
    sbuf[1] = ssq
    pltpu.sync_copy(sbuf, stats_sh.at[s])
    plsc.subcore_barrier()
    pltpu.sync_copy(stats_sh, stb)

    def sred(t, carry):
        return (carry[0] + stb[t, 0], carry[1] + stb[t, 1])

    tsum, tsq = lax.fori_loop(0, _NTILES, sred, (zero16, zero16))
    mean = tsum * (1.0 / _N)
    var = tsq * (1.0 / _N) - mean * mean
    scale = gvec * _rsqrt_nr(var + 1e-5)
    shift = bevec - mean * scale

    if with_w:
        wk = [wbuf[3 + k] for k in range(_F)]

    def brow(r, carry):
        a = jnp.maximum(hb[r] * scale + shift, 0.0)
        if with_w:
            z = zero16
            for k in range(_F):
                z = z + a[k] * wk[k]
        else:
            z = a
        zsb[r] = z * dinvb[r]
        return carry

    lax.fori_loop(0, _RPT, brow, 0)

    pltpu.sync_copy(zsb, z_sh.at[pl.ds(r0, _RPT)])

    @pl.when(c == 0)
    def _():
        pltpu.sync_copy(zsb, znext_hbm.at[pl.ds(r0, _RPT)])

    _zero_slice(sp0b, acc_sh, s)
    pltpu.make_async_copy(src_hbm.at[pl.ds(wid * _M, _M)], src_idx, sgb).wait()
    pltpu.make_async_copy(dst_hbm.at[pl.ds(wid * _M, _M)], dst_idx, sgb).wait()
    plsc.subcore_barrier()
    _prop_phase(z_sh, zs_hbm, acc_sh, src_idx, dst_idx,
                rows_a, rows_b, sga, sgb, ssa, ssb)
    plsc.subcore_barrier()
    _writeback(acc_sh, out_hbm, c, s)


_IDX_T = pltpu.VMEM((_M, _C), jnp.int32)
_ROWS_T = pltpu.VMEM((_K * _C, _F), jnp.float32)
_SLICE_T = pltpu.VMEM((_RPT, _F), jnp.float32)
_SEMS4 = [pltpu.SemaphoreType.DMA] * 4


@functools.cache
def _deg_sc():
    return pl.kernel(
        _deg_body,
        out_type=jax.ShapeDtypeStruct((2, _N, _F), jnp.float32),
        mesh=_sc_mesh(),
        scratch_types=[
            _IDX_T,
            pltpu.VMEM((_C, _F), jnp.float32),
            _ROWS_T,
            _SLICE_T,
            pltpu.VMEM_SHARED((_N, _F), jnp.float32),
            pltpu.SemaphoreType.DMA,
        ],
        compiler_params=pltpu.CompilerParams(use_tc_tiling_on_sc=False),
    )


@functools.cache
def _p1_sc():
    return pl.kernel(
        _p1_body,
        out_type=[
            jax.ShapeDtypeStruct((2, _N, _F), jnp.float32),
            jax.ShapeDtypeStruct((_N, _F), jnp.float32),
            jax.ShapeDtypeStruct((_N, _F), jnp.float32),
        ],
        mesh=_sc_mesh(),
        scratch_types=[
            _IDX_T, _IDX_T, _ROWS_T, _ROWS_T,
            _SLICE_T, _SLICE_T, _SLICE_T,
            pltpu.VMEM_SHARED((_N, _F), jnp.float32),
            pltpu.VMEM_SHARED((_N, _F), jnp.float32),
            *_SEMS4,
            pltpu.SemaphoreType.DMA,
        ],
        compiler_params=pltpu.CompilerParams(use_tc_tiling_on_sc=False),
    )


@functools.cache
def _pm_sc(with_w):
    npar = 3 + (_F if with_w else 0)
    return pl.kernel(
        functools.partial(_pm_body, with_w),
        out_type=[
            jax.ShapeDtypeStruct((2, _N, _F), jnp.float32),
            jax.ShapeDtypeStruct((_N, _F), jnp.float32),
        ],
        mesh=_sc_mesh(),
        scratch_types=[
            _IDX_T, _IDX_T, _ROWS_T, _ROWS_T,
            _SLICE_T, _SLICE_T, _SLICE_T, _SLICE_T, _SLICE_T,
            pltpu.VMEM((npar, _F), jnp.float32),
            pltpu.VMEM((2, _F), jnp.float32),
            pltpu.VMEM((_NTILES, 2, _F), jnp.float32),
            pltpu.VMEM_SHARED((_N, _F), jnp.float32),
            pltpu.VMEM_SHARED((_N, _F), jnp.float32),
            pltpu.VMEM_SHARED((_NTILES, 2, _F), jnp.float32),
            *_SEMS4,
        ],
        compiler_params=pltpu.CompilerParams(use_tc_tiling_on_sc=False),
    )


_R = 400


def _mm1_body(x_ref, w_ref, z1_ref):
    z1_ref[...] = jnp.dot(
        x_ref[...], w_ref[...], preferred_element_type=jnp.float32
    )


def _mm1_tc(x, W1):
    nb = _N // _R
    return pl.pallas_call(
        _mm1_body,
        grid=(nb,),
        in_specs=[
            pl.BlockSpec((_R, 128), lambda i: (i, 0)),
            pl.BlockSpec((128, _F), lambda i: (0, 0)),
        ],
        out_specs=pl.BlockSpec((_R, _F), lambda i: (i, 0)),
        out_shape=jax.ShapeDtypeStruct((_N, _F), jnp.float32),
    )(x, W1)


def _post_body(sp_ref, as_ref, dinv_ref, w_ref, b_ref, out_ref):
    p = dinv_ref[...] * (sp_ref[0] + sp_ref[1] + as_ref[...])
    out_ref[...] = (
        jnp.dot(p, w_ref[...], preferred_element_type=jnp.float32) + b_ref[...]
    )


def _post_tc(sp, a2s, dinv_b, W3, b3):
    nb = _N // _R
    return pl.pallas_call(
        _post_body,
        grid=(nb,),
        in_specs=[
            pl.BlockSpec((2, _R, _F), lambda i: (0, i, 0)),
            pl.BlockSpec((_R, _F), lambda i: (i, 0)),
            pl.BlockSpec((_R, _F), lambda i: (i, 0)),
            pl.BlockSpec((_F, 128), lambda i: (0, 0)),
            pl.BlockSpec((1, 128), lambda i: (0, 0)),
        ],
        out_specs=pl.BlockSpec((_R, 128), lambda i: (i, 0)),
        out_shape=jax.ShapeDtypeStruct((_N, 128), jnp.float32),
    )(sp, a2s, dinv_b, W3, b3.reshape(1, 128))


def kernel(x, edge_index, W1, b1, g1, be1, W2, b2, g2, be2, W3, b3):
    src = edge_index[0].reshape(_E // _C, _C)
    dst = edge_index[1].reshape(_E // _C, _C)
    par1 = jnp.concatenate([b1[None, :], g1[None, :], be1[None, :], W2], axis=0)
    par2 = jnp.concatenate([b2[None, :], g2[None, :], be2[None, :]], axis=0)

    degp = _deg_sc()(dst)
    z1 = _mm1_tc(x, W1)
    s1p, z1s, dinv_b = _p1_sc()(src, dst, degp, z1)
    s2p, z2s = _pm_sc(True)(src, dst, s1p, z1s, dinv_b, par1)
    s3p, a2s = _pm_sc(False)(src, dst, s2p, z2s, dinv_b, par2)
    return _post_tc(s3p, a2s, dinv_b, W3, b3)

# --- scband reference (transcript-rebuilt; emitter-appended) ---
"""Pipeline reference for scband-gcn-68985764708480 (READ-ONLY COPY).

The authoritative reference and input builder live on the scoring server;
editing this copy changes nothing except your own understanding.
"""

import jax, jax.numpy as jnp
import numpy as np

N = 10000
E = 320000
D_IN = 128
H = 16
D_OUT = 128


def setup_inputs(seed: int = 0) -> dict:
    key = jax.random.key(seed)
    ks = jax.random.split(key, 12)
    x = jax.random.normal(ks[0], (N, D_IN), dtype=jnp.float32)
    edge_index = jax.random.randint(ks[1], (2, E), 0, N, dtype=jnp.int32)
    s1 = 1.0 / np.sqrt(D_IN)
    s2 = 1.0 / np.sqrt(H)
    W1 = jax.random.uniform(ks[2], (D_IN, H), jnp.float32, -s1, s1)
    b1 = jnp.zeros((H,), jnp.float32)
    g1 = jnp.ones((H,), jnp.float32)
    be1 = jnp.zeros((H,), jnp.float32)
    W2 = jax.random.uniform(ks[3], (H, H), jnp.float32, -s2, s2)
    b2 = jnp.zeros((H,), jnp.float32)
    g2 = jnp.ones((H,), jnp.float32)
    be2 = jnp.zeros((H,), jnp.float32)
    W3 = jax.random.uniform(ks[4], (H, D_OUT), jnp.float32, -s2, s2)
    b3 = jnp.zeros((D_OUT,), jnp.float32)
    return {"x": x, "edge_index": edge_index, "W1": W1, "b1": b1, "g1": g1, "be1": be1,
            "W2": W2, "b2": b2, "g2": g2, "be2": be2, "W3": W3, "b3": b3}


def _gcn_conv(x, edge_index, W, b):
    loop = jnp.arange(N, dtype=edge_index.dtype)
    src = jnp.concatenate([edge_index[0], loop])
    dst = jnp.concatenate([edge_index[1], loop])
    deg = jax.ops.segment_sum(jnp.ones_like(src, dtype=x.dtype), dst, num_segments=N)
    dinv = jax.lax.rsqrt(jnp.maximum(deg, 1.0))
    norm = dinv[src] * dinv[dst]
    h = x @ W
    msg = jnp.take(h, src, axis=0) * norm[:, None]
    out = jax.ops.segment_sum(msg, dst, num_segments=N)
    return out + b


def _batchnorm(x, g, beta, eps=1e-5):
    mean = jnp.mean(x, axis=0)
    var = jnp.mean((x - mean) ** 2, axis=0)
    return (x - mean) * jax.lax.rsqrt(var + eps) * g + beta


def reference(x, edge_index, W1, b1, g1, be1, W2, b2, g2, be2, W3, b3):
    h = jax.nn.relu(_batchnorm(_gcn_conv(x, edge_index, W1, b1), g1, be1))
    h = jax.nn.relu(_batchnorm(_gcn_conv(h, edge_index, W2, b2), g2, be2))
    return _gcn_conv(h, edge_index, W3, b3)

if __name__ == "__main__":
    import jax
    _d = setup_inputs()
    print(jax.jit(kernel)(*tuple(_d.values())))

</pallas_src>

<mosaic_0001>
#map = affine_map<(d0, d1) -> (0, 0)>
#map1 = affine_map<(d0, d1) -> (0, 0, 0)>
module attributes {stable_mosaic.version = 14 : i64} {
  func.func @_p1_body(%arg0: i32, %arg1: i32, %arg2: memref<4000x80xi32, #tpu.memory_space<hbm>>, %arg3: memref<4000x80xi32, #tpu.memory_space<hbm>>, %arg4: memref<2x10000x16xf32, #tpu.memory_space<hbm>>, %arg5: memref<10000x16xf32, #tpu.memory_space<hbm>>, %arg6: memref<2x10000x16xf32, #tpu.memory_space<hbm>>, %arg7: memref<10000x16xf32, #tpu.memory_space<hbm>>, %arg8: memref<10000x16xf32, #tpu.memory_space<hbm>>, %arg9: memref<125x80xi32, #tpu.memory_space<vmem>>, %arg10: memref<125x80xi32, #tpu.memory_space<vmem>>, %arg11: memref<400x16xf32, #tpu.memory_space<vmem>>, %arg12: memref<400x16xf32, #tpu.memory_space<vmem>>, %arg13: memref<625x16xf32, #tpu.memory_space<vmem>>, %arg14: memref<625x16xf32, #tpu.memory_space<vmem>>, %arg15: memref<625x16xf32, #tpu.memory_space<vmem>>, %arg16: memref<10000x16xf32, #tpu.memory_space<vmem_shared>>, %arg17: memref<10000x16xf32, #tpu.memory_space<vmem_shared>>, %arg18: memref<!tpu.dma_semaphore, #tpu.memory_space<semaphore_mem>>, %arg19: memref<!tpu.dma_semaphore, #tpu.memory_space<semaphore_mem>>, %arg20: memref<!tpu.dma_semaphore, #tpu.memory_space<semaphore_mem>>, %arg21: memref<!tpu.dma_semaphore, #tpu.memory_space<semaphore_mem>>, %arg22: memref<!tpu.dma_semaphore, #tpu.memory_space<semaphore_mem>>) attributes {dimension_semantics = [#tpu.dimension_semantics<core_parallel>, #tpu.dimension_semantics<subcore_parallel>], iteration_bounds = array<i64: 2, 16>, scalar_prefetch = 0 : i64, scratch_operands = 14 : i64, tpu.core_type = #tpu.core_type<sc_vector_subcore>, window_params = [{transform_indices = #map}, {transform_indices = #map}, {transform_indices = #map1}, {transform_indices = #map}, {transform_indices = #map1}, {transform_indices = #map}, {transform_indices = #map}]} {
    %mul3A = arith.constant 16 : i32
    %mul3A_0 = arith.muli %arg0, %mul3A : i32
    %add3A = arith.addi %mul3A_0, %arg1 : i32
    %mul3A_1 = arith.constant 625 : i32
    %mul3A_2 = arith.muli %arg1, %mul3A_1 : i32
    %mul3A_3 = arith.constant 125 : i32
    %mul3A_4 = arith.muli %add3A, %mul3A_3 : i32
    %dma_start3A = arith.constant 0 : i32
    %dma_start3A_5 = tpu.memref_slice %arg2[%mul3A_4, %dma_start3A] : memref<4000x80xi32, #tpu.memory_space<hbm>> -> memref<125x80xi32, #tpu.memory_space<hbm>>
    %dma_start3A_6 = arith.constant 0 : i32
    %dma_start3A_7 = tpu.memref_slice %arg2[%mul3A_4, %dma_start3A_6] : memref<4000x80xi32, #tpu.memory_space<hbm>> -> memref<125x80xi32, #tpu.memory_space<hbm>>
    tpu.enqueue_dma source(%dma_start3A_7 : memref<125x80xi32, #tpu.memory_space<hbm>>) target(%arg9 : memref<125x80xi32, #tpu.memory_space<vmem>>) target_semaphore(%arg19 : memref<!tpu.dma_semaphore, #tpu.memory_space<semaphore_mem>>)
    %mul3A_8 = arith.constant 125 : i32
    %mul3A_9 = arith.muli %add3A, %mul3A_8 : i32
    %dma_start3A_10 = arith.constant 0 : i32
    %dma_start3A_11 = tpu.memref_slice %arg3[%mul3A_9, %dma_start3A_10] : memref<4000x80xi32, #tpu.memory_space<hbm>> -> memref<125x80xi32, #tpu.memory_space<hbm>>
    %dma_start3A_12 = arith.constant 0 : i32
    %dma_start3A_13 = tpu.memref_slice %arg3[%mul3A_9, %dma_start3A_12] : memref<4000x80xi32, #tpu.memory_space<hbm>> -> memref<125x80xi32, #tpu.memory_space<hbm>>
    tpu.enqueue_dma source(%dma_start3A_13 : memref<125x80xi32, #tpu.memory_space<hbm>>) target(%arg10 : memref<125x80xi32, #tpu.memory_space<vmem>>) target_semaphore(%arg19 : memref<!tpu.dma_semaphore, #tpu.memory_space<semaphore_mem>>)
    %dma_start3A_14 = arith.constant 0 : i32
    %dma_start3A_15 = arith.constant 0 : i32
    %dma_start3A_16 = tpu.memref_slice %arg4[%dma_start3A_14, %mul3A_2, %dma_start3A_15] : memref<2x10000x16xf32, #tpu.memory_space<hbm>> -> memref<1x625x16xf32, #tpu.memory_space<hbm>>
    %dma_start3A_17 = tpu.memref_squeeze %dma_start3A_16 : memref<1x625x16xf32, #tpu.memory_space<hbm>> -> memref<625x16xf32, #tpu.memory_space<hbm>>
    %dma_start3A_18 = arith.constant 0 : i32
    %dma_start3A_19 = tpu.memref_slice %arg4[%dma_start3A_14, %mul3A_2, %dma_start3A_18] : memref<2x10000x16xf32, #tpu.memory_space<hbm>> -> memref<1x625x16xf32, #tpu.memory_space<hbm>>
    %dma_start3A_20 = tpu.memref_squeeze %dma_start3A_19 : memref<1x625x16xf32, #tpu.memory_space<hbm>> -> memref<625x16xf32, #tpu.memory_space<hbm>>
    tpu.enqueue_dma source(%dma_start3A_20 : memref<625x16xf32, #tpu.memory_space<hbm>>) target(%arg13 : memref<625x16xf32, #tpu.memory_space<vmem>>) target_semaphore(%arg18 : memref<!tpu.dma_semaphore, #tpu.memory_space<semaphore_mem>>)
    %dma_start3A_21 = arith.constant 1 : i32
    %dma_start3A_22 = arith.constant 0 : i32
    %dma_start3A_23 = tpu.memref_slice %arg4[%dma_start3A_21, %mul3A_2, %dma_start3A_22] : memref<2x10000x16xf32, #tpu.memory_space<hbm>> -> memref<1x625x16xf32, #tpu.memory_space<hbm>>
    %dma_start3A_24 = tpu.memref_squeeze %dma_start3A_23 : memref<1x625x16xf32, #tpu.memory_space<hbm>> -> memref<625x16xf32, #tpu.memory_space<hbm>>
    %dma_start3A_25 = arith.constant 0 : i32
    %dma_start3A_26 = tpu.memref_slice %arg4[%dma_start3A_21, %mul3A_2, %dma_start3A_25] : memref<2x10000x16xf32, #tpu.memory_space<hbm>> -> memref<1x625x16xf32, #tpu.memory_space<hbm>>
    %dma_start3A_27 = tpu.memref_squeeze %dma_start3A_26 : memref<1x625x16xf32, #tpu.memory_space<hbm>> -> memref<625x16xf32, #tpu.memory_space<hbm>>
    tpu.enqueue_dma source(%dma_start3A_27 : memref<625x16xf32, #tpu.memory_space<hbm>>) target(%arg14 : memref<625x16xf32, #tpu.memory_space<vmem>>) target_semaphore(%arg18 : memref<!tpu.dma_semaphore, #tpu.memory_space<semaphore_mem>>)
    %dma_start3A_28 = arith.constant 0 : i32
    %dma_start3A_29 = tpu.memref_slice %arg5[%mul3A_2, %dma_start3A_28] : memref<10000x16xf32, #tpu.memory_space<hbm>> -> memref<625x16xf32, #tpu.memory_space<hbm>>
    %dma_start3A_30 = arith.constant 0 : i32
    %dma_start3A_31 = tpu.memref_slice %arg5[%mul3A_2, %dma_start3A_30] : memref<10000x16xf32, #tpu.memory_space<hbm>> -> memref<625x16xf32, #tpu.memory_space<hbm>>
    tpu.enqueue_dma source(%dma_start3A_31 : memref<625x16xf32, #tpu.memory_space<hbm>>) target(%arg15 : memref<625x16xf32, #tpu.memory_space<vmem>>) target_semaphore(%arg18 : memref<!tpu.dma_semaphore, #tpu.memory_space<semaphore_mem>>)
    %dma_wait3A = arith.constant 0 : i32
    %dma_wait3A_32 = arith.constant 0 : i32
    %dma_wait3A_33 = tpu.memref_slice %arg4[%dma_wait3A, %mul3A_2, %dma_wait3A_32] : memref<2x10000x16xf32, #tpu.memory_space<hbm>> -> memref<1x625x16xf32, #tpu.memory_space<hbm>>
    %dma_wait3A_34 = tpu.memref_squeeze %dma_wait3A_33 : memref<1x625x16xf32, #tpu.memory_space<hbm>> -> memref<625x16xf32, #tpu.memory_space<hbm>>
    %dma_wait3A_35 = arith.constant 0 : i32
    %dma_wait3A_36 = tpu.memref_slice %arg4[%dma_wait3A, %mul3A_2, %dma_wait3A_35] : memref<2x10000x16xf32, #tpu.memory_space<hbm>> -> memref<1x625x16xf32, #tpu.memory_space<hbm>>
    %dma_wait3A_37 = tpu.memref_squeeze %dma_wait3A_36 : memref<1x625x16xf32, #tpu.memory_space<hbm>> -> memref<625x16xf32, #tpu.memory_space<hbm>>
    tpu.wait_dma2 semaphore(%arg18 : memref<!tpu.dma_semaphore, #tpu.memory_space<semaphore_mem>>) src(%dma_wait3A_37 : memref<625x16xf32, #tpu.memory_space<hbm>>) dst(%arg13 : memref<625x16xf32, #tpu.memory_space<vmem>>)
    %dma_wait3A_38 = arith.constant 1 : i32
    %dma_wait3A_39 = arith.constant 0 : i32
    %dma_wait3A_40 = tpu.memref_slice %arg4[%dma_wait3A_38, %mul3A_2, %dma_wait3A_39] : memref<2x10000x16xf32, #tpu.memory_space<hbm>> -> memref<1x625x16xf32, #tpu.memory_space<hbm>>
    %dma_wait3A_41 = tpu.memref_squeeze %dma_wait3A_40 : memref<1x625x16xf32, #tpu.memory_space<hbm>> -> memref<625x16xf32, #tpu.memory_space<hbm>>
    %dma_wait3A_42 = arith.constant 0 : i32
    %dma_wait3A_43 = tpu.memref_slice %arg4[%dma_wait3A_38, %mul3A_2, %dma_wait3A_42] : memref<2x10000x16xf32, #tpu.memory_space<hbm>> -> memref<1x625x16xf32, #tpu.memory_space<hbm>>
    %dma_wait3A_44 = tpu.memref_squeeze %dma_wait3A_43 : memref<1x625x16xf32, #tpu.memory_space<hbm>> -> memref<625x16xf32, #tpu.memory_space<hbm>>
    tpu.wait_dma2 semaphore(%arg18 : memref<!tpu.dma_semaphore, #tpu.memory_space<semaphore_mem>>) src(%dma_wait3A_44 : memref<625x16xf32, #tpu.memory_space<hbm>>) dst(%arg14 : memref<625x16xf32, #tpu.memory_space<vmem>>)
    %dma_wait3A_45 = arith.constant 0 : i32
    %dma_wait3A_46 = tpu.memref_slice %arg5[%mul3A_2, %dma_wait3A_45] : memref<10000x16xf32, #tpu.memory_space<hbm>> -> memref<625x16xf32, #tpu.memory_space<hbm>>
    %dma_wait3A_47 = arith.constant 0 : i32
    %dma_wait3A_48 = tpu.memref_slice %arg5[%mul3A_2, %dma_wait3A_47] : memref<10000x16xf32, #tpu.memory_space<hbm>> -> memref<625x16xf32, #tpu.memory_space<hbm>>
    tpu.wait_dma2 semaphore(%arg18 : memref<!tpu.dma_semaphore, #tpu.memory_space<semaphore_mem>>) src(%dma_wait3A_48 : memref<625x16xf32, #tpu.memory_space<hbm>>) dst(%arg15 : memref<625x16xf32, #tpu.memory_space<vmem>>)
    %scan3A = arith.constant 0 : i32
    %scan3A_49 = arith.constant 0 : i32
    %scan3A_50 = arith.constant 625 : i32
    %scan3A_51 = arith.addi %scan3A_49, %scan3A_50 : i32
    %scan3A_52 = arith.constant 1 : i32
    scf.for %scan3A_160 = %scan3A_49 to %scan3A_51 step %scan3A_52  : i32 {
      %get3A = arith.index_cast %scan3A_160 : i32 to index
      %get3A_161 = arith.constant 0 : index
      %get3A_162 = tpu.vector_load %arg13[%get3A, %get3A_161] {strides = array<i32>} : memref<625x16xf32, #tpu.memory_space<vmem>>, vector<1x16xf32>,
      %get3A_163 = vector.shape_cast %get3A_162 : vector<1x16xf32> to vector<16xf32>
      %get3A_164 = arith.index_cast %scan3A_160 : i32 to index
      %get3A_165 = arith.constant 0 : index
      %get3A_166 = tpu.vector_load %arg14[%get3A_164, %get3A_165] {strides = array<i32>} : memref<625x16xf32, #tpu.memory_space<vmem>>, vector<1x16xf32>,
      %get3A_167 = vector.shape_cast %get3A_166 : vector<1x16xf32> to vector<16xf32>
      %add3A_168 = arith.addf %get3A_163, %get3A_167 : vector<16xf32>
      %add3A_169 = arith.constant 1.000000e+00 : f32
      %add3A_170 = vector.broadcast %add3A_169 : f32 to vector<16xf32>
      %add3A_171 = arith.addf %add3A_168, %add3A_170 : vector<16xf32>
      %bitcast_convert_type3A = tpu.bitcast %add3A_171 : vector<16xf32> -> vector<16xi32>
      %shift_right_arithmetic3A = arith.constant 1 : i32
      %shift_right_arithmetic3A_172 = vector.broadcast %shift_right_arithmetic3A : i32 to vector<16xi32>
      %shift_right_arithmetic3A_173 = arith.shrsi %bitcast_convert_type3A, %shift_right_arithmetic3A_172 : vector<16xi32>
      %sub3A = arith.constant 1597463007 : i32
      %sub3A_174 = vector.broadcast %sub3A : i32 to vector<16xi32>
      %sub3A_175 = arith.subi %sub3A_174, %shift_right_arithmetic3A_173 : vector<16xi32>
      %bitcast_convert_type3A_176 = tpu.bitcast %sub3A_175 : vector<16xi32> -> vector<16xf32>
      %mul3A_177 = arith.constant 5.000000e-01 : f32
      %mul3A_178 = vector.broadcast %mul3A_177 : f32 to vector<16xf32>
      %mul3A_179 = arith.mulf %mul3A_178, %add3A_171 : vector<16xf32>
      %mul3A_180 = arith.mulf %mul3A_179, %bitcast_convert_type3A_176 : vector<16xf32>
      %mul3A_181 = arith.mulf %mul3A_180, %bitcast_convert_type3A_176 : vector<16xf32>
      %sub3A_182 = arith.constant 1.500000e+00 : f32
      %sub3A_183 = vector.broadcast %sub3A_182 : f32 to vector<16xf32>
      %sub3A_184 = arith.subf %sub3A_183, %mul3A_181 : vector<16xf32>
      %mul3A_185 = arith.mulf %bitcast_convert_type3A_176, %sub3A_184 : vector<16xf32>
      %mul3A_186 = arith.constant 5.000000e-01 : f32
      %mul3A_187 = vector.broadcast %mul3A_186 : f32 to vector<16xf32>
      %mul3A_188 = arith.mulf %mul3A_187, %add3A_171 : vector<16xf32>
      %mul3A_189 = arith.mulf %mul3A_188, %mul3A_185 : vector<16xf32>
      %mul3A_190 = arith.mulf %mul3A_189, %mul3A_185 : vector<16xf32>
      %sub3A_191 = arith.constant 1.500000e+00 : f32
      %sub3A_192 = vector.broadcast %sub3A_191 : f32 to vector<16xf32>
      %sub3A_193 = arith.subf %sub3A_192, %mul3A_190 : vector<16xf32>
      %mul3A_194 = arith.mulf %mul3A_185, %sub3A_193 : vector<16xf32>
      %get3A_195 = arith.index_cast %scan3A_160 : i32 to index
      %get3A_196 = arith.constant 0 : index
      %get3A_197 = tpu.vector_load %arg15[%get3A_195, %get3A_196] {strides = array<i32>} : memref<625x16xf32, #tpu.memory_space<vmem>>, vector<1x16xf32>,
      %get3A_198 = vector.shape_cast %get3A_197 : vector<1x16xf32> to vector<16xf32>
      %mul3A_199 = arith.mulf %get3A_198, %mul3A_194 : vector<16xf32>
      %swap3A = arith.index_cast %scan3A_160 : i32 to index
      %swap3A_200 = arith.constant 0 : index
      %swap3A_201 = tpu.vector_load %arg15[%swap3A, %swap3A_200] {strides = array<i32>} : memref<625x16xf32, #tpu.memory_space<vmem>>, vector<1x16xf32>,
      %swap3A_202 = vector.shape_cast %swap3A_201 : vector<1x16xf32> to vector<16xf32>
      %swap3A_203 = vector.shape_cast %mul3A_199 : vector<16xf32> to vector<1x16xf32>
      tpu.vector_store %arg15[%swap3A, %swap3A_200], %swap3A_203 {strides = array<i32>} : memref<625x16xf32, #tpu.memory_space<vmem>>, vector<1x16xf32>,
      %swap3A_204 = arith.index_cast %scan3A_160 : i32 to index
      %swap3A_205 = arith.constant 0 : index
      %swap3A_206 = tpu.vector_load %arg13[%swap3A_204, %swap3A_205] {strides = array<i32>} : memref<625x16xf32, #tpu.memory_space<vmem>>, vector<1x16xf32>,
      %swap3A_207 = vector.shape_cast %swap3A_206 : vector<1x16xf32> to vector<16xf32>
      %swap3A_208 = vector.shape_cast %mul3A_194 : vector<16xf32> to vector<1x16xf32>
      tpu.vector_store %arg13[%swap3A_204, %swap3A_205], %swap3A_208 {strides = array<i32>} : memref<625x16xf32, #tpu.memory_space<vmem>>, vector<1x16xf32>,
    }
    %scan3A_53 = arith.constant 625 : i32
    "tpu.region"() ({
      %run_scoped3A = tpu.sem_alloc : memref<!tpu.dma_semaphore, #tpu.memory_space<semaphore_mem>>
      %dma_start3A_160 = arith.constant 0 : i32
      %dma_start3A_161 = tpu.memref_slice %arg16[%mul3A_2, %dma_start3A_160] : memref<10000x16xf32, #tpu.memory_space<vmem_shared>> -> memref<625x16xf32, #tpu.memory_space<vmem_shared>>
      %dma_start3A_162 = arith.constant 0 : i32
      %dma_start3A_163 = tpu.memref_slice %arg16[%mul3A_2, %dma_start3A_162] : memref<10000x16xf32, #tpu.memory_space<vmem_shared>> -> memref<625x16xf32, #tpu.memory_space<vmem_shared>>
      tpu.enqueue_dma source(%arg15 : memref<625x16xf32, #tpu.memory_space<vmem>>) target(%dma_start3A_163 : memref<625x16xf32, #tpu.memory_space<vmem_shared>>) target_semaphore(%run_scoped3A : memref<!tpu.dma_semaphore, #tpu.memory_space<semaphore_mem>>)
      %dma_wait3A_164 = arith.constant 0 : i32
      %dma_wait3A_165 = tpu.memref_slice %arg16[%mul3A_2, %dma_wait3A_164] : memref<10000x16xf32, #tpu.memory_space<vmem_shared>> -> memref<625x16xf32, #tpu.memory_space<vmem_shared>>
      %dma_wait3A_166 = arith.constant 0 : i32
      %dma_wait3A_167 = tpu.memref_slice %arg16[%mul3A_2, %dma_wait3A_166] : memref<10000x16xf32, #tpu.memory_space<vmem_shared>> -> memref<625x16xf32, #tpu.memory_space<vmem_shared>>
      tpu.wait_dma2 semaphore(%run_scoped3A : memref<!tpu.dma_semaphore, #tpu.memory_space<semaphore_mem>>) src(%arg15 : memref<625x16xf32, #tpu.memory_space<vmem>>) dst(%dma_wait3A_167 : memref<625x16xf32, #tpu.memory_space<vmem_shared>>)
      tpu.yield
    }) : () -> ()
    %eq3A = arith.constant 0 : i32
    %eq3A_54 = arith.cmpi eq, %arg0, %eq3A : i32
    %convert_element_type3A = arith.extui %eq3A_54 : i1 to i32
    %cond3A = arith.constant 0 : i32
    %cond3A_55 = arith.cmpi ne, %convert_element_type3A, %cond3A : i32
    scf.if %cond3A_55 {
      %dma_start3A_160 = arith.constant 0 : i32
      %dma_start3A_161 = tpu.memref_slice %arg7[%mul3A_2, %dma_start3A_160] : memref<10000x16xf32, #tpu.memory_space<hbm>> -> memref<625x16xf32, #tpu.memory_space<hbm>>
      %dma_start3A_162 = arith.constant 0 : i32
      %dma_start3A_163 = tpu.memref_slice %arg7[%mul3A_2, %dma_start3A_162] : memref<10000x16xf32, #tpu.memory_space<hbm>> -> memref<625x16xf32, #tpu.memory_space<hbm>>
      tpu.enqueue_dma source(%arg15 : memref<625x16xf32, #tpu.memory_space<vmem>>) target(%dma_start3A_163 : memref<625x16xf32, #tpu.memory_space<hbm>>) target_semaphore(%arg22 : memref<!tpu.dma_semaphore, #tpu.memory_space<semaphore_mem>>)
      %dma_start3A_164 = arith.constant 0 : i32
      %dma_start3A_165 = tpu.memref_slice %arg8[%mul3A_2, %dma_start3A_164] : memref<10000x16xf32, #tpu.memory_space<hbm>> -> memref<625x16xf32, #tpu.memory_space<hbm>>
      %dma_start3A_166 = arith.constant 0 : i32
      %dma_start3A_167 = tpu.memref_slice %arg8[%mul3A_2, %dma_start3A_166] : memref<10000x16xf32, #tpu.memory_space<hbm>> -> memref<625x16xf32, #tpu.memory_space<hbm>>
      tpu.enqueue_dma source(%arg13 : memref<625x16xf32, #tpu.memory_space<vmem>>) target(%dma_start3A_167 : memref<625x16xf32, #tpu.memory_space<hbm>>) target_semaphore(%arg22 : memref<!tpu.dma_semaphore, #tpu.memory_space<semaphore_mem>>)
    } else {
    }
    %scan3A_56 = arith.constant 0 : i32
    %scan3A_57 = arith.constant 0 : i32
    %scan3A_58 = arith.constant 625 : i32
    %scan3A_59 = arith.addi %scan3A_57, %scan3A_58 : i32
    %scan3A_60 = arith.constant 1 : i32
    scf.for %scan3A_160 = %scan3A_57 to %scan3A_59 step %scan3A_60  : i32 {
      %broadcast_in_dim3A = arith.constant 0.000000e+00 : f32
      %broadcast_in_dim3A_161 = vector.broadcast %broadcast_in_dim3A : f32 to vector<16xf32>
      %swap3A = arith.index_cast %scan3A_160 : i32 to index
      %swap3A_162 = arith.constant 0 : index
      %swap3A_163 = tpu.vector_load %arg14[%swap3A, %swap3A_162] {strides = array<i32>} : memref<625x16xf32, #tpu.memory_space<vmem>>, vector<1x16xf32>,
      %swap3A_164 = vector.shape_cast %swap3A_163 : vector<1x16xf32> to vector<16xf32>
      %swap3A_165 = vector.shape_cast %broadcast_in_dim3A_161 : vector<16xf32> to vector<1x16xf32>
      tpu.vector_store %arg14[%swap3A, %swap3A_162], %swap3A_165 {strides = array<i32>} : memref<625x16xf32, #tpu.memory_space<vmem>>, vector<1x16xf32>,
    }
    %scan3A_61 = arith.constant 625 : i32
    %mul3A_62 = arith.constant 625 : i32
    %mul3A_63 = arith.muli %arg1, %mul3A_62 : i32
    "tpu.region"() ({
      %run_scoped3A = tpu.sem_alloc : memref<!tpu.dma_semaphore, #tpu.memory_space<semaphore_mem>>
      %dma_start3A_160 = arith.constant 0 : i32
      %dma_start3A_161 = tpu.memref_slice %arg17[%mul3A_63, %dma_start3A_160] : memref<10000x16xf32, #tpu.memory_space<vmem_shared>> -> memref<625x16xf32, #tpu.memory_space<vmem_shared>>
      %dma_start3A_162 = arith.constant 0 : i32
      %dma_start3A_163 = tpu.memref_slice %arg17[%mul3A_63, %dma_start3A_162] : memref<10000x16xf32, #tpu.memory_space<vmem_shared>> -> memref<625x16xf32, #tpu.memory_space<vmem_shared>>
      tpu.enqueue_dma source(%arg14 : memref<625x16xf32, #tpu.memory_space<vmem>>) target(%dma_start3A_163 : memref<625x16xf32, #tpu.memory_space<vmem_shared>>) target_semaphore(%run_scoped3A : memref<!tpu.dma_semaphore, #tpu.memory_space<semaphore_mem>>)
      %dma_wait3A_164 = arith.constant 0 : i32
      %dma_wait3A_165 = tpu.memref_slice %arg17[%mul3A_63, %dma_wait3A_164] : memref<10000x16xf32, #tpu.memory_space<vmem_shared>> -> memref<625x16xf32, #tpu.memory_space<vmem_shared>>
      %dma_wait3A_166 = arith.constant 0 : i32
      %dma_wait3A_167 = tpu.memref_slice %arg17[%mul3A_63, %dma_wait3A_166] : memref<10000x16xf32, #tpu.memory_space<vmem_shared>> -> memref<625x16xf32, #tpu.memory_space<vmem_shared>>
      tpu.wait_dma2 semaphore(%run_scoped3A : memref<!tpu.dma_semaphore, #tpu.memory_space<semaphore_mem>>) src(%arg14 : memref<625x16xf32, #tpu.memory_space<vmem>>) dst(%dma_wait3A_167 : memref<625x16xf32, #tpu.memory_space<vmem_shared>>)
      tpu.yield
    }) : () -> ()
    %mul3A_64 = arith.constant 125 : i32
    %mul3A_65 = arith.muli %add3A, %mul3A_64 : i32
    %dma_wait3A_66 = arith.constant 0 : i32
    %dma_wait3A_67 = tpu.memref_slice %arg2[%mul3A_65, %dma_wait3A_66] : memref<4000x80xi32, #tpu.memory_space<hbm>> -> memref<125x80xi32, #tpu.memory_space<hbm>>
    %dma_wait3A_68 = arith.constant 0 : i32
    %dma_wait3A_69 = tpu.memref_slice %arg2[%mul3A_65, %dma_wait3A_68] : memref<4000x80xi32, #tpu.memory_space<hbm>> -> memref<125x80xi32, #tpu.memory_space<hbm>>
    tpu.wait_dma2 semaphore(%arg19 : memref<!tpu.dma_semaphore, #tpu.memory_space<semaphore_mem>>) src(%dma_wait3A_69 : memref<125x80xi32, #tpu.memory_space<hbm>>) dst(%arg9 : memref<125x80xi32, #tpu.memory_space<vmem>>)
    %mul3A_70 = arith.constant 125 : i32
    %mul3A_71 = arith.muli %add3A, %mul3A_70 : i32
    %dma_wait3A_72 = arith.constant 0 : i32
    %dma_wait3A_73 = tpu.memref_slice %arg3[%mul3A_71, %dma_wait3A_72] : memref<4000x80xi32, #tpu.memory_space<hbm>> -> memref<125x80xi32, #tpu.memory_space<hbm>>
    %dma_wait3A_74 = arith.constant 0 : i32
    %dma_wait3A_75 = tpu.memref_slice %arg3[%mul3A_71, %dma_wait3A_74] : memref<4000x80xi32, #tpu.memory_space<hbm>> -> memref<125x80xi32, #tpu.memory_space<hbm>>
    tpu.wait_dma2 semaphore(%arg19 : memref<!tpu.dma_semaphore, #tpu.memory_space<semaphore_mem>>) src(%dma_wait3A_75 : memref<125x80xi32, #tpu.memory_space<hbm>>) dst(%arg10 : memref<125x80xi32, #tpu.memory_space<vmem>>)
    %barrier3A = arith.constant 0 : index
    tpu.barrier barrier_id(%barrier3A)
    %scan3A_76 = arith.constant 0 : i32
    %scan3A_77 = arith.constant 0 : i32
    %scan3A_78 = arith.constant 25 : i32
    %scan3A_79 = arith.addi %scan3A_77, %scan3A_78 : i32
    %scan3A_80 = arith.constant 1 : i32
    scf.for %scan3A_160 = %scan3A_77 to %scan3A_79 step %scan3A_80  : i32 {
      %rem3A = arith.constant 2 : i32
      %rem3A_161 = arith.remsi %scan3A_160, %rem3A : i32
      %eq3A_162 = arith.constant 0 : i32
      %eq3A_163 = arith.cmpi eq, %rem3A_161, %eq3A_162 : i32
      %convert_element_type3A_164 = arith.extui %eq3A_163 : i1 to i32
      %cond3A_165 = arith.constant 0 : i32
      %cond3A_166 = arith.cmpi ne, %convert_element_type3A_164, %cond3A_165 : i32
      scf.if %cond3A_166 {
        %gt3A = arith.constant 1 : i32
        %gt3A_171 = arith.cmpi sgt, %scan3A_160, %gt3A : i32
        %convert_element_type3A_172 = arith.extui %gt3A_171 : i1 to i32
        %cond3A_173 = arith.constant 0 : i32
        %cond3A_174 = arith.cmpi ne, %convert_element_type3A_172, %cond3A_173 : i32
        scf.if %cond3A_174 {
          %dma_wait3A_245 = arith.constant 0 : i32
          %dma_wait3A_246 = arith.constant 0 : i32
          %dma_wait3A_247 = tpu.memref_slice %arg5[%dma_wait3A_245, %dma_wait3A_246] : memref<10000x16xf32, #tpu.memory_space<hbm>> -> memref<400x16xf32, #tpu.memory_space<hbm>>
          %dma_wait3A_248 = arith.constant 0 : i32
          %dma_wait3A_249 = arith.constant 0 : i32
          %dma_wait3A_250 = tpu.memref_slice %arg5[%dma_wait3A_248, %dma_wait3A_249] : memref<10000x16xf32, #tpu.memory_space<hbm>> -> memref<400x16xf32, #tpu.memory_space<hbm>>
          tpu.wait_dma2 semaphore(%arg20 : memref<!tpu.dma_semaphore, #tpu.memory_space<semaphore_mem>>) src(%dma_wait3A_250 : memref<400x16xf32, #tpu.memory_space<hbm>>) dst(%arg11 : memref<400x16xf32, #tpu.memory_space<vmem>>)
        } else {
        }
        %mul3A_175 = arith.constant 5 : i32
        %mul3A_176 = arith.muli %scan3A_160, %mul3A_175 : i32
        %add3A_177 = arith.constant 0 : i32
        %add3A_178 = arith.addi %mul3A_176, %add3A_177 : i32
        %dma_start3A_179 = arith.constant 0 : i32
        %dma_start3A_180 = arith.constant 0 : i32
        %dma_start3A_181 = tpu.memref_slice %arg11[%dma_start3A_179, %dma_start3A_180] : memref<400x16xf32, #tpu.memory_space<vmem>> -> memref<80x16xf32, #tpu.memory_space<vmem>>
        %dma_start3A_182 = arith.constant 0 : i32
        %dma_start3A_183 = tpu.memref_slice %arg9[%add3A_178, %dma_start3A_182] : memref<125x80xi32, #tpu.memory_space<vmem>> -> memref<1x80xi32, #tpu.memory_space<vmem>>
        %dma_start3A_184 = tpu.memref_squeeze %dma_start3A_183 : memref<1x80xi32, #tpu.memory_space<vmem>> -> memref<80xi32, #tpu.memory_space<vmem>>
        %dma_start3A_185 = arith.constant 0 : i32
        %dma_start3A_186 = arith.constant 0 : i32
        %dma_start3A_187 = tpu.memref_slice %arg16[%dma_start3A_185, %dma_start3A_186] : memref<10000x16xf32, #tpu.memory_space<vmem_shared>> -> memref<10000x16xf32, #tpu.memory_space<vmem_shared>>
        tpu.enqueue_indirect_dma source(%dma_start3A_187 : memref<10000x16xf32, #tpu.memory_space<vmem_shared>>) target(%dma_start3A_181 : memref<80x16xf32, #tpu.memory_space<vmem>>) offsets(%dma_start3A_184 : memref<80xi32, #tpu.memory_space<vmem>>) semaphore(%arg18 : memref<!tpu.dma_semaphore, #tpu.memory_space<semaphore_mem>>)
        %mul3A_188 = arith.constant 5 : i32
        %mul3A_189 = arith.muli %scan3A_160, %mul3A_188 : i32
        %add3A_190 = arith.constant 1 : i32
        %add3A_191 = arith.addi %mul3A_189, %add3A_190 : i32
        %dma_start3A_192 = arith.constant 80 : i32
        %dma_start3A_193 = arith.constant 0 : i32
        %dma_start3A_194 = tpu.memref_slice %arg11[%dma_start3A_192, %dma_start3A_193] : memref<400x16xf32, #tpu.memory_space<vmem>> -> memref<80x16xf32, #tpu.memory_space<vmem>>
        %dma_start3A_195 = arith.constant 0 : i32
        %dma_start3A_196 = tpu.memref_slice %arg9[%add3A_191, %dma_start3A_195] : memref<125x80xi32, #tpu.memory_space<vmem>> -> memref<1x80xi32, #tpu.memory_space<vmem>>
        %dma_start3A_197 = tpu.memref_squeeze %dma_start3A_196 : memref<1x80xi32, #tpu.memory_space<vmem>> -> memref<80xi32, #tpu.memory_space<vmem>>
        %dma_start3A_198 = arith.constant 0 : i32
        %dma_start3A_199 = arith.constant 0 : i32
        %dma_start3A_200 = tpu.memref_slice %arg16[%dma_start3A_198, %dma_start3A_199] : memref<10000x16xf32, #tpu.memory_space<vmem_shared>> -> memref<10000x16xf32, #tpu.memory_space<vmem_shared>>
        tpu.enqueue_indirect_dma source(%dma_start3A_200 : memref<10000x16xf32, #tpu.memory_space<vmem_shared>>) target(%dma_start3A_194 : memref<80x16xf32, #tpu.memory_space<vmem>>) offsets(%dma_start3A_197 : memref<80xi32, #tpu.memory_space<vmem>>) semaphore(%arg18 : memref<!tpu.dma_semaphore, #tpu.memory_space<semaphore_mem>>)
        %mul3A_201 = arith.constant 5 : i32
        %mul3A_202 = arith.muli %scan3A_160, %mul3A_201 : i32
        %add3A_203 = arith.constant 2 : i32
        %add3A_204 = arith.addi %mul3A_202, %add3A_203 : i32
        %dma_start3A_205 = arith.constant 160 : i32
        %dma_start3A_206 = arith.constant 0 : i32
        %dma_start3A_207 = tpu.memref_slice %arg11[%dma_start3A_205, %dma_start3A_206] : memref<400x16xf32, #tpu.memory_space<vmem>> -> memref<80x16xf32, #tpu.memory_space<vmem>>
        %dma_start3A_208 = arith.constant 0 : i32
        %dma_start3A_209 = tpu.memref_slice %arg9[%add3A_204, %dma_start3A_208] : memref<125x80xi32, #tpu.memory_space<vmem>> -> memref<1x80xi32, #tpu.memory_space<vmem>>
        %dma_start3A_210 = tpu.memref_squeeze %dma_start3A_209 : memref<1x80xi32, #tpu.memory_space<vmem>> -> memref<80xi32, #tpu.memory_space<vmem>>
        %dma_start3A_211 = arith.constant 0 : i32
        %dma_start3A_212 = arith.constant 0 : i32
        %dma_start3A_213 = tpu.memref_slice %arg16[%dma_start3A_211, %dma_start3A_212] : memref<10000x16xf32, #tpu.memory_space<vmem_shared>> -> memref<10000x16xf32, #tpu.memory_space<vmem_shared>>
        tpu.enqueue_indirect_dma source(%dma_start3A_213 : memref<10000x16xf32, #tpu.memory_space<vmem_shared>>) target(%dma_start3A_207 : memref<80x16xf32, #tpu.memory_space<vmem>>) offsets(%dma_start3A_210 : memref<80xi32, #tpu.memory_space<vmem>>) semaphore(%arg18 : memref<!tpu.dma_semaphore, #tpu.memory_space<semaphore_mem>>)
        %mul3A_214 = arith.constant 5 : i32
        %mul3A_215 = arith.muli %scan3A_160, %mul3A_214 : i32
        %add3A_216 = arith.constant 3 : i32
        %add3A_217 = arith.addi %mul3A_215, %add3A_216 : i32
        %dma_start3A_218 = arith.constant 240 : i32
        %dma_start3A_219 = arith.constant 0 : i32
        %dma_start3A_220 = tpu.memref_slice %arg11[%dma_start3A_218, %dma_start3A_219] : memref<400x16xf32, #tpu.memory_space<vmem>> -> memref<80x16xf32, #tpu.memory_space<vmem>>
        %dma_start3A_221 = arith.constant 0 : i32
        %dma_start3A_222 = tpu.memref_slice %arg9[%add3A_217, %dma_start3A_221] : memref<125x80xi32, #tpu.memory_space<vmem>> -> memref<1x80xi32, #tpu.memory_space<vmem>>
        %dma_start3A_223 = tpu.memref_squeeze %dma_start3A_222 : memref<1x80xi32, #tpu.memory_space<vmem>> -> memref<80xi32, #tpu.memory_space<vmem>>
        %dma_start3A_224 = arith.constant 0 : i32
        %dma_start3A_225 = arith.constant 0 : i32
        %dma_start3A_226 = tpu.memref_slice %arg16[%dma_start3A_224, %dma_start3A_225] : memref<10000x16xf32, #tpu.memory_space<vmem_shared>> -> memref<10000x16xf32, #tpu.memory_space<vmem_shared>>
        tpu.enqueue_indirect_dma source(%dma_start3A_226 : memref<10000x16xf32, #tpu.memory_space<vmem_shared>>) target(%dma_start3A_220 : memref<80x16xf32, #tpu.memory_space<vmem>>) offsets(%dma_start3A_223 : memref<80xi32, #tpu.memory_space<vmem>>) semaphore(%arg18 : memref<!tpu.dma_semaphore, #tpu.memory_space<semaphore_mem>>)
        %mul3A_227 = arith.constant 5 : i32
        %mul3A_228 = arith.muli %scan3A_160, %mul3A_227 : i32
        %add3A_229 = arith.constant 4 : i32
        %add3A_230 = arith.addi %mul3A_228, %add3A_229 : i32
        %dma_start3A_231 = arith.constant 320 : i32
        %dma_start3A_232 = arith.constant 0 : i32
        %dma_start3A_233 = tpu.memref_slice %arg11[%dma_start3A_231, %dma_start3A_232] : memref<400x16xf32, #tpu.memory_space<vmem>> -> memref<80x16xf32, #tpu.memory_space<vmem>>
        %dma_start3A_234 = arith.constant 0 : i32
        %dma_start3A_235 = tpu.memref_slice %arg9[%add3A_230, %dma_start3A_234] : memref<125x80xi32, #tpu.memory_space<vmem>> -> memref<1x80xi32, #tpu.memory_space<vmem>>
        %dma_start3A_236 = tpu.memref_squeeze %dma_start3A_235 : memref<1x80xi32, #tpu.memory_space<vmem>> -> memref<80xi32, #tpu.memory_space<vmem>>
        %dma_start3A_237 = arith.constant 0 : i32
        %dma_start3A_238 = arith.constant 0 : i32
        %dma_start3A_239 = tpu.memref_slice %arg16[%dma_start3A_237, %dma_start3A_238] : memref<10000x16xf32, #tpu.memory_space<vmem_shared>> -> memref<10000x16xf32, #tpu.memory_space<vmem_shared>>
        tpu.enqueue_indirect_dma source(%dma_start3A_239 : memref<10000x16xf32, #tpu.memory_space<vmem_shared>>) target(%dma_start3A_233 : memref<80x16xf32, #tpu.memory_space<vmem>>) offsets(%dma_start3A_236 : memref<80xi32, #tpu.memory_space<vmem>>) semaphore(%arg18 : memref<!tpu.dma_semaphore, #tpu.memory_space<semaphore_mem>>)
        %gt3A_240 = arith.constant 0 : i32
        %gt3A_241 = arith.cmpi sgt, %scan3A_160, %gt3A_240 : i32
        %convert_element_type3A_242 = arith.extui %gt3A_241 : i1 to i32
        %cond3A_243 = arith.constant 0 : i32
        %cond3A_244 = arith.cmpi ne, %convert_element_type3A_242, %cond3A_243 : i32
        scf.if %cond3A_244 {
          %dma_wait3A_245 = arith.constant 0 : i32
          %dma_wait3A_246 = arith.constant 0 : i32
          %dma_wait3A_247 = tpu.memref_slice %arg5[%dma_wait3A_245, %dma_wait3A_246] : memref<10000x16xf32, #tpu.memory_space<hbm>> -> memref<400x16xf32, #tpu.memory_space<hbm>>
          %dma_wait3A_248 = arith.constant 0 : i32
          %dma_wait3A_249 = arith.constant 0 : i32
          %dma_wait3A_250 = tpu.memref_slice %arg5[%dma_wait3A_248, %dma_wait3A_249] : memref<10000x16xf32, #tpu.memory_space<hbm>> -> memref<400x16xf32, #tpu.memory_space<hbm>>
          tpu.wait_dma2 semaphore(%arg19 : memref<!tpu.dma_semaphore, #tpu.memory_space<semaphore_mem>>) src(%dma_wait3A_250 : memref<400x16xf32, #tpu.memory_space<hbm>>) dst(%arg12 : memref<400x16xf32, #tpu.memory_space<vmem>>)
          %sub3A = arith.constant 1 : i32
          %sub3A_251 = arith.subi %scan3A_160, %sub3A : i32
          %mul3A_252 = arith.constant 5 : i32
          %mul3A_253 = arith.muli %sub3A_251, %mul3A_252 : i32
          %add3A_254 = arith.constant 0 : i32
          %add3A_255 = arith.addi %mul3A_253, %add3A_254 : i32
          %dma_start3A_256 = arith.constant 0 : i32
          %dma_start3A_257 = arith.constant 0 : i32
          %dma_start3A_258 = tpu.memref_slice %arg12[%dma_start3A_256, %dma_start3A_257] : memref<400x16xf32, #tpu.memory_space<vmem>> -> memref<80x16xf32, #tpu.memory_space<vmem>>
          %dma_start3A_259 = arith.constant 0 : i32
          %dma_start3A_260 = tpu.memref_slice %arg10[%add3A_255, %dma_start3A_259] : memref<125x80xi32, #tpu.memory_space<vmem>> -> memref<1x80xi32, #tpu.memory_space<vmem>>
          %dma_start3A_261 = tpu.memref_squeeze %dma_start3A_260 : memref<1x80xi32, #tpu.memory_space<vmem>> -> memref<80xi32, #tpu.memory_space<vmem>>
          %dma_start3A_262 = arith.constant 0 : i32
          %dma_start3A_263 = arith.constant 0 : i32
          %dma_start3A_264 = tpu.memref_slice %arg17[%dma_start3A_262, %dma_start3A_263] : memref<10000x16xf32, #tpu.memory_space<vmem_shared>> -> memref<10000x16xf32, #tpu.memory_space<vmem_shared>>
          tpu.enqueue_indirect_dma source(%dma_start3A_258 : memref<80x16xf32, #tpu.memory_space<vmem>>) target(%dma_start3A_264 : memref<10000x16xf32, #tpu.memory_space<vmem_shared>>) offsets(%dma_start3A_261 : memref<80xi32, #tpu.memory_space<vmem>>) semaphore(%arg21 : memref<!tpu.dma_semaphore, #tpu.memory_space<semaphore_mem>>) {add = true}
          %mul3A_265 = arith.constant 5 : i32
          %mul3A_266 = arith.muli %sub3A_251, %mul3A_265 : i32
          %add3A_267 = arith.constant 1 : i32
          %add3A_268 = arith.addi %mul3A_266, %add3A_267 : i32
          %dma_start3A_269 = arith.constant 80 : i32
          %dma_start3A_270 = arith.constant 0 : i32
          %dma_start3A_271 = tpu.memref_slice %arg12[%dma_start3A_269, %dma_start3A_270] : memref<400x16xf32, #tpu.memory_space<vmem>> -> memref<80x16xf32, #tpu.memory_space<vmem>>
          %dma_start3A_272 = arith.constant 0 : i32
          %dma_start3A_273 = tpu.memref_slice %arg10[%add3A_268, %dma_start3A_272] : memref<125x80xi32, #tpu.memory_space<vmem>> -> memref<1x80xi32, #tpu.memory_space<vmem>>
          %dma_start3A_274 = tpu.memref_squeeze %dma_start3A_273 : memref<1x80xi32, #tpu.memory_space<vmem>> -> memref<80xi32, #tpu.memory_space<vmem>>
          %dma_start3A_275 = arith.constant 0 : i32
          %dma_start3A_276 = arith.constant 0 : i32
          %dma_start3A_277 = tpu.memref_slice %arg17[%dma_start3A_275, %dma_start3A_276] : memref<10000x16xf32, #tpu.memory_space<vmem_shared>> -> memref<10000x16xf32, #tpu.memory_space<vmem_shared>>
          tpu.enqueue_indirect_dma source(%dma_start3A_271 : memref<80x16xf32, #tpu.memory_space<vmem>>) target(%dma_start3A_277 : memref<10000x16xf32, #tpu.memory_space<vmem_shared>>) offsets(%dma_start3A_274 : memref<80xi32, #tpu.memory_space<vmem>>) semaphore(%arg21 : memref<!tpu.dma_semaphore, #tpu.memory_space<semaphore_mem>>) {add = true}
          %mul3A_278 = arith.constant 5 : i32
          %mul3A_279 = arith.muli %sub3A_251, %mul3A_278 : i32
          %add3A_280 = arith.constant 2 : i32
          %add3A_281 = arith.addi %mul3A_279, %add3A_280 : i32
          %dma_start3A_282 = arith.constant 160 : i32
          %dma_start3A_283 = arith.constant 0 : i32
          %dma_start3A_284 = tpu.memref_slice %arg12[%dma_start3A_282, %dma_start3A_283] : memref<400x16xf32, #tpu.memory_space<vmem>> -> memref<80x16xf32, #tpu.memory_space<vmem>>
          %dma_start3A_285 = arith.constant 0 : i32
          %dma_start3A_286 = tpu.memref_slice %arg10[%add3A_281, %dma_start3A_285] : memref<125x80xi32, #tpu.memory_space<vmem>> -> memref<1x80xi32, #tpu.memory_space<vmem>>
          %dma_start3A_287 = tpu.memref_squeeze %dma_start3A_286 : memref<1x80xi32, #tpu.memory_space<vmem>> -> memref<80xi32, #tpu.memory_space<vmem>>
          %dma_start3A_288 = arith.constant 0 : i32
          %dma_start3A_289 = arith.constant 0 : i32
          %dma_start3A_290 = tpu.memref_slice %arg17[%dma_start3A_288, %dma_start3A_289] : memref<10000x16xf32, #tpu.memory_space<vmem_shared>> -> memref<10000x16xf32, #tpu.memory_space<vmem_shared>>
          tpu.enqueue_indirect_dma source(%dma_start3A_284 : memref<80x16xf32, #tpu.memory_space<vmem>>) target(%dma_start3A_290 : memref<10000x16xf32, #tpu.memory_space<vmem_shared>>) offsets(%dma_start3A_287 : memref<80xi32, #tpu.memory_space<vmem>>) semaphore(%arg21 : memref<!tpu.dma_semaphore, #tpu.memory_space<semaphore_mem>>) {add = true}
          %mul3A_291 = arith.constant 5 : i32
          %mul3A_292 = arith.muli %sub3A_251, %mul3A_291 : i32
          %add3A_293 = arith.constant 3 : i32
          %add3A_294 = arith.addi %mul3A_292, %add3A_293 : i32
          %dma_start3A_295 = arith.constant 240 : i32
          %dma_start3A_296 = arith.constant 0 : i32
          %dma_start3A_297 = tpu.memref_slice %arg12[%dma_start3A_295, %dma_start3A_296] : memref<400x16xf32, #tpu.memory_space<vmem>> -> memref<80x16xf32, #tpu.memory_space<vmem>>
          %dma_start3A_298 = arith.constant 0 : i32
          %dma_start3A_299 = tpu.memref_slice %arg10[%add3A_294, %dma_start3A_298] : memref<125x80xi32, #tpu.memory_space<vmem>> -> memref<1x80xi32, #tpu.memory_space<vmem>>
          %dma_start3A_300 = tpu.memref_squeeze %dma_start3A_299 : memref<1x80xi32, #tpu.memory_space<vmem>> -> memref<80xi32, #tpu.memory_space<vmem>>
          %dma_start3A_301 = arith.constant 0 : i32
          %dma_start3A_302 = arith.constant 0 : i32
          %dma_start3A_303 = tpu.memref_slice %arg17[%dma_start3A_301, %dma_start3A_302] : memref<10000x16xf32, #tpu.memory_space<vmem_shared>> -> memref<10000x16xf32, #tpu.memory_space<vmem_shared>>
          tpu.enqueue_indirect_dma source(%dma_start3A_297 : memref<80x16xf32, #tpu.memory_space<vmem>>) target(%dma_start3A_303 : memref<10000x16xf32, #tpu.memory_space<vmem_shared>>) offsets(%dma_start3A_300 : memref<80xi32, #tpu.memory_space<vmem>>) semaphore(%arg21 : memref<!tpu.dma_semaphore, #tpu.memory_space<semaphore_mem>>) {add = true}
          %mul3A_304 = arith.constant 5 : i32
          %mul3A_305 = arith.muli %sub3A_251, %mul3A_304 : i32
          %add3A_306 = arith.constant 4 : i32
          %add3A_307 = arith.addi %mul3A_305, %add3A_306 : i32
          %dma_start3A_308 = arith.constant 320 : i32
          %dma_start3A_309 = arith.constant 0 : i32
          %dma_start3A_310 = tpu.memref_slice %arg12[%dma_start3A_308, %dma_start3A_309] : memref<400x16xf32, #tpu.memory_space<vmem>> -> memref<80x16xf32, #tpu.memory_space<vmem>>
          %dma_start3A_311 = arith.constant 0 : i32
          %dma_start3A_312 = tpu.memref_slice %arg10[%add3A_307, %dma_start3A_311] : memref<125x80xi32, #tpu.memory_space<vmem>> -> memref<1x80xi32, #tpu.memory_space<vmem>>
          %dma_start3A_313 = tpu.memref_squeeze %dma_start3A_312 : memref<1x80xi32, #tpu.memory_space<vmem>> -> memref<80xi32, #tpu.memory_space<vmem>>
          %dma_start3A_314 = arith.constant 0 : i32
          %dma_start3A_315 = arith.constant 0 : i32
          %dma_start3A_316 = tpu.memref_slice %arg17[%dma_start3A_314, %dma_start3A_315] : memref<10000x16xf32, #tpu.memory_space<vmem_shared>> -> memref<10000x16xf32, #tpu.memory_space<vmem_shared>>
          tpu.enqueue_indirect_dma source(%dma_start3A_310 : memref<80x16xf32, #tpu.memory_space<vmem>>) target(%dma_start3A_316 : memref<10000x16xf32, #tpu.memory_space<vmem_shared>>) offsets(%dma_start3A_313 : memref<80xi32, #tpu.memory_space<vmem>>) semaphore(%arg21 : memref<!tpu.dma_semaphore, #tpu.memory_space<semaphore_mem>>) {add = true}
        } else {
        }
      } else {
      }
      %not3A = arith.constant true
      %not3A_167 = arith.xori %eq3A_163, %not3A : i1
      %convert_element_type3A_168 = arith.extui %not3A_167 : i1 to i32
      %cond3A_169 = arith.constant 0 : i32
      %cond3A_170 = arith.cmpi ne, %convert_element_type3A_168, %cond3A_169 : i32
      scf.if %cond3A_170 {
        %gt3A = arith.constant 1 : i32
        %gt3A_171 = arith.cmpi sgt, %scan3A_160, %gt3A : i32
        %convert_element_type3A_172 = arith.extui %gt3A_171 : i1 to i32
        %cond3A_173 = arith.constant 0 : i32
        %cond3A_174 = arith.cmpi ne, %convert_element_type3A_172, %cond3A_173 : i32
        scf.if %cond3A_174 {
          %dma_wait3A_312 = arith.constant 0 : i32
          %dma_wait3A_313 = arith.constant 0 : i32
          %dma_wait3A_314 = tpu.memref_slice %arg5[%dma_wait3A_312, %dma_wait3A_313] : memref<10000x16xf32, #tpu.memory_space<hbm>> -> memref<400x16xf32, #tpu.memory_space<hbm>>
          %dma_wait3A_315 = arith.constant 0 : i32
          %dma_wait3A_316 = arith.constant 0 : i32
          %dma_wait3A_317 = tpu.memref_slice %arg5[%dma_wait3A_315, %dma_wait3A_316] : memref<10000x16xf32, #tpu.memory_space<hbm>> -> memref<400x16xf32, #tpu.memory_space<hbm>>
          tpu.wait_dma2 semaphore(%arg21 : memref<!tpu.dma_semaphore, #tpu.memory_space<semaphore_mem>>) src(%dma_wait3A_317 : memref<400x16xf32, #tpu.memory_space<hbm>>) dst(%arg12 : memref<400x16xf32, #tpu.memory_space<vmem>>)
        } else {
        }
        %mul3A_175 = arith.constant 5 : i32
        %mul3A_176 = arith.muli %scan3A_160, %mul3A_175 : i32
        %add3A_177 = arith.constant 0 : i32
        %add3A_178 = arith.addi %mul3A_176, %add3A_177 : i32
        %dma_start3A_179 = arith.constant 0 : i32
        %dma_start3A_180 = arith.constant 0 : i32
        %dma_start3A_181 = tpu.memref_slice %arg12[%dma_start3A_179, %dma_start3A_180] : memref<400x16xf32, #tpu.memory_space<vmem>> -> memref<80x16xf32, #tpu.memory_space<vmem>>
        %dma_start3A_182 = arith.constant 0 : i32
        %dma_start3A_183 = tpu.memref_slice %arg9[%add3A_178, %dma_start3A_182] : memref<125x80xi32, #tpu.memory_space<vmem>> -> memref<1x80xi32, #tpu.memory_space<vmem>>
        %dma_start3A_184 = tpu.memref_squeeze %dma_start3A_183 : memref<1x80xi32, #tpu.memory_space<vmem>> -> memref<80xi32, #tpu.memory_space<vmem>>
        %dma_start3A_185 = arith.constant 0 : i32
        %dma_start3A_186 = arith.constant 0 : i32
        %dma_start3A_187 = tpu.memref_slice %arg16[%dma_start3A_185, %dma_start3A_186] : memref<10000x16xf32, #tpu.memory_space<vmem_shared>> -> memref<10000x16xf32, #tpu.memory_space<vmem_shared>>
        tpu.enqueue_indirect_dma source(%dma_start3A_187 : memref<10000x16xf32, #tpu.memory_space<vmem_shared>>) target(%dma_start3A_181 : memref<80x16xf32, #tpu.memory_space<vmem>>) offsets(%dma_start3A_184 : memref<80xi32, #tpu.memory_space<vmem>>) semaphore(%arg19 : memref<!tpu.dma_semaphore, #tpu.memory_space<semaphore_mem>>)
        %mul3A_188 = arith.constant 5 : i32
        %mul3A_189 = arith.muli %scan3A_160, %mul3A_188 : i32
        %add3A_190 = arith.constant 1 : i32
        %add3A_191 = arith.addi %mul3A_189, %add3A_190 : i32
        %dma_start3A_192 = arith.constant 80 : i32
        %dma_start3A_193 = arith.constant 0 : i32
        %dma_start3A_194 = tpu.memref_slice %arg12[%dma_start3A_192, %dma_start3A_193] : memref<400x16xf32, #tpu.memory_space<vmem>> -> memref<80x16xf32, #tpu.memory_space<vmem>>
        %dma_start3A_195 = arith.constant 0 : i32
        %dma_start3A_196 = tpu.memref_slice %arg9[%add3A_191, %dma_start3A_195] : memref<125x80xi32, #tpu.memory_space<vmem>> -> memref<1x80xi32, #tpu.memory_space<vmem>>
        %dma_start3A_197 = tpu.memref_squeeze %dma_start3A_196 : memref<1x80xi32, #tpu.memory_space<vmem>> -> memref<80xi32, #tpu.memory_space<vmem>>
        %dma_start3A_198 = arith.constant 0 : i32
        %dma_start3A_199 = arith.constant 0 : i32
        %dma_start3A_200 = tpu.memref_slice %arg16[%dma_start3A_198, %dma_start3A_199] : memref<10000x16xf32, #tpu.memory_space<vmem_shared>> -> memref<10000x16xf32, #tpu.memory_space<vmem_shared>>
        tpu.enqueue_indirect_dma source(%dma_start3A_200 : memref<10000x16xf32, #tpu.memory_space<vmem_shared>>) target(%dma_start3A_194 : memref<80x16xf32, #tpu.memory_space<vmem>>) offsets(%dma_start3A_197 : memref<80xi32, #tpu.memory_space<vmem>>) semaphore(%arg19 : memref<!tpu.dma_semaphore, #tpu.memory_space<semaphore_mem>>)
        %mul3A_201 = arith.constant 5 : i32
        %mul3A_202 = arith.muli %scan3A_160, %mul3A_201 : i32
        %add3A_203 = arith.constant 2 : i32
        %add3A_204 = arith.addi %mul3A_202, %add3A_203 : i32
        %dma_start3A_205 = arith.constant 160 : i32
        %dma_start3A_206 = arith.constant 0 : i32
        %dma_start3A_207 = tpu.memref_slice %arg12[%dma_start3A_205, %dma_start3A_206] : memref<400x16xf32, #tpu.memory_space<vmem>> -> memref<80x16xf32, #tpu.memory_space<vmem>>
        %dma_start3A_208 = arith.constant 0 : i32
        %dma_start3A_209 = tpu.memref_slice %arg9[%add3A_204, %dma_start3A_208] : memref<125x80xi32, #tpu.memory_space<vmem>> -> memref<1x80xi32, #tpu.memory_space<vmem>>
        %dma_start3A_210 = tpu.memref_squeeze %dma_start3A_209 : memref<1x80xi32, #tpu.memory_space<vmem>> -> memref<80xi32, #tpu.memory_space<vmem>>
        %dma_start3A_211 = arith.constant 0 : i32
        %dma_start3A_212 = arith.constant 0 : i32
        %dma_start3A_213 = tpu.memref_slice %arg16[%dma_start3A_211, %dma_start3A_212] : memref<10000x16xf32, #tpu.memory_space<vmem_shared>> -> memref<10000x16xf32, #tpu.memory_space<vmem_shared>>
        tpu.enqueue_indirect_dma source(%dma_start3A_213 : memref<10000x16xf32, #tpu.memory_space<vmem_shared>>) target(%dma_start3A_207 : memref<80x16xf32, #tpu.memory_space<vmem>>) offsets(%dma_start3A_210 : memref<80xi32, #tpu.memory_space<vmem>>) semaphore(%arg19 : memref<!tpu.dma_semaphore, #tpu.memory_space<semaphore_mem>>)
        %mul3A_214 = arith.constant 5 : i32
        %mul3A_215 = arith.muli %scan3A_160, %mul3A_214 : i32
        %add3A_216 = arith.constant 3 : i32
        %add3A_217 = arith.addi %mul3A_215, %add3A_216 : i32
        %dma_start3A_218 = arith.constant 240 : i32
        %dma_start3A_219 = arith.constant 0 : i32
        %dma_start3A_220 = tpu.memref_slice %arg12[%dma_start3A_218, %dma_start3A_219] : memref<400x16xf32, #tpu.memory_space<vmem>> -> memref<80x16xf32, #tpu.memory_space<vmem>>
        %dma_start3A_221 = arith.constant 0 : i32
        %dma_start3A_222 = tpu.memref_slice %arg9[%add3A_217, %dma_start3A_221] : memref<125x80xi32, #tpu.memory_space<vmem>> -> memref<1x80xi32, #tpu.memory_space<vmem>>
        %dma_start3A_223 = tpu.memref_squeeze %dma_start3A_222 : memref<1x80xi32, #tpu.memory_space<vmem>> -> memref<80xi32, #tpu.memory_space<vmem>>
        %dma_start3A_224 = arith.constant 0 : i32
        %dma_start3A_225 = arith.constant 0 : i32
        %dma_start3A_226 = tpu.memref_slice %arg16[%dma_start3A_224, %dma_start3A_225] : memref<10000x16xf32, #tpu.memory_space<vmem_shared>> -> memref<10000x16xf32, #tpu.memory_space<vmem_shared>>
        tpu.enqueue_indirect_dma source(%dma_start3A_226 : memref<10000x16xf32, #tpu.memory_space<vmem_shared>>) target(%dma_start3A_220 : memref<80x16xf32, #tpu.memory_space<vmem>>) offsets(%dma_start3A_223 : memref<80xi32, #tpu.memory_space<vmem>>) semaphore(%arg19 : memref<!tpu.dma_semaphore, #tpu.memory_space<semaphore_mem>>)
        %mul3A_227 = arith.constant 5 : i32
        %mul3A_228 = arith.muli %scan3A_160, %mul3A_227 : i32
        %add3A_229 = arith.constant 4 : i32
        %add3A_230 = arith.addi %mul3A_228, %add3A_229 : i32
        %dma_start3A_231 = arith.constant 320 : i32
        %dma_start3A_232 = arith.constant 0 : i32
        %dma_start3A_233 = tpu.memref_slice %arg12[%dma_start3A_231, %dma_start3A_232] : memref<400x16xf32, #tpu.memory_space<vmem>> -> memref<80x16xf32, #tpu.memory_space<vmem>>
        %dma_start3A_234 = arith.constant 0 : i32
        %dma_start3A_235 = tpu.memref_slice %arg9[%add3A_230, %dma_start3A_234] : memref<125x80xi32, #tpu.memory_space<vmem>> -> memref<1x80xi32, #tpu.memory_space<vmem>>
        %dma_start3A_236 = tpu.memref_squeeze %dma_start3A_235 : memref<1x80xi32, #tpu.memory_space<vmem>> -> memref<80xi32, #tpu.memory_space<vmem>>
        %dma_start3A_237 = arith.constant 0 : i32
        %dma_start3A_238 = arith.constant 0 : i32
        %dma_start3A_239 = tpu.memref_slice %arg16[%dma_start3A_237, %dma_start3A_238] : memref<10000x16xf32, #tpu.memory_space<vmem_shared>> -> memref<10000x16xf32, #tpu.memory_space<vmem_shared>>
        tpu.enqueue_indirect_dma source(%dma_start3A_239 : memref<10000x16xf32, #tpu.memory_space<vmem_shared>>) target(%dma_start3A_233 : memref<80x16xf32, #tpu.memory_space<vmem>>) offsets(%dma_start3A_236 : memref<80xi32, #tpu.memory_space<vmem>>) semaphore(%arg19 : memref<!tpu.dma_semaphore, #tpu.memory_space<semaphore_mem>>)
        %dma_wait3A_240 = arith.constant 0 : i32
        %dma_wait3A_241 = arith.constant 0 : i32
        %dma_wait3A_242 = tpu.memref_slice %arg5[%dma_wait3A_240, %dma_wait3A_241] : memref<10000x16xf32, #tpu.memory_space<hbm>> -> memref<400x16xf32, #tpu.memory_space<hbm>>
        %dma_wait3A_243 = arith.constant 0 : i32
        %dma_wait3A_244 = arith.constant 0 : i32
        %dma_wait3A_245 = tpu.memref_slice %arg5[%dma_wait3A_243, %dma_wait3A_244] : memref<10000x16xf32, #tpu.memory_space<hbm>> -> memref<400x16xf32, #tpu.memory_space<hbm>>
        tpu.wait_dma2 semaphore(%arg18 : memref<!tpu.dma_semaphore, #tpu.memory_space<semaphore_mem>>) src(%dma_wait3A_245 : memref<400x16xf32, #tpu.memory_space<hbm>>) dst(%arg11 : memref<400x16xf32, #tpu.memory_space<vmem>>)
        %sub3A = arith.constant 1 : i32
        %sub3A_246 = arith.subi %scan3A_160, %sub3A : i32
        %mul3A_247 = arith.constant 5 : i32
        %mul3A_248 = arith.muli %sub3A_246, %mul3A_247 : i32
        %add3A_249 = arith.constant 0 : i32
        %add3A_250 = arith.addi %mul3A_248, %add3A_249 : i32
        %dma_start3A_251 = arith.constant 0 : i32
        %dma_start3A_252 = arith.constant 0 : i32
        %dma_start3A_253 = tpu.memref_slice %arg11[%dma_start3A_251, %dma_start3A_252] : memref<400x16xf32, #tpu.memory_space<vmem>> -> memref<80x16xf32, #tpu.memory_space<vmem>>
        %dma_start3A_254 = arith.constant 0 : i32
        %dma_start3A_255 = tpu.memref_slice %arg10[%add3A_250, %dma_start3A_254] : memref<125x80xi32, #tpu.memory_space<vmem>> -> memref<1x80xi32, #tpu.memory_space<vmem>>
        %dma_start3A_256 = tpu.memref_squeeze %dma_start3A_255 : memref<1x80xi32, #tpu.memory_space<vmem>> -> memref<80xi32, #tpu.memory_space<vmem>>
        %dma_start3A_257 = arith.constant 0 : i32
        %dma_start3A_258 = arith.constant 0 : i32
        %dma_start3A_259 = tpu.memref_slice %arg17[%dma_start3A_257, %dma_start3A_258] : memref<10000x16xf32, #tpu.memory_space<vmem_shared>> -> memref<10000x16xf32, #tpu.memory_space<vmem_shared>>
        tpu.enqueue_indirect_dma source(%dma_start3A_253 : memref<80x16xf32, #tpu.memory_space<vmem>>) target(%dma_start3A_259 : memref<10000x16xf32, #tpu.memory_space<vmem_shared>>) offsets(%dma_start3A_256 : memref<80xi32, #tpu.memory_space<vmem>>) semaphore(%arg20 : memref<!tpu.dma_semaphore, #tpu.memory_space<semaphore_mem>>) {add = true}
        %mul3A_260 = arith.constant 5 : i32
        %mul3A_261 = arith.muli %sub3A_246, %mul3A_260 : i32
        %add3A_262 = arith.constant 1 : i32
        %add3A_263 = arith.addi %mul3A_261, %add3A_262 : i32
        %dma_start3A_264 = arith.constant 80 : i32
        %dma_start3A_265 = arith.constant 0 : i32
        %dma_start3A_266 = tpu.memref_slice %arg11[%dma_start3A_264, %dma_start3A_265] : memref<400x16xf32, #tpu.memory_space<vmem>> -> memref<80x16xf32, #tpu.memory_space<vmem>>
        %dma_start3A_267 = arith.constant 0 : i32
        %dma_start3A_268 = tpu.memref_slice %arg10[%add3A_263, %dma_start3A_267] : memref<125x80xi32, #tpu.memory_space<vmem>> -> memref<1x80xi32, #tpu.memory_space<vmem>>
        %dma_start3A_269 = tpu.memref_squeeze %dma_start3A_268 : memref<1x80xi32, #tpu.memory_space<vmem>> -> memref<80xi32, #tpu.memory_space<vmem>>
        %dma_start3A_270 = arith.constant 0 : i32
        %dma_start3A_271 = arith.constant 0 : i32
        %dma_start3A_272 = tpu.memref_slice %arg17[%dma_start3A_270, %dma_start3A_271] : memref<10000x16xf32, #tpu.memory_space<vmem_shared>> -> memref<10000x16xf32, #tpu.memory_space<vmem_shared>>
        tpu.enqueue_indirect_dma source(%dma_start3A_266 : memref<80x16xf32, #tpu.memory_space<vmem>>) target(%dma_start3A_272 : memref<10000x16xf32, #tpu.memory_space<vmem_shared>>) offsets(%dma_start3A_269 : memref<80xi32, #tpu.memory_space<vmem>>) semaphore(%arg20 : memref<!tpu.dma_semaphore, #tpu.memory_space<semaphore_mem>>) {add = true}
        %mul3A_273 = arith.constant 5 : i32
        %mul3A_274 = arith.muli %sub3A_246, %mul3A_273 : i32
        %add3A_275 = arith.constant 2 : i32
        %add3A_276 = arith.addi %mul3A_274, %add3A_275 : i32
        %dma_start3A_277 = arith.constant 160 : i32
        %dma_start3A_278 = arith.constant 0 : i32
        %dma_start3A_279 = tpu.memref_slice %arg11[%dma_start3A_277, %dma_start3A_278] : memref<400x16xf32, #tpu.memory_space<vmem>> -> memref<80x16xf32, #tpu.memory_space<vmem>>
        %dma_start3A_280 = arith.constant 0 : i32
        %dma_start3A_281 = tpu.memref_slice %arg10[%add3A_276, %dma_start3A_280] : memref<125x80xi32, #tpu.memory_space<vmem>> -> memref<1x80xi32, #tpu.memory_space<vmem>>
        %dma_start3A_282 = tpu.memref_squeeze %dma_start3A_281 : memref<1x80xi32, #tpu.memory_space<vmem>> -> memref<80xi32, #tpu.memory_space<vmem>>
        %dma_start3A_283 = arith.constant 0 : i32
        %dma_start3A_284 = arith.constant 0 : i32
        %dma_start3A_285 = tpu.memref_slice %arg17[%dma_start3A_283, %dma_start3A_284] : memref<10000x16xf32, #tpu.memory_space<vmem_shared>> -> memref<10000x16xf32, #tpu.memory_space<vmem_shared>>
        tpu.enqueue_indirect_dma source(%dma_start3A_279 : memref<80x16xf32, #tpu.memory_space<vmem>>) target(%dma_start3A_285 : memref<10000x16xf32, #tpu.memory_space<vmem_shared>>) offsets(%dma_start3A_282 : memref<80xi32, #tpu.memory_space<vmem>>) semaphore(%arg20 : memref<!tpu.dma_semaphore, #tpu.memory_space<semaphore_mem>>) {add = true}
        %mul3A_286 = arith.constant 5 : i32
        %mul3A_287 = arith.muli %sub3A_246, %mul3A_286 : i32
        %add3A_288 = arith.constant 3 : i32
        %add3A_289 = arith.addi %mul3A_287, %add3A_288 : i32
        %dma_start3A_290 = arith.constant 240 : i32
        %dma_start3A_291 = arith.constant 0 : i32
        %dma_start3A_292 = tpu.memref_slice %arg11[%dma_start3A_290, %dma_start3A_291] : memref<400x16xf32, #tpu.memory_space<vmem>> -> memref<80x16xf32, #tpu.memory_space<vmem>>
        %dma_start3A_293 = arith.constant 0 : i32
        %dma_start3A_294 = tpu.memref_slice %arg10[%add3A_289, %dma_start3A_293] : memref<125x80xi32, #tpu.memory_space<vmem>> -> memref<1x80xi32, #tpu.memory_space<vmem>>
        %dma_start3A_295 = tpu.memref_squeeze %dma_start3A_294 : memref<1x80xi32, #tpu.memory_space<vmem>> -> memref<80xi32, #tpu.memory_space<vmem>>
        %dma_start3A_296 = arith.constant 0 : i32
        %dma_start3A_297 = arith.constant 0 : i32
        %dma_start3A_298 = tpu.memref_slice %arg17[%dma_start3A_296, %dma_start3A_297] : memref<10000x16xf32, #tpu.memory_space<vmem_shared>> -> memref<10000x16xf32, #tpu.memory_space<vmem_shared>>
        tpu.enqueue_indirect_dma source(%dma_start3A_292 : memref<80x16xf32, #tpu.memory_space<vmem>>) target(%dma_start3A_298 : memref<10000x16xf32, #tpu.memory_space<vmem_shared>>) offsets(%dma_start3A_295 : memref<80xi32, #tpu.memory_space<vmem>>) semaphore(%arg20 : memref<!tpu.dma_semaphore, #tpu.memory_space<semaphore_mem>>) {add = true}
        %mul3A_299 = arith.constant 5 : i32
        %mul3A_300 = arith.muli %sub3A_246, %mul3A_299 : i32
        %add3A_301 = arith.constant 4 : i32
        %add3A_302 = arith.addi %mul3A_300, %add3A_301 : i32
        %dma_start3A_303 = arith.constant 320 : i32
        %dma_start3A_304 = arith.constant 0 : i32
        %dma_start3A_305 = tpu.memref_slice %arg11[%dma_start3A_303, %dma_start3A_304] : memref<400x16xf32, #tpu.memory_space<vmem>> -> memref<80x16xf32, #tpu.memory_space<vmem>>
        %dma_start3A_306 = arith.constant 0 : i32
        %dma_start3A_307 = tpu.memref_slice %arg10[%add3A_302, %dma_start3A_306] : memref<125x80xi32, #tpu.memory_space<vmem>> -> memref<1x80xi32, #tpu.memory_space<vmem>>
        %dma_start3A_308 = tpu.memref_squeeze %dma_start3A_307 : memref<1x80xi32, #tpu.memory_space<vmem>> -> memref<80xi32, #tpu.memory_space<vmem>>
        %dma_start3A_309 = arith.constant 0 : i32
        %dma_start3A_310 = arith.constant 0 : i32
        %dma_start3A_311 = tpu.memref_slice %arg17[%dma_start3A_309, %dma_start3A_310] : memref<10000x16xf32, #tpu.memory_space<vmem_shared>> -> memref<10000x16xf32, #tpu.memory_space<vmem_shared>>
        tpu.enqueue_indirect_dma source(%dma_start3A_305 : memref<80x16xf32, #tpu.memory_space<vmem>>) target(%dma_start3A_311 : memref<10000x16xf32, #tpu.memory_space<vmem_shared>>) offsets(%dma_start3A_308 : memref<80xi32, #tpu.memory_space<vmem>>) semaphore(%arg20 : memref<!tpu.dma_semaphore, #tpu.memory_space<semaphore_mem>>) {add = true}
      } else {
      }
    }
    %scan3A_81 = arith.constant 25 : i32
    %dma_wait3A_82 = arith.constant 0 : i32
    %dma_wait3A_83 = arith.constant 0 : i32
    %dma_wait3A_84 = tpu.memref_slice %arg5[%dma_wait3A_82, %dma_wait3A_83] : memref<10000x16xf32, #tpu.memory_space<hbm>> -> memref<400x16xf32, #tpu.memory_space<hbm>>
    %dma_wait3A_85 = arith.constant 0 : i32
    %dma_wait3A_86 = arith.constant 0 : i32
    %dma_wait3A_87 = tpu.memref_slice %arg5[%dma_wait3A_85, %dma_wait3A_86] : memref<10000x16xf32, #tpu.memory_space<hbm>> -> memref<400x16xf32, #tpu.memory_space<hbm>>
    tpu.wait_dma2 semaphore(%arg18 : memref<!tpu.dma_semaphore, #tpu.memory_space<semaphore_mem>>) src(%dma_wait3A_87 : memref<400x16xf32, #tpu.memory_space<hbm>>) dst(%arg11 : memref<400x16xf32, #tpu.memory_space<vmem>>)
    %dma_start3A_88 = arith.constant 120 : i32
    %dma_start3A_89 = arith.constant 0 : i32
    %dma_start3A_90 = arith.constant 0 : i32
    %dma_start3A_91 = tpu.memref_slice %arg11[%dma_start3A_89, %dma_start3A_90] : memref<400x16xf32, #tpu.memory_space<vmem>> -> memref<80x16xf32, #tpu.memory_space<vmem>>
    %dma_start3A_92 = arith.constant 0 : i32
    %dma_start3A_93 = tpu.memref_slice %arg10[%dma_start3A_88, %dma_start3A_92] : memref<125x80xi32, #tpu.memory_space<vmem>> -> memref<1x80xi32, #tpu.memory_space<vmem>>
    %dma_start3A_94 = tpu.memref_squeeze %dma_start3A_93 : memref<1x80xi32, #tpu.memory_space<vmem>> -> memref<80xi32, #tpu.memory_space<vmem>>
    %dma_start3A_95 = arith.constant 0 : i32
    %dma_start3A_96 = arith.constant 0 : i32
    %dma_start3A_97 = tpu.memref_slice %arg17[%dma_start3A_95, %dma_start3A_96] : memref<10000x16xf32, #tpu.memory_space<vmem_shared>> -> memref<10000x16xf32, #tpu.memory_space<vmem_shared>>
    tpu.enqueue_indirect_dma source(%dma_start3A_91 : memref<80x16xf32, #tpu.memory_space<vmem>>) target(%dma_start3A_97 : memref<10000x16xf32, #tpu.memory_space<vmem_shared>>) offsets(%dma_start3A_94 : memref<80xi32, #tpu.memory_space<vmem>>) semaphore(%arg20 : memref<!tpu.dma_semaphore, #tpu.memory_space<semaphore_mem>>) {add = true}
    %dma_start3A_98 = arith.constant 121 : i32
    %dma_start3A_99 = arith.constant 80 : i32
    %dma_start3A_100 = arith.constant 0 : i32
    %dma_start3A_101 = tpu.memref_slice %arg11[%dma_start3A_99, %dma_start3A_100] : memref<400x16xf32, #tpu.memory_space<vmem>> -> memref<80x16xf32, #tpu.memory_space<vmem>>
    %dma_start3A_102 = arith.constant 0 : i32
    %dma_start3A_103 = tpu.memref_slice %arg10[%dma_start3A_98, %dma_start3A_102] : memref<125x80xi32, #tpu.memory_space<vmem>> -> memref<1x80xi32, #tpu.memory_space<vmem>>
    %dma_start3A_104 = tpu.memref_squeeze %dma_start3A_103 : memref<1x80xi32, #tpu.memory_space<vmem>> -> memref<80xi32, #tpu.memory_space<vmem>>
    %dma_start3A_105 = arith.constant 0 : i32
    %dma_start3A_106 = arith.constant 0 : i32
    %dma_start3A_107 = tpu.memref_slice %arg17[%dma_start3A_105, %dma_start3A_106] : memref<10000x16xf32, #tpu.memory_space<vmem_shared>> -> memref<10000x16xf32, #tpu.memory_space<vmem_shared>>
    tpu.enqueue_indirect_dma source(%dma_start3A_101 : memref<80x16xf32, #tpu.memory_space<vmem>>) target(%dma_start3A_107 : memref<10000x16xf32, #tpu.memory_space<vmem_shared>>) offsets(%dma_start3A_104 : memref<80xi32, #tpu.memory_space<vmem>>) semaphore(%arg20 : memref<!tpu.dma_semaphore, #tpu.memory_space<semaphore_mem>>) {add = true}
    %dma_start3A_108 = arith.constant 122 : i32
    %dma_start3A_109 = arith.constant 160 : i32
    %dma_start3A_110 = arith.constant 0 : i32
    %dma_start3A_111 = tpu.memref_slice %arg11[%dma_start3A_109, %dma_start3A_110] : memref<400x16xf32, #tpu.memory_space<vmem>> -> memref<80x16xf32, #tpu.memory_space<vmem>>
    %dma_start3A_112 = arith.constant 0 : i32
    %dma_start3A_113 = tpu.memref_slice %arg10[%dma_start3A_108, %dma_start3A_112] : memref<125x80xi32, #tpu.memory_space<vmem>> -> memref<1x80xi32, #tpu.memory_space<vmem>>
    %dma_start3A_114 = tpu.memref_squeeze %dma_start3A_113 : memref<1x80xi32, #tpu.memory_space<vmem>> -> memref<80xi32, #tpu.memory_space<vmem>>
    %dma_start3A_115 = arith.constant 0 : i32
    %dma_start3A_116 = arith.constant 0 : i32
    %dma_start3A_117 = tpu.memref_slice %arg17[%dma_start3A_115, %dma_start3A_116] : memref<10000x16xf32, #tpu.memory_space<vmem_shared>> -> memref<10000x16xf32, #tpu.memory_space<vmem_shared>>
    tpu.enqueue_indirect_dma source(%dma_start3A_111 : memref<80x16xf32, #tpu.memory_space<vmem>>) target(%dma_start3A_117 : memref<10000x16xf32, #tpu.memory_space<vmem_shared>>) offsets(%dma_start3A_114 : memref<80xi32, #tpu.memory_space<vmem>>) semaphore(%arg20 : memref<!tpu.dma_semaphore, #tpu.memory_space<semaphore_mem>>) {add = true}
    %dma_start3A_118 = arith.constant 123 : i32
    %dma_start3A_119 = arith.constant 240 : i32
    %dma_start3A_120 = arith.constant 0 : i32
    %dma_start3A_121 = tpu.memref_slice %arg11[%dma_start3A_119, %dma_start3A_120] : memref<400x16xf32, #tpu.memory_space<vmem>> -> memref<80x16xf32, #tpu.memory_space<vmem>>
    %dma_start3A_122 = arith.constant 0 : i32
    %dma_start3A_123 = tpu.memref_slice %arg10[%dma_start3A_118, %dma_start3A_122] : memref<125x80xi32, #tpu.memory_space<vmem>> -> memref<1x80xi32, #tpu.memory_space<vmem>>
    %dma_start3A_124 = tpu.memref_squeeze %dma_start3A_123 : memref<1x80xi32, #tpu.memory_space<vmem>> -> memref<80xi32, #tpu.memory_space<vmem>>
    %dma_start3A_125 = arith.constant 0 : i32
    %dma_start3A_126 = arith.constant 0 : i32
    %dma_start3A_127 = tpu.memref_slice %arg17[%dma_start3A_125, %dma_start3A_126] : memref<10000x16xf32, #tpu.memory_space<vmem_shared>> -> memref<10000x16xf32, #tpu.memory_space<vmem_shared>>
    tpu.enqueue_indirect_dma source(%dma_start3A_121 : memref<80x16xf32, #tpu.memory_space<vmem>>) target(%dma_start3A_127 : memref<10000x16xf32, #tpu.memory_space<vmem_shared>>) offsets(%dma_start3A_124 : memref<80xi32, #tpu.memory_space<vmem>>) semaphore(%arg20 : memref<!tpu.dma_semaphore, #tpu.memory_space<semaphore_mem>>) {add = true}
    %dma_start3A_128 = arith.constant 124 : i32
    %dma_start3A_129 = arith.constant 320 : i32
    %dma_start3A_130 = arith.constant 0 : i32
    %dma_start3A_131 = tpu.memref_slice %arg11[%dma_start3A_129, %dma_start3A_130] : memref<400x16xf32, #tpu.memory_space<vmem>> -> memref<80x16xf32, #tpu.memory_space<vmem>>
    %dma_start3A_132 = arith.constant 0 : i32
    %dma_start3A_133 = tpu.memref_slice %arg10[%dma_start3A_128, %dma_start3A_132] : memref<125x80xi32, #tpu.memory_space<vmem>> -> memref<1x80xi32, #tpu.memory_space<vmem>>
    %dma_start3A_134 = tpu.memref_squeeze %dma_start3A_133 : memref<1x80xi32, #tpu.memory_space<vmem>> -> memref<80xi32, #tpu.memory_space<vmem>>
    %dma_start3A_135 = arith.constant 0 : i32
    %dma_start3A_136 = arith.constant 0 : i32
    %dma_start3A_137 = tpu.memref_slice %arg17[%dma_start3A_135, %dma_start3A_136] : memref<10000x16xf32, #tpu.memory_space<vmem_shared>> -> memref<10000x16xf32, #tpu.memory_space<vmem_shared>>
    tpu.enqueue_indirect_dma source(%dma_start3A_131 : memref<80x16xf32, #tpu.memory_space<vmem>>) target(%dma_start3A_137 : memref<10000x16xf32, #tpu.memory_space<vmem_shared>>) offsets(%dma_start3A_134 : memref<80xi32, #tpu.memory_space<vmem>>) semaphore(%arg20 : memref<!tpu.dma_semaphore, #tpu.memory_space<semaphore_mem>>) {add = true}
    %dma_wait3A_138 = arith.constant 0 : i32
    %dma_wait3A_139 = arith.constant 0 : i32
    %dma_wait3A_140 = tpu.memref_slice %arg5[%dma_wait3A_138, %dma_wait3A_139] : memref<10000x16xf32, #tpu.memory_space<hbm>> -> memref<400x16xf32, #tpu.memory_space<hbm>>
    %dma_wait3A_141 = arith.constant 0 : i32
    %dma_wait3A_142 = arith.constant 0 : i32
    %dma_wait3A_143 = tpu.memref_slice %arg5[%dma_wait3A_141, %dma_wait3A_142] : memref<10000x16xf32, #tpu.memory_space<hbm>> -> memref<400x16xf32, #tpu.memory_space<hbm>>
    tpu.wait_dma2 semaphore(%arg21 : memref<!tpu.dma_semaphore, #tpu.memory_space<semaphore_mem>>) src(%dma_wait3A_143 : memref<400x16xf32, #tpu.memory_space<hbm>>) dst(%arg12 : memref<400x16xf32, #tpu.memory_space<vmem>>)
    %dma_wait3A_144 = arith.constant 0 : i32
    %dma_wait3A_145 = arith.constant 0 : i32
    %dma_wait3A_146 = tpu.memref_slice %arg5[%dma_wait3A_144, %dma_wait3A_145] : memref<10000x16xf32, #tpu.memory_space<hbm>> -> memref<400x16xf32, #tpu.memory_space<hbm>>
    %dma_wait3A_147 = arith.constant 0 : i32
    %dma_wait3A_148 = arith.constant 0 : i32
    %dma_wait3A_149 = tpu.memref_slice %arg5[%dma_wait3A_147, %dma_wait3A_148] : memref<10000x16xf32, #tpu.memory_space<hbm>> -> memref<400x16xf32, #tpu.memory_space<hbm>>
    tpu.wait_dma2 semaphore(%arg20 : memref<!tpu.dma_semaphore, #tpu.memory_space<semaphore_mem>>) src(%dma_wait3A_149 : memref<400x16xf32, #tpu.memory_space<hbm>>) dst(%arg11 : memref<400x16xf32, #tpu.memory_space<vmem>>)
    %eq3A_150 = arith.constant 0 : i32
    %eq3A_151 = arith.cmpi eq, %arg0, %eq3A_150 : i32
    %convert_element_type3A_152 = arith.extui %eq3A_151 : i1 to i32
    %cond3A_153 = arith.constant 0 : i32
    %cond3A_154 = arith.cmpi ne, %convert_element_type3A_152, %cond3A_153 : i32
    scf.if %cond3A_154 {
      %dma_wait3A_160 = arith.constant 0 : i32
      %dma_wait3A_161 = tpu.memref_slice %arg7[%mul3A_2, %dma_wait3A_160] : memref<10000x16xf32, #tpu.memory_space<hbm>> -> memref<625x16xf32, #tpu.memory_space<hbm>>
      %dma_wait3A_162 = arith.constant 0 : i32
      %dma_wait3A_163 = tpu.memref_slice %arg7[%mul3A_2, %dma_wait3A_162] : memref<10000x16xf32, #tpu.memory_space<hbm>> -> memref<625x16xf32, #tpu.memory_space<hbm>>
      tpu.wait_dma2 semaphore(%arg22 : memref<!tpu.dma_semaphore, #tpu.memory_space<semaphore_mem>>) src(%arg15 : memref<625x16xf32, #tpu.memory_space<vmem>>) dst(%dma_wait3A_163 : memref<625x16xf32, #tpu.memory_space<hbm>>)
      %dma_wait3A_164 = arith.constant 0 : i32
      %dma_wait3A_165 = tpu.memref_slice %arg8[%mul3A_2, %dma_wait3A_164] : memref<10000x16xf32, #tpu.memory_space<hbm>> -> memref<625x16xf32, #tpu.memory_space<hbm>>
      %dma_wait3A_166 = arith.constant 0 : i32
      %dma_wait3A_167 = tpu.memref_slice %arg8[%mul3A_2, %dma_wait3A_166] : memref<10000x16xf32, #tpu.memory_space<hbm>> -> memref<625x16xf32, #tpu.memory_space<hbm>>
      tpu.wait_dma2 semaphore(%arg22 : memref<!tpu.dma_semaphore, #tpu.memory_space<semaphore_mem>>) src(%arg13 : memref<625x16xf32, #tpu.memory_space<vmem>>) dst(%dma_wait3A_167 : memref<625x16xf32, #tpu.memory_space<hbm>>)
    } else {
    }
    %barrier3A_155 = arith.constant 0 : index
    tpu.barrier barrier_id(%barrier3A_155)
    %mul3A_156 = arith.constant 625 : i32
    %mul3A_157 = arith.muli %arg1, %mul3A_156 : i32
    %mul3A_158 = arith.constant 625 : i32
    %mul3A_159 = arith.muli %arg1, %mul3A_158 : i32
    "tpu.region"() ({
      %run_scoped3A = tpu.sem_alloc : memref<!tpu.dma_semaphore, #tpu.memory_space<semaphore_mem>>
      %dma_start3A_160 = arith.constant 0 : i32
      %dma_start3A_161 = tpu.memref_slice %arg6[%arg0, %mul3A_159, %dma_start3A_160] : memref<2x10000x16xf32, #tpu.memory_space<hbm>> -> memref<1x625x16xf32, #tpu.memory_space<hbm>>
      %dma_start3A_162 = tpu.memref_squeeze %dma_start3A_161 : memref<1x625x16xf32, #tpu.memory_space<hbm>> -> memref<625x16xf32, #tpu.memory_space<hbm>>
      %dma_start3A_163 = arith.constant 0 : i32
      %dma_start3A_164 = tpu.memref_slice %arg17[%mul3A_157, %dma_start3A_163] : memref<10000x16xf32, #tpu.memory_space<vmem_shared>> -> memref<625x16xf32, #tpu.memory_space<vmem_shared>>
      tpu.enqueue_dma source(%dma_start3A_164 : memref<625x16xf32, #tpu.memory_space<vmem_shared>>) target(%dma_start3A_162 : memref<625x16xf32, #tpu.memory_space<hbm>>) target_semaphore(%run_scoped3A : memref<!tpu.dma_semaphore, #tpu.memory_space<semaphore_mem>>)
      %dma_wait3A_165 = arith.constant 0 : i32
      %dma_wait3A_166 = tpu.memref_slice %arg6[%arg0, %mul3A_159, %dma_wait3A_165] : memref<2x10000x16xf32, #tpu.memory_space<hbm>> -> memref<1x625x16xf32, #tpu.memory_space<hbm>>
      %dma_wait3A_167 = tpu.memref_squeeze %dma_wait3A_166 : memref<1x625x16xf32, #tpu.memory_space<hbm>> -> memref<625x16xf32, #tpu.memory_space<hbm>>
      %dma_wait3A_168 = arith.constant 0 : i32
      %dma_wait3A_169 = tpu.memref_slice %arg17[%mul3A_157, %dma_wait3A_168] : memref<10000x16xf32, #tpu.memory_space<vmem_shared>> -> memref<625x16xf32, #tpu.memory_space<vmem_shared>>
      tpu.wait_dma2 semaphore(%run_scoped3A : memref<!tpu.dma_semaphore, #tpu.memory_space<semaphore_mem>>) src(%dma_wait3A_169 : memref<625x16xf32, #tpu.memory_space<vmem_shared>>) dst(%dma_wait3A_167 : memref<625x16xf32, #tpu.memory_space<hbm>>)
      tpu.yield
    }) : () -> ()
    return
  }
}

#map = affine_map<(d0, d1) -> (0, 0)>
#map1 = affine_map<(d0, d1) -> (0, 0, 0)>
module attributes {stable_mosaic.version = 14 : i64} {
  func.func @_deg_body(%arg0: i32, %arg1: i32, %arg2: memref<4000x80xi32, #tpu.memory_space<hbm>>, %arg3: memref<2x10000x16xf32, #tpu.memory_space<hbm>>, %arg4: memref<125x80xi32, #tpu.memory_space<vmem>>, %arg5: memref<80x16xf32, #tpu.memory_space<vmem>>, %arg6: memref<400x16xf32, #tpu.memory_space<vmem>>, %arg7: memref<625x16xf32, #tpu.memory_space<vmem>>, %arg8: memref<10000x16xf32, #tpu.memory_space<vmem_shared>>, %arg9: memref<!tpu.dma_semaphore, #tpu.memory_space<semaphore_mem>>) attributes {dimension_semantics = [#tpu.dimension_semantics<core_parallel>, #tpu.dimension_semantics<subcore_parallel>], iteration_bounds = array<i64: 2, 16>, scalar_prefetch = 0 : i64, scratch_operands = 6 : i64, tpu.core_type = #tpu.core_type<sc_vector_subcore>, window_params = [{transform_indices = #map}, {transform_indices = #map1}]} {
    %mul3A = arith.constant 16 : i32
    %mul3A_0 = arith.muli %arg0, %mul3A : i32
    %add3A = arith.addi %mul3A_0, %arg1 : i32
    %mul3A_1 = arith.constant 125 : i32
    %mul3A_2 = arith.muli %add3A, %mul3A_1 : i32
    %dma_start3A = arith.constant 0 : i32
    %dma_start3A_3 = tpu.memref_slice %arg2[%mul3A_2, %dma_start3A] : memref<4000x80xi32, #tpu.memory_space<hbm>> -> memref<125x80xi32, #tpu.memory_space<hbm>>
    %dma_start3A_4 = arith.constant 0 : i32
    %dma_start3A_5 = tpu.memref_slice %arg2[%mul3A_2, %dma_start3A_4] : memref<4000x80xi32, #tpu.memory_space<hbm>> -> memref<125x80xi32, #tpu.memory_space<hbm>>
    tpu.enqueue_dma source(%dma_start3A_5 : memref<125x80xi32, #tpu.memory_space<hbm>>) target(%arg4 : memref<125x80xi32, #tpu.memory_space<vmem>>) target_semaphore(%arg9 : memref<!tpu.dma_semaphore, #tpu.memory_space<semaphore_mem>>)
    %scan3A = arith.constant 0 : i32
    %scan3A_6 = arith.constant 0 : i32
    %scan3A_7 = arith.constant 80 : i32
    %scan3A_8 = arith.addi %scan3A_6, %scan3A_7 : i32
    %scan3A_9 = arith.constant 1 : i32
    scf.for %scan3A_44 = %scan3A_6 to %scan3A_8 step %scan3A_9  : i32 {
      %broadcast_in_dim3A = arith.constant 1.000000e+00 : f32
      %broadcast_in_dim3A_45 = vector.broadcast %broadcast_in_dim3A : f32 to vector<16xf32>
      %swap3A = arith.index_cast %scan3A_44 : i32 to index
      %swap3A_46 = arith.constant 0 : index
      %swap3A_47 = tpu.vector_load %arg5[%swap3A, %swap3A_46] {strides = array<i32>} : memref<80x16xf32, #tpu.memory_space<vmem>>, vector<1x16xf32>,
      %swap3A_48 = vector.shape_cast %swap3A_47 : vector<1x16xf32> to vector<16xf32>
      %swap3A_49 = vector.shape_cast %broadcast_in_dim3A_45 : vector<16xf32> to vector<1x16xf32>
      tpu.vector_store %arg5[%swap3A, %swap3A_46], %swap3A_49 {strides = array<i32>} : memref<80x16xf32, #tpu.memory_space<vmem>>, vector<1x16xf32>,
    }
    %scan3A_10 = arith.constant 80 : i32
    %scan3A_11 = arith.constant 0 : i32
    %scan3A_12 = arith.constant 0 : i32
    %scan3A_13 = arith.constant 625 : i32
    %scan3A_14 = arith.addi %scan3A_12, %scan3A_13 : i32
    %scan3A_15 = arith.constant 1 : i32
    scf.for %scan3A_44 = %scan3A_12 to %scan3A_14 step %scan3A_15  : i32 {
      %broadcast_in_dim3A = arith.constant 0.000000e+00 : f32
      %broadcast_in_dim3A_45 = vector.broadcast %broadcast_in_dim3A : f32 to vector<16xf32>
      %swap3A = arith.index_cast %scan3A_44 : i32 to index
      %swap3A_46 = arith.constant 0 : index
      %swap3A_47 = tpu.vector_load %arg7[%swap3A, %swap3A_46] {strides = array<i32>} : memref<625x16xf32, #tpu.memory_space<vmem>>, vector<1x16xf32>,
      %swap3A_48 = vector.shape_cast %swap3A_47 : vector<1x16xf32> to vector<16xf32>
      %swap3A_49 = vector.shape_cast %broadcast_in_dim3A_45 : vector<16xf32> to vector<1x16xf32>
      tpu.vector_store %arg7[%swap3A, %swap3A_46], %swap3A_49 {strides = array<i32>} : memref<625x16xf32, #tpu.memory_space<vmem>>, vector<1x16xf32>,
    }
    %scan3A_16 = arith.constant 625 : i32
    %mul3A_17 = arith.constant 625 : i32
    %mul3A_18 = arith.muli %arg1, %mul3A_17 : i32
    "tpu.region"() ({
      %run_scoped3A = tpu.sem_alloc : memref<!tpu.dma_semaphore, #tpu.memory_space<semaphore_mem>>
      %dma_start3A_44 = arith.constant 0 : i32
      %dma_start3A_45 = tpu.memref_slice %arg8[%mul3A_18, %dma_start3A_44] : memref<10000x16xf32, #tpu.memory_space<vmem_shared>> -> memref<625x16xf32, #tpu.memory_space<vmem_shared>>
      %dma_start3A_46 = arith.constant 0 : i32
      %dma_start3A_47 = tpu.memref_slice %arg8[%mul3A_18, %dma_start3A_46] : memref<10000x16xf32, #tpu.memory_space<vmem_shared>> -> memref<625x16xf32, #tpu.memory_space<vmem_shared>>
      tpu.enqueue_dma source(%arg7 : memref<625x16xf32, #tpu.memory_space<vmem>>) target(%dma_start3A_47 : memref<625x16xf32, #tpu.memory_space<vmem_shared>>) target_semaphore(%run_scoped3A : memref<!tpu.dma_semaphore, #tpu.memory_space<semaphore_mem>>)
      %dma_wait3A_48 = arith.constant 0 : i32
      %dma_wait3A_49 = tpu.memref_slice %arg8[%mul3A_18, %dma_wait3A_48] : memref<10000x16xf32, #tpu.memory_space<vmem_shared>> -> memref<625x16xf32, #tpu.memory_space<vmem_shared>>
      %dma_wait3A_50 = arith.constant 0 : i32
      %dma_wait3A_51 = tpu.memref_slice %arg8[%mul3A_18, %dma_wait3A_50] : memref<10000x16xf32, #tpu.memory_space<vmem_shared>> -> memref<625x16xf32, #tpu.memory_space<vmem_shared>>
      tpu.wait_dma2 semaphore(%run_scoped3A : memref<!tpu.dma_semaphore, #tpu.memory_space<semaphore_mem>>) src(%arg7 : memref<625x16xf32, #tpu.memory_space<vmem>>) dst(%dma_wait3A_51 : memref<625x16xf32, #tpu.memory_space<vmem_shared>>)
      tpu.yield
    }) : () -> ()
    %mul3A_19 = arith.constant 125 : i32
    %mul3A_20 = arith.muli %add3A, %mul3A_19 : i32
    %dma_wait3A = arith.constant 0 : i32
    %dma_wait3A_21 = tpu.memref_slice %arg2[%mul3A_20, %dma_wait3A] : memref<4000x80xi32, #tpu.memory_space<hbm>> -> memref<125x80xi32, #tpu.memory_space<hbm>>
    %dma_wait3A_22 = arith.constant 0 : i32
    %dma_wait3A_23 = tpu.memref_slice %arg2[%mul3A_20, %dma_wait3A_22] : memref<4000x80xi32, #tpu.memory_space<hbm>> -> memref<125x80xi32, #tpu.memory_space<hbm>>
    tpu.wait_dma2 semaphore(%arg9 : memref<!tpu.dma_semaphore, #tpu.memory_space<semaphore_mem>>) src(%dma_wait3A_23 : memref<125x80xi32, #tpu.memory_space<hbm>>) dst(%arg4 : memref<125x80xi32, #tpu.memory_space<vmem>>)
    %barrier3A = arith.constant 0 : index
    tpu.barrier barrier_id(%barrier3A)
    %scan3A_24 = arith.constant 0 : i32
    %scan3A_25 = arith.constant 0 : i32
    %scan3A_26 = arith.constant 25 : i32
    %scan3A_27 = arith.addi %scan3A_25, %scan3A_26 : i32
    %scan3A_28 = arith.constant 1 : i32
    scf.for %scan3A_44 = %scan3A_25 to %scan3A_27 step %scan3A_28  : i32 {
      %gt3A = arith.constant 0 : i32
      %gt3A_45 = arith.cmpi sgt, %scan3A_44, %gt3A : i32
      %convert_element_type3A = arith.extui %gt3A_45 : i1 to i32
      %cond3A = arith.constant 0 : i32
      %cond3A_46 = arith.cmpi ne, %convert_element_type3A, %cond3A : i32
      scf.if %cond3A_46 {
        %dma_wait3A_97 = arith.constant 0 : i32
        %dma_wait3A_98 = arith.constant 0 : i32
        %dma_wait3A_99 = arith.constant 0 : i32
        %dma_wait3A_100 = tpu.memref_slice %arg3[%dma_wait3A_97, %dma_wait3A_98, %dma_wait3A_99] : memref<2x10000x16xf32, #tpu.memory_space<hbm>> -> memref<1x400x16xf32, #tpu.memory_space<hbm>>
        %dma_wait3A_101 = tpu.memref_squeeze %dma_wait3A_100 : memref<1x400x16xf32, #tpu.memory_space<hbm>> -> memref<400x16xf32, #tpu.memory_space<hbm>>
        %dma_wait3A_102 = arith.constant 0 : i32
        %dma_wait3A_103 = arith.constant 0 : i32
        %dma_wait3A_104 = tpu.memref_slice %arg3[%dma_wait3A_97, %dma_wait3A_102, %dma_wait3A_103] : memref<2x10000x16xf32, #tpu.memory_space<hbm>> -> memref<1x400x16xf32, #tpu.memory_space<hbm>>
        %dma_wait3A_105 = tpu.memref_squeeze %dma_wait3A_104 : memref<1x400x16xf32, #tpu.memory_space<hbm>> -> memref<400x16xf32, #tpu.memory_space<hbm>>
        tpu.wait_dma2 semaphore(%arg9 : memref<!tpu.dma_semaphore, #tpu.memory_space<semaphore_mem>>) src(%dma_wait3A_105 : memref<400x16xf32, #tpu.memory_space<hbm>>) dst(%arg6 : memref<400x16xf32, #tpu.memory_space<vmem>>)
      } else {
      }
      %mul3A_47 = arith.constant 5 : i32
      %mul3A_48 = arith.muli %scan3A_44, %mul3A_47 : i32
      %add3A_49 = arith.constant 0 : i32
      %add3A_50 = arith.addi %mul3A_48, %add3A_49 : i32
      %dma_start3A_51 = arith.constant 0 : i32
      %dma_start3A_52 = tpu.memref_slice %arg4[%add3A_50, %dma_start3A_51] : memref<125x80xi32, #tpu.memory_space<vmem>> -> memref<1x80xi32, #tpu.memory_space<vmem>>
      %dma_start3A_53 = tpu.memref_squeeze %dma_start3A_52 : memref<1x80xi32, #tpu.memory_space<vmem>> -> memref<80xi32, #tpu.memory_space<vmem>>
      %dma_start3A_54 = arith.constant 0 : i32
      %dma_start3A_55 = arith.constant 0 : i32
      %dma_start3A_56 = tpu.memref_slice %arg8[%dma_start3A_54, %dma_start3A_55] : memref<10000x16xf32, #tpu.memory_space<vmem_shared>> -> memref<10000x16xf32, #tpu.memory_space<vmem_shared>>
      tpu.enqueue_indirect_dma source(%arg5 : memref<80x16xf32, #tpu.memory_space<vmem>>) target(%dma_start3A_56 : memref<10000x16xf32, #tpu.memory_space<vmem_shared>>) offsets(%dma_start3A_53 : memref<80xi32, #tpu.memory_space<vmem>>) semaphore(%arg9 : memref<!tpu.dma_semaphore, #tpu.memory_space<semaphore_mem>>) {add = true}
      %mul3A_57 = arith.constant 5 : i32
      %mul3A_58 = arith.muli %scan3A_44, %mul3A_57 : i32
      %add3A_59 = arith.constant 1 : i32
      %add3A_60 = arith.addi %mul3A_58, %add3A_59 : i32
      %dma_start3A_61 = arith.constant 0 : i32
      %dma_start3A_62 = tpu.memref_slice %arg4[%add3A_60, %dma_start3A_61] : memref<125x80xi32, #tpu.memory_space<vmem>> -> memref<1x80xi32, #tpu.memory_space<vmem>>
      %dma_start3A_63 = tpu.memref_squeeze %dma_start3A_62 : memref<1x80xi32, #tpu.memory_space<vmem>> -> memref<80xi32, #tpu.memory_space<vmem>>
      %dma_start3A_64 = arith.constant 0 : i32
      %dma_start3A_65 = arith.constant 0 : i32
      %dma_start3A_66 = tpu.memref_slice %arg8[%dma_start3A_64, %dma_start3A_65] : memref<10000x16xf32, #tpu.memory_space<vmem_shared>> -> memref<10000x16xf32, #tpu.memory_space<vmem_shared>>
      tpu.enqueue_indirect_dma source(%arg5 : memref<80x16xf32, #tpu.memory_space<vmem>>) target(%dma_start3A_66 : memref<10000x16xf32, #tpu.memory_space<vmem_shared>>) offsets(%dma_start3A_63 : memref<80xi32, #tpu.memory_space<vmem>>) semaphore(%arg9 : memref<!tpu.dma_semaphore, #tpu.memory_space<semaphore_mem>>) {add = true}
      %mul3A_67 = arith.constant 5 : i32
      %mul3A_68 = arith.muli %scan3A_44, %mul3A_67 : i32
      %add3A_69 = arith.constant 2 : i32
      %add3A_70 = arith.addi %mul3A_68, %add3A_69 : i32
      %dma_start3A_71 = arith.constant 0 : i32
      %dma_start3A_72 = tpu.memref_slice %arg4[%add3A_70, %dma_start3A_71] : memref<125x80xi32, #tpu.memory_space<vmem>> -> memref<1x80xi32, #tpu.memory_space<vmem>>
      %dma_start3A_73 = tpu.memref_squeeze %dma_start3A_72 : memref<1x80xi32, #tpu.memory_space<vmem>> -> memref<80xi32, #tpu.memory_space<vmem>>
      %dma_start3A_74 = arith.constant 0 : i32
      %dma_start3A_75 = arith.constant 0 : i32
      %dma_start3A_76 = tpu.memref_slice %arg8[%dma_start3A_74, %dma_start3A_75] : memref<10000x16xf32, #tpu.memory_space<vmem_shared>> -> memref<10000x16xf32, #tpu.memory_space<vmem_shared>>
      tpu.enqueue_indirect_dma source(%arg5 : memref<80x16xf32, #tpu.memory_space<vmem>>) target(%dma_start3A_76 : memref<10000x16xf32, #tpu.memory_space<vmem_shared>>) offsets(%dma_start3A_73 : memref<80xi32, #tpu.memory_space<vmem>>) semaphore(%arg9 : memref<!tpu.dma_semaphore, #tpu.memory_space<semaphore_mem>>) {add = true}
      %mul3A_77 = arith.constant 5 : i32
      %mul3A_78 = arith.muli %scan3A_44, %mul3A_77 : i32
      %add3A_79 = arith.constant 3 : i32
      %add3A_80 = arith.addi %mul3A_78, %add3A_79 : i32
      %dma_start3A_81 = arith.constant 0 : i32
      %dma_start3A_82 = tpu.memref_slice %arg4[%add3A_80, %dma_start3A_81] : memref<125x80xi32, #tpu.memory_space<vmem>> -> memref<1x80xi32, #tpu.memory_space<vmem>>
      %dma_start3A_83 = tpu.memref_squeeze %dma_start3A_82 : memref<1x80xi32, #tpu.memory_space<vmem>> -> memref<80xi32, #tpu.memory_space<vmem>>
      %dma_start3A_84 = arith.constant 0 : i32
      %dma_start3A_85 = arith.constant 0 : i32
      %dma_start3A_86 = tpu.memref_slice %arg8[%dma_start3A_84, %dma_start3A_85] : memref<10000x16xf32, #tpu.memory_space<vmem_shared>> -> memref<10000x16xf32, #tpu.memory_space<vmem_shared>>
      tpu.enqueue_indirect_dma source(%arg5 : memref<80x16xf32, #tpu.memory_space<vmem>>) target(%dma_start3A_86 : memref<10000x16xf32, #tpu.memory_space<vmem_shared>>) offsets(%dma_start3A_83 : memref<80xi32, #tpu.memory_space<vmem>>) semaphore(%arg9 : memref<!tpu.dma_semaphore, #tpu.memory_space<semaphore_mem>>) {add = true}
      %mul3A_87 = arith.constant 5 : i32
      %mul3A_88 = arith.muli %scan3A_44, %mul3A_87 : i32
      %add3A_89 = arith.constant 4 : i32
      %add3A_90 = arith.addi %mul3A_88, %add3A_89 : i32
      %dma_start3A_91 = arith.constant 0 : i32
      %dma_start3A_92 = tpu.memref_slice %arg4[%add3A_90, %dma_start3A_91] : memref<125x80xi32, #tpu.memory_space<vmem>> -> memref<1x80xi32, #tpu.memory_space<vmem>>
      %dma_start3A_93 = tpu.memref_squeeze %dma_start3A_92 : memref<1x80xi32, #tpu.memory_space<vmem>> -> memref<80xi32, #tpu.memory_space<vmem>>
      %dma_start3A_94 = arith.constant 0 : i32
      %dma_start3A_95 = arith.constant 0 : i32
      %dma_start3A_96 = tpu.memref_slice %arg8[%dma_start3A_94, %dma_start3A_95] : memref<10000x16xf32, #tpu.memory_space<vmem_shared>> -> memref<10000x16xf32, #tpu.memory_space<vmem_shared>>
      tpu.enqueue_indirect_dma source(%arg5 : memref<80x16xf32, #tpu.memory_space<vmem>>) target(%dma_start3A_96 : memref<10000x16xf32, #tpu.memory_space<vmem_shared>>) offsets(%dma_start3A_93 : memref<80xi32, #tpu.memory_space<vmem>>) semaphore(%arg9 : memref<!tpu.dma_semaphore, #tpu.memory_space<semaphore_mem>>) {add = true}
    }
    %scan3A_29 = arith.constant 25 : i32
    %dma_wait3A_30 = arith.constant 0 : i32
    %dma_wait3A_31 = arith.constant 0 : i32
    %dma_wait3A_32 = arith.constant 0 : i32
    %dma_wait3A_33 = tpu.memref_slice %arg3[%dma_wait3A_30, %dma_wait3A_31, %dma_wait3A_32] : memref<2x10000x16xf32, #tpu.memory_space<hbm>> -> memref<1x400x16xf32, #tpu.memory_space<hbm>>
    %dma_wait3A_34 = tpu.memref_squeeze %dma_wait3A_33 : memref<1x400x16xf32, #tpu.memory_space<hbm>> -> memref<400x16xf32, #tpu.memory_space<hbm>>
    %dma_wait3A_35 = arith.constant 0 : i32
    %dma_wait3A_36 = arith.constant 0 : i32
    %dma_wait3A_37 = tpu.memref_slice %arg3[%dma_wait3A_30, %dma_wait3A_35, %dma_wait3A_36] : memref<2x10000x16xf32, #tpu.memory_space<hbm>> -> memref<1x400x16xf32, #tpu.memory_space<hbm>>
    %dma_wait3A_38 = tpu.memref_squeeze %dma_wait3A_37 : memref<1x400x16xf32, #tpu.memory_space<hbm>> -> memref<400x16xf32, #tpu.memory_space<hbm>>
    tpu.wait_dma2 semaphore(%arg9 : memref<!tpu.dma_semaphore, #tpu.memory_space<semaphore_mem>>) src(%dma_wait3A_38 : memref<400x16xf32, #tpu.memory_space<hbm>>) dst(%arg6 : memref<400x16xf32, #tpu.memory_space<vmem>>)
    %barrier3A_39 = arith.constant 0 : index
    tpu.barrier barrier_id(%barrier3A_39)
    %mul3A_40 = arith.constant 625 : i32
    %mul3A_41 = arith.muli %arg1, %mul3A_40 : i32
    %mul3A_42 = arith.constant 625 : i32
    %mul3A_43 = arith.muli %arg1, %mul3A_42 : i32
    "tpu.region"() ({
      %run_scoped3A = tpu.sem_alloc : memref<!tpu.dma_semaphore, #tpu.memory_space<semaphore_mem>>
      %dma_start3A_44 = arith.constant 0 : i32
      %dma_start3A_45 = tpu.memref_slice %arg3[%arg0, %mul3A_43, %dma_start3A_44] : memref<2x10000x16xf32, #tpu.memory_space<hbm>> -> memref<1x625x16xf32, #tpu.memory_space<hbm>>
      %dma_start3A_46 = tpu.memref_squeeze %dma_start3A_45 : memref<1x625x16xf32, #tpu.memory_space<hbm>> -> memref<625x16xf32, #tpu.memory_space<hbm>>
      %dma_start3A_47 = arith.constant 0 : i32
      %dma_start3A_48 = tpu.memref_slice %arg8[%mul3A_41, %dma_start3A_47] : memref<10000x16xf32, #tpu.memory_space<vmem_shared>> -> memref<625x16xf32, #tpu.memory_space<vmem_shared>>
      tpu.enqueue_dma source(%dma_start3A_48 : memref<625x16xf32, #tpu.memory_space<vmem_shared>>) target(%dma_start3A_46 : memref<625x16xf32, #tpu.memory_space<hbm>>) target_semaphore(%run_scoped3A : memref<!tpu.dma_semaphore, #tpu.memory_space<semaphore_mem>>)
      %dma_wait3A_49 = arith.constant 0 : i32
      %dma_wait3A_50 = tpu.memref_slice %arg3[%arg0, %mul3A_43, %dma_wait3A_49] : memref<2x10000x16xf32, #tpu.memory_space<hbm>> -> memref<1x625x16xf32, #tpu.memory_space<hbm>>
      %dma_wait3A_51 = tpu.memref_squeeze %dma_wait3A_50 : memref<1x625x16xf32, #tpu.memory_space<hbm>> -> memref<625x16xf32, #tpu.memory_space<hbm>>
      %dma_wait3A_52 = arith.constant 0 : i32
      %dma_wait3A_53 = tpu.memref_slice %arg8[%mul3A_41, %dma_wait3A_52] : memref<10000x16xf32, #tpu.memory_space<vmem_shared>> -> memref<625x16xf32, #tpu.memory_space<vmem_shared>>
      tpu.wait_dma2 semaphore(%run_scoped3A : memref<!tpu.dma_semaphore, #tpu.memory_space<semaphore_mem>>) src(%dma_wait3A_53 : memref<625x16xf32, #tpu.memory_space<vmem_shared>>) dst(%dma_wait3A_51 : memref<625x16xf32, #tpu.memory_space<hbm>>)
      tpu.yield
    }) : () -> ()
    return
  }
}

#map = affine_map<(d0, d1) -> (0, 0)>
#map1 = affine_map<(d0, d1) -> (0, 0, 0)>
module attributes {stable_mosaic.version = 14 : i64} {
  func.func @_pm_body(%arg0: i32, %arg1: i32, %arg2: memref<4000x80xi32, #tpu.memory_space<hbm>>, %arg3: memref<4000x80xi32, #tpu.memory_space<hbm>>, %arg4: memref<2x10000x16xf32, #tpu.memory_space<hbm>>, %arg5: memref<10000x16xf32, #tpu.memory_space<hbm>>, %arg6: memref<10000x16xf32, #tpu.memory_space<hbm>>, %arg7: memref<19x16xf32, #tpu.memory_space<hbm>>, %arg8: memref<2x10000x16xf32, #tpu.memory_space<hbm>>, %arg9: memref<10000x16xf32, #tpu.memory_space<hbm>>, %arg10: memref<125x80xi32, #tpu.memory_space<vmem>>, %arg11: memref<125x80xi32, #tpu.memory_space<vmem>>, %arg12: memref<400x16xf32, #tpu.memory_space<vmem>>, %arg13: memref<400x16xf32, #tpu.memory_space<vmem>>, %arg14: memref<625x16xf32, #tpu.memory_space<vmem>>, %arg15: memref<625x16xf32, #tpu.memory_space<vmem>>, %arg16: memref<625x16xf32, #tpu.memory_space<vmem>>, %arg17: memref<625x16xf32, #tpu.memory_space<vmem>>, %arg18: memref<625x16xf32, #tpu.memory_space<vmem>>, %arg19: memref<19x16xf32, #tpu.memory_space<vmem>>, %arg20: memref<2x16xf32, #tpu.memory_space<vmem>>, %arg21: memref<16x2x16xf32, #tpu.memory_space<vmem>>, %arg22: memref<10000x16xf32, #tpu.memory_space<vmem_shared>>, %arg23: memref<10000x16xf32, #tpu.memory_space<vmem_shared>>, %arg24: memref<16x2x16xf32, #tpu.memory_space<vmem_shared>>, %arg25: memref<!tpu.dma_semaphore, #tpu.memory_space<semaphore_mem>>, %arg26: memref<!tpu.dma_semaphore, #tpu.memory_space<semaphore_mem>>, %arg27: memref<!tpu.dma_semaphore, #tpu.memory_space<semaphore_mem>>, %arg28: memref<!tpu.dma_semaphore, #tpu.memory_space<semaphore_mem>>) attributes {dimension_semantics = [#tpu.dimension_semantics<core_parallel>, #tpu.dimension_semantics<subcore_parallel>], iteration_bounds = array<i64: 2, 16>, scalar_prefetch = 0 : i64, scratch_operands = 19 : i64, tpu.core_type = #tpu.core_type<sc_vector_subcore>, window_params = [{transform_indices = #map}, {transform_indices = #map}, {transform_indices = #map1}, {transform_indices = #map}, {transform_indices = #map}, {transform_indices = #map}, {transform_indices = #map1}, {transform_indices = #map}]} {
    %mul3A = arith.constant 16 : i32
    %mul3A_0 = arith.muli %arg0, %mul3A : i32
    %add3A = arith.addi %mul3A_0, %arg1 : i32
    %mul3A_1 = arith.constant 625 : i32
    %mul3A_2 = arith.muli %arg1, %mul3A_1 : i32
    %mul3A_3 = arith.constant 125 : i32
    %mul3A_4 = arith.muli %add3A, %mul3A_3 : i32
    %dma_start3A = arith.constant 0 : i32
    %dma_start3A_5 = tpu.memref_slice %arg2[%mul3A_4, %dma_start3A] : memref<4000x80xi32, #tpu.memory_space<hbm>> -> memref<125x80xi32, #tpu.memory_space<hbm>>
    %dma_start3A_6 = arith.constant 0 : i32
    %dma_start3A_7 = tpu.memref_slice %arg2[%mul3A_4, %dma_start3A_6] : memref<4000x80xi32, #tpu.memory_space<hbm>> -> memref<125x80xi32, #tpu.memory_space<hbm>>
    tpu.enqueue_dma source(%dma_start3A_7 : memref<125x80xi32, #tpu.memory_space<hbm>>) target(%arg10 : memref<125x80xi32, #tpu.memory_space<vmem>>) target_semaphore(%arg26 : memref<!tpu.dma_semaphore, #tpu.memory_space<semaphore_mem>>)
    %mul3A_8 = arith.constant 125 : i32
    %mul3A_9 = arith.muli %add3A, %mul3A_8 : i32
    %dma_start3A_10 = arith.constant 0 : i32
    %dma_start3A_11 = tpu.memref_slice %arg3[%mul3A_9, %dma_start3A_10] : memref<4000x80xi32, #tpu.memory_space<hbm>> -> memref<125x80xi32, #tpu.memory_space<hbm>>
    %dma_start3A_12 = arith.constant 0 : i32
    %dma_start3A_13 = tpu.memref_slice %arg3[%mul3A_9, %dma_start3A_12] : memref<4000x80xi32, #tpu.memory_space<hbm>> -> memref<125x80xi32, #tpu.memory_space<hbm>>
    tpu.enqueue_dma source(%dma_start3A_13 : memref<125x80xi32, #tpu.memory_space<hbm>>) target(%arg11 : memref<125x80xi32, #tpu.memory_space<vmem>>) target_semaphore(%arg26 : memref<!tpu.dma_semaphore, #tpu.memory_space<semaphore_mem>>)
    %dma_start3A_14 = arith.constant 0 : i32
    %dma_start3A_15 = arith.constant 0 : i32
    %dma_start3A_16 = tpu.memref_slice %arg4[%dma_start3A_14, %mul3A_2, %dma_start3A_15] : memref<2x10000x16xf32, #tpu.memory_space<hbm>> -> memref<1x625x16xf32, #tpu.memory_space<hbm>>
    %dma_start3A_17 = tpu.memref_squeeze %dma_start3A_16 : memref<1x625x16xf32, #tpu.memory_space<hbm>> -> memref<625x16xf32, #tpu.memory_space<hbm>>
    %dma_start3A_18 = arith.constant 0 : i32
    %dma_start3A_19 = tpu.memref_slice %arg4[%dma_start3A_14, %mul3A_2, %dma_start3A_18] : memref<2x10000x16xf32, #tpu.memory_space<hbm>> -> memref<1x625x16xf32, #tpu.memory_space<hbm>>
    %dma_start3A_20 = tpu.memref_squeeze %dma_start3A_19 : memref<1x625x16xf32, #tpu.memory_space<hbm>> -> memref<625x16xf32, #tpu.memory_space<hbm>>
    tpu.enqueue_dma source(%dma_start3A_20 : memref<625x16xf32, #tpu.memory_space<hbm>>) target(%arg14 : memref<625x16xf32, #tpu.memory_space<vmem>>) target_semaphore(%arg25 : memref<!tpu.dma_semaphore, #tpu.memory_space<semaphore_mem>>)
    %dma_start3A_21 = arith.constant 1 : i32
    %dma_start3A_22 = arith.constant 0 : i32
    %dma_start3A_23 = tpu.memref_slice %arg4[%dma_start3A_21, %mul3A_2, %dma_start3A_22] : memref<2x10000x16xf32, #tpu.memory_space<hbm>> -> memref<1x625x16xf32, #tpu.memory_space<hbm>>
    %dma_start3A_24 = tpu.memref_squeeze %dma_start3A_23 : memref<1x625x16xf32, #tpu.memory_space<hbm>> -> memref<625x16xf32, #tpu.memory_space<hbm>>
    %dma_start3A_25 = arith.constant 0 : i32
    %dma_start3A_26 = tpu.memref_slice %arg4[%dma_start3A_21, %mul3A_2, %dma_start3A_25] : memref<2x10000x16xf32, #tpu.memory_space<hbm>> -> memref<1x625x16xf32, #tpu.memory_space<hbm>>
    %dma_start3A_27 = tpu.memref_squeeze %dma_start3A_26 : memref<1x625x16xf32, #tpu.memory_space<hbm>> -> memref<625x16xf32, #tpu.memory_space<hbm>>
    tpu.enqueue_dma source(%dma_start3A_27 : memref<625x16xf32, #tpu.memory_space<hbm>>) target(%arg15 : memref<625x16xf32, #tpu.memory_space<vmem>>) target_semaphore(%arg25 : memref<!tpu.dma_semaphore, #tpu.memory_space<semaphore_mem>>)
    %dma_start3A_28 = arith.constant 0 : i32
    %dma_start3A_29 = tpu.memref_slice %arg5[%mul3A_2, %dma_start3A_28] : memref<10000x16xf32, #tpu.memory_space<hbm>> -> memref<625x16xf32, #tpu.memory_space<hbm>>
    %dma_start3A_30 = arith.constant 0 : i32
    %dma_start3A_31 = tpu.memref_slice %arg5[%mul3A_2, %dma_start3A_30] : memref<10000x16xf32, #tpu.memory_space<hbm>> -> memref<625x16xf32, #tpu.memory_space<hbm>>
    tpu.enqueue_dma source(%dma_start3A_31 : memref<625x16xf32, #tpu.memory_space<hbm>>) target(%arg16 : memref<625x16xf32, #tpu.memory_space<vmem>>) target_semaphore(%arg25 : memref<!tpu.dma_semaphore, #tpu.memory_space<semaphore_mem>>)
    %dma_start3A_32 = arith.constant 0 : i32
    %dma_start3A_33 = tpu.memref_slice %arg6[%mul3A_2, %dma_start3A_32] : memref<10000x16xf32, #tpu.memory_space<hbm>> -> memref<625x16xf32, #tpu.memory_space<hbm>>
    %dma_start3A_34 = arith.constant 0 : i32
    %dma_start3A_35 = tpu.memref_slice %arg6[%mul3A_2, %dma_start3A_34] : memref<10000x16xf32, #tpu.memory_space<hbm>> -> memref<625x16xf32, #tpu.memory_space<hbm>>
    tpu.enqueue_dma source(%dma_start3A_35 : memref<625x16xf32, #tpu.memory_space<hbm>>) target(%arg17 : memref<625x16xf32, #tpu.memory_space<vmem>>) target_semaphore(%arg25 : memref<!tpu.dma_semaphore, #tpu.memory_space<semaphore_mem>>)
    tpu.enqueue_dma source(%arg7 : memref<19x16xf32, #tpu.memory_space<hbm>>) target(%arg19 : memref<19x16xf32, #tpu.memory_space<vmem>>) target_semaphore(%arg25 : memref<!tpu.dma_semaphore, #tpu.memory_space<semaphore_mem>>)
    %dma_wait3A = arith.constant 0 : i32
    %dma_wait3A_36 = arith.constant 0 : i32
    %dma_wait3A_37 = tpu.memref_slice %arg4[%dma_wait3A, %mul3A_2, %dma_wait3A_36] : memref<2x10000x16xf32, #tpu.memory_space<hbm>> -> memref<1x625x16xf32, #tpu.memory_space<hbm>>
    %dma_wait3A_38 = tpu.memref_squeeze %dma_wait3A_37 : memref<1x625x16xf32, #tpu.memory_space<hbm>> -> memref<625x16xf32, #tpu.memory_space<hbm>>
    %dma_wait3A_39 = arith.constant 0 : i32
    %dma_wait3A_40 = tpu.memref_slice %arg4[%dma_wait3A, %mul3A_2, %dma_wait3A_39] : memref<2x10000x16xf32, #tpu.memory_space<hbm>> -> memref<1x625x16xf32, #tpu.memory_space<hbm>>
    %dma_wait3A_41 = tpu.memref_squeeze %dma_wait3A_40 : memref<1x625x16xf32, #tpu.memory_space<hbm>> -> memref<625x16xf32, #tpu.memory_space<hbm>>
    tpu.wait_dma2 semaphore(%arg25 : memref<!tpu.dma_semaphore, #tpu.memory_space<semaphore_mem>>) src(%dma_wait3A_41 : memref<625x16xf32, #tpu.memory_space<hbm>>) dst(%arg14 : memref<625x16xf32, #tpu.memory_space<vmem>>)
    %dma_wait3A_42 = arith.constant 1 : i32
    %dma_wait3A_43 = arith.constant 0 : i32
    %dma_wait3A_44 = tpu.memref_slice %arg4[%dma_wait3A_42, %mul3A_2, %dma_wait3A_43] : memref<2x10000x16xf32, #tpu.memory_space<hbm>> -> memref<1x625x16xf32, #tpu.memory_space<hbm>>
    %dma_wait3A_45 = tpu.memref_squeeze %dma_wait3A_44 : memref<1x625x16xf32, #tpu.memory_space<hbm>> -> memref<625x16xf32, #tpu.memory_space<hbm>>
    %dma_wait3A_46 = arith.constant 0 : i32
    %dma_wait3A_47 = tpu.memref_slice %arg4[%dma_wait3A_42, %mul3A_2, %dma_wait3A_46] : memref<2x10000x16xf32, #tpu.memory_space<hbm>> -> memref<1x625x16xf32, #tpu.memory_space<hbm>>
    %dma_wait3A_48 = tpu.memref_squeeze %dma_wait3A_47 : memref<1x625x16xf32, #tpu.memory_space<hbm>> -> memref<625x16xf32, #tpu.memory_space<hbm>>
    tpu.wait_dma2 semaphore(%arg25 : memref<!tpu.dma_semaphore, #tpu.memory_space<semaphore_mem>>) src(%dma_wait3A_48 : memref<625x16xf32, #tpu.memory_space<hbm>>) dst(%arg15 : memref<625x16xf32, #tpu.memory_space<vmem>>)
    %dma_wait3A_49 = arith.constant 0 : i32
    %dma_wait3A_50 = tpu.memref_slice %arg5[%mul3A_2, %dma_wait3A_49] : memref<10000x16xf32, #tpu.memory_space<hbm>> -> memref<625x16xf32, #tpu.memory_space<hbm>>
    %dma_wait3A_51 = arith.constant 0 : i32
    %dma_wait3A_52 = tpu.memref_slice %arg5[%mul3A_2, %dma_wait3A_51] : memref<10000x16xf32, #tpu.memory_space<hbm>> -> memref<625x16xf32, #tpu.memory_space<hbm>>
    tpu.wait_dma2 semaphore(%arg25 : memref<!tpu.dma_semaphore, #tpu.memory_space<semaphore_mem>>) src(%dma_wait3A_52 : memref<625x16xf32, #tpu.memory_space<hbm>>) dst(%arg16 : memref<625x16xf32, #tpu.memory_space<vmem>>)
    %dma_wait3A_53 = arith.constant 0 : i32
    %dma_wait3A_54 = tpu.memref_slice %arg6[%mul3A_2, %dma_wait3A_53] : memref<10000x16xf32, #tpu.memory_space<hbm>> -> memref<625x16xf32, #tpu.memory_space<hbm>>
    %dma_wait3A_55 = arith.constant 0 : i32
    %dma_wait3A_56 = tpu.memref_slice %arg6[%mul3A_2, %dma_wait3A_55] : memref<10000x16xf32, #tpu.memory_space<hbm>> -> memref<625x16xf32, #tpu.memory_space<hbm>>
    tpu.wait_dma2 semaphore(%arg25 : memref<!tpu.dma_semaphore, #tpu.memory_space<semaphore_mem>>) src(%dma_wait3A_56 : memref<625x16xf32, #tpu.memory_space<hbm>>) dst(%arg17 : memref<625x16xf32, #tpu.memory_space<vmem>>)
    tpu.wait_dma2 semaphore(%arg25 : memref<!tpu.dma_semaphore, #tpu.memory_space<semaphore_mem>>) src(%arg7 : memref<19x16xf32, #tpu.memory_space<hbm>>) dst(%arg19 : memref<19x16xf32, #tpu.memory_space<vmem>>)
    %get3A = arith.constant 0 : i32
    %get3A_57 = arith.index_cast %get3A : i32 to index
    %get3A_58 = arith.constant 0 : index
    %get3A_59 = tpu.vector_load %arg19[%get3A_57, %get3A_58] {strides = array<i32>} : memref<19x16xf32, #tpu.memory_space<vmem>>, vector<1x16xf32>,
    %get3A_60 = vector.shape_cast %get3A_59 : vector<1x16xf32> to vector<16xf32>
    %get3A_61 = arith.constant 1 : i32
    %get3A_62 = arith.index_cast %get3A_61 : i32 to index
    %get3A_63 = arith.constant 0 : index
    %get3A_64 = tpu.vector_load %arg19[%get3A_62, %get3A_63] {strides = array<i32>} : memref<19x16xf32, #tpu.memory_space<vmem>>, vector<1x16xf32>,
    %get3A_65 = vector.shape_cast %get3A_64 : vector<1x16xf32> to vector<16xf32>
    %get3A_66 = arith.constant 2 : i32
    %get3A_67 = arith.index_cast %get3A_66 : i32 to index
    %get3A_68 = arith.constant 0 : index
    %get3A_69 = tpu.vector_load %arg19[%get3A_67, %get3A_68] {strides = array<i32>} : memref<19x16xf32, #tpu.memory_space<vmem>>, vector<1x16xf32>,
    %get3A_70 = vector.shape_cast %get3A_69 : vector<1x16xf32> to vector<16xf32>
    %broadcast_in_dim3A = arith.constant 0.000000e+00 : f32
    %broadcast_in_dim3A_71 = vector.broadcast %broadcast_in_dim3A : f32 to vector<16xf32>
    %scan3A = arith.constant 0 : i32
    %scan3A_72 = arith.constant 625 : i32
    %scan3A_73 = arith.addi %scan3A, %scan3A_72 : i32
    %scan3A_74 = arith.constant 1 : i32
    %scan3A_75:2 = scf.for %scan3A_328 = %scan3A to %scan3A_73 step %scan3A_74 iter_args(%scan3A_329 = %broadcast_in_dim3A_71, %scan3A_330 = %broadcast_in_dim3A_71) -> (vector<16xf32>, vector<16xf32>)  : i32 {
      %get3A_331 = arith.index_cast %scan3A_328 : i32 to index
      %get3A_332 = arith.constant 0 : index
      %get3A_333 = tpu.vector_load %arg17[%get3A_331, %get3A_332] {strides = array<i32>} : memref<625x16xf32, #tpu.memory_space<vmem>>, vector<1x16xf32>,
      %get3A_334 = vector.shape_cast %get3A_333 : vector<1x16xf32> to vector<16xf32>
      %get3A_335 = arith.index_cast %scan3A_328 : i32 to index
      %get3A_336 = arith.constant 0 : index
      %get3A_337 = tpu.vector_load %arg14[%get3A_335, %get3A_336] {strides = array<i32>} : memref<625x16xf32, #tpu.memory_space<vmem>>, vector<1x16xf32>,
      %get3A_338 = vector.shape_cast %get3A_337 : vector<1x16xf32> to vector<16xf32>
      %get3A_339 = arith.index_cast %scan3A_328 : i32 to index
      %get3A_340 = arith.constant 0 : index
      %get3A_341 = tpu.vector_load %arg15[%get3A_339, %get3A_340] {strides = array<i32>} : memref<625x16xf32, #tpu.memory_space<vmem>>, vector<1x16xf32>,
      %get3A_342 = vector.shape_cast %get3A_341 : vector<1x16xf32> to vector<16xf32>
      %add3A_343 = arith.addf %get3A_338, %get3A_342 : vector<16xf32>
      %get3A_344 = arith.index_cast %scan3A_328 : i32 to index
      %get3A_345 = arith.constant 0 : index
      %get3A_346 = tpu.vector_load %arg16[%get3A_344, %get3A_345] {strides = array<i32>} : memref<625x16xf32, #tpu.memory_space<vmem>>, vector<1x16xf32>,
      %get3A_347 = vector.shape_cast %get3A_346 : vector<1x16xf32> to vector<16xf32>
      %add3A_348 = arith.addf %add3A_343, %get3A_347 : vector<16xf32>
      %mul3A_349 = arith.mulf %get3A_334, %add3A_348 : vector<16xf32>
      %add3A_350 = arith.addf %mul3A_349, %get3A_60 : vector<16xf32>
      %swap3A_351 = arith.index_cast %scan3A_328 : i32 to index
      %swap3A_352 = arith.constant 0 : index
      %swap3A_353 = tpu.vector_load %arg18[%swap3A_351, %swap3A_352] {strides = array<i32>} : memref<625x16xf32, #tpu.memory_space<vmem>>, vector<1x16xf32>,
      %swap3A_354 = vector.shape_cast %swap3A_353 : vector<1x16xf32> to vector<16xf32>
      %swap3A_355 = vector.shape_cast %add3A_350 : vector<16xf32> to vector<1x16xf32>
      tpu.vector_store %arg18[%swap3A_351, %swap3A_352], %swap3A_355 {strides = array<i32>} : memref<625x16xf32, #tpu.memory_space<vmem>>, vector<1x16xf32>,
      %add3A_356 = arith.addf %scan3A_329, %add3A_350 : vector<16xf32>
      %mul3A_357 = arith.mulf %add3A_350, %add3A_350 : vector<16xf32>
      %add3A_358 = arith.addf %scan3A_330, %mul3A_357 : vector<16xf32>
      scf.yield %add3A_356, %add3A_358 : vector<16xf32>, vector<16xf32>
    }
    %scan3A_76 = arith.constant 625 : i32
    %swap3A = arith.constant 0 : i32
    %swap3A_77 = arith.index_cast %swap3A : i32 to index
    %swap3A_78 = arith.constant 0 : index
    %swap3A_79 = tpu.vector_load %arg20[%swap3A_77, %swap3A_78] {strides = array<i32>} : memref<2x16xf32, #tpu.memory_space<vmem>>, vector<1x16xf32>,
    %swap3A_80 = vector.shape_cast %swap3A_79 : vector<1x16xf32> to vector<16xf32>
    %swap3A_81 = vector.shape_cast %scan3A_75#0 : vector<16xf32> to vector<1x16xf32>
    tpu.vector_store %arg20[%swap3A_77, %swap3A_78], %swap3A_81 {strides = array<i32>} : memref<2x16xf32, #tpu.memory_space<vmem>>, vector<1x16xf32>,
    %swap3A_82 = arith.constant 1 : i32
    %swap3A_83 = arith.index_cast %swap3A_82 : i32 to index
    %swap3A_84 = arith.constant 0 : index
    %swap3A_85 = tpu.vector_load %arg20[%swap3A_83, %swap3A_84] {strides = array<i32>} : memref<2x16xf32, #tpu.memory_space<vmem>>, vector<1x16xf32>,
    %swap3A_86 = vector.shape_cast %swap3A_85 : vector<1x16xf32> to vector<16xf32>
    %swap3A_87 = vector.shape_cast %scan3A_75#1 : vector<16xf32> to vector<1x16xf32>
    tpu.vector_store %arg20[%swap3A_83, %swap3A_84], %swap3A_87 {strides = array<i32>} : memref<2x16xf32, #tpu.memory_space<vmem>>, vector<1x16xf32>,
    "tpu.region"() ({
      %run_scoped3A = tpu.sem_alloc : memref<!tpu.dma_semaphore, #tpu.memory_space<semaphore_mem>>
      %dma_start3A_328 = arith.constant 0 : i32
      %dma_start3A_329 = arith.constant 0 : i32
      %dma_start3A_330 = tpu.memref_slice %arg24[%arg1, %dma_start3A_328, %dma_start3A_329] : memref<16x2x16xf32, #tpu.memory_space<vmem_shared>> -> memref<1x2x16xf32, #tpu.memory_space<vmem_shared>>
      %dma_start3A_331 = tpu.memref_squeeze %dma_start3A_330 : memref<1x2x16xf32, #tpu.memory_space<vmem_shared>> -> memref<2x16xf32, #tpu.memory_space<vmem_shared>>
      %dma_start3A_332 = arith.constant 0 : i32
      %dma_start3A_333 = arith.constant 0 : i32
      %dma_start3A_334 = tpu.memref_slice %arg24[%arg1, %dma_start3A_332, %dma_start3A_333] : memref<16x2x16xf32, #tpu.memory_space<vmem_shared>> -> memref<1x2x16xf32, #tpu.memory_space<vmem_shared>>
      %dma_start3A_335 = tpu.memref_squeeze %dma_start3A_334 : memref<1x2x16xf32, #tpu.memory_space<vmem_shared>> -> memref<2x16xf32, #tpu.memory_space<vmem_shared>>
      tpu.enqueue_dma source(%arg20 : memref<2x16xf32, #tpu.memory_space<vmem>>) target(%dma_start3A_335 : memref<2x16xf32, #tpu.memory_space<vmem_shared>>) target_semaphore(%run_scoped3A : memref<!tpu.dma_semaphore, #tpu.memory_space<semaphore_mem>>)
      %dma_wait3A_336 = arith.constant 0 : i32
      %dma_wait3A_337 = arith.constant 0 : i32
      %dma_wait3A_338 = tpu.memref_slice %arg24[%arg1, %dma_wait3A_336, %dma_wait3A_337] : memref<16x2x16xf32, #tpu.memory_space<vmem_shared>> -> memref<1x2x16xf32, #tpu.memory_space<vmem_shared>>
      %dma_wait3A_339 = tpu.memref_squeeze %dma_wait3A_338 : memref<1x2x16xf32, #tpu.memory_space<vmem_shared>> -> memref<2x16xf32, #tpu.memory_space<vmem_shared>>
      %dma_wait3A_340 = arith.constant 0 : i32
      %dma_wait3A_341 = arith.constant 0 : i32
      %dma_wait3A_342 = tpu.memref_slice %arg24[%arg1, %dma_wait3A_340, %dma_wait3A_341] : memref<16x2x16xf32, #tpu.memory_space<vmem_shared>> -> memref<1x2x16xf32, #tpu.memory_space<vmem_shared>>
      %dma_wait3A_343 = tpu.memref_squeeze %dma_wait3A_342 : memref<1x2x16xf32, #tpu.memory_space<vmem_shared>> -> memref<2x16xf32, #tpu.memory_space<vmem_shared>>
      tpu.wait_dma2 semaphore(%run_scoped3A : memref<!tpu.dma_semaphore, #tpu.memory_space<semaphore_mem>>) src(%arg20 : memref<2x16xf32, #tpu.memory_space<vmem>>) dst(%dma_wait3A_343 : memref<2x16xf32, #tpu.memory_space<vmem_shared>>)
      tpu.yield
    }) : () -> ()
    %barrier3A = arith.constant 0 : index
    tpu.barrier barrier_id(%barrier3A)
    "tpu.region"() ({
      %run_scoped3A = tpu.sem_alloc : memref<!tpu.dma_semaphore, #tpu.memory_space<semaphore_mem>>
      tpu.enqueue_dma source(%arg24 : memref<16x2x16xf32, #tpu.memory_space<vmem_shared>>) target(%arg21 : memref<16x2x16xf32, #tpu.memory_space<vmem>>) target_semaphore(%run_scoped3A : memref<!tpu.dma_semaphore, #tpu.memory_space<semaphore_mem>>)
      tpu.wait_dma2 semaphore(%run_scoped3A : memref<!tpu.dma_semaphore, #tpu.memory_space<semaphore_mem>>) src(%arg24 : memref<16x2x16xf32, #tpu.memory_space<vmem_shared>>) dst(%arg21 : memref<16x2x16xf32, #tpu.memory_space<vmem>>)
      tpu.yield
    }) : () -> ()
    %scan3A_88 = arith.constant 0 : i32
    %scan3A_89 = arith.constant 16 : i32
    %scan3A_90 = arith.addi %scan3A_88, %scan3A_89 : i32
    %scan3A_91 = arith.constant 1 : i32
    %scan3A_92:2 = scf.for %scan3A_328 = %scan3A_88 to %scan3A_90 step %scan3A_91 iter_args(%scan3A_329 = %broadcast_in_dim3A_71, %scan3A_330 = %broadcast_in_dim3A_71) -> (vector<16xf32>, vector<16xf32>)  : i32 {
      %get3A_331 = arith.constant 0 : i32
      %get3A_332 = arith.index_cast %scan3A_328 : i32 to index
      %get3A_333 = arith.index_cast %get3A_331 : i32 to index
      %get3A_334 = arith.constant 0 : index
      %get3A_335 = tpu.vector_load %arg21[%get3A_332, %get3A_333, %get3A_334] {strides = array<i32>} : memref<16x2x16xf32, #tpu.memory_space<vmem>>, vector<1x1x16xf32>,
      %get3A_336 = vector.shape_cast %get3A_335 : vector<1x1x16xf32> to vector<16xf32>
      %add3A_337 = arith.addf %scan3A_329, %get3A_336 : vector<16xf32>
      %get3A_338 = arith.constant 1 : i32
      %get3A_339 = arith.index_cast %scan3A_328 : i32 to index
      %get3A_340 = arith.index_cast %get3A_338 : i32 to index
      %get3A_341 = arith.constant 0 : index
      %get3A_342 = tpu.vector_load %arg21[%get3A_339, %get3A_340, %get3A_341] {strides = array<i32>} : memref<16x2x16xf32, #tpu.memory_space<vmem>>, vector<1x1x16xf32>,
      %get3A_343 = vector.shape_cast %get3A_342 : vector<1x1x16xf32> to vector<16xf32>
      %add3A_344 = arith.addf %scan3A_330, %get3A_343 : vector<16xf32>
      scf.yield %add3A_337, %add3A_344 : vector<16xf32>, vector<16xf32>
    }
    %scan3A_93 = arith.constant 16 : i32
    %mul3A_94 = arith.constant 9.99999974E-5 : f32
    %mul3A_95 = vector.broadcast %mul3A_94 : f32 to vector<16xf32>
    %mul3A_96 = arith.mulf %scan3A_92#0, %mul3A_95 : vector<16xf32>
    %mul3A_97 = arith.constant 9.99999974E-5 : f32
    %mul3A_98 = vector.broadcast %mul3A_97 : f32 to vector<16xf32>
    %mul3A_99 = arith.mulf %scan3A_92#1, %mul3A_98 : vector<16xf32>
    %mul3A_100 = arith.mulf %mul3A_96, %mul3A_96 : vector<16xf32>
    %sub3A = arith.subf %mul3A_99, %mul3A_100 : vector<16xf32>
    %add3A_101 = arith.constant 9.99999974E-6 : f32
    %add3A_102 = vector.broadcast %add3A_101 : f32 to vector<16xf32>
    %add3A_103 = arith.addf %sub3A, %add3A_102 : vector<16xf32>
    %bitcast_convert_type3A = tpu.bitcast %add3A_103 : vector<16xf32> -> vector<16xi32>
    %shift_right_arithmetic3A = arith.constant 1 : i32
    %shift_right_arithmetic3A_104 = vector.broadcast %shift_right_arithmetic3A : i32 to vector<16xi32>
    %shift_right_arithmetic3A_105 = arith.shrsi %bitcast_convert_type3A, %shift_right_arithmetic3A_104 : vector<16xi32>
    %sub3A_106 = arith.constant 1597463007 : i32
    %sub3A_107 = vector.broadcast %sub3A_106 : i32 to vector<16xi32>
    %sub3A_108 = arith.subi %sub3A_107, %shift_right_arithmetic3A_105 : vector<16xi32>
    %bitcast_convert_type3A_109 = tpu.bitcast %sub3A_108 : vector<16xi32> -> vector<16xf32>
    %mul3A_110 = arith.constant 5.000000e-01 : f32
    %mul3A_111 = vector.broadcast %mul3A_110 : f32 to vector<16xf32>
    %mul3A_112 = arith.mulf %mul3A_111, %add3A_103 : vector<16xf32>
    %mul3A_113 = arith.mulf %mul3A_112, %bitcast_convert_type3A_109 : vector<16xf32>
    %mul3A_114 = arith.mulf %mul3A_113, %bitcast_convert_type3A_109 : vector<16xf32>
    %sub3A_115 = arith.constant 1.500000e+00 : f32
    %sub3A_116 = vector.broadcast %sub3A_115 : f32 to vector<16xf32>
    %sub3A_117 = arith.subf %sub3A_116, %mul3A_114 : vector<16xf32>
    %mul3A_118 = arith.mulf %bitcast_convert_type3A_109, %sub3A_117 : vector<16xf32>
    %mul3A_119 = arith.constant 5.000000e-01 : f32
    %mul3A_120 = vector.broadcast %mul3A_119 : f32 to vector<16xf32>
    %mul3A_121 = arith.mulf %mul3A_120, %add3A_103 : vector<16xf32>
    %mul3A_122 = arith.mulf %mul3A_121, %mul3A_118 : vector<16xf32>
    %mul3A_123 = arith.mulf %mul3A_122, %mul3A_118 : vector<16xf32>
    %sub3A_124 = arith.constant 1.500000e+00 : f32
    %sub3A_125 = vector.broadcast %sub3A_124 : f32 to vector<16xf32>
    %sub3A_126 = arith.subf %sub3A_125, %mul3A_123 : vector<16xf32>
    %mul3A_127 = arith.mulf %mul3A_118, %sub3A_126 : vector<16xf32>
    %mul3A_128 = arith.constant 5.000000e-01 : f32
    %mul3A_129 = vector.broadcast %mul3A_128 : f32 to vector<16xf32>
    %mul3A_130 = arith.mulf %mul3A_129, %add3A_103 : vector<16xf32>
    %mul3A_131 = arith.mulf %mul3A_130, %mul3A_127 : vector<16xf32>
    %mul3A_132 = arith.mulf %mul3A_131, %mul3A_127 : vector<16xf32>
    %sub3A_133 = arith.constant 1.500000e+00 : f32
    %sub3A_134 = vector.broadcast %sub3A_133 : f32 to vector<16xf32>
    %sub3A_135 = arith.subf %sub3A_134, %mul3A_132 : vector<16xf32>
    %mul3A_136 = arith.mulf %mul3A_127, %sub3A_135 : vector<16xf32>
    %mul3A_137 = arith.mulf %get3A_65, %mul3A_136 : vector<16xf32>
    %mul3A_138 = arith.mulf %mul3A_96, %mul3A_137 : vector<16xf32>
    %sub3A_139 = arith.subf %get3A_70, %mul3A_138 : vector<16xf32>
    %get3A_140 = arith.constant 3 : i32
    %get3A_141 = arith.index_cast %get3A_140 : i32 to index
    %get3A_142 = arith.constant 0 : index
    %get3A_143 = tpu.vector_load %arg19[%get3A_141, %get3A_142] {strides = array<i32>} : memref<19x16xf32, #tpu.memory_space<vmem>>, vector<1x16xf32>,
    %get3A_144 = vector.shape_cast %get3A_143 : vector<1x16xf32> to vector<16xf32>
    %get3A_145 = arith.constant 4 : i32
    %get3A_146 = arith.index_cast %get3A_145 : i32 to index
    %get3A_147 = arith.constant 0 : index
    %get3A_148 = tpu.vector_load %arg19[%get3A_146, %get3A_147] {strides = array<i32>} : memref<19x16xf32, #tpu.memory_space<vmem>>, vector<1x16xf32>,
    %get3A_149 = vector.shape_cast %get3A_148 : vector<1x16xf32> to vector<16xf32>
    %get3A_150 = arith.constant 5 : i32
    %get3A_151 = arith.index_cast %get3A_150 : i32 to index
    %get3A_152 = arith.constant 0 : index
    %get3A_153 = tpu.vector_load %arg19[%get3A_151, %get3A_152] {strides = array<i32>} : memref<19x16xf32, #tpu.memory_space<vmem>>, vector<1x16xf32>,
    %get3A_154 = vector.shape_cast %get3A_153 : vector<1x16xf32> to vector<16xf32>
    %get3A_155 = arith.constant 6 : i32
    %get3A_156 = arith.index_cast %get3A_155 : i32 to index
    %get3A_157 = arith.constant 0 : index
    %get3A_158 = tpu.vector_load %arg19[%get3A_156, %get3A_157] {strides = array<i32>} : memref<19x16xf32, #tpu.memory_space<vmem>>, vector<1x16xf32>,
    %get3A_159 = vector.shape_cast %get3A_158 : vector<1x16xf32> to vector<16xf32>
    %get3A_160 = arith.constant 7 : i32
    %get3A_161 = arith.index_cast %get3A_160 : i32 to index
    %get3A_162 = arith.constant 0 : index
    %get3A_163 = tpu.vector_load %arg19[%get3A_161, %get3A_162] {strides = array<i32>} : memref<19x16xf32, #tpu.memory_space<vmem>>, vector<1x16xf32>,
    %get3A_164 = vector.shape_cast %get3A_163 : vector<1x16xf32> to vector<16xf32>
    %get3A_165 = arith.constant 8 : i32
    %get3A_166 = arith.index_cast %get3A_165 : i32 to index
    %get3A_167 = arith.constant 0 : index
    %get3A_168 = tpu.vector_load %arg19[%get3A_166, %get3A_167] {strides = array<i32>} : memref<19x16xf32, #tpu.memory_space<vmem>>, vector<1x16xf32>,
    %get3A_169 = vector.shape_cast %get3A_168 : vector<1x16xf32> to vector<16xf32>
    %get3A_170 = arith.constant 9 : i32
    %get3A_171 = arith.index_cast %get3A_170 : i32 to index
    %get3A_172 = arith.constant 0 : index
    %get3A_173 = tpu.vector_load %arg19[%get3A_171, %get3A_172] {strides = array<i32>} : memref<19x16xf32, #tpu.memory_space<vmem>>, vector<1x16xf32>,
    %get3A_174 = vector.shape_cast %get3A_173 : vector<1x16xf32> to vector<16xf32>
    %get3A_175 = arith.constant 10 : i32
    %get3A_176 = arith.index_cast %get3A_175 : i32 to index
    %get3A_177 = arith.constant 0 : index
    %get3A_178 = tpu.vector_load %arg19[%get3A_176, %get3A_177] {strides = array<i32>} : memref<19x16xf32, #tpu.memory_space<vmem>>, vector<1x16xf32>,
    %get3A_179 = vector.shape_cast %get3A_178 : vector<1x16xf32> to vector<16xf32>
    %get3A_180 = arith.constant 11 : i32
    %get3A_181 = arith.index_cast %get3A_180 : i32 to index
    %get3A_182 = arith.constant 0 : index
    %get3A_183 = tpu.vector_load %arg19[%get3A_181, %get3A_182] {strides = array<i32>} : memref<19x16xf32, #tpu.memory_space<vmem>>, vector<1x16xf32>,
    %get3A_184 = vector.shape_cast %get3A_183 : vector<1x16xf32> to vector<16xf32>
    %get3A_185 = arith.constant 12 : i32
    %get3A_186 = arith.index_cast %get3A_185 : i32 to index
    %get3A_187 = arith.constant 0 : index
    %get3A_188 = tpu.vector_load %arg19[%get3A_186, %get3A_187] {strides = array<i32>} : memref<19x16xf32, #tpu.memory_space<vmem>>, vector<1x16xf32>,
    %get3A_189 = vector.shape_cast %get3A_188 : vector<1x16xf32> to vector<16xf32>
    %get3A_190 = arith.constant 13 : i32
    %get3A_191 = arith.index_cast %get3A_190 : i32 to index
    %get3A_192 = arith.constant 0 : index
    %get3A_193 = tpu.vector_load %arg19[%get3A_191, %get3A_192] {strides = array<i32>} : memref<19x16xf32, #tpu.memory_space<vmem>>, vector<1x16xf32>,
    %get3A_194 = vector.shape_cast %get3A_193 : vector<1x16xf32> to vector<16xf32>
    %get3A_195 = arith.constant 14 : i32
    %get3A_196 = arith.index_cast %get3A_195 : i32 to index
    %get3A_197 = arith.constant 0 : index
    %get3A_198 = tpu.vector_load %arg19[%get3A_196, %get3A_197] {strides = array<i32>} : memref<19x16xf32, #tpu.memory_space<vmem>>, vector<1x16xf32>,
    %get3A_199 = vector.shape_cast %get3A_198 : vector<1x16xf32> to vector<16xf32>
    %get3A_200 = arith.constant 15 : i32
    %get3A_201 = arith.index_cast %get3A_200 : i32 to index
    %get3A_202 = arith.constant 0 : index
    %get3A_203 = tpu.vector_load %arg19[%get3A_201, %get3A_202] {strides = array<i32>} : memref<19x16xf32, #tpu.memory_space<vmem>>, vector<1x16xf32>,
    %get3A_204 = vector.shape_cast %get3A_203 : vector<1x16xf32> to vector<16xf32>
    %get3A_205 = arith.constant 16 : i32
    %get3A_206 = arith.index_cast %get3A_205 : i32 to index
    %get3A_207 = arith.constant 0 : index
    %get3A_208 = tpu.vector_load %arg19[%get3A_206, %get3A_207] {strides = array<i32>} : memref<19x16xf32, #tpu.memory_space<vmem>>, vector<1x16xf32>,
    %get3A_209 = vector.shape_cast %get3A_208 : vector<1x16xf32> to vector<16xf32>
    %get3A_210 = arith.constant 17 : i32
    %get3A_211 = arith.index_cast %get3A_210 : i32 to index
    %get3A_212 = arith.constant 0 : index
    %get3A_213 = tpu.vector_load %arg19[%get3A_211, %get3A_212] {strides = array<i32>} : memref<19x16xf32, #tpu.memory_space<vmem>>, vector<1x16xf32>,
    %get3A_214 = vector.shape_cast %get3A_213 : vector<1x16xf32> to vector<16xf32>
    %get3A_215 = arith.constant 18 : i32
    %get3A_216 = arith.index_cast %get3A_215 : i32 to index
    %get3A_217 = arith.constant 0 : index
    %get3A_218 = tpu.vector_load %arg19[%get3A_216, %get3A_217] {strides = array<i32>} : memref<19x16xf32, #tpu.memory_space<vmem>>, vector<1x16xf32>,
    %get3A_219 = vector.shape_cast %get3A_218 : vector<1x16xf32> to vector<16xf32>
    %scan3A_220 = arith.constant 0 : i32
    %scan3A_221 = arith.constant 0 : i32
    %scan3A_222 = arith.constant 625 : i32
    %scan3A_223 = arith.addi %scan3A_221, %scan3A_222 : i32
    %scan3A_224 = arith.constant 1 : i32
    scf.for %scan3A_328 = %scan3A_221 to %scan3A_223 step %scan3A_224  : i32 {
      %get3A_329 = arith.index_cast %scan3A_328 : i32 to index
      %get3A_330 = arith.constant 0 : index
      %get3A_331 = tpu.vector_load %arg18[%get3A_329, %get3A_330] {strides = array<i32>} : memref<625x16xf32, #tpu.memory_space<vmem>>, vector<1x16xf32>,
      %get3A_332 = vector.shape_cast %get3A_331 : vector<1x16xf32> to vector<16xf32>
      %mul3A_333 = arith.mulf %get3A_332, %mul3A_137 : vector<16xf32>
      %add3A_334 = arith.addf %mul3A_333, %sub3A_139 : vector<16xf32>
      %max3A = arith.constant 0.000000e+00 : f32
      %max3A_335 = vector.broadcast %max3A : f32 to vector<16xf32>
      %max3A_336 = arith.maximumf %add3A_334, %max3A_335 : vector<16xf32>
      %slice3A = vector.extract_strided_slice %max3A_336 {offsets = [0], sizes = [1], strides = [1]} : vector<16xf32> to vector<1xf32>
      %squeeze3A = vector.extract %slice3A[0] : f32 from vector<1xf32>
      %mul3A_337 = vector.broadcast %squeeze3A : f32 to vector<16xf32>
      %mul3A_338 = arith.mulf %mul3A_337, %get3A_144 : vector<16xf32>
      %add3A_339 = arith.addf %broadcast_in_dim3A_71, %mul3A_338 : vector<16xf32>
      %slice3A_340 = vector.extract_strided_slice %max3A_336 {offsets = [1], sizes = [1], strides = [1]} : vector<16xf32> to vector<1xf32>
      %squeeze3A_341 = vector.extract %slice3A_340[0] : f32 from vector<1xf32>
      %mul3A_342 = vector.broadcast %squeeze3A_341 : f32 to vector<16xf32>
      %mul3A_343 = arith.mulf %mul3A_342, %get3A_149 : vector<16xf32>
      %add3A_344 = arith.addf %add3A_339, %mul3A_343 : vector<16xf32>
      %slice3A_345 = vector.extract_strided_slice %max3A_336 {offsets = [2], sizes = [1], strides = [1]} : vector<16xf32> to vector<1xf32>
      %squeeze3A_346 = vector.extract %slice3A_345[0] : f32 from vector<1xf32>
      %mul3A_347 = vector.broadcast %squeeze3A_346 : f32 to vector<16xf32>
      %mul3A_348 = arith.mulf %mul3A_347, %get3A_154 : vector<16xf32>
      %add3A_349 = arith.addf %add3A_344, %mul3A_348 : vector<16xf32>
      %slice3A_350 = vector.extract_strided_slice %max3A_336 {offsets = [3], sizes = [1], strides = [1]} : vector<16xf32> to vector<1xf32>
      %squeeze3A_351 = vector.extract %slice3A_350[0] : f32 from vector<1xf32>
      %mul3A_352 = vector.broadcast %squeeze3A_351 : f32 to vector<16xf32>
      %mul3A_353 = arith.mulf %mul3A_352, %get3A_159 : vector<16xf32>
      %add3A_354 = arith.addf %add3A_349, %mul3A_353 : vector<16xf32>
      %slice3A_355 = vector.extract_strided_slice %max3A_336 {offsets = [4], sizes = [1], strides = [1]} : vector<16xf32> to vector<1xf32>
      %squeeze3A_356 = vector.extract %slice3A_355[0] : f32 from vector<1xf32>
      %mul3A_357 = vector.broadcast %squeeze3A_356 : f32 to vector<16xf32>
      %mul3A_358 = arith.mulf %mul3A_357, %get3A_164 : vector<16xf32>
      %add3A_359 = arith.addf %add3A_354, %mul3A_358 : vector<16xf32>
      %slice3A_360 = vector.extract_strided_slice %max3A_336 {offsets = [5], sizes = [1], strides = [1]} : vector<16xf32> to vector<1xf32>
      %squeeze3A_361 = vector.extract %slice3A_360[0] : f32 from vector<1xf32>
      %mul3A_362 = vector.broadcast %squeeze3A_361 : f32 to vector<16xf32>
      %mul3A_363 = arith.mulf %mul3A_362, %get3A_169 : vector<16xf32>
      %add3A_364 = arith.addf %add3A_359, %mul3A_363 : vector<16xf32>
      %slice3A_365 = vector.extract_strided_slice %max3A_336 {offsets = [6], sizes = [1], strides = [1]} : vector<16xf32> to vector<1xf32>
      %squeeze3A_366 = vector.extract %slice3A_365[0] : f32 from vector<1xf32>
      %mul3A_367 = vector.broadcast %squeeze3A_366 : f32 to vector<16xf32>
      %mul3A_368 = arith.mulf %mul3A_367, %get3A_174 : vector<16xf32>
      %add3A_369 = arith.addf %add3A_364, %mul3A_368 : vector<16xf32>
      %slice3A_370 = vector.extract_strided_slice %max3A_336 {offsets = [7], sizes = [1], strides = [1]} : vector<16xf32> to vector<1xf32>
      %squeeze3A_371 = vector.extract %slice3A_370[0] : f32 from vector<1xf32>
      %mul3A_372 = vector.broadcast %squeeze3A_371 : f32 to vector<16xf32>
      %mul3A_373 = arith.mulf %mul3A_372, %get3A_179 : vector<16xf32>
      %add3A_374 = arith.addf %add3A_369, %mul3A_373 : vector<16xf32>
      %slice3A_375 = vector.extract_strided_slice %max3A_336 {offsets = [8], sizes = [1], strides = [1]} : vector<16xf32> to vector<1xf32>
      %squeeze3A_376 = vector.extract %slice3A_375[0] : f32 from vector<1xf32>
      %mul3A_377 = vector.broadcast %squeeze3A_376 : f32 to vector<16xf32>
      %mul3A_378 = arith.mulf %mul3A_377, %get3A_184 : vector<16xf32>
      %add3A_379 = arith.addf %add3A_374, %mul3A_378 : vector<16xf32>
      %slice3A_380 = vector.extract_strided_slice %max3A_336 {offsets = [9], sizes = [1], strides = [1]} : vector<16xf32> to vector<1xf32>
      %squeeze3A_381 = vector.extract %slice3A_380[0] : f32 from vector<1xf32>
      %mul3A_382 = vector.broadcast %squeeze3A_381 : f32 to vector<16xf32>
      %mul3A_383 = arith.mulf %mul3A_382, %get3A_189 : vector<16xf32>
      %add3A_384 = arith.addf %add3A_379, %mul3A_383 : vector<16xf32>
      %slice3A_385 = vector.extract_strided_slice %max3A_336 {offsets = [10], sizes = [1], strides = [1]} : vector<16xf32> to vector<1xf32>
      %squeeze3A_386 = vector.extract %slice3A_385[0] : f32 from vector<1xf32>
      %mul3A_387 = vector.broadcast %squeeze3A_386 : f32 to vector<16xf32>
      %mul3A_388 = arith.mulf %mul3A_387, %get3A_194 : vector<16xf32>
      %add3A_389 = arith.addf %add3A_384, %mul3A_388 : vector<16xf32>
      %slice3A_390 = vector.extract_strided_slice %max3A_336 {offsets = [11], sizes = [1], strides = [1]} : vector<16xf32> to vector<1xf32>
      %squeeze3A_391 = vector.extract %slice3A_390[0] : f32 from vector<1xf32>
      %mul3A_392 = vector.broadcast %squeeze3A_391 : f32 to vector<16xf32>
      %mul3A_393 = arith.mulf %mul3A_392, %get3A_199 : vector<16xf32>
      %add3A_394 = arith.addf %add3A_389, %mul3A_393 : vector<16xf32>
      %slice3A_395 = vector.extract_strided_slice %max3A_336 {offsets = [12], sizes = [1], strides = [1]} : vector<16xf32> to vector<1xf32>
      %squeeze3A_396 = vector.extract %slice3A_395[0] : f32 from vector<1xf32>
      %mul3A_397 = vector.broadcast %squeeze3A_396 : f32 to vector<16xf32>
      %mul3A_398 = arith.mulf %mul3A_397, %get3A_204 : vector<16xf32>
      %add3A_399 = arith.addf %add3A_394, %mul3A_398 : vector<16xf32>
      %slice3A_400 = vector.extract_strided_slice %max3A_336 {offsets = [13], sizes = [1], strides = [1]} : vector<16xf32> to vector<1xf32>
      %squeeze3A_401 = vector.extract %slice3A_400[0] : f32 from vector<1xf32>
      %mul3A_402 = vector.broadcast %squeeze3A_401 : f32 to vector<16xf32>
      %mul3A_403 = arith.mulf %mul3A_402, %get3A_209 : vector<16xf32>
      %add3A_404 = arith.addf %add3A_399, %mul3A_403 : vector<16xf32>
      %slice3A_405 = vector.extract_strided_slice %max3A_336 {offsets = [14], sizes = [1], strides = [1]} : vector<16xf32> to vector<1xf32>
      %squeeze3A_406 = vector.extract %slice3A_405[0] : f32 from vector<1xf32>
      %mul3A_407 = vector.broadcast %squeeze3A_406 : f32 to vector<16xf32>
      %mul3A_408 = arith.mulf %mul3A_407, %get3A_214 : vector<16xf32>
      %add3A_409 = arith.addf %add3A_404, %mul3A_408 : vector<16xf32>
      %slice3A_410 = vector.extract_strided_slice %max3A_336 {offsets = [15], sizes = [1], strides = [1]} : vector<16xf32> to vector<1xf32>
      %squeeze3A_411 = vector.extract %slice3A_410[0] : f32 from vector<1xf32>
      %mul3A_412 = vector.broadcast %squeeze3A_411 : f32 to vector<16xf32>
      %mul3A_413 = arith.mulf %mul3A_412, %get3A_219 : vector<16xf32>
      %add3A_414 = arith.addf %add3A_409, %mul3A_413 : vector<16xf32>
      %get3A_415 = arith.index_cast %scan3A_328 : i32 to index
      %get3A_416 = arith.constant 0 : index
      %get3A_417 = tpu.vector_load %arg17[%get3A_415, %get3A_416] {strides = array<i32>} : memref<625x16xf32, #tpu.memory_space<vmem>>, vector<1x16xf32>,
      %get3A_418 = vector.shape_cast %get3A_417 : vector<1x16xf32> to vector<16xf32>
      %mul3A_419 = arith.mulf %add3A_414, %get3A_418 : vector<16xf32>
      %swap3A_420 = arith.index_cast %scan3A_328 : i32 to index
      %swap3A_421 = arith.constant 0 : index
      %swap3A_422 = tpu.vector_load %arg16[%swap3A_420, %swap3A_421] {strides = array<i32>} : memref<625x16xf32, #tpu.memory_space<vmem>>, vector<1x16xf32>,
      %swap3A_423 = vector.shape_cast %swap3A_422 : vector<1x16xf32> to vector<16xf32>
      %swap3A_424 = vector.shape_cast %mul3A_419 : vector<16xf32> to vector<1x16xf32>
      tpu.vector_store %arg16[%swap3A_420, %swap3A_421], %swap3A_424 {strides = array<i32>} : memref<625x16xf32, #tpu.memory_space<vmem>>, vector<1x16xf32>,
    }
    %scan3A_225 = arith.constant 625 : i32
    "tpu.region"() ({
      %run_scoped3A = tpu.sem_alloc : memref<!tpu.dma_semaphore, #tpu.memory_space<semaphore_mem>>
      %dma_start3A_328 = arith.constant 0 : i32
      %dma_start3A_329 = tpu.memref_slice %arg22[%mul3A_2, %dma_start3A_328] : memref<10000x16xf32, #tpu.memory_space<vmem_shared>> -> memref<625x16xf32, #tpu.memory_space<vmem_shared>>
      %dma_start3A_330 = arith.constant 0 : i32
      %dma_start3A_331 = tpu.memref_slice %arg22[%mul3A_2, %dma_start3A_330] : memref<10000x16xf32, #tpu.memory_space<vmem_shared>> -> memref<625x16xf32, #tpu.memory_space<vmem_shared>>
      tpu.enqueue_dma source(%arg16 : memref<625x16xf32, #tpu.memory_space<vmem>>) target(%dma_start3A_331 : memref<625x16xf32, #tpu.memory_space<vmem_shared>>) target_semaphore(%run_scoped3A : memref<!tpu.dma_semaphore, #tpu.memory_space<semaphore_mem>>)
      %dma_wait3A_332 = arith.constant 0 : i32
      %dma_wait3A_333 = tpu.memref_slice %arg22[%mul3A_2, %dma_wait3A_332] : memref<10000x16xf32, #tpu.memory_space<vmem_shared>> -> memref<625x16xf32, #tpu.memory_space<vmem_shared>>
      %dma_wait3A_334 = arith.constant 0 : i32
      %dma_wait3A_335 = tpu.memref_slice %arg22[%mul3A_2, %dma_wait3A_334] : memref<10000x16xf32, #tpu.memory_space<vmem_shared>> -> memref<625x16xf32, #tpu.memory_space<vmem_shared>>
      tpu.wait_dma2 semaphore(%run_scoped3A : memref<!tpu.dma_semaphore, #tpu.memory_space<semaphore_mem>>) src(%arg16 : memref<625x16xf32, #tpu.memory_space<vmem>>) dst(%dma_wait3A_335 : memref<625x16xf32, #tpu.memory_space<vmem_shared>>)
      tpu.yield
    }) : () -> ()
    %eq3A = arith.constant 0 : i32
    %eq3A_226 = arith.cmpi eq, %arg0, %eq3A : i32
    %convert_element_type3A = arith.extui %eq3A_226 : i1 to i32
    %cond3A = arith.constant 0 : i32
    %cond3A_227 = arith.cmpi ne, %convert_element_type3A, %cond3A : i32
    scf.if %cond3A_227 {
      "tpu.region"() ({
        %run_scoped3A = tpu.sem_alloc : memref<!tpu.dma_semaphore, #tpu.memory_space<semaphore_mem>>
        %dma_start3A_328 = arith.constant 0 : i32
        %dma_start3A_329 = tpu.memref_slice %arg9[%mul3A_2, %dma_start3A_328] : memref<10000x16xf32, #tpu.memory_space<hbm>> -> memref<625x16xf32, #tpu.memory_space<hbm>>
        %dma_start3A_330 = arith.constant 0 : i32
        %dma_start3A_331 = tpu.memref_slice %arg9[%mul3A_2, %dma_start3A_330] : memref<10000x16xf32, #tpu.memory_space<hbm>> -> memref<625x16xf32, #tpu.memory_space<hbm>>
        tpu.enqueue_dma source(%arg16 : memref<625x16xf32, #tpu.memory_space<vmem>>) target(%dma_start3A_331 : memref<625x16xf32, #tpu.memory_space<hbm>>) target_semaphore(%run_scoped3A : memref<!tpu.dma_semaphore, #tpu.memory_space<semaphore_mem>>)
        %dma_wait3A_332 = arith.constant 0 : i32
        %dma_wait3A_333 = tpu.memref_slice %arg9[%mul3A_2, %dma_wait3A_332] : memref<10000x16xf32, #tpu.memory_space<hbm>> -> memref<625x16xf32, #tpu.memory_space<hbm>>
        %dma_wait3A_334 = arith.constant 0 : i32
        %dma_wait3A_335 = tpu.memref_slice %arg9[%mul3A_2, %dma_wait3A_334] : memref<10000x16xf32, #tpu.memory_space<hbm>> -> memref<625x16xf32, #tpu.memory_space<hbm>>
        tpu.wait_dma2 semaphore(%run_scoped3A : memref<!tpu.dma_semaphore, #tpu.memory_space<semaphore_mem>>) src(%arg16 : memref<625x16xf32, #tpu.memory_space<vmem>>) dst(%dma_wait3A_335 : memref<625x16xf32, #tpu.memory_space<hbm>>)
        tpu.yield
      }) : () -> ()
    } else {
    }
    %scan3A_228 = arith.constant 0 : i32
    %scan3A_229 = arith.constant 0 : i32
    %scan3A_230 = arith.constant 625 : i32
    %scan3A_231 = arith.addi %scan3A_229, %scan3A_230 : i32
    %scan3A_232 = arith.constant 1 : i32
    scf.for %scan3A_328 = %scan3A_229 to %scan3A_231 step %scan3A_232  : i32 {
      %broadcast_in_dim3A_329 = arith.constant 0.000000e+00 : f32
      %broadcast_in_dim3A_330 = vector.broadcast %broadcast_in_dim3A_329 : f32 to vector<16xf32>
      %swap3A_331 = arith.index_cast %scan3A_328 : i32 to index
      %swap3A_332 = arith.constant 0 : index
      %swap3A_333 = tpu.vector_load %arg14[%swap3A_331, %swap3A_332] {strides = array<i32>} : memref<625x16xf32, #tpu.memory_space<vmem>>, vector<1x16xf32>,
      %swap3A_334 = vector.shape_cast %swap3A_333 : vector<1x16xf32> to vector<16xf32>
      %swap3A_335 = vector.shape_cast %broadcast_in_dim3A_330 : vector<16xf32> to vector<1x16xf32>
      tpu.vector_store %arg14[%swap3A_331, %swap3A_332], %swap3A_335 {strides = array<i32>} : memref<625x16xf32, #tpu.memory_space<vmem>>, vector<1x16xf32>,
    }
    %scan3A_233 = arith.constant 625 : i32
    %mul3A_234 = arith.constant 625 : i32
    %mul3A_235 = arith.muli %arg1, %mul3A_234 : i32
    "tpu.region"() ({
      %run_scoped3A = tpu.sem_alloc : memref<!tpu.dma_semaphore, #tpu.memory_space<semaphore_mem>>
      %dma_start3A_328 = arith.constant 0 : i32
      %dma_start3A_329 = tpu.memref_slice %arg23[%mul3A_235, %dma_start3A_328] : memref<10000x16xf32, #tpu.memory_space<vmem_shared>> -> memref<625x16xf32, #tpu.memory_space<vmem_shared>>
      %dma_start3A_330 = arith.constant 0 : i32
      %dma_start3A_331 = tpu.memref_slice %arg23[%mul3A_235, %dma_start3A_330] : memref<10000x16xf32, #tpu.memory_space<vmem_shared>> -> memref<625x16xf32, #tpu.memory_space<vmem_shared>>
      tpu.enqueue_dma source(%arg14 : memref<625x16xf32, #tpu.memory_space<vmem>>) target(%dma_start3A_331 : memref<625x16xf32, #tpu.memory_space<vmem_shared>>) target_semaphore(%run_scoped3A : memref<!tpu.dma_semaphore, #tpu.memory_space<semaphore_mem>>)
      %dma_wait3A_332 = arith.constant 0 : i32
      %dma_wait3A_333 = tpu.memref_slice %arg23[%mul3A_235, %dma_wait3A_332] : memref<10000x16xf32, #tpu.memory_space<vmem_shared>> -> memref<625x16xf32, #tpu.memory_space<vmem_shared>>
      %dma_wait3A_334 = arith.constant 0 : i32
      %dma_wait3A_335 = tpu.memref_slice %arg23[%mul3A_235, %dma_wait3A_334] : memref<10000x16xf32, #tpu.memory_space<vmem_shared>> -> memref<625x16xf32, #tpu.memory_space<vmem_shared>>
      tpu.wait_dma2 semaphore(%run_scoped3A : memref<!tpu.dma_semaphore, #tpu.memory_space<semaphore_mem>>) src(%arg14 : memref<625x16xf32, #tpu.memory_space<vmem>>) dst(%dma_wait3A_335 : memref<625x16xf32, #tpu.memory_space<vmem_shared>>)
      tpu.yield
    }) : () -> ()
    %mul3A_236 = arith.constant 125 : i32
    %mul3A_237 = arith.muli %add3A, %mul3A_236 : i32
    %dma_wait3A_238 = arith.constant 0 : i32
    %dma_wait3A_239 = tpu.memref_slice %arg2[%mul3A_237, %dma_wait3A_238] : memref<4000x80xi32, #tpu.memory_space<hbm>> -> memref<125x80xi32, #tpu.memory_space<hbm>>
    %dma_wait3A_240 = arith.constant 0 : i32
    %dma_wait3A_241 = tpu.memref_slice %arg2[%mul3A_237, %dma_wait3A_240] : memref<4000x80xi32, #tpu.memory_space<hbm>> -> memref<125x80xi32, #tpu.memory_space<hbm>>
    tpu.wait_dma2 semaphore(%arg26 : memref<!tpu.dma_semaphore, #tpu.memory_space<semaphore_mem>>) src(%dma_wait3A_241 : memref<125x80xi32, #tpu.memory_space<hbm>>) dst(%arg10 : memref<125x80xi32, #tpu.memory_space<vmem>>)
    %mul3A_242 = arith.constant 125 : i32
    %mul3A_243 = arith.muli %add3A, %mul3A_242 : i32
    %dma_wait3A_244 = arith.constant 0 : i32
    %dma_wait3A_245 = tpu.memref_slice %arg3[%mul3A_243, %dma_wait3A_244] : memref<4000x80xi32, #tpu.memory_space<hbm>> -> memref<125x80xi32, #tpu.memory_space<hbm>>
    %dma_wait3A_246 = arith.constant 0 : i32
    %dma_wait3A_247 = tpu.memref_slice %arg3[%mul3A_243, %dma_wait3A_246] : memref<4000x80xi32, #tpu.memory_space<hbm>> -> memref<125x80xi32, #tpu.memory_space<hbm>>
    tpu.wait_dma2 semaphore(%arg26 : memref<!tpu.dma_semaphore, #tpu.memory_space<semaphore_mem>>) src(%dma_wait3A_247 : memref<125x80xi32, #tpu.memory_space<hbm>>) dst(%arg11 : memref<125x80xi32, #tpu.memory_space<vmem>>)
    %barrier3A_248 = arith.constant 0 : index
    tpu.barrier barrier_id(%barrier3A_248)
    %scan3A_249 = arith.constant 0 : i32
    %scan3A_250 = arith.constant 0 : i32
    %scan3A_251 = arith.constant 25 : i32
    %scan3A_252 = arith.addi %scan3A_250, %scan3A_251 : i32
    %scan3A_253 = arith.constant 1 : i32
    scf.for %scan3A_328 = %scan3A_250 to %scan3A_252 step %scan3A_253  : i32 {
      %rem3A = arith.constant 2 : i32
      %rem3A_329 = arith.remsi %scan3A_328, %rem3A : i32
      %eq3A_330 = arith.constant 0 : i32
      %eq3A_331 = arith.cmpi eq, %rem3A_329, %eq3A_330 : i32
      %convert_element_type3A_332 = arith.extui %eq3A_331 : i1 to i32
      %cond3A_333 = arith.constant 0 : i32
      %cond3A_334 = arith.cmpi ne, %convert_element_type3A_332, %cond3A_333 : i32
      scf.if %cond3A_334 {
        %gt3A = arith.constant 1 : i32
        %gt3A_339 = arith.cmpi sgt, %scan3A_328, %gt3A : i32
        %convert_element_type3A_340 = arith.extui %gt3A_339 : i1 to i32
        %cond3A_341 = arith.constant 0 : i32
        %cond3A_342 = arith.cmpi ne, %convert_element_type3A_340, %cond3A_341 : i32
        scf.if %cond3A_342 {
          %dma_wait3A_413 = arith.constant 0 : i32
          %dma_wait3A_414 = arith.constant 0 : i32
          %dma_wait3A_415 = tpu.memref_slice %arg5[%dma_wait3A_413, %dma_wait3A_414] : memref<10000x16xf32, #tpu.memory_space<hbm>> -> memref<400x16xf32, #tpu.memory_space<hbm>>
          %dma_wait3A_416 = arith.constant 0 : i32
          %dma_wait3A_417 = arith.constant 0 : i32
          %dma_wait3A_418 = tpu.memref_slice %arg5[%dma_wait3A_416, %dma_wait3A_417] : memref<10000x16xf32, #tpu.memory_space<hbm>> -> memref<400x16xf32, #tpu.memory_space<hbm>>
          tpu.wait_dma2 semaphore(%arg27 : memref<!tpu.dma_semaphore, #tpu.memory_space<semaphore_mem>>) src(%dma_wait3A_418 : memref<400x16xf32, #tpu.memory_space<hbm>>) dst(%arg12 : memref<400x16xf32, #tpu.memory_space<vmem>>)
        } else {
        }
        %mul3A_343 = arith.constant 5 : i32
        %mul3A_344 = arith.muli %scan3A_328, %mul3A_343 : i32
        %add3A_345 = arith.constant 0 : i32
        %add3A_346 = arith.addi %mul3A_344, %add3A_345 : i32
        %dma_start3A_347 = arith.constant 0 : i32
        %dma_start3A_348 = arith.constant 0 : i32
        %dma_start3A_349 = tpu.memref_slice %arg12[%dma_start3A_347, %dma_start3A_348] : memref<400x16xf32, #tpu.memory_space<vmem>> -> memref<80x16xf32, #tpu.memory_space<vmem>>
        %dma_start3A_350 = arith.constant 0 : i32
        %dma_start3A_351 = tpu.memref_slice %arg10[%add3A_346, %dma_start3A_350] : memref<125x80xi32, #tpu.memory_space<vmem>> -> memref<1x80xi32, #tpu.memory_space<vmem>>
        %dma_start3A_352 = tpu.memref_squeeze %dma_start3A_351 : memref<1x80xi32, #tpu.memory_space<vmem>> -> memref<80xi32, #tpu.memory_space<vmem>>
        %dma_start3A_353 = arith.constant 0 : i32
        %dma_start3A_354 = arith.constant 0 : i32
        %dma_start3A_355 = tpu.memref_slice %arg22[%dma_start3A_353, %dma_start3A_354] : memref<10000x16xf32, #tpu.memory_space<vmem_shared>> -> memref<10000x16xf32, #tpu.memory_space<vmem_shared>>
        tpu.enqueue_indirect_dma source(%dma_start3A_355 : memref<10000x16xf32, #tpu.memory_space<vmem_shared>>) target(%dma_start3A_349 : memref<80x16xf32, #tpu.memory_space<vmem>>) offsets(%dma_start3A_352 : memref<80xi32, #tpu.memory_space<vmem>>) semaphore(%arg25 : memref<!tpu.dma_semaphore, #tpu.memory_space<semaphore_mem>>)
        %mul3A_356 = arith.constant 5 : i32
        %mul3A_357 = arith.muli %scan3A_328, %mul3A_356 : i32
        %add3A_358 = arith.constant 1 : i32
        %add3A_359 = arith.addi %mul3A_357, %add3A_358 : i32
        %dma_start3A_360 = arith.constant 80 : i32
        %dma_start3A_361 = arith.constant 0 : i32
        %dma_start3A_362 = tpu.memref_slice %arg12[%dma_start3A_360, %dma_start3A_361] : memref<400x16xf32, #tpu.memory_space<vmem>> -> memref<80x16xf32, #tpu.memory_space<vmem>>
        %dma_start3A_363 = arith.constant 0 : i32
        %dma_start3A_364 = tpu.memref_slice %arg10[%add3A_359, %dma_start3A_363] : memref<125x80xi32, #tpu.memory_space<vmem>> -> memref<1x80xi32, #tpu.memory_space<vmem>>
        %dma_start3A_365 = tpu.memref_squeeze %dma_start3A_364 : memref<1x80xi32, #tpu.memory_space<vmem>> -> memref<80xi32, #tpu.memory_space<vmem>>
        %dma_start3A_366 = arith.constant 0 : i32
        %dma_start3A_367 = arith.constant 0 : i32
        %dma_start3A_368 = tpu.memref_slice %arg22[%dma_start3A_366, %dma_start3A_367] : memref<10000x16xf32, #tpu.memory_space<vmem_shared>> -> memref<10000x16xf32, #tpu.memory_space<vmem_shared>>
        tpu.enqueue_indirect_dma source(%dma_start3A_368 : memref<10000x16xf32, #tpu.memory_space<vmem_shared>>) target(%dma_start3A_362 : memref<80x16xf32, #tpu.memory_space<vmem>>) offsets(%dma_start3A_365 : memref<80xi32, #tpu.memory_space<vmem>>) semaphore(%arg25 : memref<!tpu.dma_semaphore, #tpu.memory_space<semaphore_mem>>)
        %mul3A_369 = arith.constant 5 : i32
        %mul3A_370 = arith.muli %scan3A_328, %mul3A_369 : i32
        %add3A_371 = arith.constant 2 : i32
        %add3A_372 = arith.addi %mul3A_370, %add3A_371 : i32
        %dma_start3A_373 = arith.constant 160 : i32
        %dma_start3A_374 = arith.constant 0 : i32
        %dma_start3A_375 = tpu.memref_slice %arg12[%dma_start3A_373, %dma_start3A_374] : memref<400x16xf32, #tpu.memory_space<vmem>> -> memref<80x16xf32, #tpu.memory_space<vmem>>
        %dma_start3A_376 = arith.constant 0 : i32
        %dma_start3A_377 = tpu.memref_slice %arg10[%add3A_372, %dma_start3A_376] : memref<125x80xi32, #tpu.memory_space<vmem>> -> memref<1x80xi32, #tpu.memory_space<vmem>>
        %dma_start3A_378 = tpu.memref_squeeze %dma_start3A_377 : memref<1x80xi32, #tpu.memory_space<vmem>> -> memref<80xi32, #tpu.memory_space<vmem>>
        %dma_start3A_379 = arith.constant 0 : i32
        %dma_start3A_380 = arith.constant 0 : i32
        %dma_start3A_381 = tpu.memref_slice %arg22[%dma_start3A_379, %dma_start3A_380] : memref<10000x16xf32, #tpu.memory_space<vmem_shared>> -> memref<10000x16xf32, #tpu.memory_space<vmem_shared>>
        tpu.enqueue_indirect_dma source(%dma_start3A_381 : memref<10000x16xf32, #tpu.memory_space<vmem_shared>>) target(%dma_start3A_375 : memref<80x16xf32, #tpu.memory_space<vmem>>) offsets(%dma_start3A_378 : memref<80xi32, #tpu.memory_space<vmem>>) semaphore(%arg25 : memref<!tpu.dma_semaphore, #tpu.memory_space<semaphore_mem>>)
        %mul3A_382 = arith.constant 5 : i32
        %mul3A_383 = arith.muli %scan3A_328, %mul3A_382 : i32
        %add3A_384 = arith.constant 3 : i32
        %add3A_385 = arith.addi %mul3A_383, %add3A_384 : i32
        %dma_start3A_386 = arith.constant 240 : i32
        %dma_start3A_387 = arith.constant 0 : i32
        %dma_start3A_388 = tpu.memref_slice %arg12[%dma_start3A_386, %dma_start3A_387] : memref<400x16xf32, #tpu.memory_space<vmem>> -> memref<80x16xf32, #tpu.memory_space<vmem>>
        %dma_start3A_389 = arith.constant 0 : i32
        %dma_start3A_390 = tpu.memref_slice %arg10[%add3A_385, %dma_start3A_389] : memref<125x80xi32, #tpu.memory_space<vmem>> -> memref<1x80xi32, #tpu.memory_space<vmem>>
        %dma_start3A_391 = tpu.memref_squeeze %dma_start3A_390 : memref<1x80xi32, #tpu.memory_space<vmem>> -> memref<80xi32, #tpu.memory_space<vmem>>
        %dma_start3A_392 = arith.constant 0 : i32
        %dma_start3A_393 = arith.constant 0 : i32
        %dma_start3A_394 = tpu.memref_slice %arg22[%dma_start3A_392, %dma_start3A_393] : memref<10000x16xf32, #tpu.memory_space<vmem_shared>> -> memref<10000x16xf32, #tpu.memory_space<vmem_shared>>
        tpu.enqueue_indirect_dma source(%dma_start3A_394 : memref<10000x16xf32, #tpu.memory_space<vmem_shared>>) target(%dma_start3A_388 : memref<80x16xf32, #tpu.memory_space<vmem>>) offsets(%dma_start3A_391 : memref<80xi32, #tpu.memory_space<vmem>>) semaphore(%arg25 : memref<!tpu.dma_semaphore, #tpu.memory_space<semaphore_mem>>)
        %mul3A_395 = arith.constant 5 : i32
        %mul3A_396 = arith.muli %scan3A_328, %mul3A_395 : i32
        %add3A_397 = arith.constant 4 : i32
        %add3A_398 = arith.addi %mul3A_396, %add3A_397 : i32
        %dma_start3A_399 = arith.constant 320 : i32
        %dma_start3A_400 = arith.constant 0 : i32
        %dma_start3A_401 = tpu.memref_slice %arg12[%dma_start3A_399, %dma_start3A_400] : memref<400x16xf32, #tpu.memory_space<vmem>> -> memref<80x16xf32, #tpu.memory_space<vmem>>
        %dma_start3A_402 = arith.constant 0 : i32
        %dma_start3A_403 = tpu.memref_slice %arg10[%add3A_398, %dma_start3A_402] : memref<125x80xi32, #tpu.memory_space<vmem>> -> memref<1x80xi32, #tpu.memory_space<vmem>>
        %dma_start3A_404 = tpu.memref_squeeze %dma_start3A_403 : memref<1x80xi32, #tpu.memory_space<vmem>> -> memref<80xi32, #tpu.memory_space<vmem>>
        %dma_start3A_405 = arith.constant 0 : i32
        %dma_start3A_406 = arith.constant 0 : i32
        %dma_start3A_407 = tpu.memref_slice %arg22[%dma_start3A_405, %dma_start3A_406] : memref<10000x16xf32, #tpu.memory_space<vmem_shared>> -> memref<10000x16xf32, #tpu.memory_space<vmem_shared>>
        tpu.enqueue_indirect_dma source(%dma_start3A_407 : memref<10000x16xf32, #tpu.memory_space<vmem_shared>>) target(%dma_start3A_401 : memref<80x16xf32, #tpu.memory_space<vmem>>) offsets(%dma_start3A_404 : memref<80xi32, #tpu.memory_space<vmem>>) semaphore(%arg25 : memref<!tpu.dma_semaphore, #tpu.memory_space<semaphore_mem>>)
        %gt3A_408 = arith.constant 0 : i32
        %gt3A_409 = arith.cmpi sgt, %scan3A_328, %gt3A_408 : i32
        %convert_element_type3A_410 = arith.extui %gt3A_409 : i1 to i32
        %cond3A_411 = arith.constant 0 : i32
        %cond3A_412 = arith.cmpi ne, %convert_element_type3A_410, %cond3A_411 : i32
        scf.if %cond3A_412 {
          %dma_wait3A_413 = arith.constant 0 : i32
          %dma_wait3A_414 = arith.constant 0 : i32
          %dma_wait3A_415 = tpu.memref_slice %arg5[%dma_wait3A_413, %dma_wait3A_414] : memref<10000x16xf32, #tpu.memory_space<hbm>> -> memref<400x16xf32, #tpu.memory_space<hbm>>
          %dma_wait3A_416 = arith.constant 0 : i32
          %dma_wait3A_417 = arith.constant 0 : i32
          %dma_wait3A_418 = tpu.memref_slice %arg5[%dma_wait3A_416, %dma_wait3A_417] : memref<10000x16xf32, #tpu.memory_space<hbm>> -> memref<400x16xf32, #tpu.memory_space<hbm>>
          tpu.wait_dma2 semaphore(%arg26 : memref<!tpu.dma_semaphore, #tpu.memory_space<semaphore_mem>>) src(%dma_wait3A_418 : memref<400x16xf32, #tpu.memory_space<hbm>>) dst(%arg13 : memref<400x16xf32, #tpu.memory_space<vmem>>)
          %sub3A_419 = arith.constant 1 : i32
          %sub3A_420 = arith.subi %scan3A_328, %sub3A_419 : i32
          %mul3A_421 = arith.constant 5 : i32
          %mul3A_422 = arith.muli %sub3A_420, %mul3A_421 : i32
          %add3A_423 = arith.constant 0 : i32
          %add3A_424 = arith.addi %mul3A_422, %add3A_423 : i32
          %dma_start3A_425 = arith.constant 0 : i32
          %dma_start3A_426 = arith.constant 0 : i32
          %dma_start3A_427 = tpu.memref_slice %arg13[%dma_start3A_425, %dma_start3A_426] : memref<400x16xf32, #tpu.memory_space<vmem>> -> memref<80x16xf32, #tpu.memory_space<vmem>>
          %dma_start3A_428 = arith.constant 0 : i32
          %dma_start3A_429 = tpu.memref_slice %arg11[%add3A_424, %dma_start3A_428] : memref<125x80xi32, #tpu.memory_space<vmem>> -> memref<1x80xi32, #tpu.memory_space<vmem>>
          %dma_start3A_430 = tpu.memref_squeeze %dma_start3A_429 : memref<1x80xi32, #tpu.memory_space<vmem>> -> memref<80xi32, #tpu.memory_space<vmem>>
          %dma_start3A_431 = arith.constant 0 : i32
          %dma_start3A_432 = arith.constant 0 : i32
          %dma_start3A_433 = tpu.memref_slice %arg23[%dma_start3A_431, %dma_start3A_432] : memref<10000x16xf32, #tpu.memory_space<vmem_shared>> -> memref<10000x16xf32, #tpu.memory_space<vmem_shared>>
          tpu.enqueue_indirect_dma source(%dma_start3A_427 : memref<80x16xf32, #tpu.memory_space<vmem>>) target(%dma_start3A_433 : memref<10000x16xf32, #tpu.memory_space<vmem_shared>>) offsets(%dma_start3A_430 : memref<80xi32, #tpu.memory_space<vmem>>) semaphore(%arg28 : memref<!tpu.dma_semaphore, #tpu.memory_space<semaphore_mem>>) {add = true}
          %mul3A_434 = arith.constant 5 : i32
          %mul3A_435 = arith.muli %sub3A_420, %mul3A_434 : i32
          %add3A_436 = arith.constant 1 : i32
          %add3A_437 = arith.addi %mul3A_435, %add3A_436 : i32
          %dma_start3A_438 = arith.constant 80 : i32
          %dma_start3A_439 = arith.constant 0 : i32
          %dma_start3A_440 = tpu.memref_slice %arg13[%dma_start3A_438, %dma_start3A_439] : memref<400x16xf32, #tpu.memory_space<vmem>> -> memref<80x16xf32, #tpu.memory_space<vmem>>
          %dma_start3A_441 = arith.constant 0 : i32
          %dma_start3A_442 = tpu.memref_slice %arg11[%add3A_437, %dma_start3A_441] : memref<125x80xi32, #tpu.memory_space<vmem>> -> memref<1x80xi32, #tpu.memory_space<vmem>>
          %dma_start3A_443 = tpu.memref_squeeze %dma_start3A_442 : memref<1x80xi32, #tpu.memory_space<vmem>> -> memref<80xi32, #tpu.memory_space<vmem>>
          %dma_start3A_444 = arith.constant 0 : i32
          %dma_start3A_445 = arith.constant 0 : i32
          %dma_start3A_446 = tpu.memref_slice %arg23[%dma_start3A_444, %dma_start3A_445] : memref<10000x16xf32, #tpu.memory_space<vmem_shared>> -> memref<10000x16xf32, #tpu.memory_space<vmem_shared>>
          tpu.enqueue_indirect_dma source(%dma_start3A_440 : memref<80x16xf32, #tpu.memory_space<vmem>>) target(%dma_start3A_446 : memref<10000x16xf32, #tpu.memory_space<vmem_shared>>) offsets(%dma_start3A_443 : memref<80xi32, #tpu.memory_space<vmem>>) semaphore(%arg28 : memref<!tpu.dma_semaphore, #tpu.memory_space<semaphore_mem>>) {add = true}
          %mul3A_447 = arith.constant 5 : i32
          %mul3A_448 = arith.muli %sub3A_420, %mul3A_447 : i32
          %add3A_449 = arith.constant 2 : i32
          %add3A_450 = arith.addi %mul3A_448, %add3A_449 : i32
          %dma_start3A_451 = arith.constant 160 : i32
          %dma_start3A_452 = arith.constant 0 : i32
          %dma_start3A_453 = tpu.memref_slice %arg13[%dma_start3A_451, %dma_start3A_452] : memref<400x16xf32, #tpu.memory_space<vmem>> -> memref<80x16xf32, #tpu.memory_space<vmem>>
          %dma_start3A_454 = arith.constant 0 : i32
          %dma_start3A_455 = tpu.memref_slice %arg11[%add3A_450, %dma_start3A_454] : memref<125x80xi32, #tpu.memory_space<vmem>> -> memref<1x80xi32, #tpu.memory_space<vmem>>
          %dma_start3A_456 = tpu.memref_squeeze %dma_start3A_455 : memref<1x80xi32, #tpu.memory_space<vmem>> -> memref<80xi32, #tpu.memory_space<vmem>>
          %dma_start3A_457 = arith.constant 0 : i32
          %dma_start3A_458 = arith.constant 0 : i32
          %dma_start3A_459 = tpu.memref_slice %arg23[%dma_start3A_457, %dma_start3A_458] : memref<10000x16xf32, #tpu.memory_space<vmem_shared>> -> memref<10000x16xf32, #tpu.memory_space<vmem_shared>>
          tpu.enqueue_indirect_dma source(%dma_start3A_453 : memref<80x16xf32, #tpu.memory_space<vmem>>) target(%dma_start3A_459 : memref<10000x16xf32, #tpu.memory_space<vmem_shared>>) offsets(%dma_start3A_456 : memref<80xi32, #tpu.memory_space<vmem>>) semaphore(%arg28 : memref<!tpu.dma_semaphore, #tpu.memory_space<semaphore_mem>>) {add = true}
          %mul3A_460 = arith.constant 5 : i32
          %mul3A_461 = arith.muli %sub3A_420, %mul3A_460 : i32
          %add3A_462 = arith.constant 3 : i32
          %add3A_463 = arith.addi %mul3A_461, %add3A_462 : i32
          %dma_start3A_464 = arith.constant 240 : i32
          %dma_start3A_465 = arith.constant 0 : i32
          %dma_start3A_466 = tpu.memref_slice %arg13[%dma_start3A_464, %dma_start3A_465] : memref<400x16xf32, #tpu.memory_space<vmem>> -> memref<80x16xf32, #tpu.memory_space<vmem>>
          %dma_start3A_467 = arith.constant 0 : i32
          %dma_start3A_468 = tpu.memref_slice %arg11[%add3A_463, %dma_start3A_467] : memref<125x80xi32, #tpu.memory_space<vmem>> -> memref<1x80xi32, #tpu.memory_space<vmem>>
          %dma_start3A_469 = tpu.memref_squeeze %dma_start3A_468 : memref<1x80xi32, #tpu.memory_space<vmem>> -> memref<80xi32, #tpu.memory_space<vmem>>
          %dma_start3A_470 = arith.constant 0 : i32
          %dma_start3A_471 = arith.constant 0 : i32
          %dma_start3A_472 = tpu.memref_slice %arg23[%dma_start3A_470, %dma_start3A_471] : memref<10000x16xf32, #tpu.memory_space<vmem_shared>> -> memref<10000x16xf32, #tpu.memory_space<vmem_shared>>
          tpu.enqueue_indirect_dma source(%dma_start3A_466 : memref<80x16xf32, #tpu.memory_space<vmem>>) target(%dma_start3A_472 : memref<10000x16xf32, #tpu.memory_space<vmem_shared>>) offsets(%dma_start3A_469 : memref<80xi32, #tpu.memory_space<vmem>>) semaphore(%arg28 : memref<!tpu.dma_semaphore, #tpu.memory_space<semaphore_mem>>) {add = true}
          %mul3A_473 = arith.constant 5 : i32
          %mul3A_474 = arith.muli %sub3A_420, %mul3A_473 : i32
          %add3A_475 = arith.constant 4 : i32
          %add3A_476 = arith.addi %mul3A_474, %add3A_475 : i32
          %dma_start3A_477 = arith.constant 320 : i32
          %dma_start3A_478 = arith.constant 0 : i32
          %dma_start3A_479 = tpu.memref_slice %arg13[%dma_start3A_477, %dma_start3A_478] : memref<400x16xf32, #tpu.memory_space<vmem>> -> memref<80x16xf32, #tpu.memory_space<vmem>>
          %dma_start3A_480 = arith.constant 0 : i32
          %dma_start3A_481 = tpu.memref_slice %arg11[%add3A_476, %dma_start3A_480] : memref<125x80xi32, #tpu.memory_space<vmem>> -> memref<1x80xi32, #tpu.memory_space<vmem>>
          %dma_start3A_482 = tpu.memref_squeeze %dma_start3A_481 : memref<1x80xi32, #tpu.memory_space<vmem>> -> memref<80xi32, #tpu.memory_space<vmem>>
          %dma_start3A_483 = arith.constant 0 : i32
          %dma_start3A_484 = arith.constant 0 : i32
          %dma_start3A_485 = tpu.memref_slice %arg23[%dma_start3A_483, %dma_start3A_484] : memref<10000x16xf32, #tpu.memory_space<vmem_shared>> -> memref<10000x16xf32, #tpu.memory_space<vmem_shared>>
          tpu.enqueue_indirect_dma source(%dma_start3A_479 : memref<80x16xf32, #tpu.memory_space<vmem>>) target(%dma_start3A_485 : memref<10000x16xf32, #tpu.memory_space<vmem_shared>>) offsets(%dma_start3A_482 : memref<80xi32, #tpu.memory_space<vmem>>) semaphore(%arg28 : memref<!tpu.dma_semaphore, #tpu.memory_space<semaphore_mem>>) {add = true}
        } else {
        }
      } else {
      }
      %not3A = arith.constant true
      %not3A_335 = arith.xori %eq3A_331, %not3A : i1
      %convert_element_type3A_336 = arith.extui %not3A_335 : i1 to i32
      %cond3A_337 = arith.constant 0 : i32
      %cond3A_338 = arith.cmpi ne, %convert_element_type3A_336, %cond3A_337 : i32
      scf.if %cond3A_338 {
        %gt3A = arith.constant 1 : i32
        %gt3A_339 = arith.cmpi sgt, %scan3A_328, %gt3A : i32
        %convert_element_type3A_340 = arith.extui %gt3A_339 : i1 to i32
        %cond3A_341 = arith.constant 0 : i32
        %cond3A_342 = arith.cmpi ne, %convert_element_type3A_340, %cond3A_341 : i32
        scf.if %cond3A_342 {
          %dma_wait3A_481 = arith.constant 0 : i32
          %dma_wait3A_482 = arith.constant 0 : i32
          %dma_wait3A_483 = tpu.memref_slice %arg5[%dma_wait3A_481, %dma_wait3A_482] : memref<10000x16xf32, #tpu.memory_space<hbm>> -> memref<400x16xf32, #tpu.memory_space<hbm>>
          %dma_wait3A_484 = arith.constant 0 : i32
          %dma_wait3A_485 = arith.constant 0 : i32
          %dma_wait3A_486 = tpu.memref_slice %arg5[%dma_wait3A_484, %dma_wait3A_485] : memref<10000x16xf32, #tpu.memory_space<hbm>> -> memref<400x16xf32, #tpu.memory_space<hbm>>
          tpu.wait_dma2 semaphore(%arg28 : memref<!tpu.dma_semaphore, #tpu.memory_space<semaphore_mem>>) src(%dma_wait3A_486 : memref<400x16xf32, #tpu.memory_space<hbm>>) dst(%arg13 : memref<400x16xf32, #tpu.memory_space<vmem>>)
        } else {
        }
        %mul3A_343 = arith.constant 5 : i32
        %mul3A_344 = arith.muli %scan3A_328, %mul3A_343 : i32
        %add3A_345 = arith.constant 0 : i32
        %add3A_346 = arith.addi %mul3A_344, %add3A_345 : i32
        %dma_start3A_347 = arith.constant 0 : i32
        %dma_start3A_348 = arith.constant 0 : i32
        %dma_start3A_349 = tpu.memref_slice %arg13[%dma_start3A_347, %dma_start3A_348] : memref<400x16xf32, #tpu.memory_space<vmem>> -> memref<80x16xf32, #tpu.memory_space<vmem>>
        %dma_start3A_350 = arith.constant 0 : i32
        %dma_start3A_351 = tpu.memref_slice %arg10[%add3A_346, %dma_start3A_350] : memref<125x80xi32, #tpu.memory_space<vmem>> -> memref<1x80xi32, #tpu.memory_space<vmem>>
        %dma_start3A_352 = tpu.memref_squeeze %dma_start3A_351 : memref<1x80xi32, #tpu.memory_space<vmem>> -> memref<80xi32, #tpu.memory_space<vmem>>
        %dma_start3A_353 = arith.constant 0 : i32
        %dma_start3A_354 = arith.constant 0 : i32
        %dma_start3A_355 = tpu.memref_slice %arg22[%dma_start3A_353, %dma_start3A_354] : memref<10000x16xf32, #tpu.memory_space<vmem_shared>> -> memref<10000x16xf32, #tpu.memory_space<vmem_shared>>
        tpu.enqueue_indirect_dma source(%dma_start3A_355 : memref<10000x16xf32, #tpu.memory_space<vmem_shared>>) target(%dma_start3A_349 : memref<80x16xf32, #tpu.memory_space<vmem>>) offsets(%dma_start3A_352 : memref<80xi32, #tpu.memory_space<vmem>>) semaphore(%arg26 : memref<!tpu.dma_semaphore, #tpu.memory_space<semaphore_mem>>)
        %mul3A_356 = arith.constant 5 : i32
        %mul3A_357 = arith.muli %scan3A_328, %mul3A_356 : i32
        %add3A_358 = arith.constant 1 : i32
        %add3A_359 = arith.addi %mul3A_357, %add3A_358 : i32
        %dma_start3A_360 = arith.constant 80 : i32
        %dma_start3A_361 = arith.constant 0 : i32
        %dma_start3A_362 = tpu.memref_slice %arg13[%dma_start3A_360, %dma_start3A_361] : memref<400x16xf32, #tpu.memory_space<vmem>> -> memref<80x16xf32, #tpu.memory_space<vmem>>
        %dma_start3A_363 = arith.constant 0 : i32
        %dma_start3A_364 = tpu.memref_slice %arg10[%add3A_359, %dma_start3A_363] : memref<125x80xi32, #tpu.memory_space<vmem>> -> memref<1x80xi32, #tpu.memory_space<vmem>>
        %dma_start3A_365 = tpu.memref_squeeze %dma_start3A_364 : memref<1x80xi32, #tpu.memory_space<vmem>> -> memref<80xi32, #tpu.memory_space<vmem>>
        %dma_start3A_366 = arith.constant 0 : i32
        %dma_start3A_367 = arith.constant 0 : i32
        %dma_start3A_368 = tpu.memref_slice %arg22[%dma_start3A_366, %dma_start3A_367] : memref<10000x16xf32, #tpu.memory_space<vmem_shared>> -> memref<10000x16xf32, #tpu.memory_space<vmem_shared>>
        tpu.enqueue_indirect_dma source(%dma_start3A_368 : memref<10000x16xf32, #tpu.memory_space<vmem_shared>>) target(%dma_start3A_362 : memref<80x16xf32, #tpu.memory_space<vmem>>) offsets(%dma_start3A_365 : memref<80xi32, #tpu.memory_space<vmem>>) semaphore(%arg26 : memref<!tpu.dma_semaphore, #tpu.memory_space<semaphore_mem>>)
        %mul3A_369 = arith.constant 5 : i32
        %mul3A_370 = arith.muli %scan3A_328, %mul3A_369 : i32
        %add3A_371 = arith.constant 2 : i32
        %add3A_372 = arith.addi %mul3A_370, %add3A_371 : i32
        %dma_start3A_373 = arith.constant 160 : i32
        %dma_start3A_374 = arith.constant 0 : i32
        %dma_start3A_375 = tpu.memref_slice %arg13[%dma_start3A_373, %dma_start3A_374] : memref<400x16xf32, #tpu.memory_space<vmem>> -> memref<80x16xf32, #tpu.memory_space<vmem>>
        %dma_start3A_376 = arith.constant 0 : i32
        %dma_start3A_377 = tpu.memref_slice %arg10[%add3A_372, %dma_start3A_376] : memref<125x80xi32, #tpu.memory_space<vmem>> -> memref<1x80xi32, #tpu.memory_space<vmem>>
        %dma_start3A_378 = tpu.memref_squeeze %dma_start3A_377 : memref<1x80xi32, #tpu.memory_space<vmem>> -> memref<80xi32, #tpu.memory_space<vmem>>
        %dma_start3A_379 = arith.constant 0 : i32
        %dma_start3A_380 = arith.constant 0 : i32
        %dma_start3A_381 = tpu.memref_slice %arg22[%dma_start3A_379, %dma_start3A_380] : memref<10000x16xf32, #tpu.memory_space<vmem_shared>> -> memref<10000x16xf32, #tpu.memory_space<vmem_shared>>
        tpu.enqueue_indirect_dma source(%dma_start3A_381 : memref<10000x16xf32, #tpu.memory_space<vmem_shared>>) target(%dma_start3A_375 : memref<80x16xf32, #tpu.memory_space<vmem>>) offsets(%dma_start3A_378 : memref<80xi32, #tpu.memory_space<vmem>>) semaphore(%arg26 : memref<!tpu.dma_semaphore, #tpu.memory_space<semaphore_mem>>)
        %mul3A_382 = arith.constant 5 : i32
        %mul3A_383 = arith.muli %scan3A_328, %mul3A_382 : i32
        %add3A_384 = arith.constant 3 : i32
        %add3A_385 = arith.addi %mul3A_383, %add3A_384 : i32
        %dma_start3A_386 = arith.constant 240 : i32
        %dma_start3A_387 = arith.constant 0 : i32
        %dma_start3A_388 = tpu.memref_slice %arg13[%dma_start3A_386, %dma_start3A_387] : memref<400x16xf32, #tpu.memory_space<vmem>> -> memref<80x16xf32, #tpu.memory_space<vmem>>
        %dma_start3A_389 = arith.constant 0 : i32
        %dma_start3A_390 = tpu.memref_slice %arg10[%add3A_385, %dma_start3A_389] : memref<125x80xi32, #tpu.memory_space<vmem>> -> memref<1x80xi32, #tpu.memory_space<vmem>>
        %dma_start3A_391 = tpu.memref_squeeze %dma_start3A_390 : memref<1x80xi32, #tpu.memory_space<vmem>> -> memref<80xi32, #tpu.memory_space<vmem>>
        %dma_start3A_392 = arith.constant 0 : i32
        %dma_start3A_393 = arith.constant 0 : i32
        %dma_start3A_394 = tpu.memref_slice %arg22[%dma_start3A_392, %dma_start3A_393] : memref<10000x16xf32, #tpu.memory_space<vmem_shared>> -> memref<10000x16xf32, #tpu.memory_space<vmem_shared>>
        tpu.enqueue_indirect_dma source(%dma_start3A_394 : memref<10000x16xf32, #tpu.memory_space<vmem_shared>>) target(%dma_start3A_388 : memref<80x16xf32, #tpu.memory_space<vmem>>) offsets(%dma_start3A_391 : memref<80xi32, #tpu.memory_space<vmem>>) semaphore(%arg26 : memref<!tpu.dma_semaphore, #tpu.memory_space<semaphore_mem>>)
        %mul3A_395 = arith.constant 5 : i32
        %mul3A_396 = arith.muli %scan3A_328, %mul3A_395 : i32
        %add3A_397 = arith.constant 4 : i32
        %add3A_398 = arith.addi %mul3A_396, %add3A_397 : i32
        %dma_start3A_399 = arith.constant 320 : i32
        %dma_start3A_400 = arith.constant 0 : i32
        %dma_start3A_401 = tpu.memref_slice %arg13[%dma_start3A_399, %dma_start3A_400] : memref<400x16xf32, #tpu.memory_space<vmem>> -> memref<80x16xf32, #tpu.memory_space<vmem>>
        %dma_start3A_402 = arith.constant 0 : i32
        %dma_start3A_403 = tpu.memref_slice %arg10[%add3A_398, %dma_start3A_402] : memref<125x80xi32, #tpu.memory_space<vmem>> -> memref<1x80xi32, #tpu.memory_space<vmem>>
        %dma_start3A_404 = tpu.memref_squeeze %dma_start3A_403 : memref<1x80xi32, #tpu.memory_space<vmem>> -> memref<80xi32, #tpu.memory_space<vmem>>
        %dma_start3A_405 = arith.constant 0 : i32
        %dma_start3A_406 = arith.constant 0 : i32
        %dma_start3A_407 = tpu.memref_slice %arg22[%dma_start3A_405, %dma_start3A_406] : memref<10000x16xf32, #tpu.memory_space<vmem_shared>> -> memref<10000x16xf32, #tpu.memory_space<vmem_shared>>
        tpu.enqueue_indirect_dma source(%dma_start3A_407 : memref<10000x16xf32, #tpu.memory_space<vmem_shared>>) target(%dma_start3A_401 : memref<80x16xf32, #tpu.memory_space<vmem>>) offsets(%dma_start3A_404 : memref<80xi32, #tpu.memory_space<vmem>>) semaphore(%arg26 : memref<!tpu.dma_semaphore, #tpu.memory_space<semaphore_mem>>)
        %dma_wait3A_408 = arith.constant 0 : i32
        %dma_wait3A_409 = arith.constant 0 : i32
        %dma_wait3A_410 = tpu.memref_slice %arg5[%dma_wait3A_408, %dma_wait3A_409] : memref<10000x16xf32, #tpu.memory_space<hbm>> -> memref<400x16xf32, #tpu.memory_space<hbm>>
        %dma_wait3A_411 = arith.constant 0 : i32
        %dma_wait3A_412 = arith.constant 0 : i32
        %dma_wait3A_413 = tpu.memref_slice %arg5[%dma_wait3A_411, %dma_wait3A_412] : memref<10000x16xf32, #tpu.memory_space<hbm>> -> memref<400x16xf32, #tpu.memory_space<hbm>>
        tpu.wait_dma2 semaphore(%arg25 : memref<!tpu.dma_semaphore, #tpu.memory_space<semaphore_mem>>) src(%dma_wait3A_413 : memref<400x16xf32, #tpu.memory_space<hbm>>) dst(%arg12 : memref<400x16xf32, #tpu.memory_space<vmem>>)
        %sub3A_414 = arith.constant 1 : i32
        %sub3A_415 = arith.subi %scan3A_328, %sub3A_414 : i32
        %mul3A_416 = arith.constant 5 : i32
        %mul3A_417 = arith.muli %sub3A_415, %mul3A_416 : i32
        %add3A_418 = arith.constant 0 : i32
        %add3A_419 = arith.addi %mul3A_417, %add3A_418 : i32
        %dma_start3A_420 = arith.constant 0 : i32
        %dma_start3A_421 = arith.constant 0 : i32
        %dma_start3A_422 = tpu.memref_slice %arg12[%dma_start3A_420, %dma_start3A_421] : memref<400x16xf32, #tpu.memory_space<vmem>> -> memref<80x16xf32, #tpu.memory_space<vmem>>
        %dma_start3A_423 = arith.constant 0 : i32
        %dma_start3A_424 = tpu.memref_slice %arg11[%add3A_419, %dma_start3A_423] : memref<125x80xi32, #tpu.memory_space<vmem>> -> memref<1x80xi32, #tpu.memory_space<vmem>>
        %dma_start3A_425 = tpu.memref_squeeze %dma_start3A_424 : memref<1x80xi32, #tpu.memory_space<vmem>> -> memref<80xi32, #tpu.memory_space<vmem>>
        %dma_start3A_426 = arith.constant 0 : i32
        %dma_start3A_427 = arith.constant 0 : i32
        %dma_start3A_428 = tpu.memref_slice %arg23[%dma_start3A_426, %dma_start3A_427] : memref<10000x16xf32, #tpu.memory_space<vmem_shared>> -> memref<10000x16xf32, #tpu.memory_space<vmem_shared>>
        tpu.enqueue_indirect_dma source(%dma_start3A_422 : memref<80x16xf32, #tpu.memory_space<vmem>>) target(%dma_start3A_428 : memref<10000x16xf32, #tpu.memory_space<vmem_shared>>) offsets(%dma_start3A_425 : memref<80xi32, #tpu.memory_space<vmem>>) semaphore(%arg27 : memref<!tpu.dma_semaphore, #tpu.memory_space<semaphore_mem>>) {add = true}
        %mul3A_429 = arith.constant 5 : i32
        %mul3A_430 = arith.muli %sub3A_415, %mul3A_429 : i32
        %add3A_431 = arith.constant 1 : i32
        %add3A_432 = arith.addi %mul3A_430, %add3A_431 : i32
        %dma_start3A_433 = arith.constant 80 : i32
        %dma_start3A_434 = arith.constant 0 : i32
        %dma_start3A_435 = tpu.memref_slice %arg12[%dma_start3A_433, %dma_start3A_434] : memref<400x16xf32, #tpu.memory_space<vmem>> -> memref<80x16xf32, #tpu.memory_space<vmem>>
        %dma_start3A_436 = arith.constant 0 : i32
        %dma_start3A_437 = tpu.memref_slice %arg11[%add3A_432, %dma_start3A_436] : memref<125x80xi32, #tpu.memory_space<vmem>> -> memref<1x80xi32, #tpu.memory_space<vmem>>
        %dma_start3A_438 = tpu.memref_squeeze %dma_start3A_437 : memref<1x80xi32, #tpu.memory_space<vmem>> -> memref<80xi32, #tpu.memory_space<vmem>>
        %dma_start3A_439 = arith.constant 0 : i32
        %dma_start3A_440 = arith.constant 0 : i32
        %dma_start3A_441 = tpu.memref_slice %arg23[%dma_start3A_439, %dma_start3A_440] : memref<10000x16xf32, #tpu.memory_space<vmem_shared>> -> memref<10000x16xf32, #tpu.memory_space<vmem_shared>>
        tpu.enqueue_indirect_dma source(%dma_start3A_435 : memref<80x16xf32, #tpu.memory_space<vmem>>) target(%dma_start3A_441 : memref<10000x16xf32, #tpu.memory_space<vmem_shared>>) offsets(%dma_start3A_438 : memref<80xi32, #tpu.memory_space<vmem>>) semaphore(%arg27 : memref<!tpu.dma_semaphore, #tpu.memory_space<semaphore_mem>>) {add = true}
        %mul3A_442 = arith.constant 5 : i32
        %mul3A_443 = arith.muli %sub3A_415, %mul3A_442 : i32
        %add3A_444 = arith.constant 2 : i32
        %add3A_445 = arith.addi %mul3A_443, %add3A_444 : i32
        %dma_start3A_446 = arith.constant 160 : i32
        %dma_start3A_447 = arith.constant 0 : i32
        %dma_start3A_448 = tpu.memref_slice %arg12[%dma_start3A_446, %dma_start3A_447] : memref<400x16xf32, #tpu.memory_space<vmem>> -> memref<80x16xf32, #tpu.memory_space<vmem>>
        %dma_start3A_449 = arith.constant 0 : i32
        %dma_start3A_450 = tpu.memref_slice %arg11[%add3A_445, %dma_start3A_449] : memref<125x80xi32, #tpu.memory_space<vmem>> -> memref<1x80xi32, #tpu.memory_space<vmem>>
        %dma_start3A_451 = tpu.memref_squeeze %dma_start3A_450 : memref<1x80xi32, #tpu.memory_space<vmem>> -> memref<80xi32, #tpu.memory_space<vmem>>
        %dma_start3A_452 = arith.constant 0 : i32
        %dma_start3A_453 = arith.constant 0 : i32
        %dma_start3A_454 = tpu.memref_slice %arg23[%dma_start3A_452, %dma_start3A_453] : memref<10000x16xf32, #tpu.memory_space<vmem_shared>> -> memref<10000x16xf32, #tpu.memory_space<vmem_shared>>
        tpu.enqueue_indirect_dma source(%dma_start3A_448 : memref<80x16xf32, #tpu.memory_space<vmem>>) target(%dma_start3A_454 : memref<10000x16xf32, #tpu.memory_space<vmem_shared>>) offsets(%dma_start3A_451 : memref<80xi32, #tpu.memory_space<vmem>>) semaphore(%arg27 : memref<!tpu.dma_semaphore, #tpu.memory_space<semaphore_mem>>) {add = true}
        %mul3A_455 = arith.constant 5 : i32
        %mul3A_456 = arith.muli %sub3A_415, %mul3A_455 : i32
        %add3A_457 = arith.constant 3 : i32
        %add3A_458 = arith.addi %mul3A_456, %add3A_457 : i32
        %dma_start3A_459 = arith.constant 240 : i32
        %dma_start3A_460 = arith.constant 0 : i32
        %dma_start3A_461 = tpu.memref_slice %arg12[%dma_start3A_459, %dma_start3A_460] : memref<400x16xf32, #tpu.memory_space<vmem>> -> memref<80x16xf32, #tpu.memory_space<vmem>>
        %dma_start3A_462 = arith.constant 0 : i32
        %dma_start3A_463 = tpu.memref_slice %arg11[%add3A_458, %dma_start3A_462] : memref<125x80xi32, #tpu.memory_space<vmem>> -> memref<1x80xi32, #tpu.memory_space<vmem>>
        %dma_start3A_464 = tpu.memref_squeeze %dma_start3A_463 : memref<1x80xi32, #tpu.memory_space<vmem>> -> memref<80xi32, #tpu.memory_space<vmem>>
        %dma_start3A_465 = arith.constant 0 : i32
        %dma_start3A_466 = arith.constant 0 : i32
        %dma_start3A_467 = tpu.memref_slice %arg23[%dma_start3A_465, %dma_start3A_466] : memref<10000x16xf32, #tpu.memory_space<vmem_shared>> -> memref<10000x16xf32, #tpu.memory_space<vmem_shared>>
        tpu.enqueue_indirect_dma source(%dma_start3A_461 : memref<80x16xf32, #tpu.memory_space<vmem>>) target(%dma_start3A_467 : memref<10000x16xf32, #tpu.memory_space<vmem_shared>>) offsets(%dma_start3A_464 : memref<80xi32, #tpu.memory_space<vmem>>) semaphore(%arg27 : memref<!tpu.dma_semaphore, #tpu.memory_space<semaphore_mem>>) {add = true}
        %mul3A_468 = arith.constant 5 : i32
        %mul3A_469 = arith.muli %sub3A_415, %mul3A_468 : i32
        %add3A_470 = arith.constant 4 : i32
        %add3A_471 = arith.addi %mul3A_469, %add3A_470 : i32
        %dma_start3A_472 = arith.constant 320 : i32
        %dma_start3A_473 = arith.constant 0 : i32
        %dma_start3A_474 = tpu.memref_slice %arg12[%dma_start3A_472, %dma_start3A_473] : memref<400x16xf32, #tpu.memory_space<vmem>> -> memref<80x16xf32, #tpu.memory_space<vmem>>
        %dma_start3A_475 = arith.constant 0 : i32
        %dma_start3A_476 = tpu.memref_slice %arg11[%add3A_471, %dma_start3A_475] : memref<125x80xi32, #tpu.memory_space<vmem>> -> memref<1x80xi32, #tpu.memory_space<vmem>>
        %dma_start3A_477 = tpu.memref_squeeze %dma_start3A_476 : memref<1x80xi32, #tpu.memory_space<vmem>> -> memref<80xi32, #tpu.memory_space<vmem>>
        %dma_start3A_478 = arith.constant 0 : i32
        %dma_start3A_479 = arith.constant 0 : i32
        %dma_start3A_480 = tpu.memref_slice %arg23[%dma_start3A_478, %dma_start3A_479] : memref<10000x16xf32, #tpu.memory_space<vmem_shared>> -> memref<10000x16xf32, #tpu.memory_space<vmem_shared>>
        tpu.enqueue_indirect_dma source(%dma_start3A_474 : memref<80x16xf32, #tpu.memory_space<vmem>>) target(%dma_start3A_480 : memref<10000x16xf32, #tpu.memory_space<vmem_shared>>) offsets(%dma_start3A_477 : memref<80xi32, #tpu.memory_space<vmem>>) semaphore(%arg27 : memref<!tpu.dma_semaphore, #tpu.memory_space<semaphore_mem>>) {add = true}
      } else {
      }
    }
    %scan3A_254 = arith.constant 25 : i32
    %dma_wait3A_255 = arith.constant 0 : i32
    %dma_wait3A_256 = arith.constant 0 : i32
    %dma_wait3A_257 = tpu.memref_slice %arg5[%dma_wait3A_255, %dma_wait3A_256] : memref<10000x16xf32, #tpu.memory_space<hbm>> -> memref<400x16xf32, #tpu.memory_space<hbm>>
    %dma_wait3A_258 = arith.constant 0 : i32
    %dma_wait3A_259 = arith.constant 0 : i32
    %dma_wait3A_260 = tpu.memref_slice %arg5[%dma_wait3A_258, %dma_wait3A_259] : memref<10000x16xf32, #tpu.memory_space<hbm>> -> memref<400x16xf32, #tpu.memory_space<hbm>>
    tpu.wait_dma2 semaphore(%arg25 : memref<!tpu.dma_semaphore, #tpu.memory_space<semaphore_mem>>) src(%dma_wait3A_260 : memref<400x16xf32, #tpu.memory_space<hbm>>) dst(%arg12 : memref<400x16xf32, #tpu.memory_space<vmem>>)
    %dma_start3A_261 = arith.constant 120 : i32
    %dma_start3A_262 = arith.constant 0 : i32
    %dma_start3A_263 = arith.constant 0 : i32
    %dma_start3A_264 = tpu.memref_slice %arg12[%dma_start3A_262, %dma_start3A_263] : memref<400x16xf32, #tpu.memory_space<vmem>> -> memref<80x16xf32, #tpu.memory_space<vmem>>
    %dma_start3A_265 = arith.constant 0 : i32
    %dma_start3A_266 = tpu.memref_slice %arg11[%dma_start3A_261, %dma_start3A_265] : memref<125x80xi32, #tpu.memory_space<vmem>> -> memref<1x80xi32, #tpu.memory_space<vmem>>
    %dma_start3A_267 = tpu.memref_squeeze %dma_start3A_266 : memref<1x80xi32, #tpu.memory_space<vmem>> -> memref<80xi32, #tpu.memory_space<vmem>>
    %dma_start3A_268 = arith.constant 0 : i32
    %dma_start3A_269 = arith.constant 0 : i32
    %dma_start3A_270 = tpu.memref_slice %arg23[%dma_start3A_268, %dma_start3A_269] : memref<10000x16xf32, #tpu.memory_space<vmem_shared>> -> memref<10000x16xf32, #tpu.memory_space<vmem_shared>>
    tpu.enqueue_indirect_dma source(%dma_start3A_264 : memref<80x16xf32, #tpu.memory_space<vmem>>) target(%dma_start3A_270 : memref<10000x16xf32, #tpu.memory_space<vmem_shared>>) offsets(%dma_start3A_267 : memref<80xi32, #tpu.memory_space<vmem>>) semaphore(%arg27 : memref<!tpu.dma_semaphore, #tpu.memory_space<semaphore_mem>>) {add = true}
    %dma_start3A_271 = arith.constant 121 : i32
    %dma_start3A_272 = arith.constant 80 : i32
    %dma_start3A_273 = arith.constant 0 : i32
    %dma_start3A_274 = tpu.memref_slice %arg12[%dma_start3A_272, %dma_start3A_273] : memref<400x16xf32, #tpu.memory_space<vmem>> -> memref<80x16xf32, #tpu.memory_space<vmem>>
    %dma_start3A_275 = arith.constant 0 : i32
    %dma_start3A_276 = tpu.memref_slice %arg11[%dma_start3A_271, %dma_start3A_275] : memref<125x80xi32, #tpu.memory_space<vmem>> -> memref<1x80xi32, #tpu.memory_space<vmem>>
    %dma_start3A_277 = tpu.memref_squeeze %dma_start3A_276 : memref<1x80xi32, #tpu.memory_space<vmem>> -> memref<80xi32, #tpu.memory_space<vmem>>
    %dma_start3A_278 = arith.constant 0 : i32
    %dma_start3A_279 = arith.constant 0 : i32
    %dma_start3A_280 = tpu.memref_slice %arg23[%dma_start3A_278, %dma_start3A_279] : memref<10000x16xf32, #tpu.memory_space<vmem_shared>> -> memref<10000x16xf32, #tpu.memory_space<vmem_shared>>
    tpu.enqueue_indirect_dma source(%dma_start3A_274 : memref<80x16xf32, #tpu.memory_space<vmem>>) target(%dma_start3A_280 : memref<10000x16xf32, #tpu.memory_space<vmem_shared>>) offsets(%dma_start3A_277 : memref<80xi32, #tpu.memory_space<vmem>>) semaphore(%arg27 : memref<!tpu.dma_semaphore, #tpu.memory_space<semaphore_mem>>) {add = true}
    %dma_start3A_281 = arith.constant 122 : i32
    %dma_start3A_282 = arith.constant 160 : i32
    %dma_start3A_283 = arith.constant 0 : i32
    %dma_start3A_284 = tpu.memref_slice %arg12[%dma_start3A_282, %dma_start3A_283] : memref<400x16xf32, #tpu.memory_space<vmem>> -> memref<80x16xf32, #tpu.memory_space<vmem>>
    %dma_start3A_285 = arith.constant 0 : i32
    %dma_start3A_286 = tpu.memref_slice %arg11[%dma_start3A_281, %dma_start3A_285] : memref<125x80xi32, #tpu.memory_space<vmem>> -> memref<1x80xi32, #tpu.memory_space<vmem>>
    %dma_start3A_287 = tpu.memref_squeeze %dma_start3A_286 : memref<1x80xi32, #tpu.memory_space<vmem>> -> memref<80xi32, #tpu.memory_space<vmem>>
    %dma_start3A_288 = arith.constant 0 : i32
    %dma_start3A_289 = arith.constant 0 : i32
    %dma_start3A_290 = tpu.memref_slice %arg23[%dma_start3A_288, %dma_start3A_289] : memref<10000x16xf32, #tpu.memory_space<vmem_shared>> -> memref<10000x16xf32, #tpu.memory_space<vmem_shared>>
    tpu.enqueue_indirect_dma source(%dma_start3A_284 : memref<80x16xf32, #tpu.memory_space<vmem>>) target(%dma_start3A_290 : memref<10000x16xf32, #tpu.memory_space<vmem_shared>>) offsets(%dma_start3A_287 : memref<80xi32, #tpu.memory_space<vmem>>) semaphore(%arg27 : memref<!tpu.dma_semaphore, #tpu.memory_space<semaphore_mem>>) {add = true}
    %dma_start3A_291 = arith.constant 123 : i32
    %dma_start3A_292 = arith.constant 240 : i32
    %dma_start3A_293 = arith.constant 0 : i32
    %dma_start3A_294 = tpu.memref_slice %arg12[%dma_start3A_292, %dma_start3A_293] : memref<400x16xf32, #tpu.memory_space<vmem>> -> memref<80x16xf32, #tpu.memory_space<vmem>>
    %dma_start3A_295 = arith.constant 0 : i32
    %dma_start3A_296 = tpu.memref_slice %arg11[%dma_start3A_291, %dma_start3A_295] : memref<125x80xi32, #tpu.memory_space<vmem>> -> memref<1x80xi32, #tpu.memory_space<vmem>>
    %dma_start3A_297 = tpu.memref_squeeze %dma_start3A_296 : memref<1x80xi32, #tpu.memory_space<vmem>> -> memref<80xi32, #tpu.memory_space<vmem>>
    %dma_start3A_298 = arith.constant 0 : i32
    %dma_start3A_299 = arith.constant 0 : i32
    %dma_start3A_300 = tpu.memref_slice %arg23[%dma_start3A_298, %dma_start3A_299] : memref<10000x16xf32, #tpu.memory_space<vmem_shared>> -> memref<10000x16xf32, #tpu.memory_space<vmem_shared>>
    tpu.enqueue_indirect_dma source(%dma_start3A_294 : memref<80x16xf32, #tpu.memory_space<vmem>>) target(%dma_start3A_300 : memref<10000x16xf32, #tpu.memory_space<vmem_shared>>) offsets(%dma_start3A_297 : memref<80xi32, #tpu.memory_space<vmem>>) semaphore(%arg27 : memref<!tpu.dma_semaphore, #tpu.memory_space<semaphore_mem>>) {add = true}
    %dma_start3A_301 = arith.constant 124 : i32
    %dma_start3A_302 = arith.constant 320 : i32
    %dma_start3A_303 = arith.constant 0 : i32
    %dma_start3A_304 = tpu.memref_slice %arg12[%dma_start3A_302, %dma_start3A_303] : memref<400x16xf32, #tpu.memory_space<vmem>> -> memref<80x16xf32, #tpu.memory_space<vmem>>
    %dma_start3A_305 = arith.constant 0 : i32
    %dma_start3A_306 = tpu.memref_slice %arg11[%dma_start3A_301, %dma_start3A_305] : memref<125x80xi32, #tpu.memory_space<vmem>> -> memref<1x80xi32, #tpu.memory_space<vmem>>
    %dma_start3A_307 = tpu.memref_squeeze %dma_start3A_306 : memref<1x80xi32, #tpu.memory_space<vmem>> -> memref<80xi32, #tpu.memory_space<vmem>>
    %dma_start3A_308 = arith.constant 0 : i32
    %dma_start3A_309 = arith.constant 0 : i32
    %dma_start3A_310 = tpu.memref_slice %arg23[%dma_start3A_308, %dma_start3A_309] : memref<10000x16xf32, #tpu.memory_space<vmem_shared>> -> memref<10000x16xf32, #tpu.memory_space<vmem_shared>>
    tpu.enqueue_indirect_dma source(%dma_start3A_304 : memref<80x16xf32, #tpu.memory_space<vmem>>) target(%dma_start3A_310 : memref<10000x16xf32, #tpu.memory_space<vmem_shared>>) offsets(%dma_start3A_307 : memref<80xi32, #tpu.memory_space<vmem>>) semaphore(%arg27 : memref<!tpu.dma_semaphore, #tpu.memory_space<semaphore_mem>>) {add = true}
    %dma_wait3A_311 = arith.constant 0 : i32
    %dma_wait3A_312 = arith.constant 0 : i32
    %dma_wait3A_313 = tpu.memref_slice %arg5[%dma_wait3A_311, %dma_wait3A_312] : memref<10000x16xf32, #tpu.memory_space<hbm>> -> memref<400x16xf32, #tpu.memory_space<hbm>>
    %dma_wait3A_314 = arith.constant 0 : i32
    %dma_wait3A_315 = arith.constant 0 : i32
    %dma_wait3A_316 = tpu.memref_slice %arg5[%dma_wait3A_314, %dma_wait3A_315] : memref<10000x16xf32, #tpu.memory_space<hbm>> -> memref<400x16xf32, #tpu.memory_space<hbm>>
    tpu.wait_dma2 semaphore(%arg28 : memref<!tpu.dma_semaphore, #tpu.memory_space<semaphore_mem>>) src(%dma_wait3A_316 : memref<400x16xf32, #tpu.memory_space<hbm>>) dst(%arg13 : memref<400x16xf32, #tpu.memory_space<vmem>>)
    %dma_wait3A_317 = arith.constant 0 : i32
    %dma_wait3A_318 = arith.constant 0 : i32
    %dma_wait3A_319 = tpu.memref_slice %arg5[%dma_wait3A_317, %dma_wait3A_318] : memref<10000x16xf32, #tpu.memory_space<hbm>> -> memref<400x16xf32, #tpu.memory_space<hbm>>
    %dma_wait3A_320 = arith.constant 0 : i32
    %dma_wait3A_321 = arith.constant 0 : i32
    %dma_wait3A_322 = tpu.memref_slice %arg5[%dma_wait3A_320, %dma_wait3A_321] : memref<10000x16xf32, #tpu.memory_space<hbm>> -> memref<400x16xf32, #tpu.memory_space<hbm>>
    tpu.wait_dma2 semaphore(%arg27 : memref<!tpu.dma_semaphore, #tpu.memory_space<semaphore_mem>>) src(%dma_wait3A_322 : memref<400x16xf32, #tpu.memory_space<hbm>>) dst(%arg12 : memref<400x16xf32, #tpu.memory_space<vmem>>)
    %barrier3A_323 = arith.constant 0 : index
    tpu.barrier barrier_id(%barrier3A_323)
    %mul3A_324 = arith.constant 625 : i32
    %mul3A_325 = arith.muli %arg1, %mul3A_324 : i32
    %mul3A_326 = arith.constant 625 : i32
    %mul3A_327 = arith.muli %arg1, %mul3A_326 : i32
    "tpu.region"() ({
      %run_scoped3A = tpu.sem_alloc : memref<!tpu.dma_semaphore, #tpu.memory_space<semaphore_mem>>
      %dma_start3A_328 = arith.constant 0 : i32
      %dma_start3A_329 = tpu.memref_slice %arg8[%arg0, %mul3A_327, %dma_start3A_328] : memref<2x10000x16xf32, #tpu.memory_space<hbm>> -> memref<1x625x16xf32, #tpu.memory_space<hbm>>
      %dma_start3A_330 = tpu.memref_squeeze %dma_start3A_329 : memref<1x625x16xf32, #tpu.memory_space<hbm>> -> memref<625x16xf32, #tpu.memory_space<hbm>>
      %dma_start3A_331 = arith.constant 0 : i32
      %dma_start3A_332 = tpu.memref_slice %arg23[%mul3A_325, %dma_start3A_331] : memref<10000x16xf32, #tpu.memory_space<vmem_shared>> -> memref<625x16xf32, #tpu.memory_space<vmem_shared>>
      tpu.enqueue_dma source(%dma_start3A_332 : memref<625x16xf32, #tpu.memory_space<vmem_shared>>) target(%dma_start3A_330 : memref<625x16xf32, #tpu.memory_space<hbm>>) target_semaphore(%run_scoped3A : memref<!tpu.dma_semaphore, #tpu.memory_space<semaphore_mem>>)
      %dma_wait3A_333 = arith.constant 0 : i32
      %dma_wait3A_334 = tpu.memref_slice %arg8[%arg0, %mul3A_327, %dma_wait3A_333] : memref<2x10000x16xf32, #tpu.memory_space<hbm>> -> memref<1x625x16xf32, #tpu.memory_space<hbm>>
      %dma_wait3A_335 = tpu.memref_squeeze %dma_wait3A_334 : memref<1x625x16xf32, #tpu.memory_space<hbm>> -> memref<625x16xf32, #tpu.memory_space<hbm>>
      %dma_wait3A_336 = arith.constant 0 : i32
      %dma_wait3A_337 = tpu.memref_slice %arg23[%mul3A_325, %dma_wait3A_336] : memref<10000x16xf32, #tpu.memory_space<vmem_shared>> -> memref<625x16xf32, #tpu.memory_space<vmem_shared>>
      tpu.wait_dma2 semaphore(%run_scoped3A : memref<!tpu.dma_semaphore, #tpu.memory_space<semaphore_mem>>) src(%dma_wait3A_337 : memref<625x16xf32, #tpu.memory_space<vmem_shared>>) dst(%dma_wait3A_335 : memref<625x16xf32, #tpu.memory_space<hbm>>)
      tpu.yield
    }) : () -> ()
    return
  }
}

#map = affine_map<(d0, d1) -> (0, 0)>
#map1 = affine_map<(d0, d1) -> (0, 0, 0)>
module attributes {stable_mosaic.version = 14 : i64} {
  func.func @_pm_body(%arg0: i32, %arg1: i32, %arg2: memref<4000x80xi32, #tpu.memory_space<hbm>>, %arg3: memref<4000x80xi32, #tpu.memory_space<hbm>>, %arg4: memref<2x10000x16xf32, #tpu.memory_space<hbm>>, %arg5: memref<10000x16xf32, #tpu.memory_space<hbm>>, %arg6: memref<10000x16xf32, #tpu.memory_space<hbm>>, %arg7: memref<3x16xf32, #tpu.memory_space<hbm>>, %arg8: memref<2x10000x16xf32, #tpu.memory_space<hbm>>, %arg9: memref<10000x16xf32, #tpu.memory_space<hbm>>, %arg10: memref<125x80xi32, #tpu.memory_space<vmem>>, %arg11: memref<125x80xi32, #tpu.memory_space<vmem>>, %arg12: memref<400x16xf32, #tpu.memory_space<vmem>>, %arg13: memref<400x16xf32, #tpu.memory_space<vmem>>, %arg14: memref<625x16xf32, #tpu.memory_space<vmem>>, %arg15: memref<625x16xf32, #tpu.memory_space<vmem>>, %arg16: memref<625x16xf32, #tpu.memory_space<vmem>>, %arg17: memref<625x16xf32, #tpu.memory_space<vmem>>, %arg18: memref<625x16xf32, #tpu.memory_space<vmem>>, %arg19: memref<3x16xf32, #tpu.memory_space<vmem>>, %arg20: memref<2x16xf32, #tpu.memory_space<vmem>>, %arg21: memref<16x2x16xf32, #tpu.memory_space<vmem>>, %arg22: memref<10000x16xf32, #tpu.memory_space<vmem_shared>>, %arg23: memref<10000x16xf32, #tpu.memory_space<vmem_shared>>, %arg24: memref<16x2x16xf32, #tpu.memory_space<vmem_shared>>, %arg25: memref<!tpu.dma_semaphore, #tpu.memory_space<semaphore_mem>>, %arg26: memref<!tpu.dma_semaphore, #tpu.memory_space<semaphore_mem>>, %arg27: memref<!tpu.dma_semaphore, #tpu.memory_space<semaphore_mem>>, %arg28: memref<!tpu.dma_semaphore, #tpu.memory_space<semaphore_mem>>) attributes {dimension_semantics = [#tpu.dimension_semantics<core_parallel>, #tpu.dimension_semantics<subcore_parallel>], iteration_bounds = array<i64: 2, 16>, scalar_prefetch = 0 : i64, scratch_operands = 19 : i64, tpu.core_type = #tpu.core_type<sc_vector_subcore>, window_params = [{transform_indices = #map}, {transform_indices = #map}, {transform_indices = #map1}, {transform_indices = #map}, {transform_indices = #map}, {transform_indices = #map}, {transform_indices = #map1}, {transform_indices = #map}]} {
    %mul3A = arith.constant 16 : i32
    %mul3A_0 = arith.muli %arg0, %mul3A : i32
    %add3A = arith.addi %mul3A_0, %arg1 : i32
    %mul3A_1 = arith.constant 625 : i32
    %mul3A_2 = arith.muli %arg1, %mul3A_1 : i32
    %mul3A_3 = arith.constant 125 : i32
    %mul3A_4 = arith.muli %add3A, %mul3A_3 : i32
    %dma_start3A = arith.constant 0 : i32
    %dma_start3A_5 = tpu.memref_slice %arg2[%mul3A_4, %dma_start3A] : memref<4000x80xi32, #tpu.memory_space<hbm>> -> memref<125x80xi32, #tpu.memory_space<hbm>>
    %dma_start3A_6 = arith.constant 0 : i32
    %dma_start3A_7 = tpu.memref_slice %arg2[%mul3A_4, %dma_start3A_6] : memref<4000x80xi32, #tpu.memory_space<hbm>> -> memref<125x80xi32, #tpu.memory_space<hbm>>
    tpu.enqueue_dma source(%dma_start3A_7 : memref<125x80xi32, #tpu.memory_space<hbm>>) target(%arg10 : memref<125x80xi32, #tpu.memory_space<vmem>>) target_semaphore(%arg26 : memref<!tpu.dma_semaphore, #tpu.memory_space<semaphore_mem>>)
    %mul3A_8 = arith.constant 125 : i32
    %mul3A_9 = arith.muli %add3A, %mul3A_8 : i32
    %dma_start3A_10 = arith.constant 0 : i32
    %dma_start3A_11 = tpu.memref_slice %arg3[%mul3A_9, %dma_start3A_10] : memref<4000x80xi32, #tpu.memory_space<hbm>> -> memref<125x80xi32, #tpu.memory_space<hbm>>
    %dma_start3A_12 = arith.constant 0 : i32
    %dma_start3A_13 = tpu.memref_slice %arg3[%mul3A_9, %dma_start3A_12] : memref<4000x80xi32, #tpu.memory_space<hbm>> -> memref<125x80xi32, #tpu.memory_space<hbm>>
    tpu.enqueue_dma source(%dma_start3A_13 : memref<125x80xi32, #tpu.memory_space<hbm>>) target(%arg11 : memref<125x80xi32, #tpu.memory_space<vmem>>) target_semaphore(%arg26 : memref<!tpu.dma_semaphore, #tpu.memory_space<semaphore_mem>>)
    %dma_start3A_14 = arith.constant 0 : i32
    %dma_start3A_15 = arith.constant 0 : i32
    %dma_start3A_16 = tpu.memref_slice %arg4[%dma_start3A_14, %mul3A_2, %dma_start3A_15] : memref<2x10000x16xf32, #tpu.memory_space<hbm>> -> memref<1x625x16xf32, #tpu.memory_space<hbm>>
    %dma_start3A_17 = tpu.memref_squeeze %dma_start3A_16 : memref<1x625x16xf32, #tpu.memory_space<hbm>> -> memref<625x16xf32, #tpu.memory_space<hbm>>
    %dma_start3A_18 = arith.constant 0 : i32
    %dma_start3A_19 = tpu.memref_slice %arg4[%dma_start3A_14, %mul3A_2, %dma_start3A_18] : memref<2x10000x16xf32, #tpu.memory_space<hbm>> -> memref<1x625x16xf32, #tpu.memory_space<hbm>>
    %dma_start3A_20 = tpu.memref_squeeze %dma_start3A_19 : memref<1x625x16xf32, #tpu.memory_space<hbm>> -> memref<625x16xf32, #tpu.memory_space<hbm>>
    tpu.enqueue_dma source(%dma_start3A_20 : memref<625x16xf32, #tpu.memory_space<hbm>>) target(%arg14 : memref<625x16xf32, #tpu.memory_space<vmem>>) target_semaphore(%arg25 : memref<!tpu.dma_semaphore, #tpu.memory_space<semaphore_mem>>)
    %dma_start3A_21 = arith.constant 1 : i32
    %dma_start3A_22 = arith.constant 0 : i32
    %dma_start3A_23 = tpu.memref_slice %arg4[%dma_start3A_21, %mul3A_2, %dma_start3A_22] : memref<2x10000x16xf32, #tpu.memory_space<hbm>> -> memref<1x625x16xf32, #tpu.memory_space<hbm>>
    %dma_start3A_24 = tpu.memref_squeeze %dma_start3A_23 : memref<1x625x16xf32, #tpu.memory_space<hbm>> -> memref<625x16xf32, #tpu.memory_space<hbm>>
    %dma_start3A_25 = arith.constant 0 : i32
    %dma_start3A_26 = tpu.memref_slice %arg4[%dma_start3A_21, %mul3A_2, %dma_start3A_25] : memref<2x10000x16xf32, #tpu.memory_space<hbm>> -> memref<1x625x16xf32, #tpu.memory_space<hbm>>
    %dma_start3A_27 = tpu.memref_squeeze %dma_start3A_26 : memref<1x625x16xf32, #tpu.memory_space<hbm>> -> memref<625x16xf32, #tpu.memory_space<hbm>>
    tpu.enqueue_dma source(%dma_start3A_27 : memref<625x16xf32, #tpu.memory_space<hbm>>) target(%arg15 : memref<625x16xf32, #tpu.memory_space<vmem>>) target_semaphore(%arg25 : memref<!tpu.dma_semaphore, #tpu.memory_space<semaphore_mem>>)
    %dma_start3A_28 = arith.constant 0 : i32
    %dma_start3A_29 = tpu.memref_slice %arg5[%mul3A_2, %dma_start3A_28] : memref<10000x16xf32, #tpu.memory_space<hbm>> -> memref<625x16xf32, #tpu.memory_space<hbm>>
    %dma_start3A_30 = arith.constant 0 : i32
    %dma_start3A_31 = tpu.memref_slice %arg5[%mul3A_2, %dma_start3A_30] : memref<10000x16xf32, #tpu.memory_space<hbm>> -> memref<625x16xf32, #tpu.memory_space<hbm>>
    tpu.enqueue_dma source(%dma_start3A_31 : memref<625x16xf32, #tpu.memory_space<hbm>>) target(%arg16 : memref<625x16xf32, #tpu.memory_space<vmem>>) target_semaphore(%arg25 : memref<!tpu.dma_semaphore, #tpu.memory_space<semaphore_mem>>)
    %dma_start3A_32 = arith.constant 0 : i32
    %dma_start3A_33 = tpu.memref_slice %arg6[%mul3A_2, %dma_start3A_32] : memref<10000x16xf32, #tpu.memory_space<hbm>> -> memref<625x16xf32, #tpu.memory_space<hbm>>
    %dma_start3A_34 = arith.constant 0 : i32
    %dma_start3A_35 = tpu.memref_slice %arg6[%mul3A_2, %dma_start3A_34] : memref<10000x16xf32, #tpu.memory_space<hbm>> -> memref<625x16xf32, #tpu.memory_space<hbm>>
    tpu.enqueue_dma source(%dma_start3A_35 : memref<625x16xf32, #tpu.memory_space<hbm>>) target(%arg17 : memref<625x16xf32, #tpu.memory_space<vmem>>) target_semaphore(%arg25 : memref<!tpu.dma_semaphore, #tpu.memory_space<semaphore_mem>>)
    tpu.enqueue_dma source(%arg7 : memref<3x16xf32, #tpu.memory_space<hbm>>) target(%arg19 : memref<3x16xf32, #tpu.memory_space<vmem>>) target_semaphore(%arg25 : memref<!tpu.dma_semaphore, #tpu.memory_space<semaphore_mem>>)
    %dma_wait3A = arith.constant 0 : i32
    %dma_wait3A_36 = arith.constant 0 : i32
    %dma_wait3A_37 = tpu.memref_slice %arg4[%dma_wait3A, %mul3A_2, %dma_wait3A_36] : memref<2x10000x16xf32, #tpu.memory_space<hbm>> -> memref<1x625x16xf32, #tpu.memory_space<hbm>>
    %dma_wait3A_38 = tpu.memref_squeeze %dma_wait3A_37 : memref<1x625x16xf32, #tpu.memory_space<hbm>> -> memref<625x16xf32, #tpu.memory_space<hbm>>
    %dma_wait3A_39 = arith.constant 0 : i32
    %dma_wait3A_40 = tpu.memref_slice %arg4[%dma_wait3A, %mul3A_2, %dma_wait3A_39] : memref<2x10000x16xf32, #tpu.memory_space<hbm>> -> memref<1x625x16xf32, #tpu.memory_space<hbm>>
    %dma_wait3A_41 = tpu.memref_squeeze %dma_wait3A_40 : memref<1x625x16xf32, #tpu.memory_space<hbm>> -> memref<625x16xf32, #tpu.memory_space<hbm>>
    tpu.wait_dma2 semaphore(%arg25 : memref<!tpu.dma_semaphore, #tpu.memory_space<semaphore_mem>>) src(%dma_wait3A_41 : memref<625x16xf32, #tpu.memory_space<hbm>>) dst(%arg14 : memref<625x16xf32, #tpu.memory_space<vmem>>)
    %dma_wait3A_42 = arith.constant 1 : i32
    %dma_wait3A_43 = arith.constant 0 : i32
    %dma_wait3A_44 = tpu.memref_slice %arg4[%dma_wait3A_42, %mul3A_2, %dma_wait3A_43] : memref<2x10000x16xf32, #tpu.memory_space<hbm>> -> memref<1x625x16xf32, #tpu.memory_space<hbm>>
    %dma_wait3A_45 = tpu.memref_squeeze %dma_wait3A_44 : memref<1x625x16xf32, #tpu.memory_space<hbm>> -> memref<625x16xf32, #tpu.memory_space<hbm>>
    %dma_wait3A_46 = arith.constant 0 : i32
    %dma_wait3A_47 = tpu.memref_slice %arg4[%dma_wait3A_42, %mul3A_2, %dma_wait3A_46] : memref<2x10000x16xf32, #tpu.memory_space<hbm>> -> memref<1x625x16xf32, #tpu.memory_space<hbm>>
    %dma_wait3A_48 = tpu.memref_squeeze %dma_wait3A_47 : memref<1x625x16xf32, #tpu.memory_space<hbm>> -> memref<625x16xf32, #tpu.memory_space<hbm>>
    tpu.wait_dma2 semaphore(%arg25 : memref<!tpu.dma_semaphore, #tpu.memory_space<semaphore_mem>>) src(%dma_wait3A_48 : memref<625x16xf32, #tpu.memory_space<hbm>>) dst(%arg15 : memref<625x16xf32, #tpu.memory_space<vmem>>)
    %dma_wait3A_49 = arith.constant 0 : i32
    %dma_wait3A_50 = tpu.memref_slice %arg5[%mul3A_2, %dma_wait3A_49] : memref<10000x16xf32, #tpu.memory_space<hbm>> -> memref<625x16xf32, #tpu.memory_space<hbm>>
    %dma_wait3A_51 = arith.constant 0 : i32
    %dma_wait3A_52 = tpu.memref_slice %arg5[%mul3A_2, %dma_wait3A_51] : memref<10000x16xf32, #tpu.memory_space<hbm>> -> memref<625x16xf32, #tpu.memory_space<hbm>>
    tpu.wait_dma2 semaphore(%arg25 : memref<!tpu.dma_semaphore, #tpu.memory_space<semaphore_mem>>) src(%dma_wait3A_52 : memref<625x16xf32, #tpu.memory_space<hbm>>) dst(%arg16 : memref<625x16xf32, #tpu.memory_space<vmem>>)
    %dma_wait3A_53 = arith.constant 0 : i32
    %dma_wait3A_54 = tpu.memref_slice %arg6[%mul3A_2, %dma_wait3A_53] : memref<10000x16xf32, #tpu.memory_space<hbm>> -> memref<625x16xf32, #tpu.memory_space<hbm>>
    %dma_wait3A_55 = arith.constant 0 : i32
    %dma_wait3A_56 = tpu.memref_slice %arg6[%mul3A_2, %dma_wait3A_55] : memref<10000x16xf32, #tpu.memory_space<hbm>> -> memref<625x16xf32, #tpu.memory_space<hbm>>
    tpu.wait_dma2 semaphore(%arg25 : memref<!tpu.dma_semaphore, #tpu.memory_space<semaphore_mem>>) src(%dma_wait3A_56 : memref<625x16xf32, #tpu.memory_space<hbm>>) dst(%arg17 : memref<625x16xf32, #tpu.memory_space<vmem>>)
    tpu.wait_dma2 semaphore(%arg25 : memref<!tpu.dma_semaphore, #tpu.memory_space<semaphore_mem>>) src(%arg7 : memref<3x16xf32, #tpu.memory_space<hbm>>) dst(%arg19 : memref<3x16xf32, #tpu.memory_space<vmem>>)
    %get3A = arith.constant 0 : i32
    %get3A_57 = arith.index_cast %get3A : i32 to index
    %get3A_58 = arith.constant 0 : index
    %get3A_59 = tpu.vector_load %arg19[%get3A_57, %get3A_58] {strides = array<i32>} : memref<3x16xf32, #tpu.memory_space<vmem>>, vector<1x16xf32>,
    %get3A_60 = vector.shape_cast %get3A_59 : vector<1x16xf32> to vector<16xf32>
    %get3A_61 = arith.constant 1 : i32
    %get3A_62 = arith.index_cast %get3A_61 : i32 to index
    %get3A_63 = arith.constant 0 : index
    %get3A_64 = tpu.vector_load %arg19[%get3A_62, %get3A_63] {strides = array<i32>} : memref<3x16xf32, #tpu.memory_space<vmem>>, vector<1x16xf32>,
    %get3A_65 = vector.shape_cast %get3A_64 : vector<1x16xf32> to vector<16xf32>
    %get3A_66 = arith.constant 2 : i32
    %get3A_67 = arith.index_cast %get3A_66 : i32 to index
    %get3A_68 = arith.constant 0 : index
    %get3A_69 = tpu.vector_load %arg19[%get3A_67, %get3A_68] {strides = array<i32>} : memref<3x16xf32, #tpu.memory_space<vmem>>, vector<1x16xf32>,
    %get3A_70 = vector.shape_cast %get3A_69 : vector<1x16xf32> to vector<16xf32>
    %broadcast_in_dim3A = arith.constant 0.000000e+00 : f32
    %broadcast_in_dim3A_71 = vector.broadcast %broadcast_in_dim3A : f32 to vector<16xf32>
    %scan3A = arith.constant 0 : i32
    %scan3A_72 = arith.constant 625 : i32
    %scan3A_73 = arith.addi %scan3A, %scan3A_72 : i32
    %scan3A_74 = arith.constant 1 : i32
    %scan3A_75:2 = scf.for %scan3A_248 = %scan3A to %scan3A_73 step %scan3A_74 iter_args(%scan3A_249 = %broadcast_in_dim3A_71, %scan3A_250 = %broadcast_in_dim3A_71) -> (vector<16xf32>, vector<16xf32>)  : i32 {
      %get3A_251 = arith.index_cast %scan3A_248 : i32 to index
      %get3A_252 = arith.constant 0 : index
      %get3A_253 = tpu.vector_load %arg17[%get3A_251, %get3A_252] {strides = array<i32>} : memref<625x16xf32, #tpu.memory_space<vmem>>, vector<1x16xf32>,
      %get3A_254 = vector.shape_cast %get3A_253 : vector<1x16xf32> to vector<16xf32>
      %get3A_255 = arith.index_cast %scan3A_248 : i32 to index
      %get3A_256 = arith.constant 0 : index
      %get3A_257 = tpu.vector_load %arg14[%get3A_255, %get3A_256] {strides = array<i32>} : memref<625x16xf32, #tpu.memory_space<vmem>>, vector<1x16xf32>,
      %get3A_258 = vector.shape_cast %get3A_257 : vector<1x16xf32> to vector<16xf32>
      %get3A_259 = arith.index_cast %scan3A_248 : i32 to index
      %get3A_260 = arith.constant 0 : index
      %get3A_261 = tpu.vector_load %arg15[%get3A_259, %get3A_260] {strides = array<i32>} : memref<625x16xf32, #tpu.memory_space<vmem>>, vector<1x16xf32>,
      %get3A_262 = vector.shape_cast %get3A_261 : vector<1x16xf32> to vector<16xf32>
      %add3A_263 = arith.addf %get3A_258, %get3A_262 : vector<16xf32>
      %get3A_264 = arith.index_cast %scan3A_248 : i32 to index
      %get3A_265 = arith.constant 0 : index
      %get3A_266 = tpu.vector_load %arg16[%get3A_264, %get3A_265] {strides = array<i32>} : memref<625x16xf32, #tpu.memory_space<vmem>>, vector<1x16xf32>,
      %get3A_267 = vector.shape_cast %get3A_266 : vector<1x16xf32> to vector<16xf32>
      %add3A_268 = arith.addf %add3A_263, %get3A_267 : vector<16xf32>
      %mul3A_269 = arith.mulf %get3A_254, %add3A_268 : vector<16xf32>
      %add3A_270 = arith.addf %mul3A_269, %get3A_60 : vector<16xf32>
      %swap3A_271 = arith.index_cast %scan3A_248 : i32 to index
      %swap3A_272 = arith.constant 0 : index
      %swap3A_273 = tpu.vector_load %arg18[%swap3A_271, %swap3A_272] {strides = array<i32>} : memref<625x16xf32, #tpu.memory_space<vmem>>, vector<1x16xf32>,
      %swap3A_274 = vector.shape_cast %swap3A_273 : vector<1x16xf32> to vector<16xf32>
      %swap3A_275 = vector.shape_cast %add3A_270 : vector<16xf32> to vector<1x16xf32>
      tpu.vector_store %arg18[%swap3A_271, %swap3A_272], %swap3A_275 {strides = array<i32>} : memref<625x16xf32, #tpu.memory_space<vmem>>, vector<1x16xf32>,
      %add3A_276 = arith.addf %scan3A_249, %add3A_270 : vector<16xf32>
      %mul3A_277 = arith.mulf %add3A_270, %add3A_270 : vector<16xf32>
      %add3A_278 = arith.addf %scan3A_250, %mul3A_277 : vector<16xf32>
      scf.yield %add3A_276, %add3A_278 : vector<16xf32>, vector<16xf32>
    }
    %scan3A_76 = arith.constant 625 : i32
    %swap3A = arith.constant 0 : i32
    %swap3A_77 = arith.index_cast %swap3A : i32 to index
    %swap3A_78 = arith.constant 0 : index
    %swap3A_79 = tpu.vector_load %arg20[%swap3A_77, %swap3A_78] {strides = array<i32>} : memref<2x16xf32, #tpu.memory_space<vmem>>, vector<1x16xf32>,
    %swap3A_80 = vector.shape_cast %swap3A_79 : vector<1x16xf32> to vector<16xf32>
    %swap3A_81 = vector.shape_cast %scan3A_75#0 : vector<16xf32> to vector<1x16xf32>
    tpu.vector_store %arg20[%swap3A_77, %swap3A_78], %swap3A_81 {strides = array<i32>} : memref<2x16xf32, #tpu.memory_space<vmem>>, vector<1x16xf32>,
    %swap3A_82 = arith.constant 1 : i32
    %swap3A_83 = arith.index_cast %swap3A_82 : i32 to index
    %swap3A_84 = arith.constant 0 : index
    %swap3A_85 = tpu.vector_load %arg20[%swap3A_83, %swap3A_84] {strides = array<i32>} : memref<2x16xf32, #tpu.memory_space<vmem>>, vector<1x16xf32>,
    %swap3A_86 = vector.shape_cast %swap3A_85 : vector<1x16xf32> to vector<16xf32>
    %swap3A_87 = vector.shape_cast %scan3A_75#1 : vector<16xf32> to vector<1x16xf32>
    tpu.vector_store %arg20[%swap3A_83, %swap3A_84], %swap3A_87 {strides = array<i32>} : memref<2x16xf32, #tpu.memory_space<vmem>>, vector<1x16xf32>,
    "tpu.region"() ({
      %run_scoped3A = tpu.sem_alloc : memref<!tpu.dma_semaphore, #tpu.memory_space<semaphore_mem>>
      %dma_start3A_248 = arith.constant 0 : i32
      %dma_start3A_249 = arith.constant 0 : i32
      %dma_start3A_250 = tpu.memref_slice %arg24[%arg1, %dma_start3A_248, %dma_start3A_249] : memref<16x2x16xf32, #tpu.memory_space<vmem_shared>> -> memref<1x2x16xf32, #tpu.memory_space<vmem_shared>>
      %dma_start3A_251 = tpu.memref_squeeze %dma_start3A_250 : memref<1x2x16xf32, #tpu.memory_space<vmem_shared>> -> memref<2x16xf32, #tpu.memory_space<vmem_shared>>
      %dma_start3A_252 = arith.constant 0 : i32
      %dma_start3A_253 = arith.constant 0 : i32
      %dma_start3A_254 = tpu.memref_slice %arg24[%arg1, %dma_start3A_252, %dma_start3A_253] : memref<16x2x16xf32, #tpu.memory_space<vmem_shared>> -> memref<1x2x16xf32, #tpu.memory_space<vmem_shared>>
      %dma_start3A_255 = tpu.memref_squeeze %dma_start3A_254 : memref<1x2x16xf32, #tpu.memory_space<vmem_shared>> -> memref<2x16xf32, #tpu.memory_space<vmem_shared>>
      tpu.enqueue_dma source(%arg20 : memref<2x16xf32, #tpu.memory_space<vmem>>) target(%dma_start3A_255 : memref<2x16xf32, #tpu.memory_space<vmem_shared>>) target_semaphore(%run_scoped3A : memref<!tpu.dma_semaphore, #tpu.memory_space<semaphore_mem>>)
      %dma_wait3A_256 = arith.constant 0 : i32
      %dma_wait3A_257 = arith.constant 0 : i32
      %dma_wait3A_258 = tpu.memref_slice %arg24[%arg1, %dma_wait3A_256, %dma_wait3A_257] : memref<16x2x16xf32, #tpu.memory_space<vmem_shared>> -> memref<1x2x16xf32, #tpu.memory_space<vmem_shared>>
      %dma_wait3A_259 = tpu.memref_squeeze %dma_wait3A_258 : memref<1x2x16xf32, #tpu.memory_space<vmem_shared>> -> memref<2x16xf32, #tpu.memory_space<vmem_shared>>
      %dma_wait3A_260 = arith.constant 0 : i32
      %dma_wait3A_261 = arith.constant 0 : i32
      %dma_wait3A_262 = tpu.memref_slice %arg24[%arg1, %dma_wait3A_260, %dma_wait3A_261] : memref<16x2x16xf32, #tpu.memory_space<vmem_shared>> -> memref<1x2x16xf32, #tpu.memory_space<vmem_shared>>
      %dma_wait3A_263 = tpu.memref_squeeze %dma_wait3A_262 : memref<1x2x16xf32, #tpu.memory_space<vmem_shared>> -> memref<2x16xf32, #tpu.memory_space<vmem_shared>>
      tpu.wait_dma2 semaphore(%run_scoped3A : memref<!tpu.dma_semaphore, #tpu.memory_space<semaphore_mem>>) src(%arg20 : memref<2x16xf32, #tpu.memory_space<vmem>>) dst(%dma_wait3A_263 : memref<2x16xf32, #tpu.memory_space<vmem_shared>>)
      tpu.yield
    }) : () -> ()
    %barrier3A = arith.constant 0 : index
    tpu.barrier barrier_id(%barrier3A)
    "tpu.region"() ({
      %run_scoped3A = tpu.sem_alloc : memref<!tpu.dma_semaphore, #tpu.memory_space<semaphore_mem>>
      tpu.enqueue_dma source(%arg24 : memref<16x2x16xf32, #tpu.memory_space<vmem_shared>>) target(%arg21 : memref<16x2x16xf32, #tpu.memory_space<vmem>>) target_semaphore(%run_scoped3A : memref<!tpu.dma_semaphore, #tpu.memory_space<semaphore_mem>>)
      tpu.wait_dma2 semaphore(%run_scoped3A : memref<!tpu.dma_semaphore, #tpu.memory_space<semaphore_mem>>) src(%arg24 : memref<16x2x16xf32, #tpu.memory_space<vmem_shared>>) dst(%arg21 : memref<16x2x16xf32, #tpu.memory_space<vmem>>)
      tpu.yield
    }) : () -> ()
    %scan3A_88 = arith.constant 0 : i32
    %scan3A_89 = arith.constant 16 : i32
    %scan3A_90 = arith.addi %scan3A_88, %scan3A_89 : i32
    %scan3A_91 = arith.constant 1 : i32
    %scan3A_92:2 = scf.for %scan3A_248 = %scan3A_88 to %scan3A_90 step %scan3A_91 iter_args(%scan3A_249 = %broadcast_in_dim3A_71, %scan3A_250 = %broadcast_in_dim3A_71) -> (vector<16xf32>, vector<16xf32>)  : i32 {
      %get3A_251 = arith.constant 0 : i32
      %get3A_252 = arith.index_cast %scan3A_248 : i32 to index
      %get3A_253 = arith.index_cast %get3A_251 : i32 to index
      %get3A_254 = arith.constant 0 : index
      %get3A_255 = tpu.vector_load %arg21[%get3A_252, %get3A_253, %get3A_254] {strides = array<i32>} : memref<16x2x16xf32, #tpu.memory_space<vmem>>, vector<1x1x16xf32>,
      %get3A_256 = vector.shape_cast %get3A_255 : vector<1x1x16xf32> to vector<16xf32>
      %add3A_257 = arith.addf %scan3A_249, %get3A_256 : vector<16xf32>
      %get3A_258 = arith.constant 1 : i32
      %get3A_259 = arith.index_cast %scan3A_248 : i32 to index
      %get3A_260 = arith.index_cast %get3A_258 : i32 to index
      %get3A_261 = arith.constant 0 : index
      %get3A_262 = tpu.vector_load %arg21[%get3A_259, %get3A_260, %get3A_261] {strides = array<i32>} : memref<16x2x16xf32, #tpu.memory_space<vmem>>, vector<1x1x16xf32>,
      %get3A_263 = vector.shape_cast %get3A_262 : vector<1x1x16xf32> to vector<16xf32>
      %add3A_264 = arith.addf %scan3A_250, %get3A_263 : vector<16xf32>
      scf.yield %add3A_257, %add3A_264 : vector<16xf32>, vector<16xf32>
    }
    %scan3A_93 = arith.constant 16 : i32
    %mul3A_94 = arith.constant 9.99999974E-5 : f32
    %mul3A_95 = vector.broadcast %mul3A_94 : f32 to vector<16xf32>
    %mul3A_96 = arith.mulf %scan3A_92#0, %mul3A_95 : vector<16xf32>
    %mul3A_97 = arith.constant 9.99999974E-5 : f32
    %mul3A_98 = vector.broadcast %mul3A_97 : f32 to vector<16xf32>
    %mul3A_99 = arith.mulf %scan3A_92#1, %mul3A_98 : vector<16xf32>
    %mul3A_100 = arith.mulf %mul3A_96, %mul3A_96 : vector<16xf32>
    %sub3A = arith.subf %mul3A_99, %mul3A_100 : vector<16xf32>
    %add3A_101 = arith.constant 9.99999974E-6 : f32
    %add3A_102 = vector.broadcast %add3A_101 : f32 to vector<16xf32>
    %add3A_103 = arith.addf %sub3A, %add3A_102 : vector<16xf32>
    %bitcast_convert_type3A = tpu.bitcast %add3A_103 : vector<16xf32> -> vector<16xi32>
    %shift_right_arithmetic3A = arith.constant 1 : i32
    %shift_right_arithmetic3A_104 = vector.broadcast %shift_right_arithmetic3A : i32 to vector<16xi32>
    %shift_right_arithmetic3A_105 = arith.shrsi %bitcast_convert_type3A, %shift_right_arithmetic3A_104 : vector<16xi32>
    %sub3A_106 = arith.constant 1597463007 : i32
    %sub3A_107 = vector.broadcast %sub3A_106 : i32 to vector<16xi32>
    %sub3A_108 = arith.subi %sub3A_107, %shift_right_arithmetic3A_105 : vector<16xi32>
    %bitcast_convert_type3A_109 = tpu.bitcast %sub3A_108 : vector<16xi32> -> vector<16xf32>
    %mul3A_110 = arith.constant 5.000000e-01 : f32
    %mul3A_111 = vector.broadcast %mul3A_110 : f32 to vector<16xf32>
    %mul3A_112 = arith.mulf %mul3A_111, %add3A_103 : vector<16xf32>
    %mul3A_113 = arith.mulf %mul3A_112, %bitcast_convert_type3A_109 : vector<16xf32>
    %mul3A_114 = arith.mulf %mul3A_113, %bitcast_convert_type3A_109 : vector<16xf32>
    %sub3A_115 = arith.constant 1.500000e+00 : f32
    %sub3A_116 = vector.broadcast %sub3A_115 : f32 to vector<16xf32>
    %sub3A_117 = arith.subf %sub3A_116, %mul3A_114 : vector<16xf32>
    %mul3A_118 = arith.mulf %bitcast_convert_type3A_109, %sub3A_117 : vector<16xf32>
    %mul3A_119 = arith.constant 5.000000e-01 : f32
    %mul3A_120 = vector.broadcast %mul3A_119 : f32 to vector<16xf32>
    %mul3A_121 = arith.mulf %mul3A_120, %add3A_103 : vector<16xf32>
    %mul3A_122 = arith.mulf %mul3A_121, %mul3A_118 : vector<16xf32>
    %mul3A_123 = arith.mulf %mul3A_122, %mul3A_118 : vector<16xf32>
    %sub3A_124 = arith.constant 1.500000e+00 : f32
    %sub3A_125 = vector.broadcast %sub3A_124 : f32 to vector<16xf32>
    %sub3A_126 = arith.subf %sub3A_125, %mul3A_123 : vector<16xf32>
    %mul3A_127 = arith.mulf %mul3A_118, %sub3A_126 : vector<16xf32>
    %mul3A_128 = arith.constant 5.000000e-01 : f32
    %mul3A_129 = vector.broadcast %mul3A_128 : f32 to vector<16xf32>
    %mul3A_130 = arith.mulf %mul3A_129, %add3A_103 : vector<16xf32>
    %mul3A_131 = arith.mulf %mul3A_130, %mul3A_127 : vector<16xf32>
    %mul3A_132 = arith.mulf %mul3A_131, %mul3A_127 : vector<16xf32>
    %sub3A_133 = arith.constant 1.500000e+00 : f32
    %sub3A_134 = vector.broadcast %sub3A_133 : f32 to vector<16xf32>
    %sub3A_135 = arith.subf %sub3A_134, %mul3A_132 : vector<16xf32>
    %mul3A_136 = arith.mulf %mul3A_127, %sub3A_135 : vector<16xf32>
    %mul3A_137 = arith.mulf %get3A_65, %mul3A_136 : vector<16xf32>
    %mul3A_138 = arith.mulf %mul3A_96, %mul3A_137 : vector<16xf32>
    %sub3A_139 = arith.subf %get3A_70, %mul3A_138 : vector<16xf32>
    %scan3A_140 = arith.constant 0 : i32
    %scan3A_141 = arith.constant 0 : i32
    %scan3A_142 = arith.constant 625 : i32
    %scan3A_143 = arith.addi %scan3A_141, %scan3A_142 : i32
    %scan3A_144 = arith.constant 1 : i32
    scf.for %scan3A_248 = %scan3A_141 to %scan3A_143 step %scan3A_144  : i32 {
      %get3A_249 = arith.index_cast %scan3A_248 : i32 to index
      %get3A_250 = arith.constant 0 : index
      %get3A_251 = tpu.vector_load %arg18[%get3A_249, %get3A_250] {strides = array<i32>} : memref<625x16xf32, #tpu.memory_space<vmem>>, vector<1x16xf32>,
      %get3A_252 = vector.shape_cast %get3A_251 : vector<1x16xf32> to vector<16xf32>
      %mul3A_253 = arith.mulf %get3A_252, %mul3A_137 : vector<16xf32>
      %add3A_254 = arith.addf %mul3A_253, %sub3A_139 : vector<16xf32>
      %max3A = arith.constant 0.000000e+00 : f32
      %max3A_255 = vector.broadcast %max3A : f32 to vector<16xf32>
      %max3A_256 = arith.maximumf %add3A_254, %max3A_255 : vector<16xf32>
      %get3A_257 = arith.index_cast %scan3A_248 : i32 to index
      %get3A_258 = arith.constant 0 : index
      %get3A_259 = tpu.vector_load %arg17[%get3A_257, %get3A_258] {strides = array<i32>} : memref<625x16xf32, #tpu.memory_space<vmem>>, vector<1x16xf32>,
      %get3A_260 = vector.shape_cast %get3A_259 : vector<1x16xf32> to vector<16xf32>
      %mul3A_261 = arith.mulf %max3A_256, %get3A_260 : vector<16xf32>
      %swap3A_262 = arith.index_cast %scan3A_248 : i32 to index
      %swap3A_263 = arith.constant 0 : index
      %swap3A_264 = tpu.vector_load %arg16[%swap3A_262, %swap3A_263] {strides = array<i32>} : memref<625x16xf32, #tpu.memory_space<vmem>>, vector<1x16xf32>,
      %swap3A_265 = vector.shape_cast %swap3A_264 : vector<1x16xf32> to vector<16xf32>
      %swap3A_266 = vector.shape_cast %mul3A_261 : vector<16xf32> to vector<1x16xf32>
      tpu.vector_store %arg16[%swap3A_262, %swap3A_263], %swap3A_266 {strides = array<i32>} : memref<625x16xf32, #tpu.memory_space<vmem>>, vector<1x16xf32>,
    }
    %scan3A_145 = arith.constant 625 : i32
    "tpu.region"() ({
      %run_scoped3A = tpu.sem_alloc : memref<!tpu.dma_semaphore, #tpu.memory_space<semaphore_mem>>
      %dma_start3A_248 = arith.constant 0 : i32
      %dma_start3A_249 = tpu.memref_slice %arg22[%mul3A_2, %dma_start3A_248] : memref<10000x16xf32, #tpu.memory_space<vmem_shared>> -> memref<625x16xf32, #tpu.memory_space<vmem_shared>>
      %dma_start3A_250 = arith.constant 0 : i32
      %dma_start3A_251 = tpu.memref_slice %arg22[%mul3A_2, %dma_start3A_250] : memref<10000x16xf32, #tpu.memory_space<vmem_shared>> -> memref<625x16xf32, #tpu.memory_space<vmem_shared>>
      tpu.enqueue_dma source(%arg16 : memref<625x16xf32, #tpu.memory_space<vmem>>) target(%dma_start3A_251 : memref<625x16xf32, #tpu.memory_space<vmem_shared>>) target_semaphore(%run_scoped3A : memref<!tpu.dma_semaphore, #tpu.memory_space<semaphore_mem>>)
      %dma_wait3A_252 = arith.constant 0 : i32
      %dma_wait3A_253 = tpu.memref_slice %arg22[%mul3A_2, %dma_wait3A_252] : memref<10000x16xf32, #tpu.memory_space<vmem_shared>> -> memref<625x16xf32, #tpu.memory_space<vmem_shared>>
      %dma_wait3A_254 = arith.constant 0 : i32
      %dma_wait3A_255 = tpu.memref_slice %arg22[%mul3A_2, %dma_wait3A_254] : memref<10000x16xf32, #tpu.memory_space<vmem_shared>> -> memref<625x16xf32, #tpu.memory_space<vmem_shared>>
      tpu.wait_dma2 semaphore(%run_scoped3A : memref<!tpu.dma_semaphore, #tpu.memory_space<semaphore_mem>>) src(%arg16 : memref<625x16xf32, #tpu.memory_space<vmem>>) dst(%dma_wait3A_255 : memref<625x16xf32, #tpu.memory_space<vmem_shared>>)
      tpu.yield
    }) : () -> ()
    %eq3A = arith.constant 0 : i32
    %eq3A_146 = arith.cmpi eq, %arg0, %eq3A : i32
    %convert_element_type3A = arith.extui %eq3A_146 : i1 to i32
    %cond3A = arith.constant 0 : i32
    %cond3A_147 = arith.cmpi ne, %convert_element_type3A, %cond3A : i32
    scf.if %cond3A_147 {
      "tpu.region"() ({
        %run_scoped3A = tpu.sem_alloc : memref<!tpu.dma_semaphore, #tpu.memory_space<semaphore_mem>>
        %dma_start3A_248 = arith.constant 0 : i32
        %dma_start3A_249 = tpu.memref_slice %arg9[%mul3A_2, %dma_start3A_248] : memref<10000x16xf32, #tpu.memory_space<hbm>> -> memref<625x16xf32, #tpu.memory_space<hbm>>
        %dma_start3A_250 = arith.constant 0 : i32
        %dma_start3A_251 = tpu.memref_slice %arg9[%mul3A_2, %dma_start3A_250] : memref<10000x16xf32, #tpu.memory_space<hbm>> -> memref<625x16xf32, #tpu.memory_space<hbm>>
        tpu.enqueue_dma source(%arg16 : memref<625x16xf32, #tpu.memory_space<vmem>>) target(%dma_start3A_251 : memref<625x16xf32, #tpu.memory_space<hbm>>) target_semaphore(%run_scoped3A : memref<!tpu.dma_semaphore, #tpu.memory_space<semaphore_mem>>)
        %dma_wait3A_252 = arith.constant 0 : i32
        %dma_wait3A_253 = tpu.memref_slice %arg9[%mul3A_2, %dma_wait3A_252] : memref<10000x16xf32, #tpu.memory_space<hbm>> -> memref<625x16xf32, #tpu.memory_space<hbm>>
        %dma_wait3A_254 = arith.constant 0 : i32
        %dma_wait3A_255 = tpu.memref_slice %arg9[%mul3A_2, %dma_wait3A_254] : memref<10000x16xf32, #tpu.memory_space<hbm>> -> memref<625x16xf32, #tpu.memory_space<hbm>>
        tpu.wait_dma2 semaphore(%run_scoped3A : memref<!tpu.dma_semaphore, #tpu.memory_space<semaphore_mem>>) src(%arg16 : memref<625x16xf32, #tpu.memory_space<vmem>>) dst(%dma_wait3A_255 : memref<625x16xf32, #tpu.memory_space<hbm>>)
        tpu.yield
      }) : () -> ()
    } else {
    }
    %scan3A_148 = arith.constant 0 : i32
    %scan3A_149 = arith.constant 0 : i32
    %scan3A_150 = arith.constant 625 : i32
    %scan3A_151 = arith.addi %scan3A_149, %scan3A_150 : i32
    %scan3A_152 = arith.constant 1 : i32
    scf.for %scan3A_248 = %scan3A_149 to %scan3A_151 step %scan3A_152  : i32 {
      %broadcast_in_dim3A_249 = arith.constant 0.000000e+00 : f32
      %broadcast_in_dim3A_250 = vector.broadcast %broadcast_in_dim3A_249 : f32 to vector<16xf32>
      %swap3A_251 = arith.index_cast %scan3A_248 : i32 to index
      %swap3A_252 = arith.constant 0 : index
      %swap3A_253 = tpu.vector_load %arg14[%swap3A_251, %swap3A_252] {strides = array<i32>} : memref<625x16xf32, #tpu.memory_space<vmem>>, vector<1x16xf32>,
      %swap3A_254 = vector.shape_cast %swap3A_253 : vector<1x16xf32> to vector<16xf32>
      %swap3A_255 = vector.shape_cast %broadcast_in_dim3A_250 : vector<16xf32> to vector<1x16xf32>
      tpu.vector_store %arg14[%swap3A_251, %swap3A_252], %swap3A_255 {strides = array<i32>} : memref<625x16xf32, #tpu.memory_space<vmem>>, vector<1x16xf32>,
    }
    %scan3A_153 = arith.constant 625 : i32
    %mul3A_154 = arith.constant 625 : i32
    %mul3A_155 = arith.muli %arg1, %mul3A_154 : i32
    "tpu.region"() ({
      %run_scoped3A = tpu.sem_alloc : memref<!tpu.dma_semaphore, #tpu.memory_space<semaphore_mem>>
      %dma_start3A_248 = arith.constant 0 : i32
      %dma_start3A_249 = tpu.memref_slice %arg23[%mul3A_155, %dma_start3A_248] : memref<10000x16xf32, #tpu.memory_space<vmem_shared>> -> memref<625x16xf32, #tpu.memory_space<vmem_shared>>
      %dma_start3A_250 = arith.constant 0 : i32
      %dma_start3A_251 = tpu.memref_slice %arg23[%mul3A_155, %dma_start3A_250] : memref<10000x16xf32, #tpu.memory_space<vmem_shared>> -> memref<625x16xf32, #tpu.memory_space<vmem_shared>>
      tpu.enqueue_dma source(%arg14 : memref<625x16xf32, #tpu.memory_space<vmem>>) target(%dma_start3A_251 : memref<625x16xf32, #tpu.memory_space<vmem_shared>>) target_semaphore(%run_scoped3A : memref<!tpu.dma_semaphore, #tpu.memory_space<semaphore_mem>>)
      %dma_wait3A_252 = arith.constant 0 : i32
      %dma_wait3A_253 = tpu.memref_slice %arg23[%mul3A_155, %dma_wait3A_252] : memref<10000x16xf32, #tpu.memory_space<vmem_shared>> -> memref<625x16xf32, #tpu.memory_space<vmem_shared>>
      %dma_wait3A_254 = arith.constant 0 : i32
      %dma_wait3A_255 = tpu.memref_slice %arg23[%mul3A_155, %dma_wait3A_254] : memref<10000x16xf32, #tpu.memory_space<vmem_shared>> -> memref<625x16xf32, #tpu.memory_space<vmem_shared>>
      tpu.wait_dma2 semaphore(%run_scoped3A : memref<!tpu.dma_semaphore, #tpu.memory_space<semaphore_mem>>) src(%arg14 : memref<625x16xf32, #tpu.memory_space<vmem>>) dst(%dma_wait3A_255 : memref<625x16xf32, #tpu.memory_space<vmem_shared>>)
      tpu.yield
    }) : () -> ()
    %mul3A_156 = arith.constant 125 : i32
    %mul3A_157 = arith.muli %add3A, %mul3A_156 : i32
    %dma_wait3A_158 = arith.constant 0 : i32
    %dma_wait3A_159 = tpu.memref_slice %arg2[%mul3A_157, %dma_wait3A_158] : memref<4000x80xi32, #tpu.memory_space<hbm>> -> memref<125x80xi32, #tpu.memory_space<hbm>>
    %dma_wait3A_160 = arith.constant 0 : i32
    %dma_wait3A_161 = tpu.memref_slice %arg2[%mul3A_157, %dma_wait3A_160] : memref<4000x80xi32, #tpu.memory_space<hbm>> -> memref<125x80xi32, #tpu.memory_space<hbm>>
    tpu.wait_dma2 semaphore(%arg26 : memref<!tpu.dma_semaphore, #tpu.memory_space<semaphore_mem>>) src(%dma_wait3A_161 : memref<125x80xi32, #tpu.memory_space<hbm>>) dst(%arg10 : memref<125x80xi32, #tpu.memory_space<vmem>>)
    %mul3A_162 = arith.constant 125 : i32
    %mul3A_163 = arith.muli %add3A, %mul3A_162 : i32
    %dma_wait3A_164 = arith.constant 0 : i32
    %dma_wait3A_165 = tpu.memref_slice %arg3[%mul3A_163, %dma_wait3A_164] : memref<4000x80xi32, #tpu.memory_space<hbm>> -> memref<125x80xi32, #tpu.memory_space<hbm>>
    %dma_wait3A_166 = arith.constant 0 : i32
    %dma_wait3A_167 = tpu.memref_slice %arg3[%mul3A_163, %dma_wait3A_166] : memref<4000x80xi32, #tpu.memory_space<hbm>> -> memref<125x80xi32, #tpu.memory_space<hbm>>
    tpu.wait_dma2 semaphore(%arg26 : memref<!tpu.dma_semaphore, #tpu.memory_space<semaphore_mem>>) src(%dma_wait3A_167 : memref<125x80xi32, #tpu.memory_space<hbm>>) dst(%arg11 : memref<125x80xi32, #tpu.memory_space<vmem>>)
    %barrier3A_168 = arith.constant 0 : index
    tpu.barrier barrier_id(%barrier3A_168)
    %scan3A_169 = arith.constant 0 : i32
    %scan3A_170 = arith.constant 0 : i32
    %scan3A_171 = arith.constant 25 : i32
    %scan3A_172 = arith.addi %scan3A_170, %scan3A_171 : i32
    %scan3A_173 = arith.constant 1 : i32
    scf.for %scan3A_248 = %scan3A_170 to %scan3A_172 step %scan3A_173  : i32 {
      %rem3A = arith.constant 2 : i32
      %rem3A_249 = arith.remsi %scan3A_248, %rem3A : i32
      %eq3A_250 = arith.constant 0 : i32
      %eq3A_251 = arith.cmpi eq, %rem3A_249, %eq3A_250 : i32
      %convert_element_type3A_252 = arith.extui %eq3A_251 : i1 to i32
      %cond3A_253 = arith.constant 0 : i32
      %cond3A_254 = arith.cmpi ne, %convert_element_type3A_252, %cond3A_253 : i32
      scf.if %cond3A_254 {
        %gt3A = arith.constant 1 : i32
        %gt3A_259 = arith.cmpi sgt, %scan3A_248, %gt3A : i32
        %convert_element_type3A_260 = arith.extui %gt3A_259 : i1 to i32
        %cond3A_261 = arith.constant 0 : i32
        %cond3A_262 = arith.cmpi ne, %convert_element_type3A_260, %cond3A_261 : i32
        scf.if %cond3A_262 {
          %dma_wait3A_333 = arith.constant 0 : i32
          %dma_wait3A_334 = arith.constant 0 : i32
          %dma_wait3A_335 = tpu.memref_slice %arg5[%dma_wait3A_333, %dma_wait3A_334] : memref<10000x16xf32, #tpu.memory_space<hbm>> -> memref<400x16xf32, #tpu.memory_space<hbm>>
          %dma_wait3A_336 = arith.constant 0 : i32
          %dma_wait3A_337 = arith.constant 0 : i32
          %dma_wait3A_338 = tpu.memref_slice %arg5[%dma_wait3A_336, %dma_wait3A_337] : memref<10000x16xf32, #tpu.memory_space<hbm>> -> memref<400x16xf32, #tpu.memory_space<hbm>>
          tpu.wait_dma2 semaphore(%arg27 : memref<!tpu.dma_semaphore, #tpu.memory_space<semaphore_mem>>) src(%dma_wait3A_338 : memref<400x16xf32, #tpu.memory_space<hbm>>) dst(%arg12 : memref<400x16xf32, #tpu.memory_space<vmem>>)
        } else {
        }
        %mul3A_263 = arith.constant 5 : i32
        %mul3A_264 = arith.muli %scan3A_248, %mul3A_263 : i32
        %add3A_265 = arith.constant 0 : i32
        %add3A_266 = arith.addi %mul3A_264, %add3A_265 : i32
        %dma_start3A_267 = arith.constant 0 : i32
        %dma_start3A_268 = arith.constant 0 : i32
        %dma_start3A_269 = tpu.memref_slice %arg12[%dma_start3A_267, %dma_start3A_268] : memref<400x16xf32, #tpu.memory_space<vmem>> -> memref<80x16xf32, #tpu.memory_space<vmem>>
        %dma_start3A_270 = arith.constant 0 : i32
        %dma_start3A_271 = tpu.memref_slice %arg10[%add3A_266, %dma_start3A_270] : memref<125x80xi32, #tpu.memory_space<vmem>> -> memref<1x80xi32, #tpu.memory_space<vmem>>
        %dma_start3A_272 = tpu.memref_squeeze %dma_start3A_271 : memref<1x80xi32, #tpu.memory_space<vmem>> -> memref<80xi32, #tpu.memory_space<vmem>>
        %dma_start3A_273 = arith.constant 0 : i32
        %dma_start3A_274 = arith.constant 0 : i32
        %dma_start3A_275 = tpu.memref_slice %arg22[%dma_start3A_273, %dma_start3A_274] : memref<10000x16xf32, #tpu.memory_space<vmem_shared>> -> memref<10000x16xf32, #tpu.memory_space<vmem_shared>>
        tpu.enqueue_indirect_dma source(%dma_start3A_275 : memref<10000x16xf32, #tpu.memory_space<vmem_shared>>) target(%dma_start3A_269 : memref<80x16xf32, #tpu.memory_space<vmem>>) offsets(%dma_start3A_272 : memref<80xi32, #tpu.memory_space<vmem>>) semaphore(%arg25 : memref<!tpu.dma_semaphore, #tpu.memory_space<semaphore_mem>>)
        %mul3A_276 = arith.constant 5 : i32
        %mul3A_277 = arith.muli %scan3A_248, %mul3A_276 : i32
        %add3A_278 = arith.constant 1 : i32
        %add3A_279 = arith.addi %mul3A_277, %add3A_278 : i32
        %dma_start3A_280 = arith.constant 80 : i32
        %dma_start3A_281 = arith.constant 0 : i32
        %dma_start3A_282 = tpu.memref_slice %arg12[%dma_start3A_280, %dma_start3A_281] : memref<400x16xf32, #tpu.memory_space<vmem>> -> memref<80x16xf32, #tpu.memory_space<vmem>>
        %dma_start3A_283 = arith.constant 0 : i32
        %dma_start3A_284 = tpu.memref_slice %arg10[%add3A_279, %dma_start3A_283] : memref<125x80xi32, #tpu.memory_space<vmem>> -> memref<1x80xi32, #tpu.memory_space<vmem>>
        %dma_start3A_285 = tpu.memref_squeeze %dma_start3A_284 : memref<1x80xi32, #tpu.memory_space<vmem>> -> memref<80xi32, #tpu.memory_space<vmem>>
        %dma_start3A_286 = arith.constant 0 : i32
        %dma_start3A_287 = arith.constant 0 : i32
        %dma_start3A_288 = tpu.memref_slice %arg22[%dma_start3A_286, %dma_start3A_287] : memref<10000x16xf32, #tpu.memory_space<vmem_shared>> -> memref<10000x16xf32, #tpu.memory_space<vmem_shared>>
        tpu.enqueue_indirect_dma source(%dma_start3A_288 : memref<10000x16xf32, #tpu.memory_space<vmem_shared>>) target(%dma_start3A_282 : memref<80x16xf32, #tpu.memory_space<vmem>>) offsets(%dma_start3A_285 : memref<80xi32, #tpu.memory_space<vmem>>) semaphore(%arg25 : memref<!tpu.dma_semaphore, #tpu.memory_space<semaphore_mem>>)
        %mul3A_289 = arith.constant 5 : i32
        %mul3A_290 = arith.muli %scan3A_248, %mul3A_289 : i32
        %add3A_291 = arith.constant 2 : i32
        %add3A_292 = arith.addi %mul3A_290, %add3A_291 : i32
        %dma_start3A_293 = arith.constant 160 : i32
        %dma_start3A_294 = arith.constant 0 : i32
        %dma_start3A_295 = tpu.memref_slice %arg12[%dma_start3A_293, %dma_start3A_294] : memref<400x16xf32, #tpu.memory_space<vmem>> -> memref<80x16xf32, #tpu.memory_space<vmem>>
        %dma_start3A_296 = arith.constant 0 : i32
        %dma_start3A_297 = tpu.memref_slice %arg10[%add3A_292, %dma_start3A_296] : memref<125x80xi32, #tpu.memory_space<vmem>> -> memref<1x80xi32, #tpu.memory_space<vmem>>
        %dma_start3A_298 = tpu.memref_squeeze %dma_start3A_297 : memref<1x80xi32, #tpu.memory_space<vmem>> -> memref<80xi32, #tpu.memory_space<vmem>>
        %dma_start3A_299 = arith.constant 0 : i32
        %dma_start3A_300 = arith.constant 0 : i32
        %dma_start3A_301 = tpu.memref_slice %arg22[%dma_start3A_299, %dma_start3A_300] : memref<10000x16xf32, #tpu.memory_space<vmem_shared>> -> memref<10000x16xf32, #tpu.memory_space<vmem_shared>>
        tpu.enqueue_indirect_dma source(%dma_start3A_301 : memref<10000x16xf32, #tpu.memory_space<vmem_shared>>) target(%dma_start3A_295 : memref<80x16xf32, #tpu.memory_space<vmem>>) offsets(%dma_start3A_298 : memref<80xi32, #tpu.memory_space<vmem>>) semaphore(%arg25 : memref<!tpu.dma_semaphore, #tpu.memory_space<semaphore_mem>>)
        %mul3A_302 = arith.constant 5 : i32
        %mul3A_303 = arith.muli %scan3A_248, %mul3A_302 : i32
        %add3A_304 = arith.constant 3 : i32
        %add3A_305 = arith.addi %mul3A_303, %add3A_304 : i32
        %dma_start3A_306 = arith.constant 240 : i32
        %dma_start3A_307 = arith.constant 0 : i32
        %dma_start3A_308 = tpu.memref_slice %arg12[%dma_start3A_306, %dma_start3A_307] : memref<400x16xf32, #tpu.memory_space<vmem>> -> memref<80x16xf32, #tpu.memory_space<vmem>>
        %dma_start3A_309 = arith.constant 0 : i32
        %dma_start3A_310 = tpu.memref_slice %arg10[%add3A_305, %dma_start3A_309] : memref<125x80xi32, #tpu.memory_space<vmem>> -> memref<1x80xi32, #tpu.memory_space<vmem>>
        %dma_start3A_311 = tpu.memref_squeeze %dma_start3A_310 : memref<1x80xi32, #tpu.memory_space<vmem>> -> memref<80xi32, #tpu.memory_space<vmem>>
        %dma_start3A_312 = arith.constant 0 : i32
        %dma_start3A_313 = arith.constant 0 : i32
        %dma_start3A_314 = tpu.memref_slice %arg22[%dma_start3A_312, %dma_start3A_313] : memref<10000x16xf32, #tpu.memory_space<vmem_shared>> -> memref<10000x16xf32, #tpu.memory_space<vmem_shared>>
        tpu.enqueue_indirect_dma source(%dma_start3A_314 : memref<10000x16xf32, #tpu.memory_space<vmem_shared>>) target(%dma_start3A_308 : memref<80x16xf32, #tpu.memory_space<vmem>>) offsets(%dma_start3A_311 : memref<80xi32, #tpu.memory_space<vmem>>) semaphore(%arg25 : memref<!tpu.dma_semaphore, #tpu.memory_space<semaphore_mem>>)
        %mul3A_315 = arith.constant 5 : i32
        %mul3A_316 = arith.muli %scan3A_248, %mul3A_315 : i32
        %add3A_317 = arith.constant 4 : i32
        %add3A_318 = arith.addi %mul3A_316, %add3A_317 : i32
        %dma_start3A_319 = arith.constant 320 : i32
        %dma_start3A_320 = arith.constant 0 : i32
        %dma_start3A_321 = tpu.memref_slice %arg12[%dma_start3A_319, %dma_start3A_320] : memref<400x16xf32, #tpu.memory_space<vmem>> -> memref<80x16xf32, #tpu.memory_space<vmem>>
        %dma_start3A_322 = arith.constant 0 : i32
        %dma_start3A_323 = tpu.memref_slice %arg10[%add3A_318, %dma_start3A_322] : memref<125x80xi32, #tpu.memory_space<vmem>> -> memref<1x80xi32, #tpu.memory_space<vmem>>
        %dma_start3A_324 = tpu.memref_squeeze %dma_start3A_323 : memref<1x80xi32, #tpu.memory_space<vmem>> -> memref<80xi32, #tpu.memory_space<vmem>>
        %dma_start3A_325 = arith.constant 0 : i32
        %dma_start3A_326 = arith.constant 0 : i32
        %dma_start3A_327 = tpu.memref_slice %arg22[%dma_start3A_325, %dma_start3A_326] : memref<10000x16xf32, #tpu.memory_space<vmem_shared>> -> memref<10000x16xf32, #tpu.memory_space<vmem_shared>>
        tpu.enqueue_indirect_dma source(%dma_start3A_327 : memref<10000x16xf32, #tpu.memory_space<vmem_shared>>) target(%dma_start3A_321 : memref<80x16xf32, #tpu.memory_space<vmem>>) offsets(%dma_start3A_324 : memref<80xi32, #tpu.memory_space<vmem>>) semaphore(%arg25 : memref<!tpu.dma_semaphore, #tpu.memory_space<semaphore_mem>>)
        %gt3A_328 = arith.constant 0 : i32
        %gt3A_329 = arith.cmpi sgt, %scan3A_248, %gt3A_328 : i32
        %convert_element_type3A_330 = arith.extui %gt3A_329 : i1 to i32
        %cond3A_331 = arith.constant 0 : i32
        %cond3A_332 = arith.cmpi ne, %convert_element_type3A_330, %cond3A_331 : i32
        scf.if %cond3A_332 {
          %dma_wait3A_333 = arith.constant 0 : i32
          %dma_wait3A_334 = arith.constant 0 : i32
          %dma_wait3A_335 = tpu.memref_slice %arg5[%dma_wait3A_333, %dma_wait3A_334] : memref<10000x16xf32, #tpu.memory_space<hbm>> -> memref<400x16xf32, #tpu.memory_space<hbm>>
          %dma_wait3A_336 = arith.constant 0 : i32
          %dma_wait3A_337 = arith.constant 0 : i32
          %dma_wait3A_338 = tpu.memref_slice %arg5[%dma_wait3A_336, %dma_wait3A_337] : memref<10000x16xf32, #tpu.memory_space<hbm>> -> memref<400x16xf32, #tpu.memory_space<hbm>>
          tpu.wait_dma2 semaphore(%arg26 : memref<!tpu.dma_semaphore, #tpu.memory_space<semaphore_mem>>) src(%dma_wait3A_338 : memref<400x16xf32, #tpu.memory_space<hbm>>) dst(%arg13 : memref<400x16xf32, #tpu.memory_space<vmem>>)
          %sub3A_339 = arith.constant 1 : i32
          %sub3A_340 = arith.subi %scan3A_248, %sub3A_339 : i32
          %mul3A_341 = arith.constant 5 : i32
          %mul3A_342 = arith.muli %sub3A_340, %mul3A_341 : i32
          %add3A_343 = arith.constant 0 : i32
          %add3A_344 = arith.addi %mul3A_342, %add3A_343 : i32
          %dma_start3A_345 = arith.constant 0 : i32
          %dma_start3A_346 = arith.constant 0 : i32
          %dma_start3A_347 = tpu.memref_slice %arg13[%dma_start3A_345, %dma_start3A_346] : memref<400x16xf32, #tpu.memory_space<vmem>> -> memref<80x16xf32, #tpu.memory_space<vmem>>
          %dma_start3A_348 = arith.constant 0 : i32
          %dma_start3A_349 = tpu.memref_slice %arg11[%add3A_344, %dma_start3A_348] : memref<125x80xi32, #tpu.memory_space<vmem>> -> memref<1x80xi32, #tpu.memory_space<vmem>>
          %dma_start3A_350 = tpu.memref_squeeze %dma_start3A_349 : memref<1x80xi32, #tpu.memory_space<vmem>> -> memref<80xi32, #tpu.memory_space<vmem>>
          %dma_start3A_351 = arith.constant 0 : i32
          %dma_start3A_352 = arith.constant 0 : i32
          %dma_start3A_353 = tpu.memref_slice %arg23[%dma_start3A_351, %dma_start3A_352] : memref<10000x16xf32, #tpu.memory_space<vmem_shared>> -> memref<10000x16xf32, #tpu.memory_space<vmem_shared>>
          tpu.enqueue_indirect_dma source(%dma_start3A_347 : memref<80x16xf32, #tpu.memory_space<vmem>>) target(%dma_start3A_353 : memref<10000x16xf32, #tpu.memory_space<vmem_shared>>) offsets(%dma_start3A_350 : memref<80xi32, #tpu.memory_space<vmem>>) semaphore(%arg28 : memref<!tpu.dma_semaphore, #tpu.memory_space<semaphore_mem>>) {add = true}
          %mul3A_354 = arith.constant 5 : i32
          %mul3A_355 = arith.muli %sub3A_340, %mul3A_354 : i32
          %add3A_356 = arith.constant 1 : i32
          %add3A_357 = arith.addi %mul3A_355, %add3A_356 : i32
          %dma_start3A_358 = arith.constant 80 : i32
          %dma_start3A_359 = arith.constant 0 : i32
          %dma_start3A_360 = tpu.memref_slice %arg13[%dma_start3A_358, %dma_start3A_359] : memref<400x16xf32, #tpu.memory_space<vmem>> -> memref<80x16xf32, #tpu.memory_space<vmem>>
          %dma_start3A_361 = arith.constant 0 : i32
          %dma_start3A_362 = tpu.memref_slice %arg11[%add3A_357, %dma_start3A_361] : memref<125x80xi32, #tpu.memory_space<vmem>> -> memref<1x80xi32, #tpu.memory_space<vmem>>
          %dma_start3A_363 = tpu.memref_squeeze %dma_start3A_362 : memref<1x80xi32, #tpu.memory_space<vmem>> -> memref<80xi32, #tpu.memory_space<vmem>>
          %dma_start3A_364 = arith.constant 0 : i32
          %dma_start3A_365 = arith.constant 0 : i32
          %dma_start3A_366 = tpu.memref_slice %arg23[%dma_start3A_364, %dma_start3A_365] : memref<10000x16xf32, #tpu.memory_space<vmem_shared>> -> memref<10000x16xf32, #tpu.memory_space<vmem_shared>>
          tpu.enqueue_indirect_dma source(%dma_start3A_360 : memref<80x16xf32, #tpu.memory_space<vmem>>) target(%dma_start3A_366 : memref<10000x16xf32, #tpu.memory_space<vmem_shared>>) offsets(%dma_start3A_363 : memref<80xi32, #tpu.memory_space<vmem>>) semaphore(%arg28 : memref<!tpu.dma_semaphore, #tpu.memory_space<semaphore_mem>>) {add = true}
          %mul3A_367 = arith.constant 5 : i32
          %mul3A_368 = arith.muli %sub3A_340, %mul3A_367 : i32
          %add3A_369 = arith.constant 2 : i32
          %add3A_370 = arith.addi %mul3A_368, %add3A_369 : i32
          %dma_start3A_371 = arith.constant 160 : i32
          %dma_start3A_372 = arith.constant 0 : i32
          %dma_start3A_373 = tpu.memref_slice %arg13[%dma_start3A_371, %dma_start3A_372] : memref<400x16xf32, #tpu.memory_space<vmem>> -> memref<80x16xf32, #tpu.memory_space<vmem>>
          %dma_start3A_374 = arith.constant 0 : i32
          %dma_start3A_375 = tpu.memref_slice %arg11[%add3A_370, %dma_start3A_374] : memref<125x80xi32, #tpu.memory_space<vmem>> -> memref<1x80xi32, #tpu.memory_space<vmem>>
          %dma_start3A_376 = tpu.memref_squeeze %dma_start3A_375 : memref<1x80xi32, #tpu.memory_space<vmem>> -> memref<80xi32, #tpu.memory_space<vmem>>
          %dma_start3A_377 = arith.constant 0 : i32
          %dma_start3A_378 = arith.constant 0 : i32
          %dma_start3A_379 = tpu.memref_slice %arg23[%dma_start3A_377, %dma_start3A_378] : memref<10000x16xf32, #tpu.memory_space<vmem_shared>> -> memref<10000x16xf32, #tpu.memory_space<vmem_shared>>
          tpu.enqueue_indirect_dma source(%dma_start3A_373 : memref<80x16xf32, #tpu.memory_space<vmem>>) target(%dma_start3A_379 : memref<10000x16xf32, #tpu.memory_space<vmem_shared>>) offsets(%dma_start3A_376 : memref<80xi32, #tpu.memory_space<vmem>>) semaphore(%arg28 : memref<!tpu.dma_semaphore, #tpu.memory_space<semaphore_mem>>) {add = true}
          %mul3A_380 = arith.constant 5 : i32
          %mul3A_381 = arith.muli %sub3A_340, %mul3A_380 : i32
          %add3A_382 = arith.constant 3 : i32
          %add3A_383 = arith.addi %mul3A_381, %add3A_382 : i32
          %dma_start3A_384 = arith.constant 240 : i32
          %dma_start3A_385 = arith.constant 0 : i32
          %dma_start3A_386 = tpu.memref_slice %arg13[%dma_start3A_384, %dma_start3A_385] : memref<400x16xf32, #tpu.memory_space<vmem>> -> memref<80x16xf32, #tpu.memory_space<vmem>>
          %dma_start3A_387 = arith.constant 0 : i32
          %dma_start3A_388 = tpu.memref_slice %arg11[%add3A_383, %dma_start3A_387] : memref<125x80xi32, #tpu.memory_space<vmem>> -> memref<1x80xi32, #tpu.memory_space<vmem>>
          %dma_start3A_389 = tpu.memref_squeeze %dma_start3A_388 : memref<1x80xi32, #tpu.memory_space<vmem>> -> memref<80xi32, #tpu.memory_space<vmem>>
          %dma_start3A_390 = arith.constant 0 : i32
          %dma_start3A_391 = arith.constant 0 : i32
          %dma_start3A_392 = tpu.memref_slice %arg23[%dma_start3A_390, %dma_start3A_391] : memref<10000x16xf32, #tpu.memory_space<vmem_shared>> -> memref<10000x16xf32, #tpu.memory_space<vmem_shared>>
          tpu.enqueue_indirect_dma source(%dma_start3A_386 : memref<80x16xf32, #tpu.memory_space<vmem>>) target(%dma_start3A_392 : memref<10000x16xf32, #tpu.memory_space<vmem_shared>>) offsets(%dma_start3A_389 : memref<80xi32, #tpu.memory_space<vmem>>) semaphore(%arg28 : memref<!tpu.dma_semaphore, #tpu.memory_space<semaphore_mem>>) {add = true}
          %mul3A_393 = arith.constant 5 : i32
          %mul3A_394 = arith.muli %sub3A_340, %mul3A_393 : i32
          %add3A_395 = arith.constant 4 : i32
          %add3A_396 = arith.addi %mul3A_394, %add3A_395 : i32
          %dma_start3A_397 = arith.constant 320 : i32
          %dma_start3A_398 = arith.constant 0 : i32
          %dma_start3A_399 = tpu.memref_slice %arg13[%dma_start3A_397, %dma_start3A_398] : memref<400x16xf32, #tpu.memory_space<vmem>> -> memref<80x16xf32, #tpu.memory_space<vmem>>
          %dma_start3A_400 = arith.constant 0 : i32
          %dma_start3A_401 = tpu.memref_slice %arg11[%add3A_396, %dma_start3A_400] : memref<125x80xi32, #tpu.memory_space<vmem>> -> memref<1x80xi32, #tpu.memory_space<vmem>>
          %dma_start3A_402 = tpu.memref_squeeze %dma_start3A_401 : memref<1x80xi32, #tpu.memory_space<vmem>> -> memref<80xi32, #tpu.memory_space<vmem>>
          %dma_start3A_403 = arith.constant 0 : i32
          %dma_start3A_404 = arith.constant 0 : i32
          %dma_start3A_405 = tpu.memref_slice %arg23[%dma_start3A_403, %dma_start3A_404] : memref<10000x16xf32, #tpu.memory_space<vmem_shared>> -> memref<10000x16xf32, #tpu.memory_space<vmem_shared>>
          tpu.enqueue_indirect_dma source(%dma_start3A_399 : memref<80x16xf32, #tpu.memory_space<vmem>>) target(%dma_start3A_405 : memref<10000x16xf32, #tpu.memory_space<vmem_shared>>) offsets(%dma_start3A_402 : memref<80xi32, #tpu.memory_space<vmem>>) semaphore(%arg28 : memref<!tpu.dma_semaphore, #tpu.memory_space<semaphore_mem>>) {add = true}
        } else {
        }
      } else {
      }
      %not3A = arith.constant true
      %not3A_255 = arith.xori %eq3A_251, %not3A : i1
      %convert_element_type3A_256 = arith.extui %not3A_255 : i1 to i32
      %cond3A_257 = arith.constant 0 : i32
      %cond3A_258 = arith.cmpi ne, %convert_element_type3A_256, %cond3A_257 : i32
      scf.if %cond3A_258 {
        %gt3A = arith.constant 1 : i32
        %gt3A_259 = arith.cmpi sgt, %scan3A_248, %gt3A : i32
        %convert_element_type3A_260 = arith.extui %gt3A_259 : i1 to i32
        %cond3A_261 = arith.constant 0 : i32
        %cond3A_262 = arith.cmpi ne, %convert_element_type3A_260, %cond3A_261 : i32
        scf.if %cond3A_262 {
          %dma_wait3A_401 = arith.constant 0 : i32
          %dma_wait3A_402 = arith.constant 0 : i32
          %dma_wait3A_403 = tpu.memref_slice %arg5[%dma_wait3A_401, %dma_wait3A_402] : memref<10000x16xf32, #tpu.memory_space<hbm>> -> memref<400x16xf32, #tpu.memory_space<hbm>>
          %dma_wait3A_404 = arith.constant 0 : i32
          %dma_wait3A_405 = arith.constant 0 : i32
          %dma_wait3A_406 = tpu.memref_slice %arg5[%dma_wait3A_404, %dma_wait3A_405] : memref<10000x16xf32, #tpu.memory_space<hbm>> -> memref<400x16xf32, #tpu.memory_space<hbm>>
          tpu.wait_dma2 semaphore(%arg28 : memref<!tpu.dma_semaphore, #tpu.memory_space<semaphore_mem>>) src(%dma_wait3A_406 : memref<400x16xf32, #tpu.memory_space<hbm>>) dst(%arg13 : memref<400x16xf32, #tpu.memory_space<vmem>>)
        } else {
        }
        %mul3A_263 = arith.constant 5 : i32
        %mul3A_264 = arith.muli %scan3A_248, %mul3A_263 : i32
        %add3A_265 = arith.constant 0 : i32
        %add3A_266 = arith.addi %mul3A_264, %add3A_265 : i32
        %dma_start3A_267 = arith.constant 0 : i32
        %dma_start3A_268 = arith.constant 0 : i32
        %dma_start3A_269 = tpu.memref_slice %arg13[%dma_start3A_267, %dma_start3A_268] : memref<400x16xf32, #tpu.memory_space<vmem>> -> memref<80x16xf32, #tpu.memory_space<vmem>>
        %dma_start3A_270 = arith.constant 0 : i32
        %dma_start3A_271 = tpu.memref_slice %arg10[%add3A_266, %dma_start3A_270] : memref<125x80xi32, #tpu.memory_space<vmem>> -> memref<1x80xi32, #tpu.memory_space<vmem>>
        %dma_start3A_272 = tpu.memref_squeeze %dma_start3A_271 : memref<1x80xi32, #tpu.memory_space<vmem>> -> memref<80xi32, #tpu.memory_space<vmem>>
        %dma_start3A_273 = arith.constant 0 : i32
        %dma_start3A_274 = arith.constant 0 : i32
        %dma_start3A_275 = tpu.memref_slice %arg22[%dma_start3A_273, %dma_start3A_274] : memref<10000x16xf32, #tpu.memory_space<vmem_shared>> -> memref<10000x16xf32, #tpu.memory_space<vmem_shared>>
        tpu.enqueue_indirect_dma source(%dma_start3A_275 : memref<10000x16xf32, #tpu.memory_space<vmem_shared>>) target(%dma_start3A_269 : memref<80x16xf32, #tpu.memory_space<vmem>>) offsets(%dma_start3A_272 : memref<80xi32, #tpu.memory_space<vmem>>) semaphore(%arg26 : memref<!tpu.dma_semaphore, #tpu.memory_space<semaphore_mem>>)
        %mul3A_276 = arith.constant 5 : i32
        %mul3A_277 = arith.muli %scan3A_248, %mul3A_276 : i32
        %add3A_278 = arith.constant 1 : i32
        %add3A_279 = arith.addi %mul3A_277, %add3A_278 : i32
        %dma_start3A_280 = arith.constant 80 : i32
        %dma_start3A_281 = arith.constant 0 : i32
        %dma_start3A_282 = tpu.memref_slice %arg13[%dma_start3A_280, %dma_start3A_281] : memref<400x16xf32, #tpu.memory_space<vmem>> -> memref<80x16xf32, #tpu.memory_space<vmem>>
        %dma_start3A_283 = arith.constant 0 : i32
        %dma_start3A_284 = tpu.memref_slice %arg10[%add3A_279, %dma_start3A_283] : memref<125x80xi32, #tpu.memory_space<vmem>> -> memref<1x80xi32, #tpu.memory_space<vmem>>
        %dma_start3A_285 = tpu.memref_squeeze %dma_start3A_284 : memref<1x80xi32, #tpu.memory_space<vmem>> -> memref<80xi32, #tpu.memory_space<vmem>>
        %dma_start3A_286 = arith.constant 0 : i32
        %dma_start3A_287 = arith.constant 0 : i32
        %dma_start3A_288 = tpu.memref_slice %arg22[%dma_start3A_286, %dma_start3A_287] : memref<10000x16xf32, #tpu.memory_space<vmem_shared>> -> memref<10000x16xf32, #tpu.memory_space<vmem_shared>>
        tpu.enqueue_indirect_dma source(%dma_start3A_288 : memref<10000x16xf32, #tpu.memory_space<vmem_shared>>) target(%dma_start3A_282 : memref<80x16xf32, #tpu.memory_space<vmem>>) offsets(%dma_start3A_285 : memref<80xi32, #tpu.memory_space<vmem>>) semaphore(%arg26 : memref<!tpu.dma_semaphore, #tpu.memory_space<semaphore_mem>>)
        %mul3A_289 = arith.constant 5 : i32
        %mul3A_290 = arith.muli %scan3A_248, %mul3A_289 : i32
        %add3A_291 = arith.constant 2 : i32
        %add3A_292 = arith.addi %mul3A_290, %add3A_291 : i32
        %dma_start3A_293 = arith.constant 160 : i32
        %dma_start3A_294 = arith.constant 0 : i32
        %dma_start3A_295 = tpu.memref_slice %arg13[%dma_start3A_293, %dma_start3A_294] : memref<400x16xf32, #tpu.memory_space<vmem>> -> memref<80x16xf32, #tpu.memory_space<vmem>>
        %dma_start3A_296 = arith.constant 0 : i32
        %dma_start3A_297 = tpu.memref_slice %arg10[%add3A_292, %dma_start3A_296] : memref<125x80xi32, #tpu.memory_space<vmem>> -> memref<1x80xi32, #tpu.memory_space<vmem>>
        %dma_start3A_298 = tpu.memref_squeeze %dma_start3A_297 : memref<1x80xi32, #tpu.memory_space<vmem>> -> memref<80xi32, #tpu.memory_space<vmem>>
        %dma_start3A_299 = arith.constant 0 : i32
        %dma_start3A_300 = arith.constant 0 : i32
        %dma_start3A_301 = tpu.memref_slice %arg22[%dma_start3A_299, %dma_start3A_300] : memref<10000x16xf32, #tpu.memory_space<vmem_shared>> -> memref<10000x16xf32, #tpu.memory_space<vmem_shared>>
        tpu.enqueue_indirect_dma source(%dma_start3A_301 : memref<10000x16xf32, #tpu.memory_space<vmem_shared>>) target(%dma_start3A_295 : memref<80x16xf32, #tpu.memory_space<vmem>>) offsets(%dma_start3A_298 : memref<80xi32, #tpu.memory_space<vmem>>) semaphore(%arg26 : memref<!tpu.dma_semaphore, #tpu.memory_space<semaphore_mem>>)
        %mul3A_302 = arith.constant 5 : i32
        %mul3A_303 = arith.muli %scan3A_248, %mul3A_302 : i32
        %add3A_304 = arith.constant 3 : i32
        %add3A_305 = arith.addi %mul3A_303, %add3A_304 : i32
        %dma_start3A_306 = arith.constant 240 : i32
        %dma_start3A_307 = arith.constant 0 : i32
        %dma_start3A_308 = tpu.memref_slice %arg13[%dma_start3A_306, %dma_start3A_307] : memref<400x16xf32, #tpu.memory_space<vmem>> -> memref<80x16xf32, #tpu.memory_space<vmem>>
        %dma_start3A_309 = arith.constant 0 : i32
        %dma_start3A_310 = tpu.memref_slice %arg10[%add3A_305, %dma_start3A_309] : memref<125x80xi32, #tpu.memory_space<vmem>> -> memref<1x80xi32, #tpu.memory_space<vmem>>
        %dma_start3A_311 = tpu.memref_squeeze %dma_start3A_310 : memref<1x80xi32, #tpu.memory_space<vmem>> -> memref<80xi32, #tpu.memory_space<vmem>>
        %dma_start3A_312 = arith.constant 0 : i32
        %dma_start3A_313 = arith.constant 0 : i32
        %dma_start3A_314 = tpu.memref_slice %arg22[%dma_start3A_312, %dma_start3A_313] : memref<10000x16xf32, #tpu.memory_space<vmem_shared>> -> memref<10000x16xf32, #tpu.memory_space<vmem_shared>>
        tpu.enqueue_indirect_dma source(%dma_start3A_314 : memref<10000x16xf32, #tpu.memory_space<vmem_shared>>) target(%dma_start3A_308 : memref<80x16xf32, #tpu.memory_space<vmem>>) offsets(%dma_start3A_311 : memref<80xi32, #tpu.memory_space<vmem>>) semaphore(%arg26 : memref<!tpu.dma_semaphore, #tpu.memory_space<semaphore_mem>>)
        %mul3A_315 = arith.constant 5 : i32
        %mul3A_316 = arith.muli %scan3A_248, %mul3A_315 : i32
        %add3A_317 = arith.constant 4 : i32
        %add3A_318 = arith.addi %mul3A_316, %add3A_317 : i32
        %dma_start3A_319 = arith.constant 320 : i32
        %dma_start3A_320 = arith.constant 0 : i32
        %dma_start3A_321 = tpu.memref_slice %arg13[%dma_start3A_319, %dma_start3A_320] : memref<400x16xf32, #tpu.memory_space<vmem>> -> memref<80x16xf32, #tpu.memory_space<vmem>>
        %dma_start3A_322 = arith.constant 0 : i32
        %dma_start3A_323 = tpu.memref_slice %arg10[%add3A_318, %dma_start3A_322] : memref<125x80xi32, #tpu.memory_space<vmem>> -> memref<1x80xi32, #tpu.memory_space<vmem>>
        %dma_start3A_324 = tpu.memref_squeeze %dma_start3A_323 : memref<1x80xi32, #tpu.memory_space<vmem>> -> memref<80xi32, #tpu.memory_space<vmem>>
        %dma_start3A_325 = arith.constant 0 : i32
        %dma_start3A_326 = arith.constant 0 : i32
        %dma_start3A_327 = tpu.memref_slice %arg22[%dma_start3A_325, %dma_start3A_326] : memref<10000x16xf32, #tpu.memory_space<vmem_shared>> -> memref<10000x16xf32, #tpu.memory_space<vmem_shared>>
        tpu.enqueue_indirect_dma source(%dma_start3A_327 : memref<10000x16xf32, #tpu.memory_space<vmem_shared>>) target(%dma_start3A_321 : memref<80x16xf32, #tpu.memory_space<vmem>>) offsets(%dma_start3A_324 : memref<80xi32, #tpu.memory_space<vmem>>) semaphore(%arg26 : memref<!tpu.dma_semaphore, #tpu.memory_space<semaphore_mem>>)
        %dma_wait3A_328 = arith.constant 0 : i32
        %dma_wait3A_329 = arith.constant 0 : i32
        %dma_wait3A_330 = tpu.memref_slice %arg5[%dma_wait3A_328, %dma_wait3A_329] : memref<10000x16xf32, #tpu.memory_space<hbm>> -> memref<400x16xf32, #tpu.memory_space<hbm>>
        %dma_wait3A_331 = arith.constant 0 : i32
        %dma_wait3A_332 = arith.constant 0 : i32
        %dma_wait3A_333 = tpu.memref_slice %arg5[%dma_wait3A_331, %dma_wait3A_332] : memref<10000x16xf32, #tpu.memory_space<hbm>> -> memref<400x16xf32, #tpu.memory_space<hbm>>
        tpu.wait_dma2 semaphore(%arg25 : memref<!tpu.dma_semaphore, #tpu.memory_space<semaphore_mem>>) src(%dma_wait3A_333 : memref<400x16xf32, #tpu.memory_space<hbm>>) dst(%arg12 : memref<400x16xf32, #tpu.memory_space<vmem>>)
        %sub3A_334 = arith.constant 1 : i32
        %sub3A_335 = arith.subi %scan3A_248, %sub3A_334 : i32
        %mul3A_336 = arith.constant 5 : i32
        %mul3A_337 = arith.muli %sub3A_335, %mul3A_336 : i32
        %add3A_338 = arith.constant 0 : i32
        %add3A_339 = arith.addi %mul3A_337, %add3A_338 : i32
        %dma_start3A_340 = arith.constant 0 : i32
        %dma_start3A_341 = arith.constant 0 : i32
        %dma_start3A_342 = tpu.memref_slice %arg12[%dma_start3A_340, %dma_start3A_341] : memref<400x16xf32, #tpu.memory_space<vmem>> -> memref<80x16xf32, #tpu.memory_space<vmem>>
        %dma_start3A_343 = arith.constant 0 : i32
        %dma_start3A_344 = tpu.memref_slice %arg11[%add3A_339, %dma_start3A_343] : memref<125x80xi32, #tpu.memory_space<vmem>> -> memref<1x80xi32, #tpu.memory_space<vmem>>
        %dma_start3A_345 = tpu.memref_squeeze %dma_start3A_344 : memref<1x80xi32, #tpu.memory_space<vmem>> -> memref<80xi32, #tpu.memory_space<vmem>>
        %dma_start3A_346 = arith.constant 0 : i32
        %dma_start3A_347 = arith.constant 0 : i32
        %dma_start3A_348 = tpu.memref_slice %arg23[%dma_start3A_346, %dma_start3A_347] : memref<10000x16xf32, #tpu.memory_space<vmem_shared>> -> memref<10000x16xf32, #tpu.memory_space<vmem_shared>>
        tpu.enqueue_indirect_dma source(%dma_start3A_342 : memref<80x16xf32, #tpu.memory_space<vmem>>) target(%dma_start3A_348 : memref<10000x16xf32, #tpu.memory_space<vmem_shared>>) offsets(%dma_start3A_345 : memref<80xi32, #tpu.memory_space<vmem>>) semaphore(%arg27 : memref<!tpu.dma_semaphore, #tpu.memory_space<semaphore_mem>>) {add = true}
        %mul3A_349 = arith.constant 5 : i32
        %mul3A_350 = arith.muli %sub3A_335, %mul3A_349 : i32
        %add3A_351 = arith.constant 1 : i32
        %add3A_352 = arith.addi %mul3A_350, %add3A_351 : i32
        %dma_start3A_353 = arith.constant 80 : i32
        %dma_start3A_354 = arith.constant 0 : i32
        %dma_start3A_355 = tpu.memref_slice %arg12[%dma_start3A_353, %dma_start3A_354] : memref<400x16xf32, #tpu.memory_space<vmem>> -> memref<80x16xf32, #tpu.memory_space<vmem>>
        %dma_start3A_356 = arith.constant 0 : i32
        %dma_start3A_357 = tpu.memref_slice %arg11[%add3A_352, %dma_start3A_356] : memref<125x80xi32, #tpu.memory_space<vmem>> -> memref<1x80xi32, #tpu.memory_space<vmem>>
        %dma_start3A_358 = tpu.memref_squeeze %dma_start3A_357 : memref<1x80xi32, #tpu.memory_space<vmem>> -> memref<80xi32, #tpu.memory_space<vmem>>
        %dma_start3A_359 = arith.constant 0 : i32
        %dma_start3A_360 = arith.constant 0 : i32
        %dma_start3A_361 = tpu.memref_slice %arg23[%dma_start3A_359, %dma_start3A_360] : memref<10000x16xf32, #tpu.memory_space<vmem_shared>> -> memref<10000x16xf32, #tpu.memory_space<vmem_shared>>
        tpu.enqueue_indirect_dma source(%dma_start3A_355 : memref<80x16xf32, #tpu.memory_space<vmem>>) target(%dma_start3A_361 : memref<10000x16xf32, #tpu.memory_space<vmem_shared>>) offsets(%dma_start3A_358 : memref<80xi32, #tpu.memory_space<vmem>>) semaphore(%arg27 : memref<!tpu.dma_semaphore, #tpu.memory_space<semaphore_mem>>) {add = true}
        %mul3A_362 = arith.constant 5 : i32
        %mul3A_363 = arith.muli %sub3A_335, %mul3A_362 : i32
        %add3A_364 = arith.constant 2 : i32
        %add3A_365 = arith.addi %mul3A_363, %add3A_364 : i32
        %dma_start3A_366 = arith.constant 160 : i32
        %dma_start3A_367 = arith.constant 0 : i32
        %dma_start3A_368 = tpu.memref_slice %arg12[%dma_start3A_366, %dma_start3A_367] : memref<400x16xf32, #tpu.memory_space<vmem>> -> memref<80x16xf32, #tpu.memory_space<vmem>>
        %dma_start3A_369 = arith.constant 0 : i32
        %dma_start3A_370 = tpu.memref_slice %arg11[%add3A_365, %dma_start3A_369] : memref<125x80xi32, #tpu.memory_space<vmem>> -> memref<1x80xi32, #tpu.memory_space<vmem>>
        %dma_start3A_371 = tpu.memref_squeeze %dma_start3A_370 : memref<1x80xi32, #tpu.memory_space<vmem>> -> memref<80xi32, #tpu.memory_space<vmem>>
        %dma_start3A_372 = arith.constant 0 : i32
        %dma_start3A_373 = arith.constant 0 : i32
        %dma_start3A_374 = tpu.memref_slice %arg23[%dma_start3A_372, %dma_start3A_373] : memref<10000x16xf32, #tpu.memory_space<vmem_shared>> -> memref<10000x16xf32, #tpu.memory_space<vmem_shared>>
        tpu.enqueue_indirect_dma source(%dma_start3A_368 : memref<80x16xf32, #tpu.memory_space<vmem>>) target(%dma_start3A_374 : memref<10000x16xf32, #tpu.memory_space<vmem_shared>>) offsets(%dma_start3A_371 : memref<80xi32, #tpu.memory_space<vmem>>) semaphore(%arg27 : memref<!tpu.dma_semaphore, #tpu.memory_space<semaphore_mem>>) {add = true}
        %mul3A_375 = arith.constant 5 : i32
        %mul3A_376 = arith.muli %sub3A_335, %mul3A_375 : i32
        %add3A_377 = arith.constant 3 : i32
        %add3A_378 = arith.addi %mul3A_376, %add3A_377 : i32
        %dma_start3A_379 = arith.constant 240 : i32
        %dma_start3A_380 = arith.constant 0 : i32
        %dma_start3A_381 = tpu.memref_slice %arg12[%dma_start3A_379, %dma_start3A_380] : memref<400x16xf32, #tpu.memory_space<vmem>> -> memref<80x16xf32, #tpu.memory_space<vmem>>
        %dma_start3A_382 = arith.constant 0 : i32
        %dma_start3A_383 = tpu.memref_slice %arg11[%add3A_378, %dma_start3A_382] : memref<125x80xi32, #tpu.memory_space<vmem>> -> memref<1x80xi32, #tpu.memory_space<vmem>>
        %dma_start3A_384 = tpu.memref_squeeze %dma_start3A_383 : memref<1x80xi32, #tpu.memory_space<vmem>> -> memref<80xi32, #tpu.memory_space<vmem>>
        %dma_start3A_385 = arith.constant 0 : i32
        %dma_start3A_386 = arith.constant 0 : i32
        %dma_start3A_387 = tpu.memref_slice %arg23[%dma_start3A_385, %dma_start3A_386] : memref<10000x16xf32, #tpu.memory_space<vmem_shared>> -> memref<10000x16xf32, #tpu.memory_space<vmem_shared>>
        tpu.enqueue_indirect_dma source(%dma_start3A_381 : memref<80x16xf32, #tpu.memory_space<vmem>>) target(%dma_start3A_387 : memref<10000x16xf32, #tpu.memory_space<vmem_shared>>) offsets(%dma_start3A_384 : memref<80xi32, #tpu.memory_space<vmem>>) semaphore(%arg27 : memref<!tpu.dma_semaphore, #tpu.memory_space<semaphore_mem>>) {add = true}
        %mul3A_388 = arith.constant 5 : i32
        %mul3A_389 = arith.muli %sub3A_335, %mul3A_388 : i32
        %add3A_390 = arith.constant 4 : i32
        %add3A_391 = arith.addi %mul3A_389, %add3A_390 : i32
        %dma_start3A_392 = arith.constant 320 : i32
        %dma_start3A_393 = arith.constant 0 : i32
        %dma_start3A_394 = tpu.memref_slice %arg12[%dma_start3A_392, %dma_start3A_393] : memref<400x16xf32, #tpu.memory_space<vmem>> -> memref<80x16xf32, #tpu.memory_space<vmem>>
        %dma_start3A_395 = arith.constant 0 : i32
        %dma_start3A_396 = tpu.memref_slice %arg11[%add3A_391, %dma_start3A_395] : memref<125x80xi32, #tpu.memory_space<vmem>> -> memref<1x80xi32, #tpu.memory_space<vmem>>
        %dma_start3A_397 = tpu.memref_squeeze %dma_start3A_396 : memref<1x80xi32, #tpu.memory_space<vmem>> -> memref<80xi32, #tpu.memory_space<vmem>>
        %dma_start3A_398 = arith.constant 0 : i32
        %dma_start3A_399 = arith.constant 0 : i32
        %dma_start3A_400 = tpu.memref_slice %arg23[%dma_start3A_398, %dma_start3A_399] : memref<10000x16xf32, #tpu.memory_space<vmem_shared>> -> memref<10000x16xf32, #tpu.memory_space<vmem_shared>>
        tpu.enqueue_indirect_dma source(%dma_start3A_394 : memref<80x16xf32, #tpu.memory_space<vmem>>) target(%dma_start3A_400 : memref<10000x16xf32, #tpu.memory_space<vmem_shared>>) offsets(%dma_start3A_397 : memref<80xi32, #tpu.memory_space<vmem>>) semaphore(%arg27 : memref<!tpu.dma_semaphore, #tpu.memory_space<semaphore_mem>>) {add = true}
      } else {
      }
    }
    %scan3A_174 = arith.constant 25 : i32
    %dma_wait3A_175 = arith.constant 0 : i32
    %dma_wait3A_176 = arith.constant 0 : i32
    %dma_wait3A_177 = tpu.memref_slice %arg5[%dma_wait3A_175, %dma_wait3A_176] : memref<10000x16xf32, #tpu.memory_space<hbm>> -> memref<400x16xf32, #tpu.memory_space<hbm>>
    %dma_wait3A_178 = arith.constant 0 : i32
    %dma_wait3A_179 = arith.constant 0 : i32
    %dma_wait3A_180 = tpu.memref_slice %arg5[%dma_wait3A_178, %dma_wait3A_179] : memref<10000x16xf32, #tpu.memory_space<hbm>> -> memref<400x16xf32, #tpu.memory_space<hbm>>
    tpu.wait_dma2 semaphore(%arg25 : memref<!tpu.dma_semaphore, #tpu.memory_space<semaphore_mem>>) src(%dma_wait3A_180 : memref<400x16xf32, #tpu.memory_space<hbm>>) dst(%arg12 : memref<400x16xf32, #tpu.memory_space<vmem>>)
    %dma_start3A_181 = arith.constant 120 : i32
    %dma_start3A_182 = arith.constant 0 : i32
    %dma_start3A_183 = arith.constant 0 : i32
    %dma_start3A_184 = tpu.memref_slice %arg12[%dma_start3A_182, %dma_start3A_183] : memref<400x16xf32, #tpu.memory_space<vmem>> -> memref<80x16xf32, #tpu.memory_space<vmem>>
    %dma_start3A_185 = arith.constant 0 : i32
    %dma_start3A_186 = tpu.memref_slice %arg11[%dma_start3A_181, %dma_start3A_185] : memref<125x80xi32, #tpu.memory_space<vmem>> -> memref<1x80xi32, #tpu.memory_space<vmem>>
    %dma_start3A_187 = tpu.memref_squeeze %dma_start3A_186 : memref<1x80xi32, #tpu.memory_space<vmem>> -> memref<80xi32, #tpu.memory_space<vmem>>
    %dma_start3A_188 = arith.constant 0 : i32
    %dma_start3A_189 = arith.constant 0 : i32
    %dma_start3A_190 = tpu.memref_slice %arg23[%dma_start3A_188, %dma_start3A_189] : memref<10000x16xf32, #tpu.memory_space<vmem_shared>> -> memref<10000x16xf32, #tpu.memory_space<vmem_shared>>
    tpu.enqueue_indirect_dma source(%dma_start3A_184 : memref<80x16xf32, #tpu.memory_space<vmem>>) target(%dma_start3A_190 : memref<10000x16xf32, #tpu.memory_space<vmem_shared>>) offsets(%dma_start3A_187 : memref<80xi32, #tpu.memory_space<vmem>>) semaphore(%arg27 : memref<!tpu.dma_semaphore, #tpu.memory_space<semaphore_mem>>) {add = true}
    %dma_start3A_191 = arith.constant 121 : i32
    %dma_start3A_192 = arith.constant 80 : i32
    %dma_start3A_193 = arith.constant 0 : i32
    %dma_start3A_194 = tpu.memref_slice %arg12[%dma_start3A_192, %dma_start3A_193] : memref<400x16xf32, #tpu.memory_space<vmem>> -> memref<80x16xf32, #tpu.memory_space<vmem>>
    %dma_start3A_195 = arith.constant 0 : i32
    %dma_start3A_196 = tpu.memref_slice %arg11[%dma_start3A_191, %dma_start3A_195] : memref<125x80xi32, #tpu.memory_space<vmem>> -> memref<1x80xi32, #tpu.memory_space<vmem>>
    %dma_start3A_197 = tpu.memref_squeeze %dma_start3A_196 : memref<1x80xi32, #tpu.memory_space<vmem>> -> memref<80xi32, #tpu.memory_space<vmem>>
    %dma_start3A_198 = arith.constant 0 : i32
    %dma_start3A_199 = arith.constant 0 : i32
    %dma_start3A_200 = tpu.memref_slice %arg23[%dma_start3A_198, %dma_start3A_199] : memref<10000x16xf32, #tpu.memory_space<vmem_shared>> -> memref<10000x16xf32, #tpu.memory_space<vmem_shared>>
    tpu.enqueue_indirect_dma source(%dma_start3A_194 : memref<80x16xf32, #tpu.memory_space<vmem>>) target(%dma_start3A_200 : memref<10000x16xf32, #tpu.memory_space<vmem_shared>>) offsets(%dma_start3A_197 : memref<80xi32, #tpu.memory_space<vmem>>) semaphore(%arg27 : memref<!tpu.dma_semaphore, #tpu.memory_space<semaphore_mem>>) {add = true}
    %dma_start3A_201 = arith.constant 122 : i32
    %dma_start3A_202 = arith.constant 160 : i32
    %dma_start3A_203 = arith.constant 0 : i32
    %dma_start3A_204 = tpu.memref_slice %arg12[%dma_start3A_202, %dma_start3A_203] : memref<400x16xf32, #tpu.memory_space<vmem>> -> memref<80x16xf32, #tpu.memory_space<vmem>>
    %dma_start3A_205 = arith.constant 0 : i32
    %dma_start3A_206 = tpu.memref_slice %arg11[%dma_start3A_201, %dma_start3A_205] : memref<125x80xi32, #tpu.memory_space<vmem>> -> memref<1x80xi32, #tpu.memory_space<vmem>>
    %dma_start3A_207 = tpu.memref_squeeze %dma_start3A_206 : memref<1x80xi32, #tpu.memory_space<vmem>> -> memref<80xi32, #tpu.memory_space<vmem>>
    %dma_start3A_208 = arith.constant 0 : i32
    %dma_start3A_209 = arith.constant 0 : i32
    %dma_start3A_210 = tpu.memref_slice %arg23[%dma_start3A_208, %dma_start3A_209] : memref<10000x16xf32, #tpu.memory_space<vmem_shared>> -> memref<10000x16xf32, #tpu.memory_space<vmem_shared>>
    tpu.enqueue_indirect_dma source(%dma_start3A_204 : memref<80x16xf32, #tpu.memory_space<vmem>>) target(%dma_start3A_210 : memref<10000x16xf32, #tpu.memory_space<vmem_shared>>) offsets(%dma_start3A_207 : memref<80xi32, #tpu.memory_space<vmem>>) semaphore(%arg27 : memref<!tpu.dma_semaphore, #tpu.memory_space<semaphore_mem>>) {add = true}
    %dma_start3A_211 = arith.constant 123 : i32
    %dma_start3A_212 = arith.constant 240 : i32
    %dma_start3A_213 = arith.constant 0 : i32
    %dma_start3A_214 = tpu.memref_slice %arg12[%dma_start3A_212, %dma_start3A_213] : memref<400x16xf32, #tpu.memory_space<vmem>> -> memref<80x16xf32, #tpu.memory_space<vmem>>
    %dma_start3A_215 = arith.constant 0 : i32
    %dma_start3A_216 = tpu.memref_slice %arg11[%dma_start3A_211, %dma_start3A_215] : memref<125x80xi32, #tpu.memory_space<vmem>> -> memref<1x80xi32, #tpu.memory_space<vmem>>
    %dma_start3A_217 = tpu.memref_squeeze %dma_start3A_216 : memref<1x80xi32, #tpu.memory_space<vmem>> -> memref<80xi32, #tpu.memory_space<vmem>>
    %dma_start3A_218 = arith.constant 0 : i32
    %dma_start3A_219 = arith.constant 0 : i32
    %dma_start3A_220 = tpu.memref_slice %arg23[%dma_start3A_218, %dma_start3A_219] : memref<10000x16xf32, #tpu.memory_space<vmem_shared>> -> memref<10000x16xf32, #tpu.memory_space<vmem_shared>>
    tpu.enqueue_indirect_dma source(%dma_start3A_214 : memref<80x16xf32, #tpu.memory_space<vmem>>) target(%dma_start3A_220 : memref<10000x16xf32, #tpu.memory_space<vmem_shared>>) offsets(%dma_start3A_217 : memref<80xi32, #tpu.memory_space<vmem>>) semaphore(%arg27 : memref<!tpu.dma_semaphore, #tpu.memory_space<semaphore_mem>>) {add = true}
    %dma_start3A_221 = arith.constant 124 : i32
    %dma_start3A_222 = arith.constant 320 : i32
    %dma_start3A_223 = arith.constant 0 : i32
    %dma_start3A_224 = tpu.memref_slice %arg12[%dma_start3A_222, %dma_start3A_223] : memref<400x16xf32, #tpu.memory_space<vmem>> -> memref<80x16xf32, #tpu.memory_space<vmem>>
    %dma_start3A_225 = arith.constant 0 : i32
    %dma_start3A_226 = tpu.memref_slice %arg11[%dma_start3A_221, %dma_start3A_225] : memref<125x80xi32, #tpu.memory_space<vmem>> -> memref<1x80xi32, #tpu.memory_space<vmem>>
    %dma_start3A_227 = tpu.memref_squeeze %dma_start3A_226 : memref<1x80xi32, #tpu.memory_space<vmem>> -> memref<80xi32, #tpu.memory_space<vmem>>
    %dma_start3A_228 = arith.constant 0 : i32
    %dma_start3A_229 = arith.constant 0 : i32
    %dma_start3A_230 = tpu.memref_slice %arg23[%dma_start3A_228, %dma_start3A_229] : memref<10000x16xf32, #tpu.memory_space<vmem_shared>> -> memref<10000x16xf32, #tpu.memory_space<vmem_shared>>
    tpu.enqueue_indirect_dma source(%dma_start3A_224 : memref<80x16xf32, #tpu.memory_space<vmem>>) target(%dma_start3A_230 : memref<10000x16xf32, #tpu.memory_space<vmem_shared>>) offsets(%dma_start3A_227 : memref<80xi32, #tpu.memory_space<vmem>>) semaphore(%arg27 : memref<!tpu.dma_semaphore, #tpu.memory_space<semaphore_mem>>) {add = true}
    %dma_wait3A_231 = arith.constant 0 : i32
    %dma_wait3A_232 = arith.constant 0 : i32
    %dma_wait3A_233 = tpu.memref_slice %arg5[%dma_wait3A_231, %dma_wait3A_232] : memref<10000x16xf32, #tpu.memory_space<hbm>> -> memref<400x16xf32, #tpu.memory_space<hbm>>
    %dma_wait3A_234 = arith.constant 0 : i32
    %dma_wait3A_235 = arith.constant 0 : i32
    %dma_wait3A_236 = tpu.memref_slice %arg5[%dma_wait3A_234, %dma_wait3A_235] : memref<10000x16xf32, #tpu.memory_space<hbm>> -> memref<400x16xf32, #tpu.memory_space<hbm>>
    tpu.wait_dma2 semaphore(%arg28 : memref<!tpu.dma_semaphore, #tpu.memory_space<semaphore_mem>>) src(%dma_wait3A_236 : memref<400x16xf32, #tpu.memory_space<hbm>>) dst(%arg13 : memref<400x16xf32, #tpu.memory_space<vmem>>)
    %dma_wait3A_237 = arith.constant 0 : i32
    %dma_wait3A_238 = arith.constant 0 : i32
    %dma_wait3A_239 = tpu.memref_slice %arg5[%dma_wait3A_237, %dma_wait3A_238] : memref<10000x16xf32, #tpu.memory_space<hbm>> -> memref<400x16xf32, #tpu.memory_space<hbm>>
    %dma_wait3A_240 = arith.constant 0 : i32
    %dma_wait3A_241 = arith.constant 0 : i32
    %dma_wait3A_242 = tpu.memref_slice %arg5[%dma_wait3A_240, %dma_wait3A_241] : memref<10000x16xf32, #tpu.memory_space<hbm>> -> memref<400x16xf32, #tpu.memory_space<hbm>>
    tpu.wait_dma2 semaphore(%arg27 : memref<!tpu.dma_semaphore, #tpu.memory_space<semaphore_mem>>) src(%dma_wait3A_242 : memref<400x16xf32, #tpu.memory_space<hbm>>) dst(%arg12 : memref<400x16xf32, #tpu.memory_space<vmem>>)
    %barrier3A_243 = arith.constant 0 : index
    tpu.barrier barrier_id(%barrier3A_243)
    %mul3A_244 = arith.constant 625 : i32
    %mul3A_245 = arith.muli %arg1, %mul3A_244 : i32
    %mul3A_246 = arith.constant 625 : i32
    %mul3A_247 = arith.muli %arg1, %mul3A_246 : i32
    "tpu.region"() ({
      %run_scoped3A = tpu.sem_alloc : memref<!tpu.dma_semaphore, #tpu.memory_space<semaphore_mem>>
      %dma_start3A_248 = arith.constant 0 : i32
      %dma_start3A_249 = tpu.memref_slice %arg8[%arg0, %mul3A_247, %dma_start3A_248] : memref<2x10000x16xf32, #tpu.memory_space<hbm>> -> memref<1x625x16xf32, #tpu.memory_space<hbm>>
      %dma_start3A_250 = tpu.memref_squeeze %dma_start3A_249 : memref<1x625x16xf32, #tpu.memory_space<hbm>> -> memref<625x16xf32, #tpu.memory_space<hbm>>
      %dma_start3A_251 = arith.constant 0 : i32
      %dma_start3A_252 = tpu.memref_slice %arg23[%mul3A_245, %dma_start3A_251] : memref<10000x16xf32, #tpu.memory_space<vmem_shared>> -> memref<625x16xf32, #tpu.memory_space<vmem_shared>>
      tpu.enqueue_dma source(%dma_start3A_252 : memref<625x16xf32, #tpu.memory_space<vmem_shared>>) target(%dma_start3A_250 : memref<625x16xf32, #tpu.memory_space<hbm>>) target_semaphore(%run_scoped3A : memref<!tpu.dma_semaphore, #tpu.memory_space<semaphore_mem>>)
      %dma_wait3A_253 = arith.constant 0 : i32
      %dma_wait3A_254 = tpu.memref_slice %arg8[%arg0, %mul3A_247, %dma_wait3A_253] : memref<2x10000x16xf32, #tpu.memory_space<hbm>> -> memref<1x625x16xf32, #tpu.memory_space<hbm>>
      %dma_wait3A_255 = tpu.memref_squeeze %dma_wait3A_254 : memref<1x625x16xf32, #tpu.memory_space<hbm>> -> memref<625x16xf32, #tpu.memory_space<hbm>>
      %dma_wait3A_256 = arith.constant 0 : i32
      %dma_wait3A_257 = tpu.memref_slice %arg23[%mul3A_245, %dma_wait3A_256] : memref<10000x16xf32, #tpu.memory_space<vmem_shared>> -> memref<625x16xf32, #tpu.memory_space<vmem_shared>>
      tpu.wait_dma2 semaphore(%run_scoped3A : memref<!tpu.dma_semaphore, #tpu.memory_space<semaphore_mem>>) src(%dma_wait3A_257 : memref<625x16xf32, #tpu.memory_space<vmem_shared>>) dst(%dma_wait3A_255 : memref<625x16xf32, #tpu.memory_space<hbm>>)
      tpu.yield
    }) : () -> ()
    return
  }
}

module attributes {stable_mosaic.version = 14 : i64} {
  func.func @_mm1_body(%arg0: i32, %arg1: memref<400x128xf32, #tpu.memory_space<vmem>>, %arg2: memref<128x16xf32, #tpu.memory_space<vmem>>, %arg3: memref<400x16xf32, #tpu.memory_space<vmem>>) attributes {dimension_semantics = [#tpu.dimension_semantics<arbitrary>], iteration_bounds = array<i64: 25>, scalar_prefetch = 0 : i64, scratch_operands = 0 : i64, tpu.core_type = #tpu.core_type<tc>, window_params = [{transform_indices = @transform_0, window_bounds = array<i64: 400, 128>}, {pipeline_mode = #tpu.pipeline_mode<synchronous>, transform_indices = @transform_1, window_bounds = array<i64: 128, 16>}, {transform_indices = @transform_2, window_bounds = array<i64: 400, 16>}]} {
    %get3A = arith.constant 0 : index
    %get3A_0 = arith.constant 0 : index
    %get3A_1 = vector.load %arg1[%get3A, %get3A_0] : memref<400x128xf32, #tpu.memory_space<vmem>>, vector<400x128xf32>
    %get3A_2 = arith.constant 0 : index
    %get3A_3 = arith.constant 0 : index
    %get3A_4 = vector.load %arg2[%get3A_2, %get3A_3] : memref<128x16xf32, #tpu.memory_space<vmem>>, vector<128x16xf32>
    %dot_general3A = arith.constant dense<0.000000e+00> : vector<400x16xf32>
    %dot_general3A_5 = tpu.matmul %get3A_1, %get3A_4, %dot_general3A {dimension_numbers = #tpu.dot_dimension_numbers<[1], [0], [0], [1], [0, 0, 1, 1], [], []>, transpose_lhs_hint = false} : vector<400x128xf32>, vector<128x16xf32>, vector<400x16xf32> -> vector<400x16xf32>
    %swap3A = arith.constant 0 : index
    %swap3A_6 = arith.constant 0 : index
    %swap3A_7 = vector.load %arg3[%swap3A, %swap3A_6] : memref<400x16xf32, #tpu.memory_space<vmem>>, vector<400x16xf32>
    tpu.vector_store %arg3[%swap3A, %swap3A_6], %dot_general3A_5 {strides = array<i32>} : memref<400x16xf32, #tpu.memory_space<vmem>>, vector<400x16xf32>,
    return
  }
  func.func @transform_0(%arg0: i32) -> (i32, i32) {
    %c0_i32 = arith.constant 0 : i32
    %c0_i32_0 = arith.constant 0 : i32
    return %arg0, %c0_i32 : i32, i32
  }
  func.func @transform_1(%arg0: i32) -> (i32, i32) {
    %c0_i32 = arith.constant 0 : i32
    %c0_i32_0 = arith.constant 0 : i32
    %c0_i32_1 = arith.constant 0 : i32
    return %c0_i32, %c0_i32_0 : i32, i32
  }
  func.func @transform_2(%arg0: i32) -> (i32, i32) {
    %c0_i32 = arith.constant 0 : i32
    %c0_i32_0 = arith.constant 0 : i32
    return %arg0, %c0_i32 : i32, i32
  }
}

module attributes {stable_mosaic.version = 14 : i64} {
  func.func @_post_body(%arg0: i32, %arg1: memref<2x400x16xf32, #tpu.memory_space<vmem>>, %arg2: memref<400x16xf32, #tpu.memory_space<vmem>>, %arg3: memref<400x16xf32, #tpu.memory_space<vmem>>, %arg4: memref<16x128xf32, #tpu.memory_space<vmem>>, %arg5: memref<1x128xf32, #tpu.memory_space<vmem>>, %arg6: memref<400x128xf32, #tpu.memory_space<vmem>>) attributes {dimension_semantics = [#tpu.dimension_semantics<arbitrary>], iteration_bounds = array<i64: 25>, scalar_prefetch = 0 : i64, scratch_operands = 0 : i64, tpu.core_type = #tpu.core_type<tc>, window_params = [{transform_indices = @transform_0, window_bounds = array<i64: 2, 400, 16>}, {transform_indices = @transform_1, window_bounds = array<i64: 400, 16>}, {transform_indices = @transform_2, window_bounds = array<i64: 400, 16>}, {pipeline_mode = #tpu.pipeline_mode<synchronous>, transform_indices = @transform_3, window_bounds = array<i64: 16, 128>}, {pipeline_mode = #tpu.pipeline_mode<synchronous>, transform_indices = @transform_4, window_bounds = array<i64: 1, 128>}, {transform_indices = @transform_5, window_bounds = array<i64: 400, 128>}]} {
    %get3A = arith.constant 0 : index
    %get3A_0 = arith.constant 0 : index
    %get3A_1 = vector.load %arg3[%get3A, %get3A_0] : memref<400x16xf32, #tpu.memory_space<vmem>>, vector<400x16xf32>
    %get3A_2 = arith.constant 0 : index
    %get3A_3 = arith.constant 0 : index
    %get3A_4 = arith.constant 0 : index
    %get3A_5 = vector.load %arg1[%get3A_2, %get3A_3, %get3A_4] : memref<2x400x16xf32, #tpu.memory_space<vmem>>, vector<1x400x16xf32>
    %get3A_6 = vector.shape_cast %get3A_5 : vector<1x400x16xf32> to vector<400x16xf32>
    %get3A_7 = arith.constant 1 : index
    %get3A_8 = arith.constant 0 : index
    %get3A_9 = arith.constant 0 : index
    %get3A_10 = vector.load %arg1[%get3A_7, %get3A_8, %get3A_9] : memref<2x400x16xf32, #tpu.memory_space<vmem>>, vector<1x400x16xf32>
    %get3A_11 = vector.shape_cast %get3A_10 : vector<1x400x16xf32> to vector<400x16xf32>
    %add3A = arith.addf %get3A_6, %get3A_11 : vector<400x16xf32>
    %get3A_12 = arith.constant 0 : index
    %get3A_13 = arith.constant 0 : index
    %get3A_14 = vector.load %arg2[%get3A_12, %get3A_13] : memref<400x16xf32, #tpu.memory_space<vmem>>, vector<400x16xf32>
    %add3A_15 = arith.addf %add3A, %get3A_14 : vector<400x16xf32>
    %mul3A = arith.mulf %get3A_1, %add3A_15 : vector<400x16xf32>
    %get3A_16 = arith.constant 0 : index
    %get3A_17 = arith.constant 0 : index
    %get3A_18 = vector.load %arg4[%get3A_16, %get3A_17] : memref<16x128xf32, #tpu.memory_space<vmem>>, vector<16x128xf32>
    %dot_general3A = arith.constant dense<0.000000e+00> : vector<400x128xf32>
    %dot_general3A_19 = tpu.matmul %mul3A, %get3A_18, %dot_general3A {dimension_numbers = #tpu.dot_dimension_numbers<[1], [0], [0], [1], [0, 0, 1, 1], [], []>, transpose_lhs_hint = false} : vector<400x16xf32>, vector<16x128xf32>, vector<400x128xf32> -> vector<400x128xf32>
    %get3A_20 = arith.constant 0 : index
    %get3A_21 = arith.constant 0 : index
    %get3A_22 = vector.load %arg5[%get3A_20, %get3A_21] : memref<1x128xf32, #tpu.memory_space<vmem>>, vector<1x128xf32>
    %add3A_23 = vector.broadcast %get3A_22 : vector<1x128xf32> to vector<400x128xf32>
    %add3A_24 = arith.addf %dot_general3A_19, %add3A_23 : vector<400x128xf32>
    %swap3A = arith.constant 0 : index
    %swap3A_25 = arith.constant 0 : index
    %swap3A_26 = vector.load %arg6[%swap3A, %swap3A_25] : memref<400x128xf32, #tpu.memory_space<vmem>>, vector<400x128xf32>
    tpu.vector_store %arg6[%swap3A, %swap3A_25], %add3A_24 {strides = array<i32>} : memref<400x128xf32, #tpu.memory_space<vmem>>, vector<400x128xf32>,
    return
  }
  func.func @transform_0(%arg0: i32) -> (i32, i32, i32) {
    %c0_i32 = arith.constant 0 : i32
    %c0_i32_0 = arith.constant 0 : i32
    %c0_i32_1 = arith.constant 0 : i32
    return %c0_i32, %arg0, %c0_i32_0 : i32, i32, i32
  }
  func.func @transform_1(%arg0: i32) -> (i32, i32) {
    %c0_i32 = arith.constant 0 : i32
    %c0_i32_0 = arith.constant 0 : i32
    return %arg0, %c0_i32 : i32, i32
  }
  func.func @transform_2(%arg0: i32) -> (i32, i32) {
    %c0_i32 = arith.constant 0 : i32
    %c0_i32_0 = arith.constant 0 : i32
    return %arg0, %c0_i32 : i32, i32
  }
  func.func @transform_3(%arg0: i32) -> (i32, i32) {
    %c0_i32 = arith.constant 0 : i32
    %c0_i32_0 = arith.constant 0 : i32
    %c0_i32_1 = arith.constant 0 : i32
    return %c0_i32, %c0_i32_0 : i32, i32
  }
  func.func @transform_4(%arg0: i32) -> (i32, i32) {
    %c0_i32 = arith.constant 0 : i32
    %c0_i32_0 = arith.constant 0 : i32
    %c0_i32_1 = arith.constant 0 : i32
    return %c0_i32, %c0_i32_0 : i32, i32
  }
  func.func @transform_5(%arg0: i32) -> (i32, i32) {
    %c0_i32 = arith.constant 0 : i32
    %c0_i32_0 = arith.constant 0 : i32
    return %arg0, %c0_i32 : i32, i32
  }
}

</mosaic_0001>

<sc_bundles>
// kernel: kernel.11.cloned.1.call-start
scs
__scs_entry_jumppad:
0x0: {  	(pc) =	sbr.rel $0x88, $3  }
0x1: {  	(tag) =	ssettag $0x0;
	lr =	simm.s32 $0x1  }
0x2: {  	[smem:$0x3F95] =	sst lr;
	_ =	strace $0xD0000000  }
0x3: {  	_ = 	snop  }
0x4: {  	_ = 	snop  }
0x5: {  	_ = 	snop  }
0x6: {  	_ = 	snop  }
0x7: {  	_ = 	snop  }
__scs_overlays_trampoline_lowered:
0x8: {  	[smem:$0x3FA4] =	sst s0  }
0x9: {  	[smem:$0x3FA5] =	sst s1  }
0xa: {  	[smem:$0x3FA6] =	sst s2  }
0xb: {  	[smem:$0x3FA7] =	sst s3  }
0xc: {  	[smem:$0x3FA8] =	sst s4  }
0xd: {  	[smem:$0x3FA9] =	sst s5  }
0xe: {  	[smem:$0x3FAA] =	sst s6  }
0xf: {  	[smem:$0x3FAB] =	sst s7  }
0x10: {  	[smem:$0x3FAC] =	sst s8  }
0x11: {  	[smem:$0x3FAD] =	sst s9;
	s0 =	simm.s32 @!p0 $0x0  }
0x12: {  	s1 =	sld [smem:$0x3F93];
	s0 =	simm.s32 @p0 $0x1  }
0x13: {  	[smem:$0x3FAE] =	sst s0;
	s0 =	simm.s32 @!p1 $0x0  }
0x14: {  	s2 =	sld [smem:$0x3F92];
	s0 =	simm.s32 @p1 $0x1  }
0x15: {  	[smem:$0x3FAF] =	sst s0;
	s0 =	simm.s32 @!p2 $0x0  }
0x16: {  	s3 =	sld [smem:$0x3FDB];
	s0 =	simm.s32 @p2 $0x1  }
0x17: {  	s4 =	simm.s32 $0x1BF5;
	[smem:$0x3FB1] =	sst s0  }
0x18: {  	s0 =	sld [smem:$0x3F94];
	_ =	swait.ge [sflag:s4], $0x0  }
0x19: {  	s7 =	sld [smem:$0x3F95]  }
0x1a: {  	s8 =	sadd.s32 $0xFFFFE003, lr  }
0x1b: {  	s9 =	sadd.s32 $0xFFFFFEF7, lr;
	s5 =	simm.s32 $0xFFFFFFFF;
	p2 =	slt.u32 s8, $0xFFFFF086  }
0x1c: {  	p1 =	slt.u32 s9, $0xF7A;
	s5 =	simm.s32 @!p2 $0x0  }
0x1d: {  	s5 =	simm.s32 @p1 $0x1;
	p0 =	seq.s32 s7, s2  }
0x1e: {  	s7 =	smul.u32 @!p0 $0xF7A, s2;
	p2 =	seq.s32 @!p0 s5, $0x0  }
0x1f: {  	s9 =	smul.u32 $0xF7A, s1;
	s8 =	simm.s32 @!p0 $0x1BF5;
	p2 =	por !p2, p0  }
0x20: {  	[sflag:s8] =	ssyncset.s32 @!p0 $0xFFFFF086;
	s6 =	sadd.s32 @!p0 s3, s7;
	s7 =	simm.s32 @!p0 $0x108  }
0x21: {  	s3 =	sadd.s32 s3, s9;
	s6 =	sadd.s32 @!p0 $0x88, s6;
	s7 =	simm.s32 @p2 $0x1082  }
0x22: {  	[simem:s7], [sflag:s8] =	dma.local @!p0 [hbm:s6], $0xF7A  }
0x23: {  	s9 =	sor.u32 $0xD0000000, s2;
	s6 =	simm.s32 $0x108;
	_ =	swait.ge @!p0 [sflag:s8], $0x0  }
0x24: {  	s3 =	sadd.s32 $0x88, s3;
	s6 =	simm.s32 @!p1 $0x1082;
	[sflag:s4] =	ssyncset.s32 $0xFFFFF086  }
0x25: {  	[simem:s6], [sflag:s4] =	dma.local [hbm:s3], $0xF7A  }
0x26: {  	[smem:$0x3F95] =	sst s1;
	(tag) =	ssettag s2;
	_ =	strace s9  }
0x27: {  	s1 =	sld [smem:$0x3FA5]  }
0x28: {  	s2 =	sld [smem:$0x3FA6]  }
0x29: {  	s4 =	sld [smem:$0x3FA8]  }
0x2a: {  	p0 =	seq.s32 s5, $0x0;
	s5 =	sld [smem:$0x3FA9]  }
0x2b: {  	s6 =	sld [smem:$0x3FAA]  }
0x2c: {  	s7 =	sld [smem:$0x3FAB]  }
0x2d: {  	s3 =	simm.s32 $0x108;
	s8 =	sld [smem:$0x3FAC]  }
0x2e: {  	s3 =	simm.s32 @!p0 $0x1082;
	s9 =	sld [smem:$0x3FAD]  }
0x2f: {  	lr =	sadd.s32 s0, s3;
	s0 =	sld [smem:$0x3FA4]  }
0x30: {  	s3 =	sld [smem:$0x3FA7]  }
0x31: {  	[smem:$0x3FB0] =	sst s10  }
0x32: {  	s10 =	sld [smem:$0x3FAE];
	_ =	sdelay $0x3  }
0x33: {  	p0 =	seq.s32 s10, $0x1;
	s10 =	sld [smem:$0x3FB0];
	_ =	sdelay $0x3  }
0x34: {  	[smem:$0x3FB0] =	sst s10  }
0x35: {  	s10 =	sld [smem:$0x3FAF];
	_ =	sdelay $0x3  }
0x36: {  	p1 =	seq.s32 s10, $0x1;
	s10 =	sld [smem:$0x3FB0];
	_ =	sdelay $0x3  }
0x37: {  	[smem:$0x3FB0] =	sst s10  }
0x38: {  	s10 =	sld [smem:$0x3FB1]  }
0x39: {  	_ = 	snop;
	(pc) =	sbr.ind lr, $3  }
0x3a: {  	_ = 	snop  }
0x3b: {  	_ = 	snop  }
0x3c: {  	p2 =	seq.s32 s10, $0x1;
	s10 =	sld [smem:$0x3FB0]  }
0x3d: {  	_ =	shalt  }
0x3e: {  	_ =	shalt  }
0x3f: {  	_ =	shalt  }
0x40: {  	_ =	shalt  }
0x41: {  	_ =	shalt  }
0x42: {  	_ =	shalt  }
0x43: {  	_ =	shalt  }
0x44: {  	_ =	shalt  }
0x45: {  	_ =	shalt  }
0x46: {  	_ =	shalt  }
0x47: {  	_ =	shalt  }
0x48: {  	_ =	shalt  }
0x49: {  	_ =	shalt  }
0x4a: {  	_ =	shalt  }
0x4b: {  	_ =	shalt  }
0x4c: {  	_ =	shalt  }
0x4d: {  	_ =	shalt  }
0x4e: {  	_ =	shalt  }
0x4f: {  	_ =	shalt  }
0x50: {  	_ =	shalt  }
0x51: {  	_ =	shalt  }
0x52: {  	_ =	shalt  }
0x53: {  	_ =	shalt  }
0x54: {  	_ =	shalt  }
0x55: {  	_ =	shalt  }
0x56: {  	_ =	shalt  }
0x57: {  	_ =	shalt  }
0x58: {  	_ =	shalt  }
0x59: {  	_ =	shalt  }
0x5a: {  	_ =	shalt  }
0x5b: {  	_ =	shalt  }
0x5c: {  	_ =	shalt  }
0x5d: {  	_ =	shalt  }
0x5e: {  	_ =	shalt  }
0x5f: {  	_ =	shalt  }
0x60: {  	_ =	shalt  }
0x61: {  	_ =	shalt  }
0x62: {  	_ =	shalt  }
0x63: {  	_ =	shalt  }
0x64: {  	_ =	shalt  }
0x65: {  	_ =	shalt  }
0x66: {  	_ =	shalt  }
0x67: {  	_ =	shalt  }
0x68: {  	_ =	shalt  }
0x69: {  	_ =	shalt  }
0x6a: {  	_ =	shalt  }
0x6b: {  	_ =	shalt  }
0x6c: {  	_ =	shalt  }
0x6d: {  	_ =	shalt  }
0x6e: {  	_ =	shalt  }
0x6f: {  	_ =	shalt  }
0x70: {  	_ =	shalt  }
0x71: {  	_ =	shalt  }
0x72: {  	_ =	shalt  }
0x73: {  	_ =	shalt  }
0x74: {  	_ =	shalt  }
0x75: {  	_ =	shalt  }
0x76: {  	_ =	shalt  }
0x77: {  	_ =	shalt  }
0x78: {  	_ =	shalt  }
0x79: {  	_ =	shalt  }
0x7a: {  	_ =	shalt  }
0x7b: {  	_ =	shalt  }
0x7c: {  	_ =	shalt  }
0x7d: {  	_ =	shalt  }
0x7e: {  	_ =	shalt  }
0x7f: {  	_ =	shalt  }
0x80: {  	_ =	shalt  }
0x81: {  	_ =	shalt  }
0x82: {  	_ =	shalt  }
0x83: {  	_ =	shalt  }
0x84: {  	_ =	shalt  }
0x85: {  	_ =	shalt  }
0x86: {  	_ =	shalt  }
0x87: {  	_ =	shalt  }
.Lfunc_end0:
.L_simem_size_0:
called_computation.1_lowered:
.L_overlay_start_0:
0x88: {  	s2 =	sld [smem:$0x3FD9]  }
0x89: {  	s3 =	sld [smem:$0x3FFE];
	_ =	sdelay $0x1  }
0x8a: {  	s1 =	srdreg.scid  }
0x8b: {  	s0 =	sand.u32 $0x1, s1  }
0x8c: {  	s17 =	sshll.u32 s0, $0xA;
	s2 =	sadd.s32 s3, s2  }
0x8d: {  	s2 =	sadd.s32 s2, s17  }
0x8e: {  	[smem:$0x3FBC] =	sst s2  }
0x8f: {  	_ = 	snop  }
0x90: {  	s2 =	sld [smem:$0x3FD0];
	(tm) =	ssettm $0x1  }
0x91: {  	s18 =	sld [smem:$0x3FFB];
	_ =	sdelay $0x3  }
0x92: {  	_ =	strace s18  }
0x93: {  	s3 =	sld [smem:$0x3FFC];
	_ =	sdelay $0x3  }
0x94: {  	_ =	strace s3  }
0x95: {  	s3 =	sld [smem:$0x3FFD];
	_ =	sdelay $0x3  }
0x96: {  	_ =	strace s3  }
0x97: {  	_ =	strace $0x8FFFFFFF  }
0x98: {  	s19 =	sld [smem:$0x3FDB];
	_ =	sdelay $0x1  }
0x99: {  	s4 =	simm.s32 $_scs_section_size  }
0x9a: {  	s5 =	simm.s32 $_size__tile_overlayer_lowered;
	s6 =	simm.s32 $_tile_overlayer_lowered  }
0x9b: {  	s22 =	simm.s32 $0x1BFF;
	s21 =	sshll.u32 s6, $0x1;
	s3 =	sadd.s32 s4, s19  }
0x9c: {  	s7 =	simm.s32 $0x0;
	s20 =	sshll.u32 s5, $0x1;
	s5 =	sadd.s32 s21, s3  }
0x9d: {  	[timem:s7], [sflag:s22] =	dma.local [hbm:s5], s20  }
0x9e: {  	_ =	swait.ge [sflag:s22], s20  }
0x9f: {  	s4 =	ssub.s32 $0x0, s20;
	[sflag:s22] =	ssyncset.done $0x0  }
0xa0: {  	[sflag:s22] =	ssyncadd.s32 s4;
	_ =	sdelay $0x1  }
0xa1: {  	s23 =	simm.s32 $0x1B8B  }
0xa2: {  	_ =	swait.ge [sflag:s23], $0x1  }
0xa3: {  	[sflag:s23] =	ssyncset.done $0x0  }
0xa4: {  	s25 =	simm.s32 $0x1B8E;
	s24 =	sld [smem:$0x3FFE];
	[sflag:s23] =	ssyncadd.s32 $0xFFFFFFFF  }
0xa5: {  	s26 =	simm.s32 $execute0_lowered;
	[smem:$0x3FD2] =	sst s25  }
0xa6: {  	s5 =	sshll.u32 s26, $0x1;
	_ =	strace $0x80000049;
	[dreg:$0x1] =	wrdreg $0xFFFFFFFF  }
0xa7: {  	s28 =	simm.s32 $_size_execute0_lowered;
	s3 =	sadd.s32 s3, s5;
	[dreg:$0x0] =	wrdreg $0x0  }
0xa8: {  	s5 =	sshll.u32 s28, $0x1;
	[dreg:$0x2] =	wrdreg s3  }
0xa9: {  	[dreg:$0x3] =	wrdreg s5  }
0xaa: {  	[dreg:$0x4] =	wrdreg $0xC0  }
0xab: {  	_ =	task [dreg:s7], $0x5FFFF  }
0xac: {  	[dreg:$0x1] =	wrdreg $0xFFFFFFFF  }
0xad: {  	[dreg:$0x0] =	wrdreg $0x60  }
0xae: {  	[dreg:$0x2] =	wrdreg s24  }
0xaf: {  	[dreg:$0x3] =	wrdreg s2  }
0xb0: {  	[dreg:$0x4] =	wrdreg $0xF5500  }
0xb1: {  	[dreg:$0x5] =	wrdreg $0x11C600  }
0xb2: {  	[dreg:$0x6] =	wrdreg $0x9  }
0xb3: {  	_ =	task.clear_ibuf [dreg:s7], $0x7FFFF;
	_ =	strace $0x90000049  }
0xb4: {  	s29 =	simm.s32 $0x9;
	_ =	strace $0x8000004B  }
0xb5: {  	_ =	swait.ge [sflag:s29], $0x1  }
0xb6: {  	[sflag:s29] =	ssyncadd.s32 $0xFFFFFFFF  }
0xb7: {  	_ =	strace $0x9000004B  }
0xb8: {  	_ =	sfence  }
0xb9: {  	s30 =	sld [smem:$0x0];
	_ =	sdelay $0x2  }
0xba: {  	s31 =	sshll.u32 s1, $0xD;
	s1 =	sshrl.u32 s1, $0x2  }
0xbb: {  	s3 =	sand.u32 $0x4000, s31;
	s1 =	sadd.s32 s1, s30  }
0xbc: {  	s0 =	sor.u32 s3, s0;
	s1 =	sshll.u32 s1, $0x11  }
0xbd: {  	s0 =	sor.u32 s1, s0  }
0xbe: {  	s0 =	sadd.s32 $0x8F2B, s0  }
0xbf: {  	[sflag:s0] =	ssyncadd.remote.s32 $0x1  }
0xc0: {  	_ =	sfence.sel $0xFFFF  }
0xc1: {  	[dreg:$0x0] =	wrdreg $0xFFFFFFFF;
	(pc) =	sbr.abs _section_cstart, $3  }
0xc2: {  	[dreg:$0x1] =	wrdreg $0xFFFFFFFF  }
0xc3: {  	_ =	task.clear_ibuf [dreg:s7], $0x2FFFF;
	_ =	strace $0x9FFFFFFF  }
0xc4: {  	(tm) =	ssettm $0x7FFFFFFF  }
0xc5: {  	_ =	shalt  }
tec
execute0_lowered:
.L_overlay_start_1:
0x0: {  	(tag) =	ssettag $0x1  }
0x1: {  	s0 =	rddreg [dreg:$0x0]  }
0x2: {  	s1 =	rddreg [dreg:$0x1]  }
0x3: {  	s2 =	rddreg [dreg:$0x2];
	s4 =	srdreg.scid  }
0x4: {  	s3 =	rddreg [dreg:$0x3];
	s8 =	stileid.u32  }
0x5: {  	s29 =	simm.s32 $0x5D20;
	s31 =	simm.s32 $0x6220;
	s17 =	simm.s32 $0x4  }
0x6: {  	s28 =	simm.s32 $0x0;
	s5 =	sand.u32 $0x1, s4;
	s7 =	smul.u32 $0x2710, s8  }
0x7: {  	s4 =	simm.s32 $0x0;
	s6 =	sshll.u32 s5, $0x4;
	s20 =	smul.u32 $0x27100, s5  }
0x8: {  	[smem:$0x7FF] =	sst s4;
	s10 =	ssub.s32 $0x2, s5;
	p0 =	sne.s32 s5, $0x0  }
0x9: {  	s6 =	sor.u32 s8, s6;
	_ =	strace $0x8000004A;
	s11 =	sshrl.u32 s7, $0x3  }
0xa: {  	s12 =	sshrl.u32 s10, $0x1;
	s24 =	sadd.s32 s7, s2;
	s6 =	smul.u32 $0x4E2, s6  }
0xb: {  	s8 =	sadd.s32 s7, s20;
	s15 =	ssub.s32 s10, s12;
	[dreg:$0xa] =	wrdreg s24  }
0xc: {  	s8 =	sshrl.u32 s8, $0x3;
	s30 =	smax.u32 s15, $0x1;
	s9 =	sadd.s32 s6, s0  }
0xd: {  	s8 =	sadd.s32 s8, s0;
	s1 =	sadd.s32 s1, s6;
	[dreg:$0xe] =	wrdreg s30  }
0xe: {  	s0 =	sadd.s32 s11, s0;
	s9 =	sadd.s32 $0x3400, s9;
	[dreg:$0x6] =	wrdreg s1  }
0xf: {  	s13 =	sadd.s32 s7, s3;
	s21 =	sadd.s32 $0xD200, s0;
	[dreg:$0x5] =	wrdreg s9  }
0x10: {  	s7 =	simm.s32 $0x2710;
	s22 =	sadd.s32 $0x12020, s0;
	[dreg:$0x7] =	wrdreg s21  }
0x11: {  	s20 =	simm.s32 $0x1;
	s23 =	sadd.s32 $0x17000, s0;
	[dreg:$0x8] =	wrdreg s22  }
0x12: {  	s10 =	simm.s32 $0x4E20;
	s25 =	sadd.s32 $0x25E00, s0;
	[dreg:$0x9] =	wrdreg s23  }
0x13: {  	s24 =	simm.s32 $0x5320;
	s0 =	sadd.s32 $0x2AE00, s0;
	[dreg:$0xb] =	wrdreg s25  }
0x14: {  	s26 =	sadd.s32 $0x1C000, s8;
	s8 =	simm.s32 $0xA730;
	[dreg:$0xc] =	wrdreg s0  }
0x15: {  	[dreg:$0xd] =	wrdreg s26;
	s9 =	simm.s32 $0xCE40;
	s21 =	simm.s32 $0x6  }
0x16: {  	v0 =	vimm.f32 $0.0e+00;
	s22 =	simm.s32 $0x50;
	s26 =	simm.s32 $0x5820;
	s25 =	simm.s32 $0x3  }
.LBB2_1:
0x17: {  	s0 =	rddreg [dreg:$0x5]  }
0x18: {  	[tilespmem:s4], [sflag:$0x2] =	stream.linear.gather [hbm4b:s0+s4], $0x2710, $0x38;
	[tilespmem:$0x14370] =	vst v63  }
0x19: {  	s18 =	rddreg [dreg:$0x6]  }
0x1a: {  	[tilespmem:s7], [sflag:$0x2] =	stream.linear.gather [hbm4b:s18+s4], $0x2710, $0x38;
	[tilespmem:$0x14370] =	vst v63  }
0x1b: {  	s19 =	rddreg [dreg:$0x7];
	s1 =	simm.s32 $0x8020  }
0x1c: {  	[tilespmem:s1], [sflag:$0x1] =	stream.linear.gather [hbm4b:s19+s4], $0x2710, $0x38;
	[tilespmem:$0x14370] =	vst v63  }
0x1d: {  	s23 =	rddreg [dreg:$0x8]  }
0x1e: {  	[tilespmem:s8], [sflag:$0x1] =	stream.linear.gather [hbm4b:s23+s4], $0x2710, $0x38;
	[tilespmem:$0x14370] =	vst v63  }
0x1f: {  	s30 =	rddreg [dreg:$0x9]  }
0x20: {  	[tilespmem:s9], [sflag:$0x1] =	stream.linear.gather [hbm4b:s30+s4], $0x2710, $0x38;
	[tilespmem:$0x14370] =	vst v63  }
0x21: {  	_ =	swait.ge [sflag:s20], $0x2710  }
0x22: {  	[sflag:s20] =	ssyncset.done $0x0  }
0x23: {  	[sflag:s20] =	ssyncadd.s32 $0xFFFFD8F0  }
0x24: {  	_ =	swait.ge [sflag:s20], $0x2710  }
0x25: {  	[sflag:s20] =	ssyncset.done $0x0  }
0x26: {  	[sflag:s20] =	ssyncadd.s32 $0xFFFFD8F0  }
0x27: {  	_ =	swait.ge [sflag:s20], $0x2710  }
0x28: {  	[sflag:s20] =	ssyncset.done $0x0  }
0x29: {  	s0 =	simm.s32 $0x0;
	[sflag:s20] =	ssyncadd.s32 $0xFFFFD8F0  }
0x2a: {  	v1 =	vld [tilespmem:s0+$0xA730]  }
0x2b: {  	v2 =	vld [tilespmem:s0+$0x8020];
	_ =	sdelay $0x4  }
0x2c: {  	v1 =	vadd.f32 v1, v2;
	_ =	sdelay $0x1  }
0x2d: {  	v1 =	vadd.f32 $1.000000000e+00, v1;
	_ =	sdelay $0x1  }
0x2e: {  	v2 =	vshra.s32 v1, $0x1;
	v1 =	vmul.f32 $5.000000000e-01, v1  }
0x2f: {  	v2 =	vsub.s32 $0x5F3759DF, v2  }
0x30: {  	v3 =	vmul.f32 v2, v1;
	_ =	sdelay $0x1  }
0x31: {  	v3 =	vmul.f32 v2, v3;
	_ =	sdelay $0x1  }
0x32: {  	v3 =	vsub.f32 $1.500000000e+00, v3;
	_ =	sdelay $0x1  }
0x33: {  	v2 =	vmul.f32 v2, v3;
	_ =	sdelay $0x1  }
0x34: {  	v1 =	vmul.f32 v2, v1;
	_ =	sdelay $0x1  }
0x35: {  	v1 =	vmul.f32 v1, v2;
	_ =	sdelay $0x1  }
0x36: {  	v3 =	vsub.f32 $1.500000000e+00, v1;
	v1 =	vld [tilespmem:s0+$0xCE40];
	_ =	sdelay $0x2  }
0x37: {  	s5 =	simm.s32 $0x80;
	s1 =	simm.s32 $0x40;
	v2 =	vmul.f32 v3, v2  }
.LBB2_2:
0x38: {  	p1 =	sne.s32 s5, $0x9C00;
	s6 =	sshra.s32 s1, $0x2;
	s1 =	smov.u32 s5  }
0x39: {  	v3 =	vld [tilespmem:s6+$0xA730];
	v1 =	vmul.f32 v2, v1;
	[tilespmem:s0+$0x8020] =	vst v2  }
0x3a: {  	v2 =	vld [tilespmem:s6+$0x8020]  }
0x3b: {  	[tilespmem:s0+$0xCE40] =	vst v1;
	s0 =	smov.u32 s6;
	_ =	sdelay $0x3  }
0x3c: {  	v1 =	vadd.f32 v3, v2;
	_ =	sdelay $0x1  }
0x3d: {  	v1 =	vadd.f32 $1.000000000e+00, v1;
	_ =	sdelay $0x1  }
0x3e: {  	v2 =	vshra.s32 v1, $0x1;
	v1 =	vmul.f32 $5.000000000e-01, v1  }
0x3f: {  	v2 =	vsub.s32 $0x5F3759DF, v2  }
0x40: {  	v3 =	vmul.f32 v2, v1;
	_ =	sdelay $0x1  }
0x41: {  	v3 =	vmul.f32 v2, v3;
	_ =	sdelay $0x1  }
0x42: {  	v3 =	vsub.f32 $1.500000000e+00, v3;
	_ =	sdelay $0x1  }
0x43: {  	v2 =	vmul.f32 v2, v3;
	_ =	sdelay $0x1  }
0x44: {  	v1 =	vmul.f32 v2, v1;
	_ =	sdelay $0x1  }
.Ltmp0:
0x45: {  	v3 =	vmul.f32 v1, v2;
	(pc) =	sbr.rel @p1 .LBB2_2-.Ltmp0, $3  }
0x46: {  	v1 =	vld [tilespmem:s0+$0xCE40]  }
0x47: {  	v3 =	vsub.f32 $1.500000000e+00, v3;
	_ =	sdelay $0x1  }
0x48: {  	s5 =	sadd.s32 $0x40, s5;
	v2 =	vmul.f32 v3, v2  }
0x49: {  	s1 =	sshra.s32 s1, $0x2  }
0x4a: {  	v3 =	vld [tilespmem:s1+$0xA730];
	[tilespmem:s0+$0x8020] =	vst v2  }
0x4b: {  	v4 =	vld [tilespmem:s1+$0x8020];
	_ =	sdelay $0x4  }
0x4c: {  	v3 =	vadd.f32 v3, v4;
	_ =	sdelay $0x1  }
0x4d: {  	v3 =	vadd.f32 $1.000000000e+00, v3;
	_ =	sdelay $0x1  }
0x4e: {  	v63 =	vshra.s32 v3, $0x1;
	v3 =	vmul.f32 $5.000000000e-01, v3  }
0x4f: {  	v4 =	vsub.s32 $0x5F3759DF, v63  }
0x50: {  	v5 =	vmul.f32 v4, v3;
	_ =	sdelay $0x1  }
0x51: {  	v5 =	vmul.f32 v4, v5;
	_ =	sdelay $0x1  }
0x52: {  	v5 =	vsub.f32 $1.500000000e+00, v5;
	_ =	sdelay $0x1  }
0x53: {  	v4 =	vmul.f32 v4, v5;
	_ =	sdelay $0x1  }
0x54: {  	v1 =	vmul.f32 v2, v1;
	v2 =	vmul.f32 v4, v3;
	_ =	sdelay $0x1  }
0x55: {  	[tilespmem:s0+$0xCE40] =	vst v1;
	v1 =	vmul.f32 v2, v4  }
0x56: {  	v2 =	vld [tilespmem:s1+$0xCE40]  }
0x57: {  	v1 =	vsub.f32 $1.500000000e+00, v1;
	_ =	sdelay $0x1  }
0x58: {  	v1 =	vmul.f32 v1, v4;
	_ =	sdelay $0x1  }
0x59: {  	v2 =	vmul.f32 v1, v2  }
0x5a: {  	[tilespmem:s1+$0x8020] =	vst v1  }
0x5b: {  	s30 =	rddreg [dreg:$0xa];
	[tilespmem:s1+$0xCE40] =	vst v2  }
0x5c: {  	[spmem:s30] =	stream.linear.scatter [tilespmem:s9], [sflag:$0x6], $0x2710, $0x38;
	[tilespmem:$0x14370] =	vst v63  }
0x5d: {  	_ =	swait.ge [sflag:s21], $0x2710  }
0x5e: {  	s0 =	simm.s32 @!p0 $0x0;
	[sflag:s21] =	ssyncset.done $0x0  }
0x5f: {  	s1 =	simm.s32 @!p0 $0xCE40;
	s5 =	rddreg [dreg:$0xb];
	[sflag:s21] =	ssyncadd.s32 $0xFFFFD8F0  }
0x60: {  	[hbm4b:s5+s0] =	stream.linear.scatter @!p0 [tilespmem:s1], [sflag:$0x5], $0x2710, $0x38;
	[tilespmem:$0x14370] =	vst v63  }
0x61: {  	s1 =	simm.s32 @!p0 $0x8020;
	s5 =	rddreg [dreg:$0xc]  }
0x62: {  	[hbm4b:s5+s0] =	stream.linear.scatter @!p0 [tilespmem:s1], [sflag:$0x5], $0x2710, $0x38;
	[tilespmem:$0x14370] =	vst v63  }
0x63: {  	s0 =	simm.s32 $0x40;
	s1 =	simm.s32 $0x0  }
.LBB2_4:
0x64: {  	p1 =	sne.s32 s0, $0x9C00;
	[tilespmem:s1+$0xA730] =	vst v0;
	s1 =	smov.u32 s0;
	s0 =	sadd.s32 $0x40, s0  }
.Ltmp1:
0x65: {  	(pc) =	sbr.rel @p1 .LBB2_4-.Ltmp1, $2  }
0x66: {  	_ =	sdelay $0x2  }
0x67: {  	s1 =	sshra.s32 s1, $0x2  }
0x68: {  	[tilespmem:s1+$0xA730] =	vst v0  }
0x69: {  	[spmem:s13] =	stream.linear.scatter [tilespmem:s8], [sflag:$0x6], $0x2710, $0x38;
	[tilespmem:$0x14370] =	vst v63  }
0x6a: {  	_ =	swait.ge [sflag:s21], $0x2710  }
0x6b: {  	[sflag:s21] =	ssyncset.done $0x0  }
0x6c: {  	s0 =	simm.s32 $0x2;
	[sflag:s21] =	ssyncadd.s32 $0xFFFFD8F0  }
0x6d: {  	_ =	swait.ge [sflag:s0], $0x2710  }
0x6e: {  	[sflag:s0] =	ssyncset.done $0x0  }
0x6f: {  	[sflag:s0] =	ssyncadd.s32 $0xFFFFD8F0  }
0x70: {  	_ =	swait.ge [sflag:s0], $0x2710  }
0x71: {  	[sflag:s0] =	ssyncset.done $0x0  }
0x72: {  	[sflag:s0] =	ssyncadd.s32 $0xFFFFD8F0  }
0x73: {  	s15 =	simm.s32 $0x0;
	[bflag:$0x0] =	sbarrier.arrive $0xFFFF  }
0x74: {  	[tilespmem:s10], [sflag:$0x1] =	stream.indirect.gather [spmem:s2], $0x10, s15, s22, $0xb8;
	[tilespmem:$0x14370] =	vst v63  }
0x75: {  	_ = 	snop  }
0x76: {  	[tilespmem:s24], [sflag:$0x1] =	stream.indirect.gather [spmem:s2], $0x10, s22, s22, $0xb8;
	[tilespmem:$0x14370] =	vst v63  }
0x77: {  	s16 =	simm.s32 $0xA0  }
0x78: {  	[tilespmem:s26], [sflag:$0x1] =	stream.indirect.gather [spmem:s2], $0x10, s16, s22, $0xb8;
	[tilespmem:$0x14370] =	vst v63  }
0x79: {  	s18 =	simm.s32 $0xF0  }
0x7a: {  	[tilespmem:s29], [sflag:$0x1] =	stream.indirect.gather [spmem:s2], $0x10, s18, s22, $0xb8;
	[tilespmem:$0x14370] =	vst v63  }
0x7b: {  	s19 =	simm.s32 $0x140  }
0x7c: {  	[tilespmem:s31], [sflag:$0x1] =	stream.indirect.gather [spmem:s2], $0x10, s19, s22, $0xb8;
	[tilespmem:$0x14370] =	vst v63  }
0x7d: {  	s23 =	simm.s32 $0x190;
	s5 =	simm.s32 $0x6720  }
0x7e: {  	[tilespmem:s5], [sflag:$0x2] =	stream.indirect.gather [spmem:s2], $0x10, s23, s22, $0xb8;
	[tilespmem:$0x14370] =	vst v63  }
0x7f: {  	s6 =	simm.s32 $0x6C20;
	s5 =	simm.s32 $0x1E0  }
0x80: {  	[tilespmem:s6], [sflag:$0x2] =	stream.indirect.gather [spmem:s2], $0x10, s5, s22, $0xb8;
	[tilespmem:$0x14370] =	vst v63  }
0x81: {  	s9 =	simm.s32 $0x7120;
	s8 =	simm.s32 $0x230  }
0x82: {  	[tilespmem:s9], [sflag:$0x2] =	stream.indirect.gather [spmem:s2], $0x10, s8, s22, $0xb8;
	[tilespmem:$0x14370] =	vst v63  }
0x83: {  	s11 =	simm.s32 $0x280;
	s12 =	simm.s32 $0x7620  }
0x84: {  	[tilespmem:s12], [sflag:$0x2] =	stream.indirect.gather [spmem:s2], $0x10, s11, s22, $0xb8;
	[tilespmem:$0x14370] =	vst v63  }
0x85: {  	s14 =	simm.s32 $0x2D0;
	s15 =	simm.s32 $0x7B20  }
0x86: {  	[tilespmem:s15], [sflag:$0x2] =	stream.indirect.gather [spmem:s2], $0x10, s14, s22, $0xb8;
	[tilespmem:$0x14370] =	vst v63  }
0x87: {  	_ =	swait.ge [sflag:s20], $0x1900  }
0x88: {  	[sflag:s20] =	ssyncset.done $0x0  }
0x89: {  	[sflag:s20] =	ssyncadd.s32 $0xFFFFE700  }
0x8a: {  	[spmem:s3] =	stream.indirect.scatter.add.f32 [tilespmem:s10], [sflag:$0x3], $0x10, s7, s22, $0xb8;
	[tilespmem:$0x14370] =	vst v63  }
0x8b: {  	s16 =	simm.s32 $0x2760  }
0x8c: {  	[spmem:s3] =	stream.indirect.scatter.add.f32 [tilespmem:s24], [sflag:$0x3], $0x10, s16, s22, $0xb8;
	[tilespmem:$0x14370] =	vst v63  }
0x8d: {  	s0 =	sand.u32 $0x1, s0;
	s18 =	simm.s32 $0x27B0  }
0x8e: {  	[spmem:s3] =	stream.indirect.scatter.add.f32 [tilespmem:s26], [sflag:$0x3], $0x10, s18, s22, $0xb8;
	[tilespmem:$0x14370] =	vst v63  }
0x8f: {  	p2 =	seq.s32 s0, $0x1;
	s19 =	simm.s32 $0x2800  }
0x90: {  	[spmem:s3] =	stream.indirect.scatter.add.f32 [tilespmem:s29], [sflag:$0x3], $0x10, s19, s22, $0xb8;
	[tilespmem:$0x14370] =	vst v63  }
0x91: {  	s0 =	simm.s32 @p2 $0x4;
	s23 =	simm.s32 $0x2850  }
0x92: {  	[spmem:s3] =	stream.indirect.scatter.add.f32 [tilespmem:s31], [sflag:$0x3], $0x10, s23, s22, $0xb8;
	[tilespmem:$0x14370] =	vst v63  }
0x93: {  	p1 =	por p2, p2;
	_ =	swait.ge @p2 [sflag:s0], $0x1900  }
0x94: {  	s1 =	simm.s32 @p1 $0x6720;
	[sflag:s0] =	ssyncset.done @p1 $0x0  }
0x95: {  	s5 =	simm.s32 $0x320;
	[sflag:s0] =	ssyncadd.s32 @p1 $0xFFFFE700;
	s0 =	simm.s32 @p1 $0x50  }
0x96: {  	[tilespmem:s1], [sflag:$0x2] =	stream.indirect.gather @p1 [spmem:s2], $0x10, s5, s0, $0xb8;
	[tilespmem:$0x14370] =	vst v63  }
0x97: {  	s6 =	simm.s32 @p1 $0x6C20;
	s1 =	simm.s32 $0x370  }
0x98: {  	[tilespmem:s6], [sflag:$0x2] =	stream.indirect.gather @p1 [spmem:s2], $0x10, s1, s0, $0xb8;
	[tilespmem:$0x14370] =	vst v63  }
0x99: {  	s8 =	simm.s32 $0x3C0;
	s6 =	simm.s32 @p1 $0x7120  }
0x9a: {  	[tilespmem:s6], [sflag:$0x2] =	stream.indirect.gather @p1 [spmem:s2], $0x10, s8, s0, $0xb8;
	[tilespmem:$0x14370] =	vst v63  }
0x9b: {  	s9 =	simm.s32 $0x410;
	s6 =	simm.s32 @p1 $0x7620  }
0x9c: {  	[tilespmem:s6], [sflag:$0x2] =	stream.indirect.gather @p1 [spmem:s2], $0x10, s9, s0, $0xb8;
	[tilespmem:$0x14370] =	vst v63  }
0x9d: {  	s7 =	simm.s32 @p1 $0x1;
	s16 =	simm.s32 $0x460;
	s6 =	simm.s32 @p1 $0x7B20  }
0x9e: {  	[tilespmem:s6], [sflag:$0x2] =	stream.indirect.gather @p1 [spmem:s2], $0x10, s16, s0, $0xb8;
	[tilespmem:$0x14370] =	vst v63  }
0x9f: {  	_ =	swait.ge @p1 [sflag:s7], $0x1900  }
0xa0: {  	[sflag:s7] =	ssyncset.done @p1 $0x0  }
0xa1: {  	s30 =	simm.s32 $0x28A0;
	s6 =	simm.s32 @p1 $0x4E20;
	[sflag:s7] =	ssyncadd.s32 @p1 $0xFFFFE700  }
0xa2: {  	[spmem:s3] =	stream.indirect.scatter.add.f32 @p1 [tilespmem:s6], [sflag:$0x3], $0x10, s30, s0, $0xb8;
	[tilespmem:$0x14370] =	vst v63  }
0xa3: {  	s18 =	simm.s32 $0x28F0;
	s6 =	simm.s32 @p1 $0x5320  }
0xa4: {  	[spmem:s3] =	stream.indirect.scatter.add.f32 @p1 [tilespmem:s6], [sflag:$0x3], $0x10, s18, s0, $0xb8;
	[tilespmem:$0x14370] =	vst v63  }
0xa5: {  	s10 =	simm.s32 $0x2940;
	s6 =	simm.s32 @p1 $0x5820  }
0xa6: {  	[spmem:s3] =	stream.indirect.scatter.add.f32 @p1 [tilespmem:s6], [sflag:$0x3], $0x10, s10, s0, $0xb8;
	[tilespmem:$0x14370] =	vst v63  }
0xa7: {  	s19 =	simm.s32 $0x2990;
	s6 =	simm.s32 @p1 $0x5D20  }
0xa8: {  	[spmem:s3] =	stream.indirect.scatter.add.f32 @p1 [tilespmem:s6], [sflag:$0x3], $0x10, s19, s0, $0xb8;
	[tilespmem:$0x14370] =	vst v63  }
0xa9: {  	s7 =	simm.s32 @p1 $0x6220;
	s6 =	simm.s32 $0x29E0  }
0xaa: {  	[spmem:s3] =	stream.indirect.scatter.add.f32 @p1 [tilespmem:s7], [sflag:$0x3], $0x10, s6, s0, $0xb8;
	[tilespmem:$0x14370] =	vst v63  }
0xab: {  	s0 =	simm.s32 @!p1 $0x3  }
0xac: {  	_ =	swait.ge @!p1 [sflag:s0], $0x1900  }
0xad: {  	[sflag:s0] =	ssyncset.done @!p1 $0x0  }
0xae: {  	s7 =	simm.s32 @!p1 $0x50;
	[sflag:s0] =	ssyncadd.s32 @!p1 $0xFFFFE700;
	s0 =	simm.s32 @!p1 $0x4E20  }
0xaf: {  	[tilespmem:s0], [sflag:$0x1] =	stream.indirect.gather @!p1 [spmem:s2], $0x10, s5, s7, $0xb8;
	[tilespmem:$0x14370] =	vst v63  }
0xb0: {  	s0 =	simm.s32 @!p1 $0x5320  }
0xb1: {  	[tilespmem:s0], [sflag:$0x1] =	stream.indirect.gather @!p1 [spmem:s2], $0x10, s1, s7, $0xb8;
	[tilespmem:$0x14370] =	vst v63  }
0xb2: {  	s0 =	simm.s32 @!p1 $0x5820  }
0xb3: {  	[tilespmem:s0], [sflag:$0x1] =	stream.indirect.gather @!p1 [spmem:s2], $0x10, s8, s7, $0xb8;
	[tilespmem:$0x14370] =	vst v63  }
0xb4: {  	s0 =	simm.s32 @!p1 $0x5D20  }
0xb5: {  	[tilespmem:s0], [sflag:$0x1] =	stream.indirect.gather @!p1 [spmem:s2], $0x10, s9, s7, $0xb8;
	[tilespmem:$0x14370] =	vst v63  }
0xb6: {  	s0 =	simm.s32 @!p1 $0x6220  }
0xb7: {  	[tilespmem:s0], [sflag:$0x1] =	stream.indirect.gather @!p1 [spmem:s2], $0x10, s16, s7, $0xb8;
	[tilespmem:$0x14370] =	vst v63  }
0xb8: {  	s0 =	simm.s32 @!p1 $0x2  }
0xb9: {  	_ =	swait.ge @!p1 [sflag:s0], $0x1900  }
0xba: {  	[sflag:s0] =	ssyncset.done @!p1 $0x0  }
0xbb: {  	[sflag:s0] =	ssyncadd.s32 @!p1 $0xFFFFE700;
	s0 =	simm.s32 @!p1 $0x6720  }
0xbc: {  	[spmem:s3] =	stream.indirect.scatter.add.f32 @!p1 [tilespmem:s0], [sflag:$0x4], $0x10, s30, s7, $0xb8;
	[tilespmem:$0x14370] =	vst v63  }
0xbd: {  	s0 =	simm.s32 @!p1 $0x6C20  }
0xbe: {  	[spmem:s3] =	stream.indirect.scatter.add.f32 @!p1 [tilespmem:s0], [sflag:$0x4], $0x10, s18, s7, $0xb8;
	[tilespmem:$0x14370] =	vst v63  }
0xbf: {  	s0 =	simm.s32 @!p1 $0x7120  }
0xc0: {  	[spmem:s3] =	stream.indirect.scatter.add.f32 @!p1 [tilespmem:s0], [sflag:$0x4], $0x10, s10, s7, $0xb8;
	[tilespmem:$0x14370] =	vst v63  }
0xc1: {  	s5 =	simm.s32 $0x640;
	s30 =	simm.s32 $0x3;
	s0 =	simm.s32 @!p1 $0x7620  }
0xc2: {  	[spmem:s3] =	stream.indirect.scatter.add.f32 @!p1 [tilespmem:s0], [sflag:$0x4], $0x10, s19, s7, $0xb8;
	[tilespmem:$0x14370] =	vst v63  }
0xc3: {  	s1 =	simm.s32 @!p2 $0x7B20;
	s8 =	sand.u32 $0x1, s30;
	s0 =	simm.s32 $0xC80  }
.LBB2_6:
0xc4: {  	p3 =	seq.s32 s8, $0x1;
	s9 =	smov.u32 s0;
	s0 =	sadd.s32 $0x640, s0  }
0xc5: {  	p2 =	sne.s32 s0, $0x8FC0;
	s8 =	simm.s32 @p3 $0x4;
	s10 =	simm.s32 @!p3 $0x7B20  }
0xc6: {  	[spmem:s3] =	stream.indirect.scatter.add.f32 @!p1 [tilespmem:s1], [sflag:$0x4], $0x10, s6, s7, $0xb8;
	[tilespmem:$0x14370] =	vst v63  }
0xc7: {  	s1 =	smov.u32 s10;
	p1 =	por p3, p3;
	_ =	swait.ge @p3 [sflag:s8], $0x1900  }
0xc8: {  	s6 =	sshra.s32 s5, $0x2;
	s5 =	simm.s32 @p1 $0x6720;
	[sflag:s8] =	ssyncset.done @p1 $0x0  }
0xc9: {  	s16 =	sadd.s32 $0x320, s6;
	s7 =	simm.s32 @p1 $0x50;
	[sflag:s8] =	ssyncadd.s32 @p1 $0xFFFFE700  }
0xca: {  	[tilespmem:s5], [sflag:$0x2] =	stream.indirect.gather @p1 [spmem:s2], $0x10, s16, s7, $0xb8;
	[tilespmem:$0x14370] =	vst v63  }
0xcb: {  	s10 =	simm.s32 @p1 $0x6C20;
	s8 =	sadd.s32 $0x370, s6;
	s5 =	smov.u32 s9  }
0xcc: {  	[tilespmem:s10], [sflag:$0x2] =	stream.indirect.gather @p1 [spmem:s2], $0x10, s8, s7, $0xb8;
	[tilespmem:$0x14370] =	vst v63  }
0xcd: {  	s9 =	sadd.s32 $0x3C0, s6;
	s10 =	simm.s32 @p1 $0x7120  }
0xce: {  	[tilespmem:s10], [sflag:$0x2] =	stream.indirect.gather @p1 [spmem:s2], $0x10, s9, s7, $0xb8;
	[tilespmem:$0x14370] =	vst v63  }
0xcf: {  	s18 =	simm.s32 @p1 $0x7620;
	s10 =	sadd.s32 $0x410, s6  }
0xd0: {  	[tilespmem:s18], [sflag:$0x2] =	stream.indirect.gather @p1 [spmem:s2], $0x10, s10, s7, $0xb8;
	[tilespmem:$0x14370] =	vst v63  }
0xd1: {  	s19 =	simm.s32 @p1 $0x7B20;
	s11 =	simm.s32 @p1 $0x1;
	s18 =	sadd.s32 $0x460, s6  }
0xd2: {  	[tilespmem:s19], [sflag:$0x2] =	stream.indirect.gather @p1 [spmem:s2], $0x10, s18, s7, $0xb8;
	[tilespmem:$0x14370] =	vst v63  }
0xd3: {  	_ =	swait.ge @p1 [sflag:s11], $0x1900  }
0xd4: {  	[sflag:s11] =	ssyncset.done @p1 $0x0  }
0xd5: {  	s19 =	sadd.s32 $0x28A0, s6;
	[sflag:s11] =	ssyncadd.s32 @p1 $0xFFFFE700;
	s11 =	simm.s32 @p1 $0x4E20  }
0xd6: {  	[spmem:s3] =	stream.indirect.scatter.add.f32 @p1 [tilespmem:s11], [sflag:$0x3], $0x10, s19, s7, $0xb8;
	[tilespmem:$0x14370] =	vst v63  }
0xd7: {  	s12 =	simm.s32 @p1 $0x5320;
	s11 =	sadd.s32 $0x28F0, s6  }
0xd8: {  	[spmem:s3] =	stream.indirect.scatter.add.f32 @p1 [tilespmem:s12], [sflag:$0x3], $0x10, s11, s7, $0xb8;
	[tilespmem:$0x14370] =	vst v63  }
0xd9: {  	s14 =	simm.s32 @p1 $0x5820;
	s12 =	sadd.s32 $0x2940, s6  }
0xda: {  	[spmem:s3] =	stream.indirect.scatter.add.f32 @p1 [tilespmem:s14], [sflag:$0x3], $0x10, s12, s7, $0xb8;
	[tilespmem:$0x14370] =	vst v63  }
0xdb: {  	s15 =	simm.s32 @p1 $0x5D20;
	s14 =	sadd.s32 $0x2990, s6  }
0xdc: {  	[spmem:s3] =	stream.indirect.scatter.add.f32 @p1 [tilespmem:s15], [sflag:$0x3], $0x10, s14, s7, $0xb8;
	[tilespmem:$0x14370] =	vst v63  }
0xdd: {  	s23 =	simm.s32 @!p1 $0x3;
	s6 =	sadd.s32 $0x29E0, s6;
	s15 =	simm.s32 @p1 $0x6220  }
0xde: {  	[spmem:s3] =	stream.indirect.scatter.add.f32 @p1 [tilespmem:s15], [sflag:$0x3], $0x10, s6, s7, $0xb8;
	[tilespmem:$0x14370] =	vst v63  }
0xdf: {  	_ =	swait.ge @!p1 [sflag:s23], $0x1900  }
0xe0: {  	[sflag:s23] =	ssyncset.done @!p1 $0x0  }
0xe1: {  	s7 =	simm.s32 @!p1 $0x50;
	s15 =	simm.s32 @!p1 $0x4E20;
	[sflag:s23] =	ssyncadd.s32 @!p1 $0xFFFFE700  }
0xe2: {  	[tilespmem:s15], [sflag:$0x1] =	stream.indirect.gather @!p1 [spmem:s2], $0x10, s16, s7, $0xb8;
	[tilespmem:$0x14370] =	vst v63  }
0xe3: {  	s15 =	simm.s32 @!p1 $0x5320  }
0xe4: {  	[tilespmem:s15], [sflag:$0x1] =	stream.indirect.gather @!p1 [spmem:s2], $0x10, s8, s7, $0xb8;
	[tilespmem:$0x14370] =	vst v63  }
0xe5: {  	s8 =	simm.s32 @!p1 $0x5820  }
0xe6: {  	[tilespmem:s8], [sflag:$0x1] =	stream.indirect.gather @!p1 [spmem:s2], $0x10, s9, s7, $0xb8;
	[tilespmem:$0x14370] =	vst v63  }
0xe7: {  	s8 =	simm.s32 @!p1 $0x5D20  }
0xe8: {  	[tilespmem:s8], [sflag:$0x1] =	stream.indirect.gather @!p1 [spmem:s2], $0x10, s10, s7, $0xb8;
	[tilespmem:$0x14370] =	vst v63  }
0xe9: {  	s9 =	simm.s32 @!p1 $0x2;
	s8 =	simm.s32 @!p1 $0x6220  }
0xea: {  	[tilespmem:s8], [sflag:$0x1] =	stream.indirect.gather @!p1 [spmem:s2], $0x10, s18, s7, $0xb8;
	[tilespmem:$0x14370] =	vst v63  }
0xeb: {  	_ =	swait.ge @!p1 [sflag:s9], $0x1900  }
0xec: {  	[sflag:s9] =	ssyncset.done @!p1 $0x0  }
0xed: {  	s8 =	simm.s32 @!p1 $0x6720;
	[sflag:s9] =	ssyncadd.s32 @!p1 $0xFFFFE700  }
0xee: {  	[spmem:s3] =	stream.indirect.scatter.add.f32 @!p1 [tilespmem:s8], [sflag:$0x4], $0x10, s19, s7, $0xb8;
	[tilespmem:$0x14370] =	vst v63  }
0xef: {  	s8 =	simm.s32 @!p1 $0x6C20  }
0xf0: {  	[spmem:s3] =	stream.indirect.scatter.add.f32 @!p1 [tilespmem:s8], [sflag:$0x4], $0x10, s11, s7, $0xb8;
	[tilespmem:$0x14370] =	vst v63  }
.Ltmp2:
0xf1: {  	_ = 	snop;
	(pc) =	sbr.rel @p2 .LBB2_6-.Ltmp2, $4  }
0xf2: {  	s30 =	sadd.s32 $0x1, s30;
	s8 =	simm.s32 @!p1 $0x7120  }
0xf3: {  	[spmem:s3] =	stream.indirect.scatter.add.f32 @!p1 [tilespmem:s8], [sflag:$0x4], $0x10, s12, s7, $0xb8;
	[tilespmem:$0x14370] =	vst v63  }
0xf4: {  	s9 =	simm.s32 @!p1 $0x7620;
	s8 =	sand.u32 $0x1, s30  }
0xf5: {  	[spmem:s3] =	stream.indirect.scatter.add.f32 @!p1 [tilespmem:s9], [sflag:$0x4], $0x10, s14, s7, $0xb8;
	[tilespmem:$0x14370] =	vst v63  }
0xf6: {  	p2 =	seq.s32 s8, $0x1  }
0xf7: {  	[spmem:s3] =	stream.indirect.scatter.add.f32 @!p1 [tilespmem:s1], [sflag:$0x4], $0x10, s6, s7, $0xb8;
	[tilespmem:$0x14370] =	vst v63  }
0xf8: {  	s0 =	simm.s32 @p2 $0x4  }
0xf9: {  	s30 =	sshra.s32 s5, $0x2;
	p1 =	por p2, p2;
	_ =	swait.ge @p2 [sflag:s0], $0x1900  }
0xfa: {  	s6 =	sadd.s32 $0x320, s30;
	[sflag:s0] =	ssyncset.done @p1 $0x0  }
0xfb: {  	s5 =	simm.s32 @p1 $0x6720;
	[sflag:s0] =	ssyncadd.s32 @p1 $0xFFFFE700;
	s0 =	simm.s32 @p1 $0x50  }
0xfc: {  	[tilespmem:s5], [sflag:$0x2] =	stream.indirect.gather @p1 [spmem:s2], $0x10, s6, s0, $0xb8;
	[tilespmem:$0x14370] =	vst v63  }
0xfd: {  	s7 =	simm.s32 @p1 $0x6C20;
	s5 =	sadd.s32 $0x370, s30  }
0xfe: {  	[tilespmem:s7], [sflag:$0x2] =	stream.indirect.gather @p1 [spmem:s2], $0x10, s5, s0, $0xb8;
	[tilespmem:$0x14370] =	vst v63  }
0xff: {  	s8 =	simm.s32 @p1 $0x7120;
	s7 =	sadd.s32 $0x3C0, s30  }
0x100: {  	[tilespmem:s8], [sflag:$0x2] =	stream.indirect.gather @p1 [spmem:s2], $0x10, s7, s0, $0xb8;
	[tilespmem:$0x14370] =	vst v63  }
0x101: {  	s9 =	simm.s32 @p1 $0x7620;
	s8 =	sadd.s32 $0x410, s30  }
0x102: {  	[tilespmem:s9], [sflag:$0x2] =	stream.indirect.gather @p1 [spmem:s2], $0x10, s8, s0, $0xb8;
	[tilespmem:$0x14370] =	vst v63  }
0x103: {  	s10 =	simm.s32 @p1 $0x7B20;
	s11 =	simm.s32 @p1 $0x1;
	s9 =	sadd.s32 $0x460, s30  }
0x104: {  	[tilespmem:s10], [sflag:$0x2] =	stream.indirect.gather @p1 [spmem:s2], $0x10, s9, s0, $0xb8;
	[tilespmem:$0x14370] =	vst v63  }
0x105: {  	_ =	swait.ge @p1 [sflag:s11], $0x1900  }
0x106: {  	[sflag:s11] =	ssyncset.done @p1 $0x0  }
0x107: {  	s10 =	sadd.s32 $0x28A0, s30;
	[sflag:s11] =	ssyncadd.s32 @p1 $0xFFFFE700;
	s11 =	simm.s32 @p1 $0x4E20  }
0x108: {  	[spmem:s3] =	stream.indirect.scatter.add.f32 @p1 [tilespmem:s11], [sflag:$0x3], $0x10, s10, s0, $0xb8;
	[tilespmem:$0x14370] =	vst v63  }
0x109: {  	s12 =	simm.s32 @p1 $0x5320;
	s11 =	sadd.s32 $0x28F0, s30  }
0x10a: {  	[spmem:s3] =	stream.indirect.scatter.add.f32 @p1 [tilespmem:s12], [sflag:$0x3], $0x10, s11, s0, $0xb8;
	[tilespmem:$0x14370] =	vst v63  }
0x10b: {  	s14 =	simm.s32 @p1 $0x5820;
	s12 =	sadd.s32 $0x2940, s30  }
0x10c: {  	[spmem:s3] =	stream.indirect.scatter.add.f32 @p1 [tilespmem:s14], [sflag:$0x3], $0x10, s12, s0, $0xb8;
	[tilespmem:$0x14370] =	vst v63  }
0x10d: {  	s15 =	simm.s32 @p1 $0x5D20;
	s14 =	sadd.s32 $0x2990, s30  }
0x10e: {  	[spmem:s3] =	stream.indirect.scatter.add.f32 @p1 [tilespmem:s15], [sflag:$0x3], $0x10, s14, s0, $0xb8;
	[tilespmem:$0x14370] =	vst v63  }
0x10f: {  	s1 =	sadd.s32 $0x29E0, s30;
	s15 =	simm.s32 @p1 $0x6220  }
0x110: {  	[spmem:s3] =	stream.indirect.scatter.add.f32 @p1 [tilespmem:s15], [sflag:$0x3], $0x10, s1, s0, $0xb8;
	[tilespmem:$0x14370] =	vst v63  }
0x111: {  	s0 =	simm.s32 @!p1 $0x3  }
0x112: {  	_ =	swait.ge @!p1 [sflag:s0], $0x1900  }
0x113: {  	[sflag:s0] =	ssyncset.done @!p1 $0x0  }
0x114: {  	s15 =	simm.s32 @!p1 $0x4E20;
	[sflag:s0] =	ssyncadd.s32 @!p1 $0xFFFFE700;
	s0 =	simm.s32 @!p1 $0x50  }
0x115: {  	[tilespmem:s15], [sflag:$0x1] =	stream.indirect.gather @!p1 [spmem:s2], $0x10, s6, s0, $0xb8;
	[tilespmem:$0x14370] =	vst v63  }
0x116: {  	s6 =	simm.s32 @!p1 $0x5320  }
0x117: {  	[tilespmem:s6], [sflag:$0x1] =	stream.indirect.gather @!p1 [spmem:s2], $0x10, s5, s0, $0xb8;
	[tilespmem:$0x14370] =	vst v63  }
0x118: {  	s5 =	simm.s32 @!p1 $0x5820  }
0x119: {  	[tilespmem:s5], [sflag:$0x1] =	stream.indirect.gather @!p1 [spmem:s2], $0x10, s7, s0, $0xb8;
	[tilespmem:$0x14370] =	vst v63  }
0x11a: {  	s5 =	simm.s32 @!p1 $0x5D20  }
0x11b: {  	[tilespmem:s5], [sflag:$0x1] =	stream.indirect.gather @!p1 [spmem:s2], $0x10, s8, s0, $0xb8;
	[tilespmem:$0x14370] =	vst v63  }
0x11c: {  	s5 =	simm.s32 @!p1 $0x6220  }
0x11d: {  	[tilespmem:s5], [sflag:$0x1] =	stream.indirect.gather @!p1 [spmem:s2], $0x10, s9, s0, $0xb8;
	[tilespmem:$0x14370] =	vst v63  }
0x11e: {  	s5 =	simm.s32 @!p1 $0x2  }
0x11f: {  	_ =	swait.ge @!p1 [sflag:s5], $0x1900  }
0x120: {  	[sflag:s5] =	ssyncset.done @!p1 $0x0  }
0x121: {  	[sflag:s5] =	ssyncadd.s32 @!p1 $0xFFFFE700;
	s5 =	simm.s32 @!p1 $0x6720  }
0x122: {  	[spmem:s3] =	stream.indirect.scatter.add.f32 @!p1 [tilespmem:s5], [sflag:$0x4], $0x10, s10, s0, $0xb8;
	[tilespmem:$0x14370] =	vst v63  }
0x123: {  	s5 =	simm.s32 @!p1 $0x6C20  }
0x124: {  	[spmem:s3] =	stream.indirect.scatter.add.f32 @!p1 [tilespmem:s5], [sflag:$0x4], $0x10, s11, s0, $0xb8;
	[tilespmem:$0x14370] =	vst v63  }
0x125: {  	s5 =	simm.s32 @!p1 $0x7120  }
0x126: {  	[spmem:s3] =	stream.indirect.scatter.add.f32 @!p1 [tilespmem:s5], [sflag:$0x4], $0x10, s12, s0, $0xb8;
	[tilespmem:$0x14370] =	vst v63  }
0x127: {  	s5 =	simm.s32 @!p1 $0x7620  }
0x128: {  	[spmem:s3] =	stream.indirect.scatter.add.f32 @!p1 [tilespmem:s5], [sflag:$0x4], $0x10, s14, s0, $0xb8;
	[tilespmem:$0x14370] =	vst v63  }
0x129: {  	s5 =	simm.s32 @!p2 $0x7B20  }
0x12a: {  	[spmem:s3] =	stream.indirect.scatter.add.f32 @!p1 [tilespmem:s5], [sflag:$0x4], $0x10, s1, s0, $0xb8;
	[tilespmem:$0x14370] =	vst v63  }
0x12b: {  	_ =	swait.ge [sflag:s20], $0x1900  }
0x12c: {  	[sflag:s20] =	ssyncset.done $0x0  }
0x12d: {  	s10 =	simm.s32 $0x4E20;
	s11 =	simm.s32 $0x4C90;
	[sflag:s20] =	ssyncadd.s32 $0xFFFFE700  }
0x12e: {  	[spmem:s3] =	stream.indirect.scatter.add.f32 [tilespmem:s10], [sflag:$0x3], $0x10, s11, s22, $0xb8;
	[tilespmem:$0x14370] =	vst v63  }
0x12f: {  	s12 =	simm.s32 $0x4CE0  }
0x130: {  	[spmem:s3] =	stream.indirect.scatter.add.f32 [tilespmem:s24], [sflag:$0x3], $0x10, s12, s22, $0xb8;
	[tilespmem:$0x14370] =	vst v63  }
0x131: {  	s14 =	simm.s32 $0x4D30  }
0x132: {  	[spmem:s3] =	stream.indirect.scatter.add.f32 [tilespmem:s26], [sflag:$0x3], $0x10, s14, s22, $0xb8;
	[tilespmem:$0x14370] =	vst v63  }
0x133: {  	s15 =	simm.s32 $0x4D80  }
0x134: {  	[spmem:s3] =	stream.indirect.scatter.add.f32 [tilespmem:s29], [sflag:$0x3], $0x10, s15, s22, $0xb8;
	[tilespmem:$0x14370] =	vst v63  }
0x135: {  	s16 =	simm.s32 $0x4DD0  }
0x136: {  	[spmem:s3] =	stream.indirect.scatter.add.f32 [tilespmem:s31], [sflag:$0x3], $0x10, s16, s22, $0xb8;
	[tilespmem:$0x14370] =	vst v63  }
0x137: {  	_ =	swait.ge [sflag:s17], $0x1900  }
0x138: {  	[sflag:s17] =	ssyncset.done $0x0  }
0x139: {  	[sflag:s17] =	ssyncadd.s32 $0xFFFFE700  }
0x13a: {  	_ =	swait.ge [sflag:s25], $0x1900  }
0x13b: {  	[sflag:s25] =	ssyncset.done $0x0  }
0x13c: {  	s0 =	simm.s32 @!p0 $0x5;
	[sflag:s25] =	ssyncadd.s32 $0xFFFFE700  }
0x13d: {  	_ =	swait.ge @!p0 [sflag:s0], $0x2710  }
0x13e: {  	[sflag:s0] =	ssyncset.done @!p0 $0x0  }
0x13f: {  	[sflag:s0] =	ssyncadd.s32 @!p0 $0xFFFFD8F0  }
0x140: {  	_ =	swait.ge @!p0 [sflag:s0], $0x2710  }
0x141: {  	[sflag:s0] =	ssyncset.done @!p0 $0x0  }
0x142: {  	s18 =	stileid.u32;
	[sflag:s0] =	ssyncadd.s32 @!p0 $0xFFFFD8F0  }
0x143: {  	s0 =	sshll.u32 s18, $0x6;
	[bflag:$0x0] =	sbarrier.arrive $0xFFFF  }
0x144: {  	s19 =	sshrl.u32 s13, $0x3;
	s0 =	sor.u32 $0x1C06, s0;
	s23 =	rddreg [dreg:$0xd]  }
0x145: {  	[hbm:s23], [sflag:s0] =	dma.local [spmem:s19], $0x4E2  }
0x146: {  	_ =	swait.ge [sflag:s21], $0x4E2  }
0x147: {  	s28 =	sadd.s32 $0x1, s28;
	s30 =	rddreg [dreg:$0xe]  }
0x148: {  	p1 =	sne.s32 s28, s30  }
.Ltmp3:
0x149: {  	_ = 	snop;
	(pc) =	sbr.rel @p1 .LBB2_1-.Ltmp3, $3  }
0x14a: {  	_ =	sdelay $0x1  }
0x14b: {  	s7 =	simm.s32 $0x2710;
	[sflag:s21] =	ssyncset.done $0x0  }
0x14c: {  	s8 =	simm.s32 $0xA730;
	s9 =	simm.s32 $0xCE40;
	[sflag:s21] =	ssyncadd.s32 $0xFFFFFB1E  }
0x14d: {  	_ =	sfence.sel $0x180000  }
0x14e: {  	[bflag:$0x0] =	sbarrier.arrive $0xFFFF  }
0x14f: {  	_ =	strace $0x9000004A  }
0x150: {  	s0 =	stileid.u32;
	[bflag:$0x2] =	sbarrier.arrive $0xFFFF  }
0x151: {  	p0 =	sne.s32 s0, $0x0;
	s0 =	rddreg [dreg:$0x4]  }
0x152: {  	s0 =	sadd.s32 @!p0 $0x100000, s0  }
0x153: {  	[sflag:s0] =	ssyncadd.tile.s32 @!p0 $0x1;
	_ =	shalt  }
.Lfunc_end2:
_tile_overlayer_lowered:
.L_overlay_start_2:
0x154: {  	(tag) =	ssettag $0x2  }
0x155: {  	s0 =	rddreg [dreg:$0x0];
	s2 =	stileid.u32  }
0x156: {  	s1 =	rddreg [dreg:$0x1];
	p0 =	sne.s32 s2, $0x0  }
0x157: {  	s3 =	rddreg [dreg:$0x2];
	[bflag:$0x3] =	sbarrier.arrive $0xFFFF;
	s2 =	simm.s32 @!p0 $0x1C06  }
0x158: {  	[timem:s3], [sflag:s2] =	dma.local @!p0 [hbm:s0], s1  }
0x159: {  	s0 =	simm.s32 @!p0 $0x6  }
0x15a: {  	_ =	swait.ge @!p0 [sflag:s0], s1  }
0x15b: {  	s1 =	ssub.s32 @!p0 $0x0, s1;
	[sflag:s0] =	ssyncset.done @!p0 $0x0  }
0x15c: {  	[sflag:s0] =	ssyncadd.s32 @!p0 s1  }
0x15d: {  	[bflag:$0x3] =	sbarrier.arrive $0xFFFF  }
0x15e: {  	_ =	shalt  }

// kernel: kernel.14.cloned.1.call-start
scs
__scs_entry_jumppad:
0x0: {  	(pc) =	sbr.rel $0x88, $3  }
0x1: {  	(tag) =	ssettag $0x0;
	lr =	simm.s32 $0x1  }
0x2: {  	[smem:$0x3F95] =	sst lr;
	_ =	strace $0xD0000000  }
0x3: {  	_ = 	snop  }
0x4: {  	_ = 	snop  }
0x5: {  	_ = 	snop  }
0x6: {  	_ = 	snop  }
0x7: {  	_ = 	snop  }
__scs_overlays_trampoline_lowered:
0x8: {  	[smem:$0x3FA4] =	sst s0  }
0x9: {  	[smem:$0x3FA5] =	sst s1  }
0xa: {  	[smem:$0x3FA6] =	sst s2  }
0xb: {  	[smem:$0x3FA7] =	sst s3  }
0xc: {  	[smem:$0x3FA8] =	sst s4  }
0xd: {  	[smem:$0x3FA9] =	sst s5  }
0xe: {  	[smem:$0x3FAA] =	sst s6  }
0xf: {  	[smem:$0x3FAB] =	sst s7  }
0x10: {  	[smem:$0x3FAC] =	sst s8  }
0x11: {  	[smem:$0x3FAD] =	sst s9;
	s0 =	simm.s32 @!p0 $0x0  }
0x12: {  	s1 =	sld [smem:$0x3F93];
	s0 =	simm.s32 @p0 $0x1  }
0x13: {  	[smem:$0x3FAE] =	sst s0;
	s0 =	simm.s32 @!p1 $0x0  }
0x14: {  	s2 =	sld [smem:$0x3F92];
	s0 =	simm.s32 @p1 $0x1  }
0x15: {  	[smem:$0x3FAF] =	sst s0;
	s0 =	simm.s32 @!p2 $0x0  }
0x16: {  	s3 =	sld [smem:$0x3FDB];
	s0 =	simm.s32 @p2 $0x1  }
0x17: {  	s4 =	simm.s32 $0x1BF5;
	[smem:$0x3FB1] =	sst s0  }
0x18: {  	s0 =	sld [smem:$0x3F94];
	_ =	swait.ge [sflag:s4], $0x0  }
0x19: {  	s7 =	sld [smem:$0x3F95]  }
0x1a: {  	s8 =	sadd.s32 $0xFFFFE003, lr  }
0x1b: {  	s9 =	sadd.s32 $0xFFFFFEF7, lr;
	s5 =	simm.s32 $0xFFFFFFFF;
	p2 =	slt.u32 s8, $0xFFFFF086  }
0x1c: {  	p1 =	slt.u32 s9, $0xF7A;
	s5 =	simm.s32 @!p2 $0x0  }
0x1d: {  	s5 =	simm.s32 @p1 $0x1;
	p0 =	seq.s32 s7, s2  }
0x1e: {  	s7 =	smul.u32 @!p0 $0xF7A, s2;
	p2 =	seq.s32 @!p0 s5, $0x0  }
0x1f: {  	s9 =	smul.u32 $0xF7A, s1;
	s8 =	simm.s32 @!p0 $0x1BF5;
	p2 =	por !p2, p0  }
0x20: {  	[sflag:s8] =	ssyncset.s32 @!p0 $0xFFFFF086;
	s6 =	sadd.s32 @!p0 s3, s7;
	s7 =	simm.s32 @!p0 $0x108  }
0x21: {  	s3 =	sadd.s32 s3, s9;
	s6 =	sadd.s32 @!p0 $0x88, s6;
	s7 =	simm.s32 @p2 $0x1082  }
0x22: {  	[simem:s7], [sflag:s8] =	dma.local @!p0 [hbm:s6], $0xF7A  }
0x23: {  	s9 =	sor.u32 $0xD0000000, s2;
	s6 =	simm.s32 $0x108;
	_ =	swait.ge @!p0 [sflag:s8], $0x0  }
0x24: {  	s3 =	sadd.s32 $0x88, s3;
	s6 =	simm.s32 @!p1 $0x1082;
	[sflag:s4] =	ssyncset.s32 $0xFFFFF086  }
0x25: {  	[simem:s6], [sflag:s4] =	dma.local [hbm:s3], $0xF7A  }
0x26: {  	[smem:$0x3F95] =	sst s1;
	(tag) =	ssettag s2;
	_ =	strace s9  }
0x27: {  	s1 =	sld [smem:$0x3FA5]  }
0x28: {  	s2 =	sld [smem:$0x3FA6]  }
0x29: {  	s4 =	sld [smem:$0x3FA8]  }
0x2a: {  	p0 =	seq.s32 s5, $0x0;
	s5 =	sld [smem:$0x3FA9]  }
0x2b: {  	s6 =	sld [smem:$0x3FAA]  }
0x2c: {  	s7 =	sld [smem:$0x3FAB]  }
0x2d: {  	s3 =	simm.s32 $0x108;
	s8 =	sld [smem:$0x3FAC]  }
0x2e: {  	s3 =	simm.s32 @!p0 $0x1082;
	s9 =	sld [smem:$0x3FAD]  }
0x2f: {  	lr =	sadd.s32 s0, s3;
	s0 =	sld [smem:$0x3FA4]  }
0x30: {  	s3 =	sld [smem:$0x3FA7]  }
0x31: {  	[smem:$0x3FB0] =	sst s10  }
0x32: {  	s10 =	sld [smem:$0x3FAE];
	_ =	sdelay $0x3  }
0x33: {  	p0 =	seq.s32 s10, $0x1;
	s10 =	sld [smem:$0x3FB0];
	_ =	sdelay $0x3  }
0x34: {  	[smem:$0x3FB0] =	sst s10  }
0x35: {  	s10 =	sld [smem:$0x3FAF];
	_ =	sdelay $0x3  }
0x36: {  	p1 =	seq.s32 s10, $0x1;
	s10 =	sld [smem:$0x3FB0];
	_ =	sdelay $0x3  }
0x37: {  	[smem:$0x3FB0] =	sst s10  }
0x38: {  	s10 =	sld [smem:$0x3FB1]  }
0x39: {  	_ = 	snop;
	(pc) =	sbr.ind lr, $3  }
0x3a: {  	_ = 	snop  }
0x3b: {  	_ = 	snop  }
0x3c: {  	p2 =	seq.s32 s10, $0x1;
	s10 =	sld [smem:$0x3FB0]  }
0x3d: {  	_ =	shalt  }
0x3e: {  	_ =	shalt  }
0x3f: {  	_ =	shalt  }
0x40: {  	_ =	shalt  }
0x41: {  	_ =	shalt  }
0x42: {  	_ =	shalt  }
0x43: {  	_ =	shalt  }
0x44: {  	_ =	shalt  }
0x45: {  	_ =	shalt  }
0x46: {  	_ =	shalt  }
0x47: {  	_ =	shalt  }
0x48: {  	_ =	shalt  }
0x49: {  	_ =	shalt  }
0x4a: {  	_ =	shalt  }
0x4b: {  	_ =	shalt  }
0x4c: {  	_ =	shalt  }
0x4d: {  	_ =	shalt  }
0x4e: {  	_ =	shalt  }
0x4f: {  	_ =	shalt  }
0x50: {  	_ =	shalt  }
0x51: {  	_ =	shalt  }
0x52: {  	_ =	shalt  }
0x53: {  	_ =	shalt  }
0x54: {  	_ =	shalt  }
0x55: {  	_ =	shalt  }
0x56: {  	_ =	shalt  }
0x57: {  	_ =	shalt  }
0x58: {  	_ =	shalt  }
0x59: {  	_ =	shalt  }
0x5a: {  	_ =	shalt  }
0x5b: {  	_ =	shalt  }
0x5c: {  	_ =	shalt  }
0x5d: {  	_ =	shalt  }
0x5e: {  	_ =	shalt  }
0x5f: {  	_ =	shalt  }
0x60: {  	_ =	shalt  }
0x61: {  	_ =	shalt  }
0x62: {  	_ =	shalt  }
0x63: {  	_ =	shalt  }
0x64: {  	_ =	shalt  }
0x65: {  	_ =	shalt  }
0x66: {  	_ =	shalt  }
0x67: {  	_ =	shalt  }
0x68: {  	_ =	shalt  }
0x69: {  	_ =	shalt  }
0x6a: {  	_ =	shalt  }
0x6b: {  	_ =	shalt  }
0x6c: {  	_ =	shalt  }
0x6d: {  	_ =	shalt  }
0x6e: {  	_ =	shalt  }
0x6f: {  	_ =	shalt  }
0x70: {  	_ =	shalt  }
0x71: {  	_ =	shalt  }
0x72: {  	_ =	shalt  }
0x73: {  	_ =	shalt  }
0x74: {  	_ =	shalt  }
0x75: {  	_ =	shalt  }
0x76: {  	_ =	shalt  }
0x77: {  	_ =	shalt  }
0x78: {  	_ =	shalt  }
0x79: {  	_ =	shalt  }
0x7a: {  	_ =	shalt  }
0x7b: {  	_ =	shalt  }
0x7c: {  	_ =	shalt  }
0x7d: {  	_ =	shalt  }
0x7e: {  	_ =	shalt  }
0x7f: {  	_ =	shalt  }
0x80: {  	_ =	shalt  }
0x81: {  	_ =	shalt  }
0x82: {  	_ =	shalt  }
0x83: {  	_ =	shalt  }
0x84: {  	_ =	shalt  }
0x85: {  	_ =	shalt  }
0x86: {  	_ =	shalt  }
0x87: {  	_ =	shalt  }
.Lfunc_end0:
.L_simem_size_0:
called_computation.2_lowered:
.L_overlay_start_0:
0x88: {  	s2 =	sld [smem:$0x3FD9]  }
0x89: {  	s3 =	sld [smem:$0x3FFE];
	_ =	sdelay $0x1  }
0x8a: {  	s1 =	srdreg.scid  }
0x8b: {  	s0 =	sand.u32 $0x1, s1  }
0x8c: {  	s17 =	sshll.u32 s0, $0xA;
	s2 =	sadd.s32 s3, s2  }
0x8d: {  	s2 =	sadd.s32 s2, s17  }
0x8e: {  	[smem:$0x3FBC] =	sst s2  }
0x8f: {  	_ = 	snop  }
0x90: {  	s2 =	sld [smem:$0x3FD0];
	(tm) =	ssettm $0x1  }
0x91: {  	s18 =	sld [smem:$0x3FFB];
	_ =	sdelay $0x3  }
0x92: {  	_ =	strace s18  }
0x93: {  	s3 =	sld [smem:$0x3FFC];
	_ =	sdelay $0x3  }
0x94: {  	_ =	strace s3  }
0x95: {  	s3 =	sld [smem:$0x3FFD];
	_ =	sdelay $0x3  }
0x96: {  	_ =	strace s3  }
0x97: {  	_ =	strace $0x8FFFFFFF  }
0x98: {  	s19 =	sld [smem:$0x3FDB];
	_ =	sdelay $0x1  }
0x99: {  	s4 =	simm.s32 $_scs_section_size  }
0x9a: {  	s5 =	simm.s32 $_size__tile_overlayer_lowered;
	s6 =	simm.s32 $_tile_overlayer_lowered  }
0x9b: {  	s22 =	simm.s32 $0x1BFF;
	s21 =	sshll.u32 s6, $0x1;
	s3 =	sadd.s32 s4, s19  }
0x9c: {  	s7 =	simm.s32 $0x0;
	s20 =	sshll.u32 s5, $0x1;
	s5 =	sadd.s32 s21, s3  }
0x9d: {  	[timem:s7], [sflag:s22] =	dma.local [hbm:s5], s20  }
0x9e: {  	_ =	swait.ge [sflag:s22], s20  }
0x9f: {  	s4 =	ssub.s32 $0x0, s20;
	[sflag:s22] =	ssyncset.done $0x0  }
0xa0: {  	[sflag:s22] =	ssyncadd.s32 s4;
	_ =	sdelay $0x1  }
0xa1: {  	s23 =	simm.s32 $0x1B8B  }
0xa2: {  	_ =	swait.ge [sflag:s23], $0x1  }
0xa3: {  	[sflag:s23] =	ssyncset.done $0x0  }
0xa4: {  	s25 =	simm.s32 $0x1B8E;
	s24 =	sld [smem:$0x3FFE];
	[sflag:s23] =	ssyncadd.s32 $0xFFFFFFFF  }
0xa5: {  	s26 =	simm.s32 $execute0_lowered;
	[smem:$0x3FD2] =	sst s25  }
0xa6: {  	s5 =	sshll.u32 s26, $0x1;
	_ =	strace $0x8000004C;
	[dreg:$0x1] =	wrdreg $0xFFFFFFFF  }
0xa7: {  	s28 =	simm.s32 $_size_execute0_lowered;
	s3 =	sadd.s32 s3, s5;
	[dreg:$0x0] =	wrdreg $0x0  }
0xa8: {  	s5 =	sshll.u32 s28, $0x1;
	[dreg:$0x2] =	wrdreg s3  }
0xa9: {  	[dreg:$0x3] =	wrdreg s5  }
0xaa: {  	[dreg:$0x4] =	wrdreg $0xC0  }
0xab: {  	_ =	task [dreg:s7], $0x5FFFF  }
0xac: {  	[dreg:$0x1] =	wrdreg $0xFFFFFFFF  }
0xad: {  	[dreg:$0x0] =	wrdreg $0x60  }
0xae: {  	[dreg:$0x2] =	wrdreg s24  }
0xaf: {  	[dreg:$0x3] =	wrdreg s2  }
0xb0: {  	[dreg:$0x4] =	wrdreg $0x194E00  }
0xb1: {  	[dreg:$0x5] =	wrdreg $0x146C00  }
0xb2: {  	[dreg:$0x6] =	wrdreg $0x16DD00  }
0xb3: {  	[dreg:$0x7] =	wrdreg $0x9  }
0xb4: {  	_ =	task.clear_ibuf [dreg:s7], $0x8FFFF;
	_ =	strace $0x9000004C  }
0xb5: {  	s29 =	simm.s32 $0x9;
	_ =	strace $0x8000004E  }
0xb6: {  	_ =	swait.ge [sflag:s29], $0x1  }
0xb7: {  	[sflag:s29] =	ssyncadd.s32 $0xFFFFFFFF  }
0xb8: {  	_ =	strace $0x9000004E  }
0xb9: {  	_ =	sfence  }
0xba: {  	s30 =	sld [smem:$0x0];
	_ =	sdelay $0x2  }
0xbb: {  	s31 =	sshll.u32 s1, $0xD;
	s1 =	sshrl.u32 s1, $0x2  }
0xbc: {  	s3 =	sand.u32 $0x4000, s31;
	s1 =	sadd.s32 s1, s30  }
0xbd: {  	s0 =	sor.u32 s3, s0;
	s1 =	sshll.u32 s1, $0x11  }
0xbe: {  	s0 =	sor.u32 s1, s0  }
0xbf: {  	s0 =	sadd.s32 $0x8F2B, s0  }
0xc0: {  	[sflag:s0] =	ssyncadd.remote.s32 $0x1  }
0xc1: {  	_ =	sfence.sel $0xFFFF  }
0xc2: {  	[dreg:$0x0] =	wrdreg $0xFFFFFFFF;
	(pc) =	sbr.abs _section_cstart, $3  }
0xc3: {  	[dreg:$0x1] =	wrdreg $0xFFFFFFFF  }
0xc4: {  	_ =	task.clear_ibuf [dreg:s7], $0x2FFFF;
	_ =	strace $0x9FFFFFFF  }
0xc5: {  	(tm) =	ssettm $0x7FFFFFFF  }
tec
execute0_lowered:
.L_overlay_start_1:
0x0: {  	(tag) =	ssettag $0x1  }
0x1: {  	s1 =	rddreg [dreg:$0x0]  }
0x2: {  	s0 =	srdreg.scid;
	s2 =	rddreg [dreg:$0x1]  }
0x3: {  	s13 =	stileid.u32;
	s14 =	rddreg [dreg:$0x2];
	s5 =	simm.s32 $0x0  }
0x4: {  	s28 =	simm.s32 $0x5;
	s30 =	simm.s32 $0x50;
	s0 =	sand.u32 $0x1, s0  }
0x5: {  	s7 =	smul.u32 $0x2710, s13;
	[smem:$0x7FF] =	sst s5;
	s10 =	sadd.s32 $0x2FE00, s1  }
0x6: {  	s3 =	sshll.u32 s0, $0x4;
	s8 =	smul.u32 $0x27100, s0;
	s19 =	ssub.s32 $0x2, s0  }
0x7: {  	s4 =	sor.u32 s13, s3;
	s3 =	rddreg [dreg:$0x3];
	s11 =	sshrl.u32 s7, $0x3  }
0x8: {  	s12 =	sshrl.u32 s19, $0x1;
	s6 =	smul.u32 $0x4E2, s4;
	s4 =	rddreg [dreg:$0x4]  }
0x9: {  	_ =	strace $0x8000004D;
	s8 =	sadd.s32 s7, s8;
	[dreg:$0x6] =	wrdreg s10  }
0xa: {  	s10 =	ssub.s32 s19, s12;
	s25 =	sadd.s32 s7, s3;
	s8 =	sshrl.u32 s8, $0x3  }
0xb: {  	[dreg:$0xe] =	wrdreg s25;
	s31 =	smax.u32 s10, $0x1;
	s9 =	sadd.s32 s6, s1  }
0xc: {  	s8 =	sadd.s32 s8, s1;
	s2 =	sadd.s32 s2, s6;
	[dreg:$0x11] =	wrdreg s31  }
0xd: {  	s1 =	sadd.s32 s11, s1;
	s9 =	sadd.s32 $0x3400, s9;
	[dreg:$0x8] =	wrdreg s2  }
0xe: {  	s29 =	simm.s32 $0x6220;
	s20 =	sadd.s32 $0x1C000, s1;
	[dreg:$0x7] =	wrdreg s9  }
0xf: {  	s24 =	sshll.u32 s13, $0x5;
	s21 =	sadd.s32 $0x20E20, s1;
	[dreg:$0x9] =	wrdreg s20  }
0x10: {  	p0 =	sne.s32 s0, $0x0;
	s22 =	sadd.s32 $0x25E00, s1;
	[dreg:$0xa] =	wrdreg s21  }
0x11: {  	s12 =	simm.s32 $0x4E20;
	s23 =	sadd.s32 $0x2AE00, s1;
	[dreg:$0xb] =	wrdreg s22  }
0x12: {  	s16 =	sadd.s32 s7, s4;
	s2 =	sadd.s32 s24, s14;
	[dreg:$0xc] =	wrdreg s23  }
0x13: {  	s10 =	simm.s32 $0x8020;
	s1 =	sadd.s32 $0x17000, s1;
	[dreg:$0xd] =	wrdreg s2  }
0x14: {  	s25 =	simm.s32 $0x1;
	s26 =	sadd.s32 $0xD200, s8;
	[dreg:$0xf] =	wrdreg s1  }
0x15: {  	s11 =	simm.s32 $0xCE40;
	s24 =	simm.s32 $0x5D20;
	[dreg:$0x10] =	wrdreg s26  }
0x16: {  	s9 =	simm.s32 $0x2710;
	s1 =	simm.s32 $0x5320;
	s21 =	simm.s32 $0x5820  }
0x17: {  	v0 =	vimm.f32 $0.0e+00;
	s23 =	simm.s32 $0x4;
	s26 =	simm.s32 $0x3;
	s2 =	simm.s32 $0x0  }
.LBB2_1:
0x18: {  	s0 =	rddreg [dreg:$0x7]  }
0x19: {  	[tilespmem:s5], [sflag:$0x2] =	stream.linear.gather [hbm4b:s0+s5], $0x2710, $0x38;
	[tilespmem:$0x19500] =	vst v63  }
0x1a: {  	s14 =	rddreg [dreg:$0x8]  }
0x1b: {  	[tilespmem:s9], [sflag:$0x2] =	stream.linear.gather [hbm4b:s14+s5], $0x2710, $0x38;
	[tilespmem:$0x19500] =	vst v63  }
0x1c: {  	s15 =	rddreg [dreg:$0x9]  }
0x1d: {  	[tilespmem:s10], [sflag:$0x1] =	stream.linear.gather [hbm4b:s15+s5], $0x2710, $0x38;
	[tilespmem:$0x19500] =	vst v63  }
0x1e: {  	s17 =	rddreg [dreg:$0xa];
	s6 =	simm.s32 $0xA730  }
0x1f: {  	[tilespmem:s6], [sflag:$0x1] =	stream.linear.gather [hbm4b:s17+s5], $0x2710, $0x38;
	[tilespmem:$0x19500] =	vst v63  }
0x20: {  	s18 =	rddreg [dreg:$0xb]  }
0x21: {  	[tilespmem:s11], [sflag:$0x1] =	stream.linear.gather [hbm4b:s18+s5], $0x2710, $0x38;
	[tilespmem:$0x19500] =	vst v63  }
0x22: {  	s19 =	rddreg [dreg:$0xc];
	s20 =	simm.s32 $0xF550  }
0x23: {  	[tilespmem:s20], [sflag:$0x1] =	stream.linear.gather [hbm4b:s19+s5], $0x2710, $0x38;
	[tilespmem:$0x19500] =	vst v63  }
0x24: {  	s22 =	rddreg [dreg:$0x6];
	s31 =	simm.s32 $0x14370  }
0x25: {  	[tilespmem:s31], [sflag:$0x1] =	stream.linear.gather [hbm4b:s22+s5], $0x130, $0x38;
	[tilespmem:$0x19500] =	vst v63  }
0x26: {  	_ =	swait.ge [sflag:s25], $0x2710  }
0x27: {  	[sflag:s25] =	ssyncset.done $0x0  }
0x28: {  	[sflag:s25] =	ssyncadd.s32 $0xFFFFD8F0  }
0x29: {  	_ =	swait.ge [sflag:s25], $0x2710  }
0x2a: {  	[sflag:s25] =	ssyncset.done $0x0  }
0x2b: {  	[sflag:s25] =	ssyncadd.s32 $0xFFFFD8F0  }
0x2c: {  	_ =	swait.ge [sflag:s25], $0x2710  }
0x2d: {  	[sflag:s25] =	ssyncset.done $0x0  }
0x2e: {  	[sflag:s25] =	ssyncadd.s32 $0xFFFFD8F0  }
0x2f: {  	_ =	swait.ge [sflag:s25], $0x2710  }
0x30: {  	[sflag:s25] =	ssyncset.done $0x0  }
0x31: {  	[sflag:s25] =	ssyncadd.s32 $0xFFFFD8F0  }
0x32: {  	_ =	swait.ge [sflag:s25], $0x130  }
0x33: {  	[sflag:s25] =	ssyncset.done $0x0  }
0x34: {  	s0 =	simm.s32 $0x0;
	[sflag:s25] =	ssyncadd.s32 $0xFFFFFED0  }
0x35: {  	v2 =	vld [tilespmem:s0+$0x8020]  }
0x36: {  	v4 =	vld [tilespmem:s0+$0xA730];
	_ =	sdelay $0x1  }
0x37: {  	v5 =	vld [tilespmem:s0+$0xCE40]  }
0x38: {  	v3 =	vld [tilespmem:$0x14370]  }
0x39: {  	s6 =	simm.s32 $0x10;
	v9 =	vld [tilespmem:s0+$0xF550]  }
0x3a: {  	v6 =	vld [tilespmem:s6+$0x8020];
	v4 =	vadd.f32 v4, v2  }
0x3b: {  	v7 =	vld [tilespmem:s6+$0xA730]  }
0x3c: {  	v1 =	vld [tilespmem:$0x14380];
	v4 =	vadd.f32 v5, v4  }
0x3d: {  	v8 =	vld [tilespmem:s6+$0xCE40]  }
0x3e: {  	s7 =	simm.s32 $0x80;
	v2 =	vld [tilespmem:$0x14390];
	v5 =	vimm.f32 $0.0e+00;
	v9 =	vmul.f32 v4, v9;
	v4 =	vimm.f32 $0.0e+00  }
.LBB2_2:
0x3f: {  	s8 =	sshra.s32 s7, $0x2;
	v10 =	vld [tilespmem:s6+$0xF550];
	p1 =	sne.s32 s7, $0x9C00  }
.Ltmp0:
0x40: {  	s7 =	sadd.s32 $0x40, s7;
	v11 =	vadd.f32 v7, v6;
	v6 =	vld [tilespmem:s8+$0x8020];
	v9 =	vadd.f32 v9, v3;
	(pc) =	sbr.rel @p1 .LBB2_2-.Ltmp0, $4  }
0x41: {  	v7 =	vld [tilespmem:s8+$0xA730]  }
0x42: {  	v11 =	vadd.f32 v8, v11;
	[tilespmem:s0+$0x11C60] =	vst v9;
	v4 =	vadd.f32 v9, v4;
	v12 =	vmul.f32 v9, v9;
	s0 =	smov.u32 s6;
	s6 =	smov.u32 s8  }
0x43: {  	v8 =	vld [tilespmem:s6+$0xCE40]  }
0x44: {  	v9 =	vmul.f32 v11, v10;
	v5 =	vadd.f32 v12, v5  }
0x45: {  	v10 =	vld [tilespmem:s6+$0xF550]  }
0x46: {  	v6 =	vadd.f32 v7, v6;
	_ =	sdelay $0x1  }
0x47: {  	v6 =	vadd.f32 v8, v6;
	_ =	sdelay $0x1  }
0x48: {  	v7 =	vadd.f32 v9, v3;
	v6 =	vmul.f32 v6, v10;
	_ =	sdelay $0x1  }
0x49: {  	v8 =	vmul.f32 v7, v7;
	v3 =	vadd.f32 v6, v3  }
0x4a: {  	v4 =	vadd.f32 v7, v4  }
0x4b: {  	v5 =	vadd.f32 v8, v5;
	v6 =	vmul.f32 v3, v3  }
0x4c: {  	[tilespmem:s0+$0x11C60] =	vst v7;
	v4 =	vadd.f32 v3, v4  }
0x4d: {  	[tilespmem:s6+$0x11C60] =	vst v3;
	v3 =	vadd.f32 v6, v5  }
0x4e: {  	[tilespmem:$0x144A0] =	vst v4  }
0x4f: {  	s19 =	rddreg [dreg:$0xd];
	s20 =	simm.s32 $0x144A0;
	[tilespmem:$0x144B0] =	vst v3  }
0x50: {  	[spmem:s19] =	stream.linear.scatter [tilespmem:s20], [sflag:$0x5], $0x20, $0x38;
	[tilespmem:$0x19500] =	vst v63  }
0x51: {  	_ =	swait.ge [sflag:s28], $0x20  }
0x52: {  	[sflag:s28] =	ssyncset.done $0x0  }
0x53: {  	[sflag:s28] =	ssyncadd.s32 $0xFFFFFFE0  }
0x54: {  	[bflag:$0x0] =	sbarrier.arrive $0xFFFF  }
0x55: {  	s31 =	simm.s32 $0x144C0;
	s22 =	rddreg [dreg:$0x2]  }
0x56: {  	[tilespmem:s31], [sflag:$0x5] =	stream.linear.gather [spmem:s22], $0x200, $0x38;
	[tilespmem:$0x19500] =	vst v63  }
0x57: {  	_ =	swait.ge [sflag:s28], $0x200  }
0x58: {  	[sflag:s28] =	ssyncset.done $0x0  }
0x59: {  	[sflag:s28] =	ssyncadd.s32 $0xFFFFFE00  }
0x5a: {  	v3 =	vld [tilespmem:$0x144C0]  }
0x5b: {  	v4 =	vld [tilespmem:$0x144D0]  }
0x5c: {  	v5 =	vld [tilespmem:$0x144E0]  }
0x5d: {  	v6 =	vld [tilespmem:$0x144F0]  }
0x5e: {  	v7 =	vld [tilespmem:$0x14500]  }
0x5f: {  	v8 =	vld [tilespmem:$0x14510];
	v3 =	vadd.f32 $0.0e+00, v3  }
0x60: {  	v9 =	vld [tilespmem:$0x14520]  }
0x61: {  	v10 =	vld [tilespmem:$0x14540];
	v4 =	vadd.f32 $0.0e+00, v4;
	v3 =	vadd.f32 v5, v3  }
0x62: {  	v5 =	vld [tilespmem:$0x14530]  }
0x63: {  	v4 =	vadd.f32 v6, v4;
	v6 =	vld [tilespmem:$0x14550];
	v3 =	vadd.f32 v7, v3  }
0x64: {  	v7 =	vld [tilespmem:$0x14560]  }
0x65: {  	v4 =	vadd.f32 v8, v4;
	v8 =	vld [tilespmem:$0x14570];
	v3 =	vadd.f32 v9, v3  }
0x66: {  	v9 =	vld [tilespmem:$0x14580]  }
0x67: {  	v4 =	vadd.f32 v5, v4;
	v5 =	vld [tilespmem:$0x14590];
	v3 =	vadd.f32 v10, v3  }
0x68: {  	v10 =	vld [tilespmem:$0x145A0]  }
0x69: {  	v4 =	vadd.f32 v6, v4;
	v6 =	vld [tilespmem:$0x145B0];
	v3 =	vadd.f32 v7, v3  }
0x6a: {  	v7 =	vld [tilespmem:$0x145C0]  }
0x6b: {  	v4 =	vadd.f32 v8, v4;
	v8 =	vld [tilespmem:$0x145D0];
	v3 =	vadd.f32 v9, v3  }
0x6c: {  	v9 =	vld [tilespmem:$0x145E0]  }
0x6d: {  	v4 =	vadd.f32 v5, v4;
	v5 =	vld [tilespmem:$0x145F0];
	v3 =	vadd.f32 v10, v3  }
0x6e: {  	v10 =	vld [tilespmem:$0x14600]  }
0x6f: {  	v4 =	vadd.f32 v6, v4;
	v6 =	vld [tilespmem:$0x14610];
	v3 =	vadd.f32 v7, v3  }
0x70: {  	v7 =	vld [tilespmem:$0x14620]  }
0x71: {  	v4 =	vadd.f32 v8, v4;
	v8 =	vld [tilespmem:$0x14630];
	v3 =	vadd.f32 v9, v3  }
0x72: {  	v9 =	vld [tilespmem:$0x14640]  }
0x73: {  	v4 =	vadd.f32 v5, v4;
	v5 =	vld [tilespmem:$0x14650];
	v3 =	vadd.f32 v10, v3  }
0x74: {  	v10 =	vld [tilespmem:$0x14660]  }
0x75: {  	v4 =	vadd.f32 v6, v4;
	v6 =	vld [tilespmem:$0x14670];
	v3 =	vadd.f32 v7, v3  }
0x76: {  	v7 =	vld [tilespmem:$0x14680]  }
0x77: {  	v4 =	vadd.f32 v8, v4;
	v8 =	vld [tilespmem:$0x14690];
	v3 =	vadd.f32 v9, v3  }
0x78: {  	v9 =	vld [tilespmem:$0x146A0]  }
0x79: {  	v4 =	vadd.f32 v5, v4;
	v3 =	vadd.f32 v10, v3  }
0x7a: {  	v5 =	vld [tilespmem:$0x146B0]  }
0x7b: {  	v4 =	vadd.f32 v6, v4;
	v3 =	vadd.f32 v7, v3;
	_ =	sdelay $0x1  }
0x7c: {  	v4 =	vadd.f32 v8, v4;
	v3 =	vadd.f32 v9, v3;
	_ =	sdelay $0x1  }
0x7d: {  	v4 =	vadd.f32 v5, v4;
	v5 =	vmul.f32 $9.999999740e-05, v3;
	_ =	sdelay $0x1  }
0x7e: {  	v3 =	vmul.f32 $9.999999740e-05, v4;
	v4 =	vmul.f32 v5, v5;
	_ =	sdelay $0x1  }
0x7f: {  	v3 =	vsub.f32 v3, v4;
	_ =	sdelay $0x1  }
0x80: {  	v3 =	vadd.f32 $9.999999740e-06, v3;
	_ =	sdelay $0x1  }
0x81: {  	v4 =	vshra.s32 v3, $0x1;
	v3 =	vmul.f32 $5.000000000e-01, v3  }
0x82: {  	v4 =	vsub.s32 $0x5F3759DF, v4  }
0x83: {  	v6 =	vmul.f32 v4, v3;
	_ =	sdelay $0x1  }
0x84: {  	v6 =	vmul.f32 v4, v6;
	_ =	sdelay $0x1  }
0x85: {  	v6 =	vsub.f32 $1.500000000e+00, v6;
	_ =	sdelay $0x1  }
0x86: {  	v4 =	vmul.f32 v4, v6;
	_ =	sdelay $0x1  }
0x87: {  	v6 =	vmul.f32 v4, v3;
	_ =	sdelay $0x1  }
0x88: {  	v6 =	vmul.f32 v6, v4;
	_ =	sdelay $0x1  }
0x89: {  	v6 =	vsub.f32 $1.500000000e+00, v6;
	_ =	sdelay $0x1  }
0x8a: {  	v4 =	vmul.f32 v6, v4;
	_ =	sdelay $0x1  }
0x8b: {  	v3 =	vmul.f32 v4, v3;
	_ =	sdelay $0x1  }
0x8c: {  	v3 =	vmul.f32 v3, v4;
	_ =	sdelay $0x1  }
0x8d: {  	v3 =	vsub.f32 $1.500000000e+00, v3;
	_ =	sdelay $0x1  }
0x8e: {  	s0 =	simm.s32 $0x0;
	v3 =	vmul.f32 v3, v4  }
0x8f: {  	v6 =	vld [tilespmem:s0+$0x11C60]  }
0x90: {  	v3 =	vmul.f32 v3, v1;
	_ =	sdelay $0x1  }
0x91: {  	s6 =	simm.s32 $0x10;
	v1 =	vmul.f32 v3, v5  }
0x92: {  	s19 =	simm.s32 $0x20;
	v23 =	vld [tilespmem:s6+$0x11C60]  }
0x93: {  	v41 =	vld [tilespmem:s19+$0x11C60];
	v4 =	vsub.f32 v2, v1;
	v1 =	vmul.f32 v6, v3;
	_ =	sdelay $0x1  }
0x94: {  	v1 =	vadd.f32 v1, v4  }
0x95: {  	v14 =	vld [tilespmem:$0x14480]  }
0x96: {  	v11 =	vld [tilespmem:$0x143F0];
	v23 =	vmul.f32 v23, v3;
	v17 =	vmax.f32 v1, $0.0e+00  }
0x97: {  	v12 =	vld [tilespmem:$0x14400];
	v56 =	vmul.f32 v41, v3;
	v1 =	vbroadcast v17, $0x0  }
0x98: {  	v7 =	vld [tilespmem:$0x143D0];
	v18 =	vbroadcast v17, $0x9;
	v15 =	vbroadcast v17, $0x3  }
0x99: {  	v6 =	vld [tilespmem:$0x143A0];
	v19 =	vbroadcast v17, $0x7;
	v16 =	vbroadcast v17, $0x2  }
0x9a: {  	v9 =	vld [tilespmem:$0x143C0];
	v20 =	vbroadcast v17, $0x5;
	v24 =	vbroadcast v17, $0xD  }
0x9b: {  	v5 =	vld [tilespmem:$0x143B0];
	v21 =	vbroadcast v17, $0x4;
	v22 =	vbroadcast v17, $0x1  }
0x9c: {  	v10 =	vld [tilespmem:$0x143E0];
	v25 =	vbroadcast v17, $0x6;
	v27 =	vbroadcast v17, $0x8  }
0x9d: {  	v2 =	vld [tilespmem:$0x14450];
	v30 =	vbroadcast v17, $0xA;
	v31 =	vbroadcast v17, $0xB  }
0x9e: {  	v8 =	vld [tilespmem:$0x14410];
	v13 =	vmul.f32 v1, v6;
	v1 =	vbroadcast v17, $0xE  }
0x9f: {  	v26 =	vmul.f32 v16, v9;
	v28 =	vmul.f32 v15, v7;
	v15 =	vld [tilespmem:$0x14430]  }
0xa0: {  	v22 =	vmul.f32 v22, v5;
	v29 =	vmul.f32 v1, v14;
	v1 =	vld [tilespmem:$0x14460];
	v16 =	vadd.f32 $0.0e+00, v13  }
0xa1: {  	v32 =	vbroadcast v17, $0xC;
	v33 =	vbroadcast v17, $0xF;
	v13 =	vld [tilespmem:$0x14440]  }
0xa2: {  	v21 =	vmul.f32 v21, v10;
	v31 =	vmul.f32 v31, v2;
	v22 =	vadd.f32 v16, v22;
	v16 =	vld [tilespmem:$0x14420]  }
0xa3: {  	v20 =	vmul.f32 v20, v11;
	v19 =	vmul.f32 v19, v8  }
0xa4: {  	v17 =	vadd.f32 v22, v26;
	v22 =	vadd.f32 v23, v4;
	v23 =	vmul.f32 v25, v12  }
0xa5: {  	v26 =	vmul.f32 v18, v15;
	v32 =	vmul.f32 v32, v1  }
0xa6: {  	v25 =	vmul.f32 v30, v13;
	v17 =	vadd.f32 v17, v28;
	v28 =	vmax.f32 v22, $0.0e+00  }
0xa7: {  	v22 =	vmul.f32 v27, v16;
	v18 =	vbroadcast v28, $0x0  }
0xa8: {  	v27 =	vbroadcast v28, $0x9;
	v30 =	vbroadcast v28, $0x7;
	v17 =	vadd.f32 v17, v21  }
0xa9: {  	v35 =	vbroadcast v28, $0x2;
	v36 =	vbroadcast v28, $0x5  }
0xaa: {  	v37 =	vbroadcast v28, $0x4;
	v38 =	vbroadcast v28, $0x6;
	v17 =	vadd.f32 v17, v20  }
0xab: {  	v39 =	vbroadcast v28, $0x1;
	v40 =	vbroadcast v28, $0x8  }
0xac: {  	v43 =	vbroadcast v28, $0xA;
	v44 =	vbroadcast v28, $0xB;
	v23 =	vadd.f32 v17, v23  }
0xad: {  	v21 =	vbroadcast v28, $0x3;
	v34 =	vmul.f32 v18, v6  }
0xae: {  	v18 =	vbroadcast v28, $0xE;
	v35 =	vmul.f32 v35, v9;
	v23 =	vadd.f32 v23, v19  }
0xaf: {  	v39 =	vmul.f32 v39, v5;
	v37 =	vmul.f32 v37, v10;
	v34 =	vadd.f32 $0.0e+00, v34;
	v17 =	vld [tilespmem:$0x14490]  }
0xb0: {  	v54 =	vmul.f32 v36, v11;
	v57 =	vmul.f32 v38, v12;
	v23 =	vadd.f32 v23, v22  }
0xb1: {  	v59 =	vmul.f32 v30, v8;
	v30 =	vmul.f32 v27, v15;
	v34 =	vadd.f32 v34, v39;
	v19 =	vld [tilespmem:$0x14470]  }
0xb2: {  	v20 =	vbroadcast v28, $0xD;
	v42 =	vmul.f32 v21, v7;
	v26 =	vadd.f32 v23, v26  }
0xb3: {  	v21 =	vbroadcast v28, $0xF;
	v28 =	vbroadcast v28, $0xC;
	v34 =	vadd.f32 v34, v35  }
0xb4: {  	v18 =	vmul.f32 v18, v14;
	v55 =	vmul.f32 v33, v17;
	v25 =	vadd.f32 v26, v25  }
0xb5: {  	v33 =	vadd.f32 v56, v4;
	v23 =	vmul.f32 v28, v1;
	v28 =	vadd.f32 v34, v42  }
0xb6: {  	v22 =	vmul.f32 v44, v2;
	v24 =	vmul.f32 v24, v19;
	v58 =	vadd.f32 v25, v31  }
0xb7: {  	v26 =	vmul.f32 v43, v13;
	v28 =	vadd.f32 v28, v37;
	v25 =	vmax.f32 v33, $0.0e+00  }
0xb8: {  	v31 =	vmul.f32 v40, v16;
	v33 =	vbroadcast v25, $0x0;
	v32 =	vadd.f32 v58, v32  }
0xb9: {  	v35 =	vadd.f32 v28, v54;
	v27 =	vbroadcast v25, $0x9;
	v34 =	vbroadcast v25, $0x3  }
0xba: {  	v28 =	vbroadcast v25, $0x7;
	v60 =	vbroadcast v25, $0xE;
	v24 =	vadd.f32 v32, v24  }
0xbb: {  	v62 =	vbroadcast v25, $0x2;
	v37 =	vbroadcast v25, $0x4;
	v61 =	vadd.f32 v35, v57;
	v35 =	vld [tilespmem:s0+$0xF550]  }
0xbc: {  	v41 =	vbroadcast v25, $0x1;
	v33 =	vmul.f32 v33, v6;
	v63 =	vadd.f32 v24, v29  }
0xbd: {  	v38 =	vmul.f32 v62, v9;
	v32 =	vbroadcast v25, $0x5  }
0xbe: {  	v36 =	vadd.f32 $0.0e+00, v33;
	v33 =	vbroadcast v25, $0x6;
	v39 =	vadd.f32 v63, v55  }
0xbf: {  	s7 =	simm.s32 $0xC0;
	v40 =	vadd.f32 v61, v59;
	v29 =	vbroadcast v25, $0xD;
	v24 =	vmul.f32 v60, v14  }
.LBB2_4:
0xc0: {  	s8 =	sshra.s32 s7, $0x2;
	p1 =	sne.s32 s7, $0x9C00;
	s7 =	sadd.s32 $0x40, s7;
	v42 =	vbroadcast v25, $0x8;
	v35 =	vmul.f32 v39, v35  }
0xc1: {  	v34 =	vmul.f32 v34, v7;
	v39 =	vld [tilespmem:s8+$0x11C60];
	v41 =	vmul.f32 v41, v5  }
0xc2: {  	v43 =	vbroadcast v25, $0xA;
	v44 =	vbroadcast v25, $0xB;
	v31 =	vadd.f32 v40, v31;
	[tilespmem:s0+$0xCE40] =	vst v35;
	s0 =	smov.u32 s6;
	s6 =	smov.u32 s19;
	s19 =	smov.u32 s8  }
0xc3: {  	v35 =	vadd.f32 v36, v41;
	v36 =	vmul.f32 v37, v10;
	v37 =	vbroadcast v25, $0xF  }
0xc4: {  	v40 =	vmul.f32 v44, v2;
	v25 =	vbroadcast v25, $0xC;
	v30 =	vadd.f32 v31, v30  }
0xc5: {  	v32 =	vmul.f32 v32, v11;
	v31 =	vadd.f32 v35, v38;
	v38 =	vmul.f32 v21, v17;
	v21 =	vmovc v37  }
0xc6: {  	v37 =	vmul.f32 v25, v1;
	v25 =	vadd.f32 v30, v26;
	v35 =	vmul.f32 v39, v3  }
0xc7: {  	v33 =	vmul.f32 v33, v12;
	v39 =	vmul.f32 v20, v19;
	v20 =	vmovc v29;
	v30 =	vadd.f32 v31, v34  }
0xc8: {  	v26 =	vmul.f32 v43, v13;
	v34 =	vadd.f32 v25, v22;
	v22 =	vmovc v40;
	v29 =	vadd.f32 v35, v4  }
0xc9: {  	v40 =	vmul.f32 v28, v8;
	v35 =	vadd.f32 v30, v36;
	v30 =	vmul.f32 v27, v15  }
0xca: {  	v31 =	vmul.f32 v42, v16;
	v25 =	vmax.f32 v29, $0.0e+00;
	v29 =	vadd.f32 v34, v23;
	v23 =	vmovc v37  }
0xcb: {  	v36 =	vbroadcast v25, $0x0;
	v27 =	vbroadcast v25, $0x9;
	v32 =	vadd.f32 v35, v32  }
0xcc: {  	v34 =	vbroadcast v25, $0x3;
	v28 =	vbroadcast v25, $0x7;
	v29 =	vadd.f32 v29, v39  }
.Ltmp1:
0xcd: {  	v37 =	vbroadcast v25, $0xE;
	v36 =	vmul.f32 v36, v6;
	v42 =	vadd.f32 v32, v33;
	v35 =	vld [tilespmem:s0+$0xF550];
	(pc) =	sbr.rel @p1 .LBB2_4-.Ltmp1, $4  }
0xce: {  	v43 =	vbroadcast v25, $0x2;
	v32 =	vbroadcast v25, $0x5;
	v39 =	vadd.f32 v29, v18;
	v18 =	vmovc v24  }
0xcf: {  	v29 =	vbroadcast v25, $0xD;
	v24 =	vmul.f32 v37, v14;
	v36 =	vadd.f32 $0.0e+00, v36  }
0xd0: {  	v33 =	vbroadcast v25, $0x6;
	v37 =	vbroadcast v25, $0x4;
	v39 =	vadd.f32 v39, v38  }
0xd1: {  	v41 =	vbroadcast v25, $0x1;
	v40 =	vadd.f32 v42, v40;
	v38 =	vmul.f32 v43, v9  }
0xd2: {  	_ = 	snop  }
0xd3: {  	v3 =	vmul.f32 v41, v5;
	_ =	sdelay $0x1  }
0xd4: {  	v3 =	vadd.f32 v36, v3;
	_ =	sdelay $0x1  }
0xd5: {  	v4 =	vmul.f32 v34, v7;
	v3 =	vadd.f32 v3, v38;
	_ =	sdelay $0x1  }
0xd6: {  	v50 =	vmul.f32 v37, v10;
	v3 =	vadd.f32 v3, v4;
	_ =	sdelay $0x1  }
0xd7: {  	v6 =	vmul.f32 v32, v11;
	v51 =	vadd.f32 v40, v31;
	v3 =	vadd.f32 v3, v50;
	_ =	sdelay $0x1  }
0xd8: {  	v52 =	vmul.f32 v33, v12;
	v4 =	vadd.f32 v51, v30;
	v3 =	vadd.f32 v3, v6  }
0xd9: {  	v53 =	vbroadcast v25, $0x8  }
0xda: {  	v54 =	vmul.f32 v28, v8;
	v4 =	vadd.f32 v4, v26;
	v3 =	vadd.f32 v3, v52  }
0xdb: {  	v55 =	vmul.f32 v39, v35  }
0xdc: {  	v4 =	vadd.f32 v4, v22;
	v6 =	vmul.f32 v53, v16;
	v3 =	vadd.f32 v3, v54  }
0xdd: {  	v56 =	vbroadcast v25, $0xA;
	v57 =	vmul.f32 v20, v19  }
0xde: {  	v9 =	vmul.f32 v27, v15;
	v4 =	vadd.f32 v4, v23;
	v3 =	vadd.f32 v3, v6  }
0xdf: {  	v58 =	vbroadcast v25, $0xB  }
0xe0: {  	[tilespmem:s0+$0xCE40] =	vst v55;
	v59 =	vmul.f32 v56, v13;
	v4 =	vadd.f32 v4, v57;
	v3 =	vadd.f32 v3, v9  }
0xe1: {  	v60 =	vbroadcast v25, $0xC;
	v62 =	vmul.f32 v21, v17;
	v61 =	vld [tilespmem:s6+$0xF550]  }
0xe2: {  	v2 =	vmul.f32 v58, v2;
	v4 =	vadd.f32 v4, v18;
	v3 =	vadd.f32 v3, v59;
	_ =	sdelay $0x1  }
0xe3: {  	v1 =	vmul.f32 v60, v1;
	v4 =	vadd.f32 v4, v62;
	v2 =	vadd.f32 v3, v2;
	_ =	sdelay $0x1  }
0xe4: {  	v63 =	vmul.f32 v29, v19;
	v3 =	vmul.f32 v4, v61;
	v1 =	vadd.f32 v2, v1;
	_ =	sdelay $0x1  }
0xe5: {  	v2 =	vbroadcast v25, $0xF;
	[tilespmem:s6+$0xCE40] =	vst v3;
	v1 =	vadd.f32 v1, v63  }
0xe6: {  	v3 =	vld [tilespmem:s19+$0xF550]  }
0xe7: {  	v2 =	vmul.f32 v2, v17;
	v1 =	vadd.f32 v1, v24;
	_ =	sdelay $0x1  }
0xe8: {  	v1 =	vadd.f32 v1, v2;
	_ =	sdelay $0x1  }
0xe9: {  	v1 =	vmul.f32 v1, v3;
	_ =	sdelay $0x1  }
0xea: {  	s31 =	rddreg [dreg:$0xe];
	[tilespmem:s19+$0xCE40] =	vst v1  }
0xeb: {  	[spmem:s31] =	stream.linear.scatter [tilespmem:s11], [sflag:$0x5], $0x2710, $0x38;
	[tilespmem:$0x19500] =	vst v63  }
0xec: {  	_ =	swait.ge [sflag:s28], $0x2710  }
0xed: {  	s0 =	simm.s32 @!p0 $0x0;
	[sflag:s28] =	ssyncset.done $0x0  }
0xee: {  	s6 =	simm.s32 @!p0 $0xCE40;
	s7 =	rddreg [dreg:$0xf];
	[sflag:s28] =	ssyncadd.s32 $0xFFFFD8F0  }
0xef: {  	[hbm4b:s7+s0] =	stream.linear.scatter @!p0 [tilespmem:s6], [sflag:$0x5], $0x2710, $0x38;
	[tilespmem:$0x19500] =	vst v63  }
0xf0: {  	s0 =	simm.s32 @!p0 $0x5  }
0xf1: {  	_ =	swait.ge @!p0 [sflag:s0], $0x2710  }
0xf2: {  	[sflag:s0] =	ssyncset.done @!p0 $0x0  }
0xf3: {  	s6 =	simm.s32 $0x0;
	[sflag:s0] =	ssyncadd.s32 @!p0 $0xFFFFD8F0;
	s0 =	simm.s32 $0x40  }
.LBB2_6:
0xf4: {  	p1 =	sne.s32 s0, $0x9C00;
	[tilespmem:s6+$0x8020] =	vst v0;
	s6 =	smov.u32 s0;
	s0 =	sadd.s32 $0x40, s0  }
.Ltmp2:
0xf5: {  	(pc) =	sbr.rel @p1 .LBB2_6-.Ltmp2, $2  }
0xf6: {  	_ =	sdelay $0x2  }
0xf7: {  	s6 =	sshra.s32 s6, $0x2  }
0xf8: {  	[tilespmem:s6+$0x8020] =	vst v0  }
0xf9: {  	[spmem:s16] =	stream.linear.scatter [tilespmem:s10], [sflag:$0x5], $0x2710, $0x38;
	[tilespmem:$0x19500] =	vst v63  }
0xfa: {  	_ =	swait.ge [sflag:s28], $0x2710  }
0xfb: {  	[sflag:s28] =	ssyncset.done $0x0  }
0xfc: {  	s0 =	simm.s32 $0x2;
	[sflag:s28] =	ssyncadd.s32 $0xFFFFD8F0  }
0xfd: {  	_ =	swait.ge [sflag:s0], $0x2710  }
0xfe: {  	[sflag:s0] =	ssyncset.done $0x0  }
0xff: {  	[sflag:s0] =	ssyncadd.s32 $0xFFFFD8F0  }
0x100: {  	_ =	swait.ge [sflag:s0], $0x2710  }
0x101: {  	[sflag:s0] =	ssyncset.done $0x0  }
0x102: {  	[sflag:s0] =	ssyncadd.s32 $0xFFFFD8F0  }
0x103: {  	s18 =	simm.s32 $0x0;
	[bflag:$0x0] =	sbarrier.arrive $0xFFFF  }
0x104: {  	[tilespmem:s12], [sflag:$0x1] =	stream.indirect.gather [spmem:s3], $0x10, s18, s30, $0xb8;
	[tilespmem:$0x19500] =	vst v63  }
0x105: {  	_ = 	snop  }
0x106: {  	[tilespmem:s1], [sflag:$0x1] =	stream.indirect.gather [spmem:s3], $0x10, s30, s30, $0xb8;
	[tilespmem:$0x19500] =	vst v63  }
0x107: {  	s19 =	simm.s32 $0xA0  }
0x108: {  	[tilespmem:s21], [sflag:$0x1] =	stream.indirect.gather [spmem:s3], $0x10, s19, s30, $0xb8;
	[tilespmem:$0x19500] =	vst v63  }
0x109: {  	s20 =	simm.s32 $0xF0  }
0x10a: {  	[tilespmem:s24], [sflag:$0x1] =	stream.indirect.gather [spmem:s3], $0x10, s20, s30, $0xb8;
	[tilespmem:$0x19500] =	vst v63  }
0x10b: {  	s22 =	simm.s32 $0x140  }
0x10c: {  	[tilespmem:s29], [sflag:$0x1] =	stream.indirect.gather [spmem:s3], $0x10, s22, s30, $0xb8;
	[tilespmem:$0x19500] =	vst v63  }
0x10d: {  	s31 =	simm.s32 $0x190;
	s7 =	simm.s32 $0x6720  }
0x10e: {  	[tilespmem:s7], [sflag:$0x2] =	stream.indirect.gather [spmem:s3], $0x10, s31, s30, $0xb8;
	[tilespmem:$0x19500] =	vst v63  }
0x10f: {  	s8 =	simm.s32 $0x1E0;
	s10 =	simm.s32 $0x6C20  }
0x110: {  	[tilespmem:s10], [sflag:$0x2] =	stream.indirect.gather [spmem:s3], $0x10, s8, s30, $0xb8;
	[tilespmem:$0x19500] =	vst v63  }
0x111: {  	s11 =	simm.s32 $0x230;
	s13 =	simm.s32 $0x7120  }
0x112: {  	[tilespmem:s13], [sflag:$0x2] =	stream.indirect.gather [spmem:s3], $0x10, s11, s30, $0xb8;
	[tilespmem:$0x19500] =	vst v63  }
0x113: {  	s14 =	simm.s32 $0x280;
	s15 =	simm.s32 $0x7620  }
0x114: {  	[tilespmem:s15], [sflag:$0x2] =	stream.indirect.gather [spmem:s3], $0x10, s14, s30, $0xb8;
	[tilespmem:$0x19500] =	vst v63  }
0x115: {  	s17 =	simm.s32 $0x2D0;
	s18 =	simm.s32 $0x7B20  }
0x116: {  	[tilespmem:s18], [sflag:$0x2] =	stream.indirect.gather [spmem:s3], $0x10, s17, s30, $0xb8;
	[tilespmem:$0x19500] =	vst v63  }
0x117: {  	_ =	swait.ge [sflag:s25], $0x1900  }
0x118: {  	[sflag:s25] =	ssyncset.done $0x0  }
0x119: {  	[sflag:s25] =	ssyncadd.s32 $0xFFFFE700  }
0x11a: {  	[spmem:s4] =	stream.indirect.scatter.add.f32 [tilespmem:s12], [sflag:$0x3], $0x10, s9, s30, $0xb8;
	[tilespmem:$0x19500] =	vst v63  }
0x11b: {  	s19 =	simm.s32 $0x2760  }
0x11c: {  	[spmem:s4] =	stream.indirect.scatter.add.f32 [tilespmem:s1], [sflag:$0x3], $0x10, s19, s30, $0xb8;
	[tilespmem:$0x19500] =	vst v63  }
0x11d: {  	s0 =	sand.u32 $0x1, s0;
	s20 =	simm.s32 $0x27B0  }
0x11e: {  	[spmem:s4] =	stream.indirect.scatter.add.f32 [tilespmem:s21], [sflag:$0x3], $0x10, s20, s30, $0xb8;
	[tilespmem:$0x19500] =	vst v63  }
0x11f: {  	p2 =	seq.s32 s0, $0x1;
	s22 =	simm.s32 $0x2800  }
0x120: {  	[spmem:s4] =	stream.indirect.scatter.add.f32 [tilespmem:s24], [sflag:$0x3], $0x10, s22, s30, $0xb8;
	[tilespmem:$0x19500] =	vst v63  }
0x121: {  	s0 =	simm.s32 @p2 $0x4;
	s31 =	simm.s32 $0x2850  }
0x122: {  	[spmem:s4] =	stream.indirect.scatter.add.f32 [tilespmem:s29], [sflag:$0x3], $0x10, s31, s30, $0xb8;
	[tilespmem:$0x19500] =	vst v63  }
0x123: {  	p1 =	por p2, p2;
	_ =	swait.ge @p2 [sflag:s0], $0x1900  }
0x124: {  	s6 =	simm.s32 @p1 $0x6720;
	[sflag:s0] =	ssyncset.done @p1 $0x0  }
0x125: {  	s7 =	simm.s32 $0x320;
	[sflag:s0] =	ssyncadd.s32 @p1 $0xFFFFE700;
	s0 =	simm.s32 @p1 $0x50  }
0x126: {  	[tilespmem:s6], [sflag:$0x2] =	stream.indirect.gather @p1 [spmem:s3], $0x10, s7, s0, $0xb8;
	[tilespmem:$0x19500] =	vst v63  }
0x127: {  	s8 =	simm.s32 @p1 $0x6C20;
	s6 =	simm.s32 $0x370  }
0x128: {  	[tilespmem:s8], [sflag:$0x2] =	stream.indirect.gather @p1 [spmem:s3], $0x10, s6, s0, $0xb8;
	[tilespmem:$0x19500] =	vst v63  }
0x129: {  	s9 =	simm.s32 $0x3C0;
	s8 =	simm.s32 @p1 $0x7120  }
0x12a: {  	[tilespmem:s8], [sflag:$0x2] =	stream.indirect.gather @p1 [spmem:s3], $0x10, s9, s0, $0xb8;
	[tilespmem:$0x19500] =	vst v63  }
0x12b: {  	s10 =	simm.s32 $0x410;
	s8 =	simm.s32 @p1 $0x7620  }
0x12c: {  	[tilespmem:s8], [sflag:$0x2] =	stream.indirect.gather @p1 [spmem:s3], $0x10, s10, s0, $0xb8;
	[tilespmem:$0x19500] =	vst v63  }
0x12d: {  	s19 =	simm.s32 $0x460;
	s20 =	simm.s32 @p1 $0x1;
	s8 =	simm.s32 @p1 $0x7B20  }
0x12e: {  	[tilespmem:s8], [sflag:$0x2] =	stream.indirect.gather @p1 [spmem:s3], $0x10, s19, s0, $0xb8;
	[tilespmem:$0x19500] =	vst v63  }
0x12f: {  	_ =	swait.ge @p1 [sflag:s20], $0x1900  }
0x130: {  	[sflag:s20] =	ssyncset.done @p1 $0x0  }
0x131: {  	s22 =	simm.s32 $0x28A0;
	s8 =	simm.s32 @p1 $0x4E20;
	[sflag:s20] =	ssyncadd.s32 @p1 $0xFFFFE700  }
0x132: {  	[spmem:s4] =	stream.indirect.scatter.add.f32 @p1 [tilespmem:s8], [sflag:$0x3], $0x10, s22, s0, $0xb8;
	[tilespmem:$0x19500] =	vst v63  }
0x133: {  	s11 =	simm.s32 $0x28F0;
	s8 =	simm.s32 @p1 $0x5320  }
0x134: {  	[spmem:s4] =	stream.indirect.scatter.add.f32 @p1 [tilespmem:s8], [sflag:$0x3], $0x10, s11, s0, $0xb8;
	[tilespmem:$0x19500] =	vst v63  }
0x135: {  	s12 =	simm.s32 $0x2940;
	s8 =	simm.s32 @p1 $0x5820  }
0x136: {  	[spmem:s4] =	stream.indirect.scatter.add.f32 @p1 [tilespmem:s8], [sflag:$0x3], $0x10, s12, s0, $0xb8;
	[tilespmem:$0x19500] =	vst v63  }
0x137: {  	s13 =	simm.s32 $0x2990;
	s8 =	simm.s32 @p1 $0x5D20  }
0x138: {  	[spmem:s4] =	stream.indirect.scatter.add.f32 @p1 [tilespmem:s8], [sflag:$0x3], $0x10, s13, s0, $0xb8;
	[tilespmem:$0x19500] =	vst v63  }
0x139: {  	s20 =	simm.s32 $0x29E0;
	s8 =	simm.s32 @p1 $0x6220  }
0x13a: {  	[spmem:s4] =	stream.indirect.scatter.add.f32 @p1 [tilespmem:s8], [sflag:$0x3], $0x10, s20, s0, $0xb8;
	[tilespmem:$0x19500] =	vst v63  }
0x13b: {  	s0 =	simm.s32 @!p1 $0x3  }
0x13c: {  	_ =	swait.ge @!p1 [sflag:s0], $0x1900  }
0x13d: {  	[sflag:s0] =	ssyncset.done @!p1 $0x0  }
0x13e: {  	s8 =	simm.s32 @!p1 $0x50;
	[sflag:s0] =	ssyncadd.s32 @!p1 $0xFFFFE700;
	s0 =	simm.s32 @!p1 $0x4E20  }
0x13f: {  	[tilespmem:s0], [sflag:$0x1] =	stream.indirect.gather @!p1 [spmem:s3], $0x10, s7, s8, $0xb8;
	[tilespmem:$0x19500] =	vst v63  }
0x140: {  	s0 =	simm.s32 @!p1 $0x5320  }
0x141: {  	[tilespmem:s0], [sflag:$0x1] =	stream.indirect.gather @!p1 [spmem:s3], $0x10, s6, s8, $0xb8;
	[tilespmem:$0x19500] =	vst v63  }
0x142: {  	s0 =	simm.s32 @!p1 $0x5820  }
0x143: {  	[tilespmem:s0], [sflag:$0x1] =	stream.indirect.gather @!p1 [spmem:s3], $0x10, s9, s8, $0xb8;
	[tilespmem:$0x19500] =	vst v63  }
0x144: {  	s0 =	simm.s32 @!p1 $0x5D20  }
0x145: {  	[tilespmem:s0], [sflag:$0x1] =	stream.indirect.gather @!p1 [spmem:s3], $0x10, s10, s8, $0xb8;
	[tilespmem:$0x19500] =	vst v63  }
0x146: {  	s0 =	simm.s32 @!p1 $0x6220  }
0x147: {  	[tilespmem:s0], [sflag:$0x1] =	stream.indirect.gather @!p1 [spmem:s3], $0x10, s19, s8, $0xb8;
	[tilespmem:$0x19500] =	vst v63  }
0x148: {  	s0 =	simm.s32 @!p1 $0x2  }
0x149: {  	_ =	swait.ge @!p1 [sflag:s0], $0x1900  }
0x14a: {  	[sflag:s0] =	ssyncset.done @!p1 $0x0  }
0x14b: {  	[sflag:s0] =	ssyncadd.s32 @!p1 $0xFFFFE700;
	s0 =	simm.s32 @!p1 $0x6720  }
0x14c: {  	[spmem:s4] =	stream.indirect.scatter.add.f32 @!p1 [tilespmem:s0], [sflag:$0x4], $0x10, s22, s8, $0xb8;
	[tilespmem:$0x19500] =	vst v63  }
0x14d: {  	s0 =	simm.s32 @!p1 $0x6C20  }
0x14e: {  	[spmem:s4] =	stream.indirect.scatter.add.f32 @!p1 [tilespmem:s0], [sflag:$0x4], $0x10, s11, s8, $0xb8;
	[tilespmem:$0x19500] =	vst v63  }
0x14f: {  	s0 =	simm.s32 @!p1 $0x7120  }
0x150: {  	[spmem:s4] =	stream.indirect.scatter.add.f32 @!p1 [tilespmem:s0], [sflag:$0x4], $0x10, s12, s8, $0xb8;
	[tilespmem:$0x19500] =	vst v63  }
0x151: {  	s7 =	simm.s32 $0x640;
	s6 =	simm.s32 $0x3;
	s0 =	simm.s32 @!p1 $0x7620  }
0x152: {  	[spmem:s4] =	stream.indirect.scatter.add.f32 @!p1 [tilespmem:s0], [sflag:$0x4], $0x10, s13, s8, $0xb8;
	[tilespmem:$0x19500] =	vst v63  }
0x153: {  	s9 =	sand.u32 $0x1, s6;
	s19 =	simm.s32 $0xC80;
	s0 =	simm.s32 @!p2 $0x7B20  }
.LBB2_8:
0x154: {  	p3 =	seq.s32 s9, $0x1;
	s10 =	smov.u32 s19;
	s19 =	sadd.s32 $0x640, s19  }
0x155: {  	p2 =	sne.s32 s19, $0x8FC0;
	s11 =	simm.s32 @p3 $0x4;
	s9 =	simm.s32 @!p3 $0x7B20  }
0x156: {  	[spmem:s4] =	stream.indirect.scatter.add.f32 @!p1 [tilespmem:s0], [sflag:$0x4], $0x10, s20, s8, $0xb8;
	[tilespmem:$0x19500] =	vst v63  }
0x157: {  	s0 =	smov.u32 s9;
	p1 =	por p3, p3;
	_ =	swait.ge @p3 [sflag:s11], $0x1900  }
0x158: {  	s8 =	sshra.s32 s7, $0x2;
	s7 =	simm.s32 @p1 $0x6720;
	[sflag:s11] =	ssyncset.done @p1 $0x0  }
0x159: {  	s9 =	sadd.s32 $0x320, s8;
	[sflag:s11] =	ssyncadd.s32 @p1 $0xFFFFE700;
	s11 =	simm.s32 @p1 $0x50  }
0x15a: {  	[tilespmem:s7], [sflag:$0x2] =	stream.indirect.gather @p1 [spmem:s3], $0x10, s9, s11, $0xb8;
	[tilespmem:$0x19500] =	vst v63  }
0x15b: {  	s22 =	sadd.s32 $0x370, s8;
	s12 =	simm.s32 @p1 $0x6C20;
	s7 =	smov.u32 s10  }
0x15c: {  	[tilespmem:s12], [sflag:$0x2] =	stream.indirect.gather @p1 [spmem:s3], $0x10, s22, s11, $0xb8;
	[tilespmem:$0x19500] =	vst v63  }
0x15d: {  	s10 =	sadd.s32 $0x3C0, s8;
	s12 =	simm.s32 @p1 $0x7120  }
0x15e: {  	[tilespmem:s12], [sflag:$0x2] =	stream.indirect.gather @p1 [spmem:s3], $0x10, s10, s11, $0xb8;
	[tilespmem:$0x19500] =	vst v63  }
0x15f: {  	s13 =	simm.s32 @p1 $0x7620;
	s12 =	sadd.s32 $0x410, s8  }
0x160: {  	[tilespmem:s13], [sflag:$0x2] =	stream.indirect.gather @p1 [spmem:s3], $0x10, s12, s11, $0xb8;
	[tilespmem:$0x19500] =	vst v63  }
0x161: {  	s20 =	simm.s32 @p1 $0x7B20;
	s14 =	simm.s32 @p1 $0x1;
	s13 =	sadd.s32 $0x460, s8  }
0x162: {  	[tilespmem:s20], [sflag:$0x2] =	stream.indirect.gather @p1 [spmem:s3], $0x10, s13, s11, $0xb8;
	[tilespmem:$0x19500] =	vst v63  }
0x163: {  	_ =	swait.ge @p1 [sflag:s14], $0x1900  }
0x164: {  	[sflag:s14] =	ssyncset.done @p1 $0x0  }
0x165: {  	s15 =	sadd.s32 $0x28A0, s8;
	[sflag:s14] =	ssyncadd.s32 @p1 $0xFFFFE700;
	s14 =	simm.s32 @p1 $0x4E20  }
0x166: {  	[spmem:s4] =	stream.indirect.scatter.add.f32 @p1 [tilespmem:s14], [sflag:$0x3], $0x10, s15, s11, $0xb8;
	[tilespmem:$0x19500] =	vst v63  }
0x167: {  	s20 =	simm.s32 @p1 $0x5320;
	s14 =	sadd.s32 $0x28F0, s8  }
0x168: {  	[spmem:s4] =	stream.indirect.scatter.add.f32 @p1 [tilespmem:s20], [sflag:$0x3], $0x10, s14, s11, $0xb8;
	[tilespmem:$0x19500] =	vst v63  }
0x169: {  	s17 =	sadd.s32 $0x2940, s8;
	s20 =	simm.s32 @p1 $0x5820  }
0x16a: {  	[spmem:s4] =	stream.indirect.scatter.add.f32 @p1 [tilespmem:s20], [sflag:$0x3], $0x10, s17, s11, $0xb8;
	[tilespmem:$0x19500] =	vst v63  }
0x16b: {  	s18 =	sadd.s32 $0x2990, s8;
	s20 =	simm.s32 @p1 $0x5D20  }
0x16c: {  	[spmem:s4] =	stream.indirect.scatter.add.f32 @p1 [tilespmem:s20], [sflag:$0x3], $0x10, s18, s11, $0xb8;
	[tilespmem:$0x19500] =	vst v63  }
0x16d: {  	s31 =	simm.s32 @!p1 $0x3;
	s20 =	sadd.s32 $0x29E0, s8;
	s8 =	simm.s32 @p1 $0x6220  }
0x16e: {  	[spmem:s4] =	stream.indirect.scatter.add.f32 @p1 [tilespmem:s8], [sflag:$0x3], $0x10, s20, s11, $0xb8;
	[tilespmem:$0x19500] =	vst v63  }
0x16f: {  	_ =	swait.ge @!p1 [sflag:s31], $0x1900  }
0x170: {  	[sflag:s31] =	ssyncset.done @!p1 $0x0  }
0x171: {  	s8 =	simm.s32 @!p1 $0x50;
	s11 =	simm.s32 @!p1 $0x4E20;
	[sflag:s31] =	ssyncadd.s32 @!p1 $0xFFFFE700  }
0x172: {  	[tilespmem:s11], [sflag:$0x1] =	stream.indirect.gather @!p1 [spmem:s3], $0x10, s9, s8, $0xb8;
	[tilespmem:$0x19500] =	vst v63  }
0x173: {  	s9 =	simm.s32 @!p1 $0x5320  }
0x174: {  	[tilespmem:s9], [sflag:$0x1] =	stream.indirect.gather @!p1 [spmem:s3], $0x10, s22, s8, $0xb8;
	[tilespmem:$0x19500] =	vst v63  }
0x175: {  	s9 =	simm.s32 @!p1 $0x5820  }
0x176: {  	[tilespmem:s9], [sflag:$0x1] =	stream.indirect.gather @!p1 [spmem:s3], $0x10, s10, s8, $0xb8;
	[tilespmem:$0x19500] =	vst v63  }
0x177: {  	s9 =	simm.s32 @!p1 $0x5D20  }
0x178: {  	[tilespmem:s9], [sflag:$0x1] =	stream.indirect.gather @!p1 [spmem:s3], $0x10, s12, s8, $0xb8;
	[tilespmem:$0x19500] =	vst v63  }
0x179: {  	s10 =	simm.s32 @!p1 $0x2;
	s9 =	simm.s32 @!p1 $0x6220  }
0x17a: {  	[tilespmem:s9], [sflag:$0x1] =	stream.indirect.gather @!p1 [spmem:s3], $0x10, s13, s8, $0xb8;
	[tilespmem:$0x19500] =	vst v63  }
0x17b: {  	_ =	swait.ge @!p1 [sflag:s10], $0x1900  }
0x17c: {  	[sflag:s10] =	ssyncset.done @!p1 $0x0  }
0x17d: {  	s9 =	simm.s32 @!p1 $0x6720;
	[sflag:s10] =	ssyncadd.s32 @!p1 $0xFFFFE700  }
0x17e: {  	[spmem:s4] =	stream.indirect.scatter.add.f32 @!p1 [tilespmem:s9], [sflag:$0x4], $0x10, s15, s8, $0xb8;
	[tilespmem:$0x19500] =	vst v63  }
0x17f: {  	s9 =	simm.s32 @!p1 $0x6C20  }
0x180: {  	[spmem:s4] =	stream.indirect.scatter.add.f32 @!p1 [tilespmem:s9], [sflag:$0x4], $0x10, s14, s8, $0xb8;
	[tilespmem:$0x19500] =	vst v63  }
.Ltmp3:
0x181: {  	_ = 	snop;
	(pc) =	sbr.rel @p2 .LBB2_8-.Ltmp3, $4  }
0x182: {  	s6 =	sadd.s32 $0x1, s6;
	s9 =	simm.s32 @!p1 $0x7120  }
0x183: {  	[spmem:s4] =	stream.indirect.scatter.add.f32 @!p1 [tilespmem:s9], [sflag:$0x4], $0x10, s17, s8, $0xb8;
	[tilespmem:$0x19500] =	vst v63  }
0x184: {  	s10 =	simm.s32 @!p1 $0x7620;
	s9 =	sand.u32 $0x1, s6  }
0x185: {  	[spmem:s4] =	stream.indirect.scatter.add.f32 @!p1 [tilespmem:s10], [sflag:$0x4], $0x10, s18, s8, $0xb8;
	[tilespmem:$0x19500] =	vst v63  }
0x186: {  	p2 =	seq.s32 s9, $0x1  }
0x187: {  	[spmem:s4] =	stream.indirect.scatter.add.f32 @!p1 [tilespmem:s0], [sflag:$0x4], $0x10, s20, s8, $0xb8;
	[tilespmem:$0x19500] =	vst v63  }
0x188: {  	s6 =	simm.s32 @p2 $0x4  }
0x189: {  	s31 =	sshra.s32 s7, $0x2;
	p1 =	por p2, p2;
	_ =	swait.ge @p2 [sflag:s6], $0x1900  }
0x18a: {  	s8 =	sadd.s32 $0x320, s31;
	[sflag:s6] =	ssyncset.done @p1 $0x0  }
0x18b: {  	s7 =	simm.s32 @p1 $0x6720;
	[sflag:s6] =	ssyncadd.s32 @p1 $0xFFFFE700;
	s6 =	simm.s32 @p1 $0x50  }
0x18c: {  	[tilespmem:s7], [sflag:$0x2] =	stream.indirect.gather @p1 [spmem:s3], $0x10, s8, s6, $0xb8;
	[tilespmem:$0x19500] =	vst v63  }
0x18d: {  	s9 =	simm.s32 @p1 $0x6C20;
	s7 =	sadd.s32 $0x370, s31  }
0x18e: {  	[tilespmem:s9], [sflag:$0x2] =	stream.indirect.gather @p1 [spmem:s3], $0x10, s7, s6, $0xb8;
	[tilespmem:$0x19500] =	vst v63  }
0x18f: {  	s10 =	simm.s32 @p1 $0x7120;
	s9 =	sadd.s32 $0x3C0, s31  }
0x190: {  	[tilespmem:s10], [sflag:$0x2] =	stream.indirect.gather @p1 [spmem:s3], $0x10, s9, s6, $0xb8;
	[tilespmem:$0x19500] =	vst v63  }
0x191: {  	s11 =	simm.s32 @p1 $0x7620;
	s10 =	sadd.s32 $0x410, s31  }
0x192: {  	[tilespmem:s11], [sflag:$0x2] =	stream.indirect.gather @p1 [spmem:s3], $0x10, s10, s6, $0xb8;
	[tilespmem:$0x19500] =	vst v63  }
0x193: {  	s12 =	simm.s32 @p1 $0x7B20;
	s13 =	simm.s32 @p1 $0x1;
	s11 =	sadd.s32 $0x460, s31  }
0x194: {  	[tilespmem:s12], [sflag:$0x2] =	stream.indirect.gather @p1 [spmem:s3], $0x10, s11, s6, $0xb8;
	[tilespmem:$0x19500] =	vst v63  }
0x195: {  	_ =	swait.ge @p1 [sflag:s13], $0x1900  }
0x196: {  	[sflag:s13] =	ssyncset.done @p1 $0x0  }
0x197: {  	s12 =	sadd.s32 $0x28A0, s31;
	[sflag:s13] =	ssyncadd.s32 @p1 $0xFFFFE700;
	s13 =	simm.s32 @p1 $0x4E20  }
0x198: {  	[spmem:s4] =	stream.indirect.scatter.add.f32 @p1 [tilespmem:s13], [sflag:$0x3], $0x10, s12, s6, $0xb8;
	[tilespmem:$0x19500] =	vst v63  }
0x199: {  	s14 =	simm.s32 @p1 $0x5320;
	s13 =	sadd.s32 $0x28F0, s31  }
0x19a: {  	[spmem:s4] =	stream.indirect.scatter.add.f32 @p1 [tilespmem:s14], [sflag:$0x3], $0x10, s13, s6, $0xb8;
	[tilespmem:$0x19500] =	vst v63  }
0x19b: {  	s15 =	simm.s32 @p1 $0x5820;
	s14 =	sadd.s32 $0x2940, s31  }
0x19c: {  	[spmem:s4] =	stream.indirect.scatter.add.f32 @p1 [tilespmem:s15], [sflag:$0x3], $0x10, s14, s6, $0xb8;
	[tilespmem:$0x19500] =	vst v63  }
0x19d: {  	s17 =	simm.s32 @p1 $0x5D20;
	s15 =	sadd.s32 $0x2990, s31  }
0x19e: {  	[spmem:s4] =	stream.indirect.scatter.add.f32 @p1 [tilespmem:s17], [sflag:$0x3], $0x10, s15, s6, $0xb8;
	[tilespmem:$0x19500] =	vst v63  }
0x19f: {  	s0 =	sadd.s32 $0x29E0, s31;
	s17 =	simm.s32 @p1 $0x6220  }
0x1a0: {  	[spmem:s4] =	stream.indirect.scatter.add.f32 @p1 [tilespmem:s17], [sflag:$0x3], $0x10, s0, s6, $0xb8;
	[tilespmem:$0x19500] =	vst v63  }
0x1a1: {  	s6 =	simm.s32 @!p1 $0x3  }
0x1a2: {  	_ =	swait.ge @!p1 [sflag:s6], $0x1900  }
0x1a3: {  	[sflag:s6] =	ssyncset.done @!p1 $0x0  }
0x1a4: {  	s17 =	simm.s32 @!p1 $0x4E20;
	[sflag:s6] =	ssyncadd.s32 @!p1 $0xFFFFE700;
	s6 =	simm.s32 @!p1 $0x50  }
0x1a5: {  	[tilespmem:s17], [sflag:$0x1] =	stream.indirect.gather @!p1 [spmem:s3], $0x10, s8, s6, $0xb8;
	[tilespmem:$0x19500] =	vst v63  }
0x1a6: {  	s8 =	simm.s32 @!p1 $0x5320  }
0x1a7: {  	[tilespmem:s8], [sflag:$0x1] =	stream.indirect.gather @!p1 [spmem:s3], $0x10, s7, s6, $0xb8;
	[tilespmem:$0x19500] =	vst v63  }
0x1a8: {  	s7 =	simm.s32 @!p1 $0x5820  }
0x1a9: {  	[tilespmem:s7], [sflag:$0x1] =	stream.indirect.gather @!p1 [spmem:s3], $0x10, s9, s6, $0xb8;
	[tilespmem:$0x19500] =	vst v63  }
0x1aa: {  	s7 =	simm.s32 @!p1 $0x5D20  }
0x1ab: {  	[tilespmem:s7], [sflag:$0x1] =	stream.indirect.gather @!p1 [spmem:s3], $0x10, s10, s6, $0xb8;
	[tilespmem:$0x19500] =	vst v63  }
0x1ac: {  	s7 =	simm.s32 @!p1 $0x6220  }
0x1ad: {  	[tilespmem:s7], [sflag:$0x1] =	stream.indirect.gather @!p1 [spmem:s3], $0x10, s11, s6, $0xb8;
	[tilespmem:$0x19500] =	vst v63  }
0x1ae: {  	s7 =	simm.s32 @!p1 $0x2  }
0x1af: {  	_ =	swait.ge @!p1 [sflag:s7], $0x1900  }
0x1b0: {  	[sflag:s7] =	ssyncset.done @!p1 $0x0  }
0x1b1: {  	[sflag:s7] =	ssyncadd.s32 @!p1 $0xFFFFE700;
	s7 =	simm.s32 @!p1 $0x6720  }
0x1b2: {  	[spmem:s4] =	stream.indirect.scatter.add.f32 @!p1 [tilespmem:s7], [sflag:$0x4], $0x10, s12, s6, $0xb8;
	[tilespmem:$0x19500] =	vst v63  }
0x1b3: {  	s7 =	simm.s32 @!p1 $0x6C20  }
0x1b4: {  	[spmem:s4] =	stream.indirect.scatter.add.f32 @!p1 [tilespmem:s7], [sflag:$0x4], $0x10, s13, s6, $0xb8;
	[tilespmem:$0x19500] =	vst v63  }
0x1b5: {  	s7 =	simm.s32 @!p1 $0x7120  }
0x1b6: {  	[spmem:s4] =	stream.indirect.scatter.add.f32 @!p1 [tilespmem:s7], [sflag:$0x4], $0x10, s14, s6, $0xb8;
	[tilespmem:$0x19500] =	vst v63  }
0x1b7: {  	s7 =	simm.s32 @!p1 $0x7620  }
0x1b8: {  	[spmem:s4] =	stream.indirect.scatter.add.f32 @!p1 [tilespmem:s7], [sflag:$0x4], $0x10, s15, s6, $0xb8;
	[tilespmem:$0x19500] =	vst v63  }
0x1b9: {  	s7 =	simm.s32 @!p2 $0x7B20  }
0x1ba: {  	[spmem:s4] =	stream.indirect.scatter.add.f32 @!p1 [tilespmem:s7], [sflag:$0x4], $0x10, s0, s6, $0xb8;
	[tilespmem:$0x19500] =	vst v63  }
0x1bb: {  	_ =	swait.ge [sflag:s25], $0x1900  }
0x1bc: {  	[sflag:s25] =	ssyncset.done $0x0  }
0x1bd: {  	s12 =	simm.s32 $0x4E20;
	s13 =	simm.s32 $0x4C90;
	[sflag:s25] =	ssyncadd.s32 $0xFFFFE700  }
0x1be: {  	[spmem:s4] =	stream.indirect.scatter.add.f32 [tilespmem:s12], [sflag:$0x3], $0x10, s13, s30, $0xb8;
	[tilespmem:$0x19500] =	vst v63  }
0x1bf: {  	s14 =	simm.s32 $0x4CE0  }
0x1c0: {  	[spmem:s4] =	stream.indirect.scatter.add.f32 [tilespmem:s1], [sflag:$0x3], $0x10, s14, s30, $0xb8;
	[tilespmem:$0x19500] =	vst v63  }
0x1c1: {  	s15 =	simm.s32 $0x4D30  }
0x1c2: {  	[spmem:s4] =	stream.indirect.scatter.add.f32 [tilespmem:s21], [sflag:$0x3], $0x10, s15, s30, $0xb8;
	[tilespmem:$0x19500] =	vst v63  }
0x1c3: {  	s17 =	simm.s32 $0x4D80  }
0x1c4: {  	[spmem:s4] =	stream.indirect.scatter.add.f32 [tilespmem:s24], [sflag:$0x3], $0x10, s17, s30, $0xb8;
	[tilespmem:$0x19500] =	vst v63  }
0x1c5: {  	s18 =	simm.s32 $0x4DD0  }
0x1c6: {  	[spmem:s4] =	stream.indirect.scatter.add.f32 [tilespmem:s29], [sflag:$0x3], $0x10, s18, s30, $0xb8;
	[tilespmem:$0x19500] =	vst v63  }
0x1c7: {  	_ =	swait.ge [sflag:s23], $0x1900  }
0x1c8: {  	[sflag:s23] =	ssyncset.done $0x0  }
0x1c9: {  	[sflag:s23] =	ssyncadd.s32 $0xFFFFE700  }
0x1ca: {  	_ =	swait.ge [sflag:s26], $0x1900  }
0x1cb: {  	[sflag:s26] =	ssyncset.done $0x0  }
0x1cc: {  	s19 =	stileid.u32;
	[sflag:s26] =	ssyncadd.s32 $0xFFFFE700  }
0x1cd: {  	s0 =	sshll.u32 s19, $0x6;
	[bflag:$0x0] =	sbarrier.arrive $0xFFFF  }
0x1ce: {  	s20 =	sshrl.u32 s16, $0x3;
	s0 =	sor.u32 $0x1C05, s0;
	s22 =	rddreg [dreg:$0x10]  }
0x1cf: {  	[hbm:s22], [sflag:s0] =	dma.local [spmem:s20], $0x4E2  }
0x1d0: {  	_ =	swait.ge [sflag:s28], $0x4E2  }
0x1d1: {  	s2 =	sadd.s32 $0x1, s2;
	s31 =	rddreg [dreg:$0x11]  }
0x1d2: {  	p1 =	sne.s32 s2, s31  }
.Ltmp4:
0x1d3: {  	_ = 	snop;
	(pc) =	sbr.rel @p1 .LBB2_1-.Ltmp4, $3  }
0x1d4: {  	_ =	sdelay $0x1  }
0x1d5: {  	s9 =	simm.s32 $0x2710;
	[sflag:s28] =	ssyncset.done $0x0  }
0x1d6: {  	s10 =	simm.s32 $0x8020;
	s11 =	simm.s32 $0xCE40;
	[sflag:s28] =	ssyncadd.s32 $0xFFFFFB1E  }
0x1d7: {  	_ =	sfence.sel $0x180000  }
0x1d8: {  	[bflag:$0x0] =	sbarrier.arrive $0xFFFF  }
0x1d9: {  	_ =	strace $0x9000004D  }
0x1da: {  	s0 =	stileid.u32;
	[bflag:$0x2] =	sbarrier.arrive $0xFFFF  }
0x1db: {  	p0 =	sne.s32 s0, $0x0;
	s0 =	rddreg [dreg:$0x5]  }
0x1dc: {  	s0 =	sadd.s32 @!p0 $0x100000, s0  }
0x1dd: {  	[sflag:s0] =	ssyncadd.tile.s32 @!p0 $0x1;
	_ =	shalt  }
.Lfunc_end2:
_tile_overlayer_lowered:
.L_overlay_start_2:
0x1de: {  	(tag) =	ssettag $0x2  }
0x1df: {  	s0 =	rddreg [dreg:$0x0];
	s2 =	stileid.u32  }
0x1e0: {  	s1 =	rddreg [dreg:$0x1];
	p0 =	sne.s32 s2, $0x0  }
0x1e1: {  	s3 =	rddreg [dreg:$0x2];
	[bflag:$0x3] =	sbarrier.arrive $0xFFFF;
	s2 =	simm.s32 @!p0 $0x1C05  }
0x1e2: {  	[timem:s3], [sflag:s2] =	dma.local @!p0 [hbm:s0], s1  }
0x1e3: {  	s0 =	simm.s32 @!p0 $0x5  }
0x1e4: {  	_ =	swait.ge @!p0 [sflag:s0], s1  }
0x1e5: {  	s1 =	ssub.s32 @!p0 $0x0, s1;
	[sflag:s0] =	ssyncset.done @!p0 $0x0  }
0x1e6: {  	[sflag:s0] =	ssyncadd.s32 @!p0 s1  }
0x1e7: {  	[bflag:$0x3] =	sbarrier.arrive $0xFFFF  }
0x1e8: {  	_ =	shalt  }

// kernel: kernel.17.cloned.1.call-start
scs
__scs_entry_jumppad:
0x0: {  	(pc) =	sbr.rel $0x88, $3  }
0x1: {  	(tag) =	ssettag $0x0;
	lr =	simm.s32 $0x1  }
0x2: {  	[smem:$0x3F95] =	sst lr;
	_ =	strace $0xD0000000  }
0x3: {  	_ = 	snop  }
0x4: {  	_ = 	snop  }
0x5: {  	_ = 	snop  }
0x6: {  	_ = 	snop  }
0x7: {  	_ = 	snop  }
__scs_overlays_trampoline_lowered:
0x8: {  	[smem:$0x3FA4] =	sst s0  }
0x9: {  	[smem:$0x3FA5] =	sst s1  }
0xa: {  	[smem:$0x3FA6] =	sst s2  }
0xb: {  	[smem:$0x3FA7] =	sst s3  }
0xc: {  	[smem:$0x3FA8] =	sst s4  }
0xd: {  	[smem:$0x3FA9] =	sst s5  }
0xe: {  	[smem:$0x3FAA] =	sst s6  }
0xf: {  	[smem:$0x3FAB] =	sst s7  }
0x10: {  	[smem:$0x3FAC] =	sst s8  }
0x11: {  	[smem:$0x3FAD] =	sst s9;
	s0 =	simm.s32 @!p0 $0x0  }
0x12: {  	s1 =	sld [smem:$0x3F93];
	s0 =	simm.s32 @p0 $0x1  }
0x13: {  	[smem:$0x3FAE] =	sst s0;
	s0 =	simm.s32 @!p1 $0x0  }
0x14: {  	s2 =	sld [smem:$0x3F92];
	s0 =	simm.s32 @p1 $0x1  }
0x15: {  	[smem:$0x3FAF] =	sst s0;
	s0 =	simm.s32 @!p2 $0x0  }
0x16: {  	s3 =	sld [smem:$0x3FDB];
	s0 =	simm.s32 @p2 $0x1  }
0x17: {  	s4 =	simm.s32 $0x1BF5;
	[smem:$0x3FB1] =	sst s0  }
0x18: {  	s0 =	sld [smem:$0x3F94];
	_ =	swait.ge [sflag:s4], $0x0  }
0x19: {  	s7 =	sld [smem:$0x3F95]  }
0x1a: {  	s8 =	sadd.s32 $0xFFFFE003, lr  }
0x1b: {  	s9 =	sadd.s32 $0xFFFFFEF7, lr;
	s5 =	simm.s32 $0xFFFFFFFF;
	p2 =	slt.u32 s8, $0xFFFFF086  }
0x1c: {  	p1 =	slt.u32 s9, $0xF7A;
	s5 =	simm.s32 @!p2 $0x0  }
0x1d: {  	s5 =	simm.s32 @p1 $0x1;
	p0 =	seq.s32 s7, s2  }
0x1e: {  	s7 =	smul.u32 @!p0 $0xF7A, s2;
	p2 =	seq.s32 @!p0 s5, $0x0  }
0x1f: {  	s9 =	smul.u32 $0xF7A, s1;
	s8 =	simm.s32 @!p0 $0x1BF5;
	p2 =	por !p2, p0  }
0x20: {  	[sflag:s8] =	ssyncset.s32 @!p0 $0xFFFFF086;
	s6 =	sadd.s32 @!p0 s3, s7;
	s7 =	simm.s32 @!p0 $0x108  }
0x21: {  	s3 =	sadd.s32 s3, s9;
	s6 =	sadd.s32 @!p0 $0x88, s6;
	s7 =	simm.s32 @p2 $0x1082  }
0x22: {  	[simem:s7], [sflag:s8] =	dma.local @!p0 [hbm:s6], $0xF7A  }
0x23: {  	s9 =	sor.u32 $0xD0000000, s2;
	s6 =	simm.s32 $0x108;
	_ =	swait.ge @!p0 [sflag:s8], $0x0  }
0x24: {  	s3 =	sadd.s32 $0x88, s3;
	s6 =	simm.s32 @!p1 $0x1082;
	[sflag:s4] =	ssyncset.s32 $0xFFFFF086  }
0x25: {  	[simem:s6], [sflag:s4] =	dma.local [hbm:s3], $0xF7A  }
0x26: {  	[smem:$0x3F95] =	sst s1;
	(tag) =	ssettag s2;
	_ =	strace s9  }
0x27: {  	s1 =	sld [smem:$0x3FA5]  }
0x28: {  	s2 =	sld [smem:$0x3FA6]  }
0x29: {  	s4 =	sld [smem:$0x3FA8]  }
0x2a: {  	p0 =	seq.s32 s5, $0x0;
	s5 =	sld [smem:$0x3FA9]  }
0x2b: {  	s6 =	sld [smem:$0x3FAA]  }
0x2c: {  	s7 =	sld [smem:$0x3FAB]  }
0x2d: {  	s3 =	simm.s32 $0x108;
	s8 =	sld [smem:$0x3FAC]  }
0x2e: {  	s3 =	simm.s32 @!p0 $0x1082;
	s9 =	sld [smem:$0x3FAD]  }
0x2f: {  	lr =	sadd.s32 s0, s3;
	s0 =	sld [smem:$0x3FA4]  }
0x30: {  	s3 =	sld [smem:$0x3FA7]  }
0x31: {  	[smem:$0x3FB0] =	sst s10  }
0x32: {  	s10 =	sld [smem:$0x3FAE];
	_ =	sdelay $0x3  }
0x33: {  	p0 =	seq.s32 s10, $0x1;
	s10 =	sld [smem:$0x3FB0];
	_ =	sdelay $0x3  }
0x34: {  	[smem:$0x3FB0] =	sst s10  }
0x35: {  	s10 =	sld [smem:$0x3FAF];
	_ =	sdelay $0x3  }
0x36: {  	p1 =	seq.s32 s10, $0x1;
	s10 =	sld [smem:$0x3FB0];
	_ =	sdelay $0x3  }
0x37: {  	[smem:$0x3FB0] =	sst s10  }
0x38: {  	s10 =	sld [smem:$0x3FB1]  }
0x39: {  	_ = 	snop;
	(pc) =	sbr.ind lr, $3  }
0x3a: {  	_ = 	snop  }
0x3b: {  	_ = 	snop  }
0x3c: {  	p2 =	seq.s32 s10, $0x1;
	s10 =	sld [smem:$0x3FB0]  }
0x3d: {  	_ =	shalt  }
0x3e: {  	_ =	shalt  }
0x3f: {  	_ =	shalt  }
0x40: {  	_ =	shalt  }
0x41: {  	_ =	shalt  }
0x42: {  	_ =	shalt  }
0x43: {  	_ =	shalt  }
0x44: {  	_ =	shalt  }
0x45: {  	_ =	shalt  }
0x46: {  	_ =	shalt  }
0x47: {  	_ =	shalt  }
0x48: {  	_ =	shalt  }
0x49: {  	_ =	shalt  }
0x4a: {  	_ =	shalt  }
0x4b: {  	_ =	shalt  }
0x4c: {  	_ =	shalt  }
0x4d: {  	_ =	shalt  }
0x4e: {  	_ =	shalt  }
0x4f: {  	_ =	shalt  }
0x50: {  	_ =	shalt  }
0x51: {  	_ =	shalt  }
0x52: {  	_ =	shalt  }
0x53: {  	_ =	shalt  }
0x54: {  	_ =	shalt  }
0x55: {  	_ =	shalt  }
0x56: {  	_ =	shalt  }
0x57: {  	_ =	shalt  }
0x58: {  	_ =	shalt  }
0x59: {  	_ =	shalt  }
0x5a: {  	_ =	shalt  }
0x5b: {  	_ =	shalt  }
0x5c: {  	_ =	shalt  }
0x5d: {  	_ =	shalt  }
0x5e: {  	_ =	shalt  }
0x5f: {  	_ =	shalt  }
0x60: {  	_ =	shalt  }
0x61: {  	_ =	shalt  }
0x62: {  	_ =	shalt  }
0x63: {  	_ =	shalt  }
0x64: {  	_ =	shalt  }
0x65: {  	_ =	shalt  }
0x66: {  	_ =	shalt  }
0x67: {  	_ =	shalt  }
0x68: {  	_ =	shalt  }
0x69: {  	_ =	shalt  }
0x6a: {  	_ =	shalt  }
0x6b: {  	_ =	shalt  }
0x6c: {  	_ =	shalt  }
0x6d: {  	_ =	shalt  }
0x6e: {  	_ =	shalt  }
0x6f: {  	_ =	shalt  }
0x70: {  	_ =	shalt  }
0x71: {  	_ =	shalt  }
0x72: {  	_ =	shalt  }
0x73: {  	_ =	shalt  }
0x74: {  	_ =	shalt  }
0x75: {  	_ =	shalt  }
0x76: {  	_ =	shalt  }
0x77: {  	_ =	shalt  }
0x78: {  	_ =	shalt  }
0x79: {  	_ =	shalt  }
0x7a: {  	_ =	shalt  }
0x7b: {  	_ =	shalt  }
0x7c: {  	_ =	shalt  }
0x7d: {  	_ =	shalt  }
0x7e: {  	_ =	shalt  }
0x7f: {  	_ =	shalt  }
0x80: {  	_ =	shalt  }
0x81: {  	_ =	shalt  }
0x82: {  	_ =	shalt  }
0x83: {  	_ =	shalt  }
0x84: {  	_ =	shalt  }
0x85: {  	_ =	shalt  }
0x86: {  	_ =	shalt  }
0x87: {  	_ =	shalt  }
.Lfunc_end0:
.L_simem_size_0:
called_computation.3_lowered:
.L_overlay_start_0:
0x88: {  	s2 =	sld [smem:$0x3FD9]  }
0x89: {  	s3 =	sld [smem:$0x3FFE];
	_ =	sdelay $0x1  }
0x8a: {  	s1 =	srdreg.scid  }
0x8b: {  	s0 =	sand.u32 $0x1, s1  }
0x8c: {  	s17 =	sshll.u32 s0, $0xA;
	s2 =	sadd.s32 s3, s2  }
0x8d: {  	s2 =	sadd.s32 s2, s17  }
0x8e: {  	[smem:$0x3FBC] =	sst s2  }
0x8f: {  	_ = 	snop  }
0x90: {  	s2 =	sld [smem:$0x3FD0];
	(tm) =	ssettm $0x1  }
0x91: {  	s18 =	sld [smem:$0x3FFB];
	_ =	sdelay $0x3  }
0x92: {  	_ =	strace s18  }
0x93: {  	s3 =	sld [smem:$0x3FFC];
	_ =	sdelay $0x3  }
0x94: {  	_ =	strace s3  }
0x95: {  	s3 =	sld [smem:$0x3FFD];
	_ =	sdelay $0x3  }
0x96: {  	_ =	strace s3  }
0x97: {  	_ =	strace $0x8FFFFFFF  }
0x98: {  	s19 =	sld [smem:$0x3FDB];
	_ =	sdelay $0x1  }
0x99: {  	s4 =	simm.s32 $_scs_section_size  }
0x9a: {  	s5 =	simm.s32 $_size__tile_overlayer_lowered;
	s6 =	simm.s32 $_tile_overlayer_lowered  }
0x9b: {  	s22 =	simm.s32 $0x1BFF;
	s21 =	sshll.u32 s6, $0x1;
	s3 =	sadd.s32 s4, s19  }
0x9c: {  	s7 =	simm.s32 $0x0;
	s20 =	sshll.u32 s5, $0x1;
	s5 =	sadd.s32 s21, s3  }
0x9d: {  	[timem:s7], [sflag:s22] =	dma.local [hbm:s5], s20  }
0x9e: {  	_ =	swait.ge [sflag:s22], s20  }
0x9f: {  	s4 =	ssub.s32 $0x0, s20;
	[sflag:s22] =	ssyncset.done $0x0  }
0xa0: {  	[sflag:s22] =	ssyncadd.s32 s4;
	_ =	sdelay $0x1  }
0xa1: {  	s23 =	simm.s32 $0x1B8B  }
0xa2: {  	_ =	swait.ge [sflag:s23], $0x1  }
0xa3: {  	[sflag:s23] =	ssyncset.done $0x0  }
0xa4: {  	s25 =	simm.s32 $0x1B8E;
	s24 =	sld [smem:$0x3FFE];
	[sflag:s23] =	ssyncadd.s32 $0xFFFFFFFF  }
0xa5: {  	s26 =	simm.s32 $execute0_lowered;
	[smem:$0x3FD2] =	sst s25  }
0xa6: {  	s5 =	sshll.u32 s26, $0x1;
	_ =	strace $0x8000004F;
	[dreg:$0x1] =	wrdreg $0xFFFFFFFF  }
0xa7: {  	s28 =	simm.s32 $_size_execute0_lowered;
	s3 =	sadd.s32 s3, s5;
	[dreg:$0x0] =	wrdreg $0x0  }
0xa8: {  	s5 =	sshll.u32 s28, $0x1;
	[dreg:$0x2] =	wrdreg s3  }
0xa9: {  	[dreg:$0x3] =	wrdreg s5  }
0xaa: {  	[dreg:$0x4] =	wrdreg $0xC0  }
0xab: {  	_ =	task [dreg:s7], $0x5FFFF  }
0xac: {  	[dreg:$0x1] =	wrdreg $0xFFFFFFFF  }
0xad: {  	[dreg:$0x0] =	wrdreg $0x60  }
0xae: {  	[dreg:$0x2] =	wrdreg s24  }
0xaf: {  	[dreg:$0x3] =	wrdreg s2  }
0xb0: {  	[dreg:$0x4] =	wrdreg $0x193E00  }
0xb1: {  	[dreg:$0x5] =	wrdreg $0x145C00  }
0xb2: {  	[dreg:$0x6] =	wrdreg $0x16CD00  }
0xb3: {  	[dreg:$0x7] =	wrdreg $0x9  }
0xb4: {  	_ =	task.clear_ibuf [dreg:s7], $0x8FFFF;
	_ =	strace $0x9000004F  }
0xb5: {  	s29 =	simm.s32 $0x9;
	_ =	strace $0x80000051  }
0xb6: {  	_ =	swait.ge [sflag:s29], $0x1  }
0xb7: {  	[sflag:s29] =	ssyncadd.s32 $0xFFFFFFFF  }
0xb8: {  	_ =	strace $0x90000051  }
0xb9: {  	_ =	sfence  }
0xba: {  	s30 =	sld [smem:$0x0];
	_ =	sdelay $0x2  }
0xbb: {  	s31 =	sshll.u32 s1, $0xD;
	s1 =	sshrl.u32 s1, $0x2  }
0xbc: {  	s3 =	sand.u32 $0x4000, s31;
	s1 =	sadd.s32 s1, s30  }
0xbd: {  	s0 =	sor.u32 s3, s0;
	s1 =	sshll.u32 s1, $0x11  }
0xbe: {  	s0 =	sor.u32 s1, s0  }
0xbf: {  	s0 =	sadd.s32 $0x8F2B, s0  }
0xc0: {  	[sflag:s0] =	ssyncadd.remote.s32 $0x1  }
0xc1: {  	_ =	sfence.sel $0xFFFF  }
0xc2: {  	[dreg:$0x0] =	wrdreg $0xFFFFFFFF;
	(pc) =	sbr.abs _section_cstart, $3  }
0xc3: {  	[dreg:$0x1] =	wrdreg $0xFFFFFFFF  }
0xc4: {  	_ =	task.clear_ibuf [dreg:s7], $0x2FFFF;
	_ =	strace $0x9FFFFFFF  }
0xc5: {  	(tm) =	ssettm $0x7FFFFFFF  }
tec
execute0_lowered:
.L_overlay_start_1:
0x0: {  	(tag) =	ssettag $0x1  }
0x1: {  	s1 =	rddreg [dreg:$0x0]  }
0x2: {  	s0 =	srdreg.scid;
	s2 =	rddreg [dreg:$0x1]  }
0x3: {  	s13 =	stileid.u32;
	s14 =	rddreg [dreg:$0x2];
	s5 =	simm.s32 $0x0  }
0x4: {  	s28 =	simm.s32 $0x5;
	s30 =	simm.s32 $0x50;
	s0 =	sand.u32 $0x1, s0  }
0x5: {  	s7 =	smul.u32 $0x2710, s13;
	[smem:$0x7FF] =	sst s5;
	s10 =	sadd.s32 $0x30000, s1  }
0x6: {  	s3 =	sshll.u32 s0, $0x4;
	s8 =	smul.u32 $0x27100, s0;
	s19 =	ssub.s32 $0x2, s0  }
0x7: {  	s4 =	sor.u32 s13, s3;
	s3 =	rddreg [dreg:$0x3];
	s11 =	sshrl.u32 s7, $0x3  }
0x8: {  	s12 =	sshrl.u32 s19, $0x1;
	s6 =	smul.u32 $0x4E2, s4;
	s4 =	rddreg [dreg:$0x4]  }
0x9: {  	_ =	strace $0x80000050;
	s8 =	sadd.s32 s7, s8;
	[dreg:$0x6] =	wrdreg s10  }
0xa: {  	s10 =	ssub.s32 s19, s12;
	s25 =	sadd.s32 s7, s3;
	s8 =	sshrl.u32 s8, $0x3  }
0xb: {  	[dreg:$0xe] =	wrdreg s25;
	s31 =	smax.u32 s10, $0x1;
	s9 =	sadd.s32 s6, s1  }
0xc: {  	s8 =	sadd.s32 s8, s1;
	s2 =	sadd.s32 s2, s6;
	[dreg:$0x11] =	wrdreg s31  }
0xd: {  	s1 =	sadd.s32 s11, s1;
	s9 =	sadd.s32 $0x3400, s9;
	[dreg:$0x8] =	wrdreg s2  }
0xe: {  	s29 =	simm.s32 $0x6220;
	s20 =	sadd.s32 $0xD200, s1;
	[dreg:$0x7] =	wrdreg s9  }
0xf: {  	s24 =	sshll.u32 s13, $0x5;
	s21 =	sadd.s32 $0x12020, s1;
	[dreg:$0x9] =	wrdreg s20  }
0x10: {  	p0 =	sne.s32 s0, $0x0;
	s22 =	sadd.s32 $0x17000, s1;
	[dreg:$0xa] =	wrdreg s21  }
0x11: {  	s12 =	simm.s32 $0x4E20;
	s23 =	sadd.s32 $0x2AE00, s1;
	[dreg:$0xb] =	wrdreg s22  }
0x12: {  	s16 =	sadd.s32 s7, s4;
	s2 =	sadd.s32 s24, s14;
	[dreg:$0xc] =	wrdreg s23  }
0x13: {  	s10 =	simm.s32 $0x8020;
	s1 =	sadd.s32 $0x1C000, s1;
	[dreg:$0xd] =	wrdreg s2  }
0x14: {  	s25 =	simm.s32 $0x1;
	s26 =	sadd.s32 $0x21000, s8;
	[dreg:$0xf] =	wrdreg s1  }
0x15: {  	s11 =	simm.s32 $0xCE40;
	s24 =	simm.s32 $0x5D20;
	[dreg:$0x10] =	wrdreg s26  }
0x16: {  	s9 =	simm.s32 $0x2710;
	s1 =	simm.s32 $0x5320;
	s21 =	simm.s32 $0x5820  }
0x17: {  	v0 =	vimm.f32 $0.0e+00;
	s2 =	simm.s32 $0x4;
	s23 =	simm.s32 $0x3;
	s26 =	simm.s32 $0x0  }
.LBB2_1:
0x18: {  	s0 =	rddreg [dreg:$0x7]  }
0x19: {  	[tilespmem:s5], [sflag:$0x2] =	stream.linear.gather [hbm4b:s0+s5], $0x2710, $0x38;
	[tilespmem:$0x19400] =	vst v63  }
0x1a: {  	s14 =	rddreg [dreg:$0x8]  }
0x1b: {  	[tilespmem:s9], [sflag:$0x2] =	stream.linear.gather [hbm4b:s14+s5], $0x2710, $0x38;
	[tilespmem:$0x19400] =	vst v63  }
0x1c: {  	s15 =	rddreg [dreg:$0x9]  }
0x1d: {  	[tilespmem:s10], [sflag:$0x1] =	stream.linear.gather [hbm4b:s15+s5], $0x2710, $0x38;
	[tilespmem:$0x19400] =	vst v63  }
0x1e: {  	s17 =	rddreg [dreg:$0xa];
	s6 =	simm.s32 $0xA730  }
0x1f: {  	[tilespmem:s6], [sflag:$0x1] =	stream.linear.gather [hbm4b:s17+s5], $0x2710, $0x38;
	[tilespmem:$0x19400] =	vst v63  }
0x20: {  	s18 =	rddreg [dreg:$0xb]  }
0x21: {  	[tilespmem:s11], [sflag:$0x1] =	stream.linear.gather [hbm4b:s18+s5], $0x2710, $0x38;
	[tilespmem:$0x19400] =	vst v63  }
0x22: {  	s19 =	rddreg [dreg:$0xc];
	s20 =	simm.s32 $0xF550  }
0x23: {  	[tilespmem:s20], [sflag:$0x1] =	stream.linear.gather [hbm4b:s19+s5], $0x2710, $0x38;
	[tilespmem:$0x19400] =	vst v63  }
0x24: {  	s22 =	rddreg [dreg:$0x6];
	s31 =	simm.s32 $0x14370  }
0x25: {  	[tilespmem:s31], [sflag:$0x1] =	stream.linear.gather [hbm4b:s22+s5], $0x30, $0x38;
	[tilespmem:$0x19400] =	vst v63  }
0x26: {  	_ =	swait.ge [sflag:s25], $0x2710  }
0x27: {  	[sflag:s25] =	ssyncset.done $0x0  }
0x28: {  	[sflag:s25] =	ssyncadd.s32 $0xFFFFD8F0  }
0x29: {  	_ =	swait.ge [sflag:s25], $0x2710  }
0x2a: {  	[sflag:s25] =	ssyncset.done $0x0  }
0x2b: {  	[sflag:s25] =	ssyncadd.s32 $0xFFFFD8F0  }
0x2c: {  	_ =	swait.ge [sflag:s25], $0x2710  }
0x2d: {  	[sflag:s25] =	ssyncset.done $0x0  }
0x2e: {  	[sflag:s25] =	ssyncadd.s32 $0xFFFFD8F0  }
0x2f: {  	_ =	swait.ge [sflag:s25], $0x2710  }
0x30: {  	[sflag:s25] =	ssyncset.done $0x0  }
0x31: {  	[sflag:s25] =	ssyncadd.s32 $0xFFFFD8F0  }
0x32: {  	_ =	swait.ge [sflag:s25], $0x30  }
0x33: {  	[sflag:s25] =	ssyncset.done $0x0  }
0x34: {  	s0 =	simm.s32 $0x0;
	[sflag:s25] =	ssyncadd.s32 $0xFFFFFFD0  }
0x35: {  	v2 =	vld [tilespmem:s0+$0x8020]  }
0x36: {  	v4 =	vld [tilespmem:s0+$0xA730];
	_ =	sdelay $0x1  }
0x37: {  	v5 =	vld [tilespmem:s0+$0xCE40]  }
0x38: {  	v3 =	vld [tilespmem:$0x14370]  }
0x39: {  	s6 =	simm.s32 $0x10;
	v9 =	vld [tilespmem:s0+$0xF550]  }
0x3a: {  	v6 =	vld [tilespmem:s6+$0x8020];
	v4 =	vadd.f32 v4, v2  }
0x3b: {  	v7 =	vld [tilespmem:s6+$0xA730]  }
0x3c: {  	v1 =	vld [tilespmem:$0x14380];
	v4 =	vadd.f32 v5, v4  }
0x3d: {  	v8 =	vld [tilespmem:s6+$0xCE40]  }
0x3e: {  	s7 =	simm.s32 $0x80;
	v2 =	vld [tilespmem:$0x14390];
	v5 =	vimm.f32 $0.0e+00;
	v9 =	vmul.f32 v4, v9;
	v4 =	vimm.f32 $0.0e+00  }
.LBB2_2:
0x3f: {  	s8 =	sshra.s32 s7, $0x2;
	v10 =	vld [tilespmem:s6+$0xF550];
	p1 =	sne.s32 s7, $0x9C00  }
.Ltmp0:
0x40: {  	s7 =	sadd.s32 $0x40, s7;
	v11 =	vadd.f32 v7, v6;
	v6 =	vld [tilespmem:s8+$0x8020];
	v9 =	vadd.f32 v9, v3;
	(pc) =	sbr.rel @p1 .LBB2_2-.Ltmp0, $4  }
0x41: {  	v7 =	vld [tilespmem:s8+$0xA730]  }
0x42: {  	v11 =	vadd.f32 v8, v11;
	[tilespmem:s0+$0x11C60] =	vst v9;
	v4 =	vadd.f32 v9, v4;
	v12 =	vmul.f32 v9, v9;
	s0 =	smov.u32 s6;
	s6 =	smov.u32 s8  }
0x43: {  	v8 =	vld [tilespmem:s6+$0xCE40]  }
0x44: {  	v9 =	vmul.f32 v11, v10;
	v5 =	vadd.f32 v12, v5  }
0x45: {  	v10 =	vld [tilespmem:s6+$0xF550]  }
0x46: {  	v6 =	vadd.f32 v7, v6;
	_ =	sdelay $0x1  }
0x47: {  	v6 =	vadd.f32 v8, v6;
	_ =	sdelay $0x1  }
0x48: {  	v7 =	vadd.f32 v9, v3;
	v6 =	vmul.f32 v6, v10;
	_ =	sdelay $0x1  }
0x49: {  	v49 =	vmul.f32 v7, v7;
	v3 =	vadd.f32 v6, v3  }
0x4a: {  	v4 =	vadd.f32 v7, v4  }
0x4b: {  	v5 =	vadd.f32 v49, v5;
	v6 =	vmul.f32 v3, v3  }
0x4c: {  	[tilespmem:s0+$0x11C60] =	vst v7;
	v4 =	vadd.f32 v3, v4  }
0x4d: {  	[tilespmem:s6+$0x11C60] =	vst v3;
	v3 =	vadd.f32 v6, v5  }
0x4e: {  	[tilespmem:$0x143A0] =	vst v4  }
0x4f: {  	s19 =	rddreg [dreg:$0xd];
	s20 =	simm.s32 $0x143A0;
	[tilespmem:$0x143B0] =	vst v3  }
0x50: {  	[spmem:s19] =	stream.linear.scatter [tilespmem:s20], [sflag:$0x5], $0x20, $0x38;
	[tilespmem:$0x19400] =	vst v63  }
0x51: {  	_ =	swait.ge [sflag:s28], $0x20  }
0x52: {  	[sflag:s28] =	ssyncset.done $0x0  }
0x53: {  	[sflag:s28] =	ssyncadd.s32 $0xFFFFFFE0  }
0x54: {  	[bflag:$0x0] =	sbarrier.arrive $0xFFFF  }
0x55: {  	s31 =	simm.s32 $0x143C0;
	s22 =	rddreg [dreg:$0x2]  }
0x56: {  	[tilespmem:s31], [sflag:$0x5] =	stream.linear.gather [spmem:s22], $0x200, $0x38;
	[tilespmem:$0x19400] =	vst v63  }
0x57: {  	_ =	swait.ge [sflag:s28], $0x200  }
0x58: {  	[sflag:s28] =	ssyncset.done $0x0  }
0x59: {  	[sflag:s28] =	ssyncadd.s32 $0xFFFFFE00  }
0x5a: {  	v3 =	vld [tilespmem:$0x143C0]  }
0x5b: {  	v4 =	vld [tilespmem:$0x143D0]  }
0x5c: {  	v5 =	vld [tilespmem:$0x143E0]  }
0x5d: {  	v6 =	vld [tilespmem:$0x143F0]  }
0x5e: {  	v7 =	vld [tilespmem:$0x14400]  }
0x5f: {  	v50 =	vld [tilespmem:$0x14410];
	v3 =	vadd.f32 $0.0e+00, v3  }
0x60: {  	v51 =	vld [tilespmem:$0x14420]  }
0x61: {  	v52 =	vld [tilespmem:$0x14440];
	v4 =	vadd.f32 $0.0e+00, v4;
	v3 =	vadd.f32 v5, v3  }
0x62: {  	v5 =	vld [tilespmem:$0x14430]  }
0x63: {  	v4 =	vadd.f32 v6, v4;
	v6 =	vld [tilespmem:$0x14450];
	v3 =	vadd.f32 v7, v3  }
0x64: {  	v7 =	vld [tilespmem:$0x14460]  }
0x65: {  	v53 =	vld [tilespmem:$0x14470];
	v4 =	vadd.f32 v50, v4;
	v3 =	vadd.f32 v51, v3  }
0x66: {  	v54 =	vld [tilespmem:$0x14480]  }
0x67: {  	v55 =	vld [tilespmem:$0x144A0];
	v4 =	vadd.f32 v5, v4;
	v3 =	vadd.f32 v52, v3  }
0x68: {  	v5 =	vld [tilespmem:$0x14490]  }
0x69: {  	v4 =	vadd.f32 v6, v4;
	v6 =	vld [tilespmem:$0x144B0];
	v3 =	vadd.f32 v7, v3  }
0x6a: {  	v7 =	vld [tilespmem:$0x144C0]  }
0x6b: {  	v56 =	vld [tilespmem:$0x144D0];
	v4 =	vadd.f32 v53, v4;
	v3 =	vadd.f32 v54, v3  }
0x6c: {  	v57 =	vld [tilespmem:$0x144E0]  }
0x6d: {  	v58 =	vld [tilespmem:$0x14500];
	v4 =	vadd.f32 v5, v4;
	v3 =	vadd.f32 v55, v3  }
0x6e: {  	v5 =	vld [tilespmem:$0x144F0]  }
0x6f: {  	v4 =	vadd.f32 v6, v4;
	v6 =	vld [tilespmem:$0x14510];
	v3 =	vadd.f32 v7, v3  }
0x70: {  	v7 =	vld [tilespmem:$0x14520]  }
0x71: {  	v59 =	vld [tilespmem:$0x14530];
	v4 =	vadd.f32 v56, v4;
	v3 =	vadd.f32 v57, v3  }
0x72: {  	v60 =	vld [tilespmem:$0x14540]  }
0x73: {  	v61 =	vld [tilespmem:$0x14560];
	v4 =	vadd.f32 v5, v4;
	v3 =	vadd.f32 v58, v3  }
0x74: {  	v5 =	vld [tilespmem:$0x14550]  }
0x75: {  	v4 =	vadd.f32 v6, v4;
	v6 =	vld [tilespmem:$0x14570];
	v3 =	vadd.f32 v7, v3  }
0x76: {  	v7 =	vld [tilespmem:$0x14580]  }
0x77: {  	v62 =	vld [tilespmem:$0x14590];
	v4 =	vadd.f32 v59, v4;
	v3 =	vadd.f32 v60, v3  }
0x78: {  	v63 =	vld [tilespmem:$0x145A0]  }
0x79: {  	v4 =	vadd.f32 v5, v4;
	v3 =	vadd.f32 v61, v3  }
0x7a: {  	v5 =	vld [tilespmem:$0x145B0]  }
0x7b: {  	v4 =	vadd.f32 v6, v4;
	v3 =	vadd.f32 v7, v3;
	_ =	sdelay $0x1  }
0x7c: {  	v4 =	vadd.f32 v62, v4;
	v3 =	vadd.f32 v63, v3;
	_ =	sdelay $0x1  }
0x7d: {  	v4 =	vadd.f32 v5, v4;
	v3 =	vmul.f32 $9.999999740e-05, v3;
	_ =	sdelay $0x1  }
0x7e: {  	v4 =	vmul.f32 $9.999999740e-05, v4;
	v5 =	vmul.f32 v3, v3;
	_ =	sdelay $0x1  }
0x7f: {  	v4 =	vsub.f32 v4, v5;
	_ =	sdelay $0x1  }
0x80: {  	v4 =	vadd.f32 $9.999999740e-06, v4;
	_ =	sdelay $0x1  }
0x81: {  	v5 =	vshra.s32 v4, $0x1;
	v4 =	vmul.f32 $5.000000000e-01, v4  }
0x82: {  	v5 =	vsub.s32 $0x5F3759DF, v5  }
0x83: {  	v6 =	vmul.f32 v5, v4;
	_ =	sdelay $0x1  }
0x84: {  	v6 =	vmul.f32 v5, v6;
	_ =	sdelay $0x1  }
0x85: {  	v6 =	vsub.f32 $1.500000000e+00, v6;
	_ =	sdelay $0x1  }
0x86: {  	v5 =	vmul.f32 v5, v6;
	_ =	sdelay $0x1  }
0x87: {  	v6 =	vmul.f32 v5, v4;
	_ =	sdelay $0x1  }
0x88: {  	v6 =	vmul.f32 v6, v5;
	_ =	sdelay $0x1  }
0x89: {  	v6 =	vsub.f32 $1.500000000e+00, v6;
	_ =	sdelay $0x1  }
0x8a: {  	v5 =	vmul.f32 v6, v5;
	_ =	sdelay $0x1  }
0x8b: {  	v4 =	vmul.f32 v5, v4;
	_ =	sdelay $0x1  }
0x8c: {  	v4 =	vmul.f32 v4, v5;
	_ =	sdelay $0x1  }
0x8d: {  	v4 =	vsub.f32 $1.500000000e+00, v4;
	_ =	sdelay $0x1  }
0x8e: {  	s0 =	simm.s32 $0x0;
	v4 =	vmul.f32 v4, v5  }
0x8f: {  	v5 =	vld [tilespmem:s0+$0x11C60]  }
0x90: {  	v1 =	vmul.f32 v4, v1;
	_ =	sdelay $0x1  }
0x91: {  	v3 =	vmul.f32 v1, v3;
	_ =	sdelay $0x1  }
0x92: {  	v2 =	vsub.f32 v2, v3;
	v3 =	vmul.f32 v5, v1;
	_ =	sdelay $0x1  }
0x93: {  	v3 =	vadd.f32 v3, v2  }
0x94: {  	s6 =	simm.s32 $0x10;
	v4 =	vld [tilespmem:s0+$0xF550]  }
0x95: {  	v5 =	vmax.f32 v3, $0.0e+00;
	v3 =	vld [tilespmem:s6+$0x11C60];
	_ =	sdelay $0x3  }
0x96: {  	s7 =	simm.s32 $0x80;
	v4 =	vmul.f32 v5, v4  }
.LBB2_4:
0x97: {  	s8 =	sshra.s32 s7, $0x2;
	p1 =	sne.s32 s7, $0x9C00;
	s7 =	sadd.s32 $0x40, s7;
	v5 =	vmul.f32 v3, v1;
	v6 =	vld [tilespmem:s6+$0xF550]  }
.Ltmp1:
0x98: {  	v3 =	vld [tilespmem:s8+$0x11C60];
	[tilespmem:s0+$0xCE40] =	vst v4;
	s0 =	smov.u32 s6;
	s6 =	smov.u32 s8;
	(pc) =	sbr.rel @p1 .LBB2_4-.Ltmp1, $3  }
0x99: {  	v4 =	vadd.f32 v5, v2;
	_ =	sdelay $0x1  }
0x9a: {  	v4 =	vmax.f32 v4, $0.0e+00  }
0x9b: {  	v4 =	vmul.f32 v4, v6  }
0x9c: {  	v1 =	vmul.f32 v3, v1;
	v3 =	vld [tilespmem:s6+$0xF550];
	_ =	sdelay $0x1  }
0x9d: {  	v1 =	vadd.f32 v1, v2;
	_ =	sdelay $0x1  }
0x9e: {  	v1 =	vmax.f32 v1, $0.0e+00  }
0x9f: {  	v1 =	vmul.f32 v1, v3  }
0xa0: {  	[tilespmem:s0+$0xCE40] =	vst v4  }
0xa1: {  	s31 =	rddreg [dreg:$0xe];
	[tilespmem:s6+$0xCE40] =	vst v1  }
0xa2: {  	[spmem:s31] =	stream.linear.scatter [tilespmem:s11], [sflag:$0x5], $0x2710, $0x38;
	[tilespmem:$0x19400] =	vst v63  }
0xa3: {  	_ =	swait.ge [sflag:s28], $0x2710  }
0xa4: {  	s0 =	simm.s32 @!p0 $0x0;
	[sflag:s28] =	ssyncset.done $0x0  }
0xa5: {  	s6 =	simm.s32 @!p0 $0xCE40;
	s7 =	rddreg [dreg:$0xf];
	[sflag:s28] =	ssyncadd.s32 $0xFFFFD8F0  }
0xa6: {  	[hbm4b:s7+s0] =	stream.linear.scatter @!p0 [tilespmem:s6], [sflag:$0x5], $0x2710, $0x38;
	[tilespmem:$0x19400] =	vst v63  }
0xa7: {  	s0 =	simm.s32 @!p0 $0x5  }
0xa8: {  	_ =	swait.ge @!p0 [sflag:s0], $0x2710  }
0xa9: {  	[sflag:s0] =	ssyncset.done @!p0 $0x0  }
0xaa: {  	s6 =	simm.s32 $0x0;
	[sflag:s0] =	ssyncadd.s32 @!p0 $0xFFFFD8F0;
	s0 =	simm.s32 $0x40  }
.LBB2_6:
0xab: {  	p1 =	sne.s32 s0, $0x9C00;
	[tilespmem:s6+$0x8020] =	vst v0;
	s6 =	smov.u32 s0;
	s0 =	sadd.s32 $0x40, s0  }
.Ltmp2:
0xac: {  	(pc) =	sbr.rel @p1 .LBB2_6-.Ltmp2, $2  }
0xad: {  	_ =	sdelay $0x2  }
0xae: {  	s6 =	sshra.s32 s6, $0x2  }
0xaf: {  	[tilespmem:s6+$0x8020] =	vst v0  }
0xb0: {  	[spmem:s16] =	stream.linear.scatter [tilespmem:s10], [sflag:$0x5], $0x2710, $0x38;
	[tilespmem:$0x19400] =	vst v63  }
0xb1: {  	_ =	swait.ge [sflag:s28], $0x2710  }
0xb2: {  	[sflag:s28] =	ssyncset.done $0x0  }
0xb3: {  	s0 =	simm.s32 $0x2;
	[sflag:s28] =	ssyncadd.s32 $0xFFFFD8F0  }
0xb4: {  	_ =	swait.ge [sflag:s0], $0x2710  }
0xb5: {  	[sflag:s0] =	ssyncset.done $0x0  }
0xb6: {  	[sflag:s0] =	ssyncadd.s32 $0xFFFFD8F0  }
0xb7: {  	_ =	swait.ge [sflag:s0], $0x2710  }
0xb8: {  	[sflag:s0] =	ssyncset.done $0x0  }
0xb9: {  	[sflag:s0] =	ssyncadd.s32 $0xFFFFD8F0  }
0xba: {  	s18 =	simm.s32 $0x0;
	[bflag:$0x0] =	sbarrier.arrive $0xFFFF  }
0xbb: {  	[tilespmem:s12], [sflag:$0x1] =	stream.indirect.gather [spmem:s3], $0x10, s18, s30, $0xb8;
	[tilespmem:$0x19400] =	vst v63  }
0xbc: {  	_ = 	snop  }
0xbd: {  	[tilespmem:s1], [sflag:$0x1] =	stream.indirect.gather [spmem:s3], $0x10, s30, s30, $0xb8;
	[tilespmem:$0x19400] =	vst v63  }
0xbe: {  	s19 =	simm.s32 $0xA0  }
0xbf: {  	[tilespmem:s21], [sflag:$0x1] =	stream.indirect.gather [spmem:s3], $0x10, s19, s30, $0xb8;
	[tilespmem:$0x19400] =	vst v63  }
0xc0: {  	s20 =	simm.s32 $0xF0  }
0xc1: {  	[tilespmem:s24], [sflag:$0x1] =	stream.indirect.gather [spmem:s3], $0x10, s20, s30, $0xb8;
	[tilespmem:$0x19400] =	vst v63  }
0xc2: {  	s22 =	simm.s32 $0x140  }
0xc3: {  	[tilespmem:s29], [sflag:$0x1] =	stream.indirect.gather [spmem:s3], $0x10, s22, s30, $0xb8;
	[tilespmem:$0x19400] =	vst v63  }
0xc4: {  	s31 =	simm.s32 $0x190;
	s7 =	simm.s32 $0x6720  }
0xc5: {  	[tilespmem:s7], [sflag:$0x2] =	stream.indirect.gather [spmem:s3], $0x10, s31, s30, $0xb8;
	[tilespmem:$0x19400] =	vst v63  }
0xc6: {  	s8 =	simm.s32 $0x1E0;
	s10 =	simm.s32 $0x6C20  }
0xc7: {  	[tilespmem:s10], [sflag:$0x2] =	stream.indirect.gather [spmem:s3], $0x10, s8, s30, $0xb8;
	[tilespmem:$0x19400] =	vst v63  }
0xc8: {  	s11 =	simm.s32 $0x230;
	s13 =	simm.s32 $0x7120  }
0xc9: {  	[tilespmem:s13], [sflag:$0x2] =	stream.indirect.gather [spmem:s3], $0x10, s11, s30, $0xb8;
	[tilespmem:$0x19400] =	vst v63  }
0xca: {  	s14 =	simm.s32 $0x280;
	s15 =	simm.s32 $0x7620  }
0xcb: {  	[tilespmem:s15], [sflag:$0x2] =	stream.indirect.gather [spmem:s3], $0x10, s14, s30, $0xb8;
	[tilespmem:$0x19400] =	vst v63  }
0xcc: {  	s17 =	simm.s32 $0x2D0;
	s18 =	simm.s32 $0x7B20  }
0xcd: {  	[tilespmem:s18], [sflag:$0x2] =	stream.indirect.gather [spmem:s3], $0x10, s17, s30, $0xb8;
	[tilespmem:$0x19400] =	vst v63  }
0xce: {  	_ =	swait.ge [sflag:s25], $0x1900  }
0xcf: {  	[sflag:s25] =	ssyncset.done $0x0  }
0xd0: {  	[sflag:s25] =	ssyncadd.s32 $0xFFFFE700  }
0xd1: {  	[spmem:s4] =	stream.indirect.scatter.add.f32 [tilespmem:s12], [sflag:$0x3], $0x10, s9, s30, $0xb8;
	[tilespmem:$0x19400] =	vst v63  }
0xd2: {  	s19 =	simm.s32 $0x2760  }
0xd3: {  	[spmem:s4] =	stream.indirect.scatter.add.f32 [tilespmem:s1], [sflag:$0x3], $0x10, s19, s30, $0xb8;
	[tilespmem:$0x19400] =	vst v63  }
0xd4: {  	s0 =	sand.u32 $0x1, s0;
	s20 =	simm.s32 $0x27B0  }
0xd5: {  	[spmem:s4] =	stream.indirect.scatter.add.f32 [tilespmem:s21], [sflag:$0x3], $0x10, s20, s30, $0xb8;
	[tilespmem:$0x19400] =	vst v63  }
0xd6: {  	p2 =	seq.s32 s0, $0x1;
	s22 =	simm.s32 $0x2800  }
0xd7: {  	[spmem:s4] =	stream.indirect.scatter.add.f32 [tilespmem:s24], [sflag:$0x3], $0x10, s22, s30, $0xb8;
	[tilespmem:$0x19400] =	vst v63  }
0xd8: {  	s0 =	simm.s32 @p2 $0x4;
	s31 =	simm.s32 $0x2850  }
0xd9: {  	[spmem:s4] =	stream.indirect.scatter.add.f32 [tilespmem:s29], [sflag:$0x3], $0x10, s31, s30, $0xb8;
	[tilespmem:$0x19400] =	vst v63  }
0xda: {  	p1 =	por p2, p2;
	_ =	swait.ge @p2 [sflag:s0], $0x1900  }
0xdb: {  	s6 =	simm.s32 @p1 $0x6720;
	[sflag:s0] =	ssyncset.done @p1 $0x0  }
0xdc: {  	s7 =	simm.s32 $0x320;
	[sflag:s0] =	ssyncadd.s32 @p1 $0xFFFFE700;
	s0 =	simm.s32 @p1 $0x50  }
0xdd: {  	[tilespmem:s6], [sflag:$0x2] =	stream.indirect.gather @p1 [spmem:s3], $0x10, s7, s0, $0xb8;
	[tilespmem:$0x19400] =	vst v63  }
0xde: {  	s8 =	simm.s32 @p1 $0x6C20;
	s6 =	simm.s32 $0x370  }
0xdf: {  	[tilespmem:s8], [sflag:$0x2] =	stream.indirect.gather @p1 [spmem:s3], $0x10, s6, s0, $0xb8;
	[tilespmem:$0x19400] =	vst v63  }
0xe0: {  	s9 =	simm.s32 @p1 $0x7120;
	s8 =	simm.s32 $0x3C0  }
0xe1: {  	[tilespmem:s9], [sflag:$0x2] =	stream.indirect.gather @p1 [spmem:s3], $0x10, s8, s0, $0xb8;
	[tilespmem:$0x19400] =	vst v63  }
0xe2: {  	s11 =	simm.s32 $0x410;
	s9 =	simm.s32 @p1 $0x7620  }
0xe3: {  	[tilespmem:s9], [sflag:$0x2] =	stream.indirect.gather @p1 [spmem:s3], $0x10, s11, s0, $0xb8;
	[tilespmem:$0x19400] =	vst v63  }
0xe4: {  	s10 =	simm.s32 @p1 $0x1;
	s19 =	simm.s32 $0x460;
	s9 =	simm.s32 @p1 $0x7B20  }
0xe5: {  	[tilespmem:s9], [sflag:$0x2] =	stream.indirect.gather @p1 [spmem:s3], $0x10, s19, s0, $0xb8;
	[tilespmem:$0x19400] =	vst v63  }
0xe6: {  	_ =	swait.ge @p1 [sflag:s10], $0x1900  }
0xe7: {  	[sflag:s10] =	ssyncset.done @p1 $0x0  }
0xe8: {  	s20 =	simm.s32 $0x28A0;
	s9 =	simm.s32 @p1 $0x4E20;
	[sflag:s10] =	ssyncadd.s32 @p1 $0xFFFFE700  }
0xe9: {  	[spmem:s4] =	stream.indirect.scatter.add.f32 @p1 [tilespmem:s9], [sflag:$0x3], $0x10, s20, s0, $0xb8;
	[tilespmem:$0x19400] =	vst v63  }
0xea: {  	s12 =	simm.s32 $0x28F0;
	s9 =	simm.s32 @p1 $0x5320  }
0xeb: {  	[spmem:s4] =	stream.indirect.scatter.add.f32 @p1 [tilespmem:s9], [sflag:$0x3], $0x10, s12, s0, $0xb8;
	[tilespmem:$0x19400] =	vst v63  }
0xec: {  	s22 =	simm.s32 $0x2940;
	s9 =	simm.s32 @p1 $0x5820  }
0xed: {  	[spmem:s4] =	stream.indirect.scatter.add.f32 @p1 [tilespmem:s9], [sflag:$0x3], $0x10, s22, s0, $0xb8;
	[tilespmem:$0x19400] =	vst v63  }
0xee: {  	s13 =	simm.s32 $0x2990;
	s9 =	simm.s32 @p1 $0x5D20  }
0xef: {  	[spmem:s4] =	stream.indirect.scatter.add.f32 @p1 [tilespmem:s9], [sflag:$0x3], $0x10, s13, s0, $0xb8;
	[tilespmem:$0x19400] =	vst v63  }
0xf0: {  	s10 =	simm.s32 @p1 $0x6220;
	s9 =	simm.s32 $0x29E0  }
0xf1: {  	[spmem:s4] =	stream.indirect.scatter.add.f32 @p1 [tilespmem:s10], [sflag:$0x3], $0x10, s9, s0, $0xb8;
	[tilespmem:$0x19400] =	vst v63  }
0xf2: {  	s0 =	simm.s32 @!p1 $0x3  }
0xf3: {  	_ =	swait.ge @!p1 [sflag:s0], $0x1900  }
0xf4: {  	[sflag:s0] =	ssyncset.done @!p1 $0x0  }
0xf5: {  	s10 =	simm.s32 @!p1 $0x50;
	[sflag:s0] =	ssyncadd.s32 @!p1 $0xFFFFE700;
	s0 =	simm.s32 @!p1 $0x4E20  }
0xf6: {  	[tilespmem:s0], [sflag:$0x1] =	stream.indirect.gather @!p1 [spmem:s3], $0x10, s7, s10, $0xb8;
	[tilespmem:$0x19400] =	vst v63  }
0xf7: {  	s0 =	simm.s32 @!p1 $0x5320  }
0xf8: {  	[tilespmem:s0], [sflag:$0x1] =	stream.indirect.gather @!p1 [spmem:s3], $0x10, s6, s10, $0xb8;
	[tilespmem:$0x19400] =	vst v63  }
0xf9: {  	s0 =	simm.s32 @!p1 $0x5820  }
0xfa: {  	[tilespmem:s0], [sflag:$0x1] =	stream.indirect.gather @!p1 [spmem:s3], $0x10, s8, s10, $0xb8;
	[tilespmem:$0x19400] =	vst v63  }
0xfb: {  	s0 =	simm.s32 @!p1 $0x5D20  }
0xfc: {  	[tilespmem:s0], [sflag:$0x1] =	stream.indirect.gather @!p1 [spmem:s3], $0x10, s11, s10, $0xb8;
	[tilespmem:$0x19400] =	vst v63  }
0xfd: {  	s0 =	simm.s32 @!p1 $0x6220  }
0xfe: {  	[tilespmem:s0], [sflag:$0x1] =	stream.indirect.gather @!p1 [spmem:s3], $0x10, s19, s10, $0xb8;
	[tilespmem:$0x19400] =	vst v63  }
0xff: {  	s0 =	simm.s32 @!p1 $0x2  }
0x100: {  	_ =	swait.ge @!p1 [sflag:s0], $0x1900  }
0x101: {  	[sflag:s0] =	ssyncset.done @!p1 $0x0  }
0x102: {  	[sflag:s0] =	ssyncadd.s32 @!p1 $0xFFFFE700;
	s0 =	simm.s32 @!p1 $0x6720  }
0x103: {  	[spmem:s4] =	stream.indirect.scatter.add.f32 @!p1 [tilespmem:s0], [sflag:$0x4], $0x10, s20, s10, $0xb8;
	[tilespmem:$0x19400] =	vst v63  }
0x104: {  	s0 =	simm.s32 @!p1 $0x6C20  }
0x105: {  	[spmem:s4] =	stream.indirect.scatter.add.f32 @!p1 [tilespmem:s0], [sflag:$0x4], $0x10, s12, s10, $0xb8;
	[tilespmem:$0x19400] =	vst v63  }
0x106: {  	s0 =	simm.s32 @!p1 $0x7120  }
0x107: {  	[spmem:s4] =	stream.indirect.scatter.add.f32 @!p1 [tilespmem:s0], [sflag:$0x4], $0x10, s22, s10, $0xb8;
	[tilespmem:$0x19400] =	vst v63  }
0x108: {  	s7 =	simm.s32 $0xC80;
	s6 =	simm.s32 $0x3;
	s0 =	simm.s32 @!p1 $0x7620  }
0x109: {  	[spmem:s4] =	stream.indirect.scatter.add.f32 @!p1 [tilespmem:s0], [sflag:$0x4], $0x10, s13, s10, $0xb8;
	[tilespmem:$0x19400] =	vst v63  }
0x10a: {  	s8 =	simm.s32 $0x640;
	s11 =	sand.u32 $0x1, s6;
	s0 =	simm.s32 @!p2 $0x7B20  }
.LBB2_8:
0x10b: {  	p3 =	seq.s32 s11, $0x1;
	s12 =	smov.u32 s7;
	s7 =	sadd.s32 $0x640, s7  }
0x10c: {  	p2 =	sne.s32 s7, $0x8FC0;
	s11 =	simm.s32 @p3 $0x4;
	s13 =	simm.s32 @!p3 $0x7B20  }
0x10d: {  	[spmem:s4] =	stream.indirect.scatter.add.f32 @!p1 [tilespmem:s0], [sflag:$0x4], $0x10, s9, s10, $0xb8;
	[tilespmem:$0x19400] =	vst v63  }
0x10e: {  	s0 =	smov.u32 s13;
	p1 =	por p3, p3;
	_ =	swait.ge @p3 [sflag:s11], $0x1900  }
0x10f: {  	s9 =	sshra.s32 s8, $0x2;
	s8 =	simm.s32 @p1 $0x6720;
	[sflag:s11] =	ssyncset.done @p1 $0x0  }
0x110: {  	s19 =	sadd.s32 $0x320, s9;
	s10 =	simm.s32 @p1 $0x50;
	[sflag:s11] =	ssyncadd.s32 @p1 $0xFFFFE700  }
0x111: {  	[tilespmem:s8], [sflag:$0x2] =	stream.indirect.gather @p1 [spmem:s3], $0x10, s19, s10, $0xb8;
	[tilespmem:$0x19400] =	vst v63  }
0x112: {  	s13 =	simm.s32 @p1 $0x6C20;
	s11 =	sadd.s32 $0x370, s9;
	s8 =	smov.u32 s12  }
0x113: {  	[tilespmem:s13], [sflag:$0x2] =	stream.indirect.gather @p1 [spmem:s3], $0x10, s11, s10, $0xb8;
	[tilespmem:$0x19400] =	vst v63  }
0x114: {  	s20 =	sadd.s32 $0x3C0, s9;
	s12 =	simm.s32 @p1 $0x7120  }
0x115: {  	[tilespmem:s12], [sflag:$0x2] =	stream.indirect.gather @p1 [spmem:s3], $0x10, s20, s10, $0xb8;
	[tilespmem:$0x19400] =	vst v63  }
0x116: {  	s13 =	simm.s32 @p1 $0x7620;
	s12 =	sadd.s32 $0x410, s9  }
0x117: {  	[tilespmem:s13], [sflag:$0x2] =	stream.indirect.gather @p1 [spmem:s3], $0x10, s12, s10, $0xb8;
	[tilespmem:$0x19400] =	vst v63  }
0x118: {  	s22 =	simm.s32 @p1 $0x7B20;
	s14 =	simm.s32 @p1 $0x1;
	s13 =	sadd.s32 $0x460, s9  }
0x119: {  	[tilespmem:s22], [sflag:$0x2] =	stream.indirect.gather @p1 [spmem:s3], $0x10, s13, s10, $0xb8;
	[tilespmem:$0x19400] =	vst v63  }
0x11a: {  	_ =	swait.ge @p1 [sflag:s14], $0x1900  }
0x11b: {  	[sflag:s14] =	ssyncset.done @p1 $0x0  }
0x11c: {  	s22 =	sadd.s32 $0x28A0, s9;
	[sflag:s14] =	ssyncadd.s32 @p1 $0xFFFFE700;
	s14 =	simm.s32 @p1 $0x4E20  }
0x11d: {  	[spmem:s4] =	stream.indirect.scatter.add.f32 @p1 [tilespmem:s14], [sflag:$0x3], $0x10, s22, s10, $0xb8;
	[tilespmem:$0x19400] =	vst v63  }
0x11e: {  	s15 =	simm.s32 @p1 $0x5320;
	s14 =	sadd.s32 $0x28F0, s9  }
0x11f: {  	[spmem:s4] =	stream.indirect.scatter.add.f32 @p1 [tilespmem:s15], [sflag:$0x3], $0x10, s14, s10, $0xb8;
	[tilespmem:$0x19400] =	vst v63  }
0x120: {  	s17 =	simm.s32 @p1 $0x5820;
	s15 =	sadd.s32 $0x2940, s9  }
0x121: {  	[spmem:s4] =	stream.indirect.scatter.add.f32 @p1 [tilespmem:s17], [sflag:$0x3], $0x10, s15, s10, $0xb8;
	[tilespmem:$0x19400] =	vst v63  }
0x122: {  	s18 =	simm.s32 @p1 $0x5D20;
	s17 =	sadd.s32 $0x2990, s9  }
0x123: {  	[spmem:s4] =	stream.indirect.scatter.add.f32 @p1 [tilespmem:s18], [sflag:$0x3], $0x10, s17, s10, $0xb8;
	[tilespmem:$0x19400] =	vst v63  }
0x124: {  	s31 =	simm.s32 @!p1 $0x3;
	s9 =	sadd.s32 $0x29E0, s9;
	s18 =	simm.s32 @p1 $0x6220  }
0x125: {  	[spmem:s4] =	stream.indirect.scatter.add.f32 @p1 [tilespmem:s18], [sflag:$0x3], $0x10, s9, s10, $0xb8;
	[tilespmem:$0x19400] =	vst v63  }
0x126: {  	_ =	swait.ge @!p1 [sflag:s31], $0x1900  }
0x127: {  	[sflag:s31] =	ssyncset.done @!p1 $0x0  }
0x128: {  	s10 =	simm.s32 @!p1 $0x50;
	s18 =	simm.s32 @!p1 $0x4E20;
	[sflag:s31] =	ssyncadd.s32 @!p1 $0xFFFFE700  }
0x129: {  	[tilespmem:s18], [sflag:$0x1] =	stream.indirect.gather @!p1 [spmem:s3], $0x10, s19, s10, $0xb8;
	[tilespmem:$0x19400] =	vst v63  }
0x12a: {  	s18 =	simm.s32 @!p1 $0x5320  }
0x12b: {  	[tilespmem:s18], [sflag:$0x1] =	stream.indirect.gather @!p1 [spmem:s3], $0x10, s11, s10, $0xb8;
	[tilespmem:$0x19400] =	vst v63  }
0x12c: {  	s11 =	simm.s32 @!p1 $0x5820  }
0x12d: {  	[tilespmem:s11], [sflag:$0x1] =	stream.indirect.gather @!p1 [spmem:s3], $0x10, s20, s10, $0xb8;
	[tilespmem:$0x19400] =	vst v63  }
0x12e: {  	s11 =	simm.s32 @!p1 $0x5D20  }
0x12f: {  	[tilespmem:s11], [sflag:$0x1] =	stream.indirect.gather @!p1 [spmem:s3], $0x10, s12, s10, $0xb8;
	[tilespmem:$0x19400] =	vst v63  }
0x130: {  	s11 =	simm.s32 @!p1 $0x6220;
	s12 =	simm.s32 @!p1 $0x2  }
0x131: {  	[tilespmem:s11], [sflag:$0x1] =	stream.indirect.gather @!p1 [spmem:s3], $0x10, s13, s10, $0xb8;
	[tilespmem:$0x19400] =	vst v63  }
0x132: {  	_ =	swait.ge @!p1 [sflag:s12], $0x1900  }
0x133: {  	[sflag:s12] =	ssyncset.done @!p1 $0x0  }
0x134: {  	s11 =	simm.s32 @!p1 $0x6720;
	[sflag:s12] =	ssyncadd.s32 @!p1 $0xFFFFE700  }
0x135: {  	[spmem:s4] =	stream.indirect.scatter.add.f32 @!p1 [tilespmem:s11], [sflag:$0x4], $0x10, s22, s10, $0xb8;
	[tilespmem:$0x19400] =	vst v63  }
0x136: {  	s11 =	simm.s32 @!p1 $0x6C20  }
0x137: {  	[spmem:s4] =	stream.indirect.scatter.add.f32 @!p1 [tilespmem:s11], [sflag:$0x4], $0x10, s14, s10, $0xb8;
	[tilespmem:$0x19400] =	vst v63  }
.Ltmp3:
0x138: {  	_ = 	snop;
	(pc) =	sbr.rel @p2 .LBB2_8-.Ltmp3, $4  }
0x139: {  	s6 =	sadd.s32 $0x1, s6;
	s11 =	simm.s32 @!p1 $0x7120  }
0x13a: {  	[spmem:s4] =	stream.indirect.scatter.add.f32 @!p1 [tilespmem:s11], [sflag:$0x4], $0x10, s15, s10, $0xb8;
	[tilespmem:$0x19400] =	vst v63  }
0x13b: {  	s12 =	simm.s32 @!p1 $0x7620;
	s11 =	sand.u32 $0x1, s6  }
0x13c: {  	[spmem:s4] =	stream.indirect.scatter.add.f32 @!p1 [tilespmem:s12], [sflag:$0x4], $0x10, s17, s10, $0xb8;
	[tilespmem:$0x19400] =	vst v63  }
0x13d: {  	p2 =	seq.s32 s11, $0x1  }
0x13e: {  	[spmem:s4] =	stream.indirect.scatter.add.f32 @!p1 [tilespmem:s0], [sflag:$0x4], $0x10, s9, s10, $0xb8;
	[tilespmem:$0x19400] =	vst v63  }
0x13f: {  	s6 =	simm.s32 @p2 $0x4  }
0x140: {  	s31 =	sshra.s32 s8, $0x2;
	p1 =	por p2, p2;
	_ =	swait.ge @p2 [sflag:s6], $0x1900  }
0x141: {  	s8 =	sadd.s32 $0x320, s31;
	[sflag:s6] =	ssyncset.done @p1 $0x0  }
0x142: {  	s7 =	simm.s32 @p1 $0x6720;
	[sflag:s6] =	ssyncadd.s32 @p1 $0xFFFFE700;
	s6 =	simm.s32 @p1 $0x50  }
0x143: {  	[tilespmem:s7], [sflag:$0x2] =	stream.indirect.gather @p1 [spmem:s3], $0x10, s8, s6, $0xb8;
	[tilespmem:$0x19400] =	vst v63  }
0x144: {  	s9 =	simm.s32 @p1 $0x6C20;
	s7 =	sadd.s32 $0x370, s31  }
0x145: {  	[tilespmem:s9], [sflag:$0x2] =	stream.indirect.gather @p1 [spmem:s3], $0x10, s7, s6, $0xb8;
	[tilespmem:$0x19400] =	vst v63  }
0x146: {  	s10 =	simm.s32 @p1 $0x7120;
	s9 =	sadd.s32 $0x3C0, s31  }
0x147: {  	[tilespmem:s10], [sflag:$0x2] =	stream.indirect.gather @p1 [spmem:s3], $0x10, s9, s6, $0xb8;
	[tilespmem:$0x19400] =	vst v63  }
0x148: {  	s11 =	simm.s32 @p1 $0x7620;
	s10 =	sadd.s32 $0x410, s31  }
0x149: {  	[tilespmem:s11], [sflag:$0x2] =	stream.indirect.gather @p1 [spmem:s3], $0x10, s10, s6, $0xb8;
	[tilespmem:$0x19400] =	vst v63  }
0x14a: {  	s12 =	simm.s32 @p1 $0x7B20;
	s13 =	simm.s32 @p1 $0x1;
	s11 =	sadd.s32 $0x460, s31  }
0x14b: {  	[tilespmem:s12], [sflag:$0x2] =	stream.indirect.gather @p1 [spmem:s3], $0x10, s11, s6, $0xb8;
	[tilespmem:$0x19400] =	vst v63  }
0x14c: {  	_ =	swait.ge @p1 [sflag:s13], $0x1900  }
0x14d: {  	[sflag:s13] =	ssyncset.done @p1 $0x0  }
0x14e: {  	s12 =	sadd.s32 $0x28A0, s31;
	[sflag:s13] =	ssyncadd.s32 @p1 $0xFFFFE700;
	s13 =	simm.s32 @p1 $0x4E20  }
0x14f: {  	[spmem:s4] =	stream.indirect.scatter.add.f32 @p1 [tilespmem:s13], [sflag:$0x3], $0x10, s12, s6, $0xb8;
	[tilespmem:$0x19400] =	vst v63  }
0x150: {  	s14 =	simm.s32 @p1 $0x5320;
	s13 =	sadd.s32 $0x28F0, s31  }
0x151: {  	[spmem:s4] =	stream.indirect.scatter.add.f32 @p1 [tilespmem:s14], [sflag:$0x3], $0x10, s13, s6, $0xb8;
	[tilespmem:$0x19400] =	vst v63  }
0x152: {  	s15 =	simm.s32 @p1 $0x5820;
	s14 =	sadd.s32 $0x2940, s31  }
0x153: {  	[spmem:s4] =	stream.indirect.scatter.add.f32 @p1 [tilespmem:s15], [sflag:$0x3], $0x10, s14, s6, $0xb8;
	[tilespmem:$0x19400] =	vst v63  }
0x154: {  	s17 =	simm.s32 @p1 $0x5D20;
	s15 =	sadd.s32 $0x2990, s31  }
0x155: {  	[spmem:s4] =	stream.indirect.scatter.add.f32 @p1 [tilespmem:s17], [sflag:$0x3], $0x10, s15, s6, $0xb8;
	[tilespmem:$0x19400] =	vst v63  }
0x156: {  	s0 =	sadd.s32 $0x29E0, s31;
	s17 =	simm.s32 @p1 $0x6220  }
0x157: {  	[spmem:s4] =	stream.indirect.scatter.add.f32 @p1 [tilespmem:s17], [sflag:$0x3], $0x10, s0, s6, $0xb8;
	[tilespmem:$0x19400] =	vst v63  }
0x158: {  	s6 =	simm.s32 @!p1 $0x3  }
0x159: {  	_ =	swait.ge @!p1 [sflag:s6], $0x1900  }
0x15a: {  	[sflag:s6] =	ssyncset.done @!p1 $0x0  }
0x15b: {  	s17 =	simm.s32 @!p1 $0x4E20;
	[sflag:s6] =	ssyncadd.s32 @!p1 $0xFFFFE700;
	s6 =	simm.s32 @!p1 $0x50  }
0x15c: {  	[tilespmem:s17], [sflag:$0x1] =	stream.indirect.gather @!p1 [spmem:s3], $0x10, s8, s6, $0xb8;
	[tilespmem:$0x19400] =	vst v63  }
0x15d: {  	s8 =	simm.s32 @!p1 $0x5320  }
0x15e: {  	[tilespmem:s8], [sflag:$0x1] =	stream.indirect.gather @!p1 [spmem:s3], $0x10, s7, s6, $0xb8;
	[tilespmem:$0x19400] =	vst v63  }
0x15f: {  	s7 =	simm.s32 @!p1 $0x5820  }
0x160: {  	[tilespmem:s7], [sflag:$0x1] =	stream.indirect.gather @!p1 [spmem:s3], $0x10, s9, s6, $0xb8;
	[tilespmem:$0x19400] =	vst v63  }
0x161: {  	s7 =	simm.s32 @!p1 $0x5D20  }
0x162: {  	[tilespmem:s7], [sflag:$0x1] =	stream.indirect.gather @!p1 [spmem:s3], $0x10, s10, s6, $0xb8;
	[tilespmem:$0x19400] =	vst v63  }
0x163: {  	s7 =	simm.s32 @!p1 $0x6220  }
0x164: {  	[tilespmem:s7], [sflag:$0x1] =	stream.indirect.gather @!p1 [spmem:s3], $0x10, s11, s6, $0xb8;
	[tilespmem:$0x19400] =	vst v63  }
0x165: {  	s7 =	simm.s32 @!p1 $0x2  }
0x166: {  	_ =	swait.ge @!p1 [sflag:s7], $0x1900  }
0x167: {  	[sflag:s7] =	ssyncset.done @!p1 $0x0  }
0x168: {  	[sflag:s7] =	ssyncadd.s32 @!p1 $0xFFFFE700;
	s7 =	simm.s32 @!p1 $0x6720  }
0x169: {  	[spmem:s4] =	stream.indirect.scatter.add.f32 @!p1 [tilespmem:s7], [sflag:$0x4], $0x10, s12, s6, $0xb8;
	[tilespmem:$0x19400] =	vst v63  }
0x16a: {  	s7 =	simm.s32 @!p1 $0x6C20  }
0x16b: {  	[spmem:s4] =	stream.indirect.scatter.add.f32 @!p1 [tilespmem:s7], [sflag:$0x4], $0x10, s13, s6, $0xb8;
	[tilespmem:$0x19400] =	vst v63  }
0x16c: {  	s7 =	simm.s32 @!p1 $0x7120  }
0x16d: {  	[spmem:s4] =	stream.indirect.scatter.add.f32 @!p1 [tilespmem:s7], [sflag:$0x4], $0x10, s14, s6, $0xb8;
	[tilespmem:$0x19400] =	vst v63  }
0x16e: {  	s7 =	simm.s32 @!p1 $0x7620  }
0x16f: {  	[spmem:s4] =	stream.indirect.scatter.add.f32 @!p1 [tilespmem:s7], [sflag:$0x4], $0x10, s15, s6, $0xb8;
	[tilespmem:$0x19400] =	vst v63  }
0x170: {  	s7 =	simm.s32 @!p2 $0x7B20  }
0x171: {  	[spmem:s4] =	stream.indirect.scatter.add.f32 @!p1 [tilespmem:s7], [sflag:$0x4], $0x10, s0, s6, $0xb8;
	[tilespmem:$0x19400] =	vst v63  }
0x172: {  	_ =	swait.ge [sflag:s25], $0x1900  }
0x173: {  	[sflag:s25] =	ssyncset.done $0x0  }
0x174: {  	s12 =	simm.s32 $0x4E20;
	s13 =	simm.s32 $0x4C90;
	[sflag:s25] =	ssyncadd.s32 $0xFFFFE700  }
0x175: {  	[spmem:s4] =	stream.indirect.scatter.add.f32 [tilespmem:s12], [sflag:$0x3], $0x10, s13, s30, $0xb8;
	[tilespmem:$0x19400] =	vst v63  }
0x176: {  	s14 =	simm.s32 $0x4CE0  }
0x177: {  	[spmem:s4] =	stream.indirect.scatter.add.f32 [tilespmem:s1], [sflag:$0x3], $0x10, s14, s30, $0xb8;
	[tilespmem:$0x19400] =	vst v63  }
0x178: {  	s15 =	simm.s32 $0x4D30  }
0x179: {  	[spmem:s4] =	stream.indirect.scatter.add.f32 [tilespmem:s21], [sflag:$0x3], $0x10, s15, s30, $0xb8;
	[tilespmem:$0x19400] =	vst v63  }
0x17a: {  	s17 =	simm.s32 $0x4D80  }
0x17b: {  	[spmem:s4] =	stream.indirect.scatter.add.f32 [tilespmem:s24], [sflag:$0x3], $0x10, s17, s30, $0xb8;
	[tilespmem:$0x19400] =	vst v63  }
0x17c: {  	s18 =	simm.s32 $0x4DD0  }
0x17d: {  	[spmem:s4] =	stream.indirect.scatter.add.f32 [tilespmem:s29], [sflag:$0x3], $0x10, s18, s30, $0xb8;
	[tilespmem:$0x19400] =	vst v63  }
0x17e: {  	_ =	swait.ge [sflag:s2], $0x1900  }
0x17f: {  	[sflag:s2] =	ssyncset.done $0x0  }
0x180: {  	[sflag:s2] =	ssyncadd.s32 $0xFFFFE700  }
0x181: {  	_ =	swait.ge [sflag:s23], $0x1900  }
0x182: {  	[sflag:s23] =	ssyncset.done $0x0  }
0x183: {  	s19 =	stileid.u32;
	[sflag:s23] =	ssyncadd.s32 $0xFFFFE700  }
0x184: {  	s0 =	sshll.u32 s19, $0x6;
	[bflag:$0x0] =	sbarrier.arrive $0xFFFF  }
0x185: {  	s20 =	sshrl.u32 s16, $0x3;
	s0 =	sor.u32 $0x1C05, s0;
	s22 =	rddreg [dreg:$0x10]  }
0x186: {  	[hbm:s22], [sflag:s0] =	dma.local [spmem:s20], $0x4E2  }
0x187: {  	_ =	swait.ge [sflag:s28], $0x4E2  }
0x188: {  	s26 =	sadd.s32 $0x1, s26;
	s31 =	rddreg [dreg:$0x11]  }
0x189: {  	p1 =	sne.s32 s26, s31  }
.Ltmp4:
0x18a: {  	_ = 	snop;
	(pc) =	sbr.rel @p1 .LBB2_1-.Ltmp4, $3  }
0x18b: {  	_ =	sdelay $0x1  }
0x18c: {  	s9 =	simm.s32 $0x2710;
	[sflag:s28] =	ssyncset.done $0x0  }
0x18d: {  	s10 =	simm.s32 $0x8020;
	s11 =	simm.s32 $0xCE40;
	[sflag:s28] =	ssyncadd.s32 $0xFFFFFB1E  }
0x18e: {  	_ =	sfence.sel $0x180000  }
0x18f: {  	[bflag:$0x0] =	sbarrier.arrive $0xFFFF  }
0x190: {  	_ =	strace $0x90000050  }
0x191: {  	s0 =	stileid.u32;
	[bflag:$0x2] =	sbarrier.arrive $0xFFFF  }
0x192: {  	p0 =	sne.s32 s0, $0x0;
	s0 =	rddreg [dreg:$0x5]  }
0x193: {  	s0 =	sadd.s32 @!p0 $0x100000, s0  }
0x194: {  	[sflag:s0] =	ssyncadd.tile.s32 @!p0 $0x1;
	_ =	shalt  }
.Lfunc_end2:
_tile_overlayer_lowered:
.L_overlay_start_2:
0x195: {  	(tag) =	ssettag $0x2  }
0x196: {  	s0 =	rddreg [dreg:$0x0];
	s2 =	stileid.u32  }
0x197: {  	s1 =	rddreg [dreg:$0x1];
	p0 =	sne.s32 s2, $0x0  }
0x198: {  	s3 =	rddreg [dreg:$0x2];
	[bflag:$0x3] =	sbarrier.arrive $0xFFFF;
	s2 =	simm.s32 @!p0 $0x1C05  }
0x199: {  	[timem:s3], [sflag:s2] =	dma.local @!p0 [hbm:s0], s1  }
0x19a: {  	s0 =	simm.s32 @!p0 $0x5  }
0x19b: {  	_ =	swait.ge @!p0 [sflag:s0], s1  }
0x19c: {  	s1 =	ssub.s32 @!p0 $0x0, s1;
	[sflag:s0] =	ssyncset.done @!p0 $0x0  }
0x19d: {  	[sflag:s0] =	ssyncadd.s32 @!p0 s1  }
0x19e: {  	[bflag:$0x3] =	sbarrier.arrive $0xFFFF  }
0x19f: {  	_ =	shalt  }

// kernel: kernel.8.cloned.1.call-start
scs
__scs_entry_jumppad:
0x0: {  	(pc) =	sbr.rel $0x88, $3  }
0x1: {  	(tag) =	ssettag $0x0;
	lr =	simm.s32 $0x1  }
0x2: {  	[smem:$0x3F95] =	sst lr;
	_ =	strace $0xD0000000  }
0x3: {  	_ = 	snop  }
0x4: {  	_ = 	snop  }
0x5: {  	_ = 	snop  }
0x6: {  	_ = 	snop  }
0x7: {  	_ = 	snop  }
__scs_overlays_trampoline_lowered:
0x8: {  	[smem:$0x3FA4] =	sst s0  }
0x9: {  	[smem:$0x3FA5] =	sst s1  }
0xa: {  	[smem:$0x3FA6] =	sst s2  }
0xb: {  	[smem:$0x3FA7] =	sst s3  }
0xc: {  	[smem:$0x3FA8] =	sst s4  }
0xd: {  	[smem:$0x3FA9] =	sst s5  }
0xe: {  	[smem:$0x3FAA] =	sst s6  }
0xf: {  	[smem:$0x3FAB] =	sst s7  }
0x10: {  	[smem:$0x3FAC] =	sst s8  }
0x11: {  	[smem:$0x3FAD] =	sst s9;
	s0 =	simm.s32 @!p0 $0x0  }
0x12: {  	s1 =	sld [smem:$0x3F93];
	s0 =	simm.s32 @p0 $0x1  }
0x13: {  	[smem:$0x3FAE] =	sst s0;
	s0 =	simm.s32 @!p1 $0x0  }
0x14: {  	s2 =	sld [smem:$0x3F92];
	s0 =	simm.s32 @p1 $0x1  }
0x15: {  	[smem:$0x3FAF] =	sst s0;
	s0 =	simm.s32 @!p2 $0x0  }
0x16: {  	s3 =	sld [smem:$0x3FDB];
	s0 =	simm.s32 @p2 $0x1  }
0x17: {  	s4 =	simm.s32 $0x1BF5;
	[smem:$0x3FB1] =	sst s0  }
0x18: {  	s0 =	sld [smem:$0x3F94];
	_ =	swait.ge [sflag:s4], $0x0  }
0x19: {  	s7 =	sld [smem:$0x3F95]  }
0x1a: {  	s8 =	sadd.s32 $0xFFFFE003, lr  }
0x1b: {  	s9 =	sadd.s32 $0xFFFFFEF7, lr;
	s5 =	simm.s32 $0xFFFFFFFF;
	p2 =	slt.u32 s8, $0xFFFFF086  }
0x1c: {  	p1 =	slt.u32 s9, $0xF7A;
	s5 =	simm.s32 @!p2 $0x0  }
0x1d: {  	s5 =	simm.s32 @p1 $0x1;
	p0 =	seq.s32 s7, s2  }
0x1e: {  	s7 =	smul.u32 @!p0 $0xF7A, s2;
	p2 =	seq.s32 @!p0 s5, $0x0  }
0x1f: {  	s9 =	smul.u32 $0xF7A, s1;
	s8 =	simm.s32 @!p0 $0x1BF5;
	p2 =	por !p2, p0  }
0x20: {  	[sflag:s8] =	ssyncset.s32 @!p0 $0xFFFFF086;
	s6 =	sadd.s32 @!p0 s3, s7;
	s7 =	simm.s32 @!p0 $0x108  }
0x21: {  	s3 =	sadd.s32 s3, s9;
	s6 =	sadd.s32 @!p0 $0x88, s6;
	s7 =	simm.s32 @p2 $0x1082  }
0x22: {  	[simem:s7], [sflag:s8] =	dma.local @!p0 [hbm:s6], $0xF7A  }
0x23: {  	s9 =	sor.u32 $0xD0000000, s2;
	s6 =	simm.s32 $0x108;
	_ =	swait.ge @!p0 [sflag:s8], $0x0  }
0x24: {  	s3 =	sadd.s32 $0x88, s3;
	s6 =	simm.s32 @!p1 $0x1082;
	[sflag:s4] =	ssyncset.s32 $0xFFFFF086  }
0x25: {  	[simem:s6], [sflag:s4] =	dma.local [hbm:s3], $0xF7A  }
0x26: {  	[smem:$0x3F95] =	sst s1;
	(tag) =	ssettag s2;
	_ =	strace s9  }
0x27: {  	s1 =	sld [smem:$0x3FA5]  }
0x28: {  	s2 =	sld [smem:$0x3FA6]  }
0x29: {  	s4 =	sld [smem:$0x3FA8]  }
0x2a: {  	p0 =	seq.s32 s5, $0x0;
	s5 =	sld [smem:$0x3FA9]  }
0x2b: {  	s6 =	sld [smem:$0x3FAA]  }
0x2c: {  	s7 =	sld [smem:$0x3FAB]  }
0x2d: {  	s3 =	simm.s32 $0x108;
	s8 =	sld [smem:$0x3FAC]  }
0x2e: {  	s3 =	simm.s32 @!p0 $0x1082;
	s9 =	sld [smem:$0x3FAD]  }
0x2f: {  	lr =	sadd.s32 s0, s3;
	s0 =	sld [smem:$0x3FA4]  }
0x30: {  	s3 =	sld [smem:$0x3FA7]  }
0x31: {  	[smem:$0x3FB0] =	sst s10  }
0x32: {  	s10 =	sld [smem:$0x3FAE];
	_ =	sdelay $0x3  }
0x33: {  	p0 =	seq.s32 s10, $0x1;
	s10 =	sld [smem:$0x3FB0];
	_ =	sdelay $0x3  }
0x34: {  	[smem:$0x3FB0] =	sst s10  }
0x35: {  	s10 =	sld [smem:$0x3FAF];
	_ =	sdelay $0x3  }
0x36: {  	p1 =	seq.s32 s10, $0x1;
	s10 =	sld [smem:$0x3FB0];
	_ =	sdelay $0x3  }
0x37: {  	[smem:$0x3FB0] =	sst s10  }
0x38: {  	s10 =	sld [smem:$0x3FB1]  }
0x39: {  	_ = 	snop;
	(pc) =	sbr.ind lr, $3  }
0x3a: {  	_ = 	snop  }
0x3b: {  	_ = 	snop  }
0x3c: {  	p2 =	seq.s32 s10, $0x1;
	s10 =	sld [smem:$0x3FB0]  }
0x3d: {  	_ =	shalt  }
0x3e: {  	_ =	shalt  }
0x3f: {  	_ =	shalt  }
0x40: {  	_ =	shalt  }
0x41: {  	_ =	shalt  }
0x42: {  	_ =	shalt  }
0x43: {  	_ =	shalt  }
0x44: {  	_ =	shalt  }
0x45: {  	_ =	shalt  }
0x46: {  	_ =	shalt  }
0x47: {  	_ =	shalt  }
0x48: {  	_ =	shalt  }
0x49: {  	_ =	shalt  }
0x4a: {  	_ =	shalt  }
0x4b: {  	_ =	shalt  }
0x4c: {  	_ =	shalt  }
0x4d: {  	_ =	shalt  }
0x4e: {  	_ =	shalt  }
0x4f: {  	_ =	shalt  }
0x50: {  	_ =	shalt  }
0x51: {  	_ =	shalt  }
0x52: {  	_ =	shalt  }
0x53: {  	_ =	shalt  }
0x54: {  	_ =	shalt  }
0x55: {  	_ =	shalt  }
0x56: {  	_ =	shalt  }
0x57: {  	_ =	shalt  }
0x58: {  	_ =	shalt  }
0x59: {  	_ =	shalt  }
0x5a: {  	_ =	shalt  }
0x5b: {  	_ =	shalt  }
0x5c: {  	_ =	shalt  }
0x5d: {  	_ =	shalt  }
0x5e: {  	_ =	shalt  }
0x5f: {  	_ =	shalt  }
0x60: {  	_ =	shalt  }
0x61: {  	_ =	shalt  }
0x62: {  	_ =	shalt  }
0x63: {  	_ =	shalt  }
0x64: {  	_ =	shalt  }
0x65: {  	_ =	shalt  }
0x66: {  	_ =	shalt  }
0x67: {  	_ =	shalt  }
0x68: {  	_ =	shalt  }
0x69: {  	_ =	shalt  }
0x6a: {  	_ =	shalt  }
0x6b: {  	_ =	shalt  }
0x6c: {  	_ =	shalt  }
0x6d: {  	_ =	shalt  }
0x6e: {  	_ =	shalt  }
0x6f: {  	_ =	shalt  }
0x70: {  	_ =	shalt  }
0x71: {  	_ =	shalt  }
0x72: {  	_ =	shalt  }
0x73: {  	_ =	shalt  }
0x74: {  	_ =	shalt  }
0x75: {  	_ =	shalt  }
0x76: {  	_ =	shalt  }
0x77: {  	_ =	shalt  }
0x78: {  	_ =	shalt  }
0x79: {  	_ =	shalt  }
0x7a: {  	_ =	shalt  }
0x7b: {  	_ =	shalt  }
0x7c: {  	_ =	shalt  }
0x7d: {  	_ =	shalt  }
0x7e: {  	_ =	shalt  }
0x7f: {  	_ =	shalt  }
0x80: {  	_ =	shalt  }
0x81: {  	_ =	shalt  }
0x82: {  	_ =	shalt  }
0x83: {  	_ =	shalt  }
0x84: {  	_ =	shalt  }
0x85: {  	_ =	shalt  }
0x86: {  	_ =	shalt  }
0x87: {  	_ =	shalt  }
.Lfunc_end0:
.L_simem_size_0:
called_computation_lowered:
.L_overlay_start_0:
0x88: {  	s2 =	sld [smem:$0x3FD9]  }
0x89: {  	s3 =	sld [smem:$0x3FFE];
	_ =	sdelay $0x1  }
0x8a: {  	s1 =	srdreg.scid  }
0x8b: {  	s0 =	sand.u32 $0x1, s1  }
0x8c: {  	s17 =	sshll.u32 s0, $0xA;
	s2 =	sadd.s32 s3, s2  }
0x8d: {  	s2 =	sadd.s32 s2, s17  }
0x8e: {  	[smem:$0x3FBC] =	sst s2  }
0x8f: {  	_ = 	snop  }
0x90: {  	s2 =	sld [smem:$0x3FD0];
	(tm) =	ssettm $0x1  }
0x91: {  	s18 =	sld [smem:$0x3FFB];
	_ =	sdelay $0x3  }
0x92: {  	_ =	strace s18  }
0x93: {  	s3 =	sld [smem:$0x3FFC];
	_ =	sdelay $0x3  }
0x94: {  	_ =	strace s3  }
0x95: {  	s3 =	sld [smem:$0x3FFD];
	_ =	sdelay $0x3  }
0x96: {  	_ =	strace s3  }
0x97: {  	_ =	strace $0x8FFFFFFF  }
0x98: {  	s19 =	sld [smem:$0x3FDB];
	_ =	sdelay $0x1  }
0x99: {  	s4 =	simm.s32 $_scs_section_size  }
0x9a: {  	s5 =	simm.s32 $_size__tile_overlayer_lowered;
	s6 =	simm.s32 $_tile_overlayer_lowered  }
0x9b: {  	s22 =	simm.s32 $0x1BFF;
	s21 =	sshll.u32 s6, $0x1;
	s3 =	sadd.s32 s4, s19  }
0x9c: {  	s7 =	simm.s32 $0x0;
	s20 =	sshll.u32 s5, $0x1;
	s5 =	sadd.s32 s21, s3  }
0x9d: {  	[timem:s7], [sflag:s22] =	dma.local [hbm:s5], s20  }
0x9e: {  	_ =	swait.ge [sflag:s22], s20  }
0x9f: {  	s4 =	ssub.s32 $0x0, s20;
	[sflag:s22] =	ssyncset.done $0x0  }
0xa0: {  	[sflag:s22] =	ssyncadd.s32 s4;
	_ =	sdelay $0x1  }
0xa1: {  	s23 =	simm.s32 $0x1B8B  }
0xa2: {  	_ =	swait.ge [sflag:s23], $0x1  }
0xa3: {  	[sflag:s23] =	ssyncset.done $0x0  }
0xa4: {  	s25 =	simm.s32 $0x1B8E;
	s24 =	sld [smem:$0x3FFE];
	[sflag:s23] =	ssyncadd.s32 $0xFFFFFFFF  }
0xa5: {  	s26 =	simm.s32 $execute0_lowered;
	[smem:$0x3FD2] =	sst s25  }
0xa6: {  	s5 =	sshll.u32 s26, $0x1;
	_ =	strace $0x80000046;
	[dreg:$0x1] =	wrdreg $0xFFFFFFFF  }
0xa7: {  	s28 =	simm.s32 $_size_execute0_lowered;
	s3 =	sadd.s32 s3, s5;
	[dreg:$0x0] =	wrdreg $0x0  }
0xa8: {  	s5 =	sshll.u32 s28, $0x1;
	[dreg:$0x2] =	wrdreg s3  }
0xa9: {  	[dreg:$0x3] =	wrdreg s5  }
0xaa: {  	[dreg:$0x4] =	wrdreg $0xC0  }
0xab: {  	_ =	task [dreg:s7], $0x5FFFF  }
0xac: {  	[dreg:$0x1] =	wrdreg $0xFFFFFFFF  }
0xad: {  	[dreg:$0x0] =	wrdreg $0x60  }
0xae: {  	[dreg:$0x2] =	wrdreg s2  }
0xaf: {  	[dreg:$0x3] =	wrdreg s24  }
0xb0: {  	[dreg:$0x4] =	wrdreg $0x53200  }
0xb1: {  	[dreg:$0x5] =	wrdreg $0x9  }
0xb2: {  	_ =	task.clear_ibuf [dreg:s7], $0x6FFFF;
	_ =	strace $0x90000046  }
0xb3: {  	s29 =	simm.s32 $0x9;
	_ =	strace $0x80000048  }
0xb4: {  	_ =	swait.ge [sflag:s29], $0x1  }
0xb5: {  	[sflag:s29] =	ssyncadd.s32 $0xFFFFFFFF  }
0xb6: {  	_ =	strace $0x90000048  }
0xb7: {  	_ =	sfence  }
0xb8: {  	s30 =	sld [smem:$0x0];
	_ =	sdelay $0x2  }
0xb9: {  	s31 =	sshll.u32 s1, $0xD;
	s1 =	sshrl.u32 s1, $0x2  }
0xba: {  	s3 =	sand.u32 $0x4000, s31;
	s1 =	sadd.s32 s1, s30  }
0xbb: {  	s0 =	sor.u32 s3, s0;
	s1 =	sshll.u32 s1, $0x11  }
0xbc: {  	s0 =	sor.u32 s1, s0  }
0xbd: {  	s0 =	sadd.s32 $0x8F2B, s0  }
0xbe: {  	[sflag:s0] =	ssyncadd.remote.s32 $0x1  }
0xbf: {  	_ =	sfence.sel $0xFFFF  }
0xc0: {  	[dreg:$0x0] =	wrdreg $0xFFFFFFFF;
	(pc) =	sbr.abs _section_cstart, $3  }
0xc1: {  	[dreg:$0x1] =	wrdreg $0xFFFFFFFF  }
0xc2: {  	_ =	task.clear_ibuf [dreg:s7], $0x2FFFF;
	_ =	strace $0x9FFFFFFF  }
0xc3: {  	(tm) =	ssettm $0x7FFFFFFF  }
tec
execute0_lowered:
.L_overlay_start_1:
0x0: {  	(tag) =	ssettag $0x1  }
0x1: {  	s4 =	rddreg [dreg:$0x0]  }
0x2: {  	s5 =	rddreg [dreg:$0x1]  }
0x3: {  	s2 =	rddreg [dreg:$0x2];
	s3 =	srdreg.scid  }
0x4: {  	s1 =	stileid.u32;
	s0 =	rddreg [dreg:$0x3];
	s11 =	simm.s32 $0x50  }
0x5: {  	s12 =	simm.s32 $0x2710;
	s13 =	simm.s32 $0xA0;
	s14 =	simm.s32 $0xF0  }
0x6: {  	s15 =	simm.s32 $0x140;
	s18 =	simm.s32 $0x0;
	s6 =	sand.u32 $0x1, s3  }
0x7: {  	s7 =	smul.u32 $0x2710, s1;
	s3 =	simm.s32 $0x0;
	s16 =	sshll.u32 s1, $0x6  }
0x8: {  	s8 =	smul.u32 $0x27100, s6;
	s9 =	sshll.u32 s6, $0x4;
	[smem:$0x7FF] =	sst s3  }
0x9: {  	s6 =	ssub.s32 $0x2, s6;
	s16 =	sor.u32 $0x1C02, s16;
	s9 =	sor.u32 s1, s9  }
0xa: {  	s10 =	sshrl.u32 s6, $0x1;
	s8 =	sadd.s32 s7, s8;
	s9 =	smul.u32 $0x4E2, s9  }
0xb: {  	_ =	strace $0x80000047;
	s10 =	ssub.s32 s6, s10;
	s8 =	sshrl.u32 s8, $0x3  }
0xc: {  	s8 =	sadd.s32 s8, s5;
	s4 =	sadd.s32 s4, s9;
	s5 =	sadd.s32 s7, s2  }
0xd: {  	s7 =	smax.u32 s10, $0x1;
	s9 =	simm.s32 $0x2;
	s10 =	simm.s32 $0x1  }
0xe: {  	v0 =	vimm.f32 $1.000000000e+00;
	v1 =	vimm.f32 $0.0e+00;
	s6 =	sadd.s32 $0xD200, s8;
	s8 =	simm.s32 $0x2C10;
	s17 =	sshrl.u32 s5, $0x3  }
.LBB2_1:
0xf: {  	[tilespmem:s3], [sflag:$0x1] =	stream.linear.gather [hbm4b:s4+s3], $0x2710, $0x38;
	[tilespmem:$0x7A30] =	vst v63  }
0x10: {  	s19 =	simm.s32 $0x0  }
.LBB2_2:
0x11: {  	p0 =	sne.s32 s19, $0x13C0  }
.Ltmp0:
0x12: {  	_ = 	snop;
	(pc) =	sbr.rel @p0 .LBB2_2-.Ltmp0, $3  }
0x13: {  	_ =	sdelay $0x1  }
0x14: {  	s20 =	sshra.s32 s19, $0x2  }
0x15: {  	s19 =	sadd.s32 $0x40, s19;
	[tilespmem:s20+$0x2710] =	vst v0  }
0x16: {  	s19 =	simm.s32 $0x40;
	s20 =	simm.s32 $0x0  }
.LBB2_4:
0x17: {  	p0 =	sne.s32 s19, $0x9C00;
	[tilespmem:s20+$0x2C10] =	vst v1;
	s20 =	smov.u32 s19;
	s19 =	sadd.s32 $0x40, s19  }
.Ltmp1:
0x18: {  	(pc) =	sbr.rel @p0 .LBB2_4-.Ltmp1, $2  }
0x19: {  	_ =	sdelay $0x2  }
0x1a: {  	s20 =	sshra.s32 s20, $0x2  }
0x1b: {  	[tilespmem:s20+$0x2C10] =	vst v1  }
0x1c: {  	[spmem:s5] =	stream.linear.scatter [tilespmem:s8], [sflag:$0x2], $0x2710, $0x38;
	[tilespmem:$0x7A30] =	vst v63  }
0x1d: {  	_ =	swait.ge [sflag:s9], $0x2710  }
0x1e: {  	[sflag:s9] =	ssyncset.done $0x0  }
0x1f: {  	[sflag:s9] =	ssyncadd.s32 $0xFFFFD8F0  }
0x20: {  	_ =	swait.ge [sflag:s10], $0x2710  }
0x21: {  	[sflag:s10] =	ssyncset.done $0x0  }
0x22: {  	[sflag:s10] =	ssyncadd.s32 $0xFFFFD8F0  }
0x23: {  	[bflag:$0x0] =	sbarrier.arrive $0xFFFF  }
0x24: {  	[spmem:s2] =	stream.indirect.scatter.add.f32 [tilespmem:s12], [sflag:$0x1], $0x10, s3, s11, $0xb8;
	[tilespmem:$0x7A30] =	vst v63  }
0x25: {  	_ = 	snop  }
0x26: {  	[spmem:s2] =	stream.indirect.scatter.add.f32 [tilespmem:s12], [sflag:$0x1], $0x10, s11, s11, $0xb8;
	[tilespmem:$0x7A30] =	vst v63  }
0x27: {  	_ = 	snop  }
0x28: {  	[spmem:s2] =	stream.indirect.scatter.add.f32 [tilespmem:s12], [sflag:$0x1], $0x10, s13, s11, $0xb8;
	[tilespmem:$0x7A30] =	vst v63  }
0x29: {  	_ = 	snop  }
0x2a: {  	[spmem:s2] =	stream.indirect.scatter.add.f32 [tilespmem:s12], [sflag:$0x1], $0x10, s14, s11, $0xb8;
	[tilespmem:$0x7A30] =	vst v63  }
0x2b: {  	_ = 	snop  }
0x2c: {  	[spmem:s2] =	stream.indirect.scatter.add.f32 [tilespmem:s12], [sflag:$0x1], $0x10, s15, s11, $0xb8;
	[tilespmem:$0x7A30] =	vst v63  }
0x2d: {  	_ =	swait.ge [sflag:s10], $0x1900  }
0x2e: {  	[sflag:s10] =	ssyncset.done $0x0  }
0x2f: {  	s19 =	simm.s32 $0x190;
	[sflag:s10] =	ssyncadd.s32 $0xFFFFE700  }
0x30: {  	[spmem:s2] =	stream.indirect.scatter.add.f32 [tilespmem:s12], [sflag:$0x1], $0x10, s19, s11, $0xb8;
	[tilespmem:$0x7A30] =	vst v63  }
0x31: {  	s29 =	simm.s32 $0x1E0  }
0x32: {  	[spmem:s2] =	stream.indirect.scatter.add.f32 [tilespmem:s12], [sflag:$0x1], $0x10, s29, s11, $0xb8;
	[tilespmem:$0x7A30] =	vst v63  }
0x33: {  	s30 =	simm.s32 $0x230  }
0x34: {  	[spmem:s2] =	stream.indirect.scatter.add.f32 [tilespmem:s12], [sflag:$0x1], $0x10, s30, s11, $0xb8;
	[tilespmem:$0x7A30] =	vst v63  }
0x35: {  	s31 =	simm.s32 $0x280;
	s20 =	simm.s32 $0x2D0;
	s19 =	simm.s32 $0xFFFF7040  }
0x36: {  	[spmem:s2] =	stream.indirect.scatter.add.f32 [tilespmem:s12], [sflag:$0x1], $0x10, s31, s11, $0xb8;
	[tilespmem:$0x7A30] =	vst v63  }
.LBB2_6:
0x37: {  	[spmem:s2] =	stream.indirect.scatter.add.f32 [tilespmem:s12], [sflag:$0x1], $0x10, s20, s11, $0xb8;
	[tilespmem:$0x7A30] =	vst v63  }
0x38: {  	s20 =	smov.u32 s19  }
0x39: {  	p0 =	sne.s32 s19, $0xFFFFF9C0;
	s19 =	sadd.s32 $0x640, s19;
	_ =	swait.ge [sflag:s10], $0x1900  }
0x3a: {  	s20 =	sshra.s32 s20, $0x2;
	[sflag:s10] =	ssyncset.done $0x0  }
0x3b: {  	s21 =	sadd.s32 $0x2710, s20;
	[sflag:s10] =	ssyncadd.s32 $0xFFFFE700  }
0x3c: {  	[spmem:s2] =	stream.indirect.scatter.add.f32 [tilespmem:s12], [sflag:$0x1], $0x10, s21, s11, $0xb8;
	[tilespmem:$0x7A30] =	vst v63  }
0x3d: {  	s21 =	sadd.s32 $0x2760, s20  }
0x3e: {  	[spmem:s2] =	stream.indirect.scatter.add.f32 [tilespmem:s12], [sflag:$0x1], $0x10, s21, s11, $0xb8;
	[tilespmem:$0x7A30] =	vst v63  }
.Ltmp2:
0x3f: {  	s21 =	sadd.s32 $0x27B0, s20;
	(pc) =	sbr.rel @p0 .LBB2_6-.Ltmp2, $4  }
0x40: {  	[spmem:s2] =	stream.indirect.scatter.add.f32 [tilespmem:s12], [sflag:$0x1], $0x10, s21, s11, $0xb8;
	[tilespmem:$0x7A30] =	vst v63  }
0x41: {  	s21 =	sadd.s32 $0x2800, s20  }
0x42: {  	[spmem:s2] =	stream.indirect.scatter.add.f32 [tilespmem:s12], [sflag:$0x1], $0x10, s21, s11, $0xb8;
	[tilespmem:$0x7A30] =	vst v63  }
0x43: {  	s20 =	sadd.s32 $0x2850, s20  }
0x44: {  	[spmem:s2] =	stream.indirect.scatter.add.f32 [tilespmem:s12], [sflag:$0x1], $0x10, s20, s11, $0xb8;
	[tilespmem:$0x7A30] =	vst v63  }
0x45: {  	_ =	swait.ge [sflag:s10], $0x1900  }
0x46: {  	s18 =	sadd.s32 $0x1, s18;
	[sflag:s10] =	ssyncset.done $0x0  }
0x47: {  	p0 =	sne.s32 s18, s7;
	[sflag:s10] =	ssyncadd.s32 $0xFFFFE700  }
.Ltmp3:
0x48: {  	[bflag:$0x0] =	sbarrier.arrive $0xFFFF;
	(pc) =	sbr.rel @p0 .LBB2_1-.Ltmp3, $4  }
0x49: {  	[hbm:s6], [sflag:s16] =	dma.local [spmem:s17], $0x4E2  }
0x4a: {  	_ =	swait.ge [sflag:s9], $0x4E2  }
0x4b: {  	[sflag:s9] =	ssyncset.done $0x0  }
0x4c: {  	[sflag:s9] =	ssyncadd.s32 $0xFFFFFB1E  }
0x4d: {  	_ =	sfence.sel $0x180000  }
0x4e: {  	[bflag:$0x0] =	sbarrier.arrive $0xFFFF  }
0x4f: {  	p0 =	sne.s32 s1, $0x0;
	_ =	strace $0x90000047  }
0x50: {  	s0 =	sadd.s32 @!p0 $0x100000, s0;
	[bflag:$0x2] =	sbarrier.arrive $0xFFFF  }
0x51: {  	[sflag:s0] =	ssyncadd.tile.s32 @!p0 $0x1;
	_ =	shalt  }
.Lfunc_end2:
_tile_overlayer_lowered:
.L_overlay_start_2:
0x52: {  	(tag) =	ssettag $0x2  }
0x53: {  	s0 =	rddreg [dreg:$0x0];
	s2 =	stileid.u32  }
0x54: {  	s1 =	rddreg [dreg:$0x1];
	p0 =	sne.s32 s2, $0x0  }
0x55: {  	s3 =	rddreg [dreg:$0x2];
	[bflag:$0x3] =	sbarrier.arrive $0xFFFF;
	s2 =	simm.s32 @!p0 $0x1C02  }
0x56: {  	[timem:s3], [sflag:s2] =	dma.local @!p0 [hbm:s0], s1  }
0x57: {  	s0 =	simm.s32 @!p0 $0x2  }
0x58: {  	_ =	swait.ge @!p0 [sflag:s0], s1  }
0x59: {  	s1 =	ssub.s32 @!p0 $0x0, s1;
	[sflag:s0] =	ssyncset.done @!p0 $0x0  }
0x5a: {  	[sflag:s0] =	ssyncadd.s32 @!p0 s1  }
0x5b: {  	[bflag:$0x3] =	sbarrier.arrive $0xFFFF  }
0x5c: {  	_ =	shalt  }

</sc_bundles>
